<compile_context>
chip_gen: v7x
topology: tpu7x:2x2x1
jax: 0.10.2.dev20260603
libtpu: 0.0.44.dev20260713+nightly
codegen_flags: <defaults>
</compile_context>

<pallas_src>
import functools

import jax
import jax.numpy as jnp
from jax import lax
from jax.experimental import pallas as pl
from jax.experimental.pallas import tpu as pltpu
from jax.experimental.pallas import tpu_sc as plsc

USER_NUM_ = 1000000
ITEM_NUM_ = 100000
DIM_ = 64
BATCH_ = 16384

NC = 2
NS = 16
NW = NC * NS
B_PER_W = BATCH_ // NW
N_GROUPS = B_PER_W // 16


def _gmf_body(users_hbm, items_hbm, ut_hbm, it_hbm, w_hbm, b_hbm, out_hbm,
              uidx, iidx, urows, irows, wv, bv, outv, u_s, i_s, sem):
    c = lax.axis_index("c")
    s = lax.axis_index("s")
    wid = s * NC + c
    base = wid * B_PER_W

    pltpu.sync_copy(users_hbm.at[pl.ds(base, B_PER_W)], uidx)
    pltpu.sync_copy(items_hbm.at[pl.ds(base, B_PER_W)], iidx)
    pltpu.sync_copy(w_hbm, wv)
    pltpu.sync_copy(b_hbm, bv)

    def mirror(g, _):
        uvec = uidx[pl.ds(g * 16, 16)]
        ivec = iidx[pl.ds(g * 16, 16)]
        for i in range(16):
            u_s[g * 16 + i] = uvec[i]
            i_s[g * 16 + i] = ivec[i]
        return 0

    lax.fori_loop(0, N_GROUPS, mirror, 0)

    lane = lax.iota(jnp.int32, 16)
    bias = bv[:]
    HALF = B_PER_W // 2

    for p in range(2):
        off = p * HALF

        def fire(q, _):
            for i in range(16):
                j = q * 16 + i
                pltpu.async_copy(ut_hbm.at[pl.ds(u_s[off + j], 1)],
                                 urows.at[pl.ds(j, 1)], sem)
                pltpu.async_copy(it_hbm.at[pl.ds(i_s[off + j], 1)],
                                 irows.at[pl.ds(j, 1)], sem)
            return 0

        lax.fori_loop(0, HALF // 16, fire, 0)

        def gbody(g, _):
            pltpu.make_async_copy(ut_hbm.at[pl.ds(0, 16)],
                                  urows.at[pl.ds(0, 16)], sem).wait()
            pltpu.make_async_copy(it_hbm.at[pl.ds(0, 16)],
                                  irows.at[pl.ds(0, 16)], sem).wait()
            rows = g * 16 + lane
            wchunks = [wv[pl.ds(k * 16, 16)] for k in range(DIM_ // 16)]
            accs = [bias,
                    jnp.zeros((16,), jnp.float32),
                    jnp.zeros((16,), jnp.float32),
                    jnp.zeros((16,), jnp.float32)]
            for d in range(DIM_):
                col = jnp.full((16,), d, jnp.int32)
                uu = plsc.load_gather(urows, [rows, col])
                vv = plsc.load_gather(irows, [rows, col])
                wd = wchunks[d // 16][d % 16]
                accs[d % 4] = accs[d % 4] + uu * vv * wd
            acc = (accs[0] + accs[1]) + (accs[2] + accs[3])
            outv[pl.ds(off + g * 16, 16)] = acc
            return 0

        lax.fori_loop(0, HALF // 16, gbody, 0)

    pltpu.sync_copy(outv, out_hbm.at[pl.ds(base, B_PER_W)])


@jax.jit
def _gmf_call(users, items, user_table, item_table, w_flat, bias_vec):
    mesh = plsc.VectorSubcoreMesh(core_axis_name="c", subcore_axis_name="s")
    return pl.kernel(
        _gmf_body,
        mesh=mesh,
        compiler_params=pltpu.CompilerParams(needs_layout_passes=False),
        out_type=jax.ShapeDtypeStruct((BATCH_,), jnp.float32),
        scratch_types=[
            pltpu.VMEM((B_PER_W,), jnp.int32),
            pltpu.VMEM((B_PER_W,), jnp.int32),
            pltpu.VMEM((B_PER_W // 2, DIM_), jnp.float32),
            pltpu.VMEM((B_PER_W // 2, DIM_), jnp.float32),
            pltpu.VMEM((DIM_,), jnp.float32),
            pltpu.VMEM((16,), jnp.float32),
            pltpu.VMEM((B_PER_W,), jnp.float32),
            pltpu.SMEM((B_PER_W,), jnp.int32),
            pltpu.SMEM((B_PER_W,), jnp.int32),
            pltpu.SemaphoreType.DMA,
        ],
    )(users, items, user_table, item_table, w_flat, bias_vec)


def kernel(users, items, user_table, item_table, beta_w, beta_b):
    users_i = users.astype(jnp.int32)
    items_i = items.astype(jnp.int32)
    w_flat = beta_w.reshape(DIM_)
    bias_vec = jnp.broadcast_to(beta_b, (16,))
    out = _gmf_call(users_i, items_i, user_table, item_table, w_flat, bias_vec)
    return out.reshape(BATCH_, 1)

# --- scband reference (transcript-rebuilt; emitter-appended) ---
"""Pipeline reference for scband-gmf-50397146251688 (READ-ONLY COPY).

The authoritative reference and input builder live on the scoring server;
editing this copy changes nothing except your own understanding.
"""

import jax, jax.numpy as jnp
import numpy as np

USER_NUM = 1000000
ITEM_NUM = 100000
DIM = 64
BATCH = 16384

def setup_inputs(seed: int = 0) -> dict:
    key = jax.random.key(seed)
    k1, k2, k3, k4, k5, k6 = jax.random.split(key, 6)
    users = jax.random.randint(k1, (BATCH,), 0, USER_NUM, dtype=jnp.int64) if jax.config.jax_enable_x64 else jax.random.randint(k1, (BATCH,), 0, USER_NUM, dtype=jnp.int32)
    items = jax.random.randint(k2, (BATCH,), 0, ITEM_NUM, dtype=jnp.int32)
    user_table = jax.random.normal(k3, (USER_NUM, DIM), dtype=jnp.float32)
    item_table = jax.random.normal(k4, (ITEM_NUM, DIM), dtype=jnp.float32)
    beta_w = jax.random.normal(k5, (DIM, 1), dtype=jnp.float32) * (1.0 / np.sqrt(DIM))
    beta_b = jax.random.normal(k6, (1,), dtype=jnp.float32) * 0.01
    return {"users": users, "items": items, "user_table": user_table, "item_table": item_table, "beta_w": beta_w, "beta_b": beta_b}

def reference(users, items, user_table, item_table, beta_w, beta_b):
    # GMF forward: embed users and items, elementwise product, linear head
    u = jnp.take(user_table, users, axis=0)   # [B, DIM] gather
    v = jnp.take(item_table, items, axis=0)   # [B, DIM] gather
    prod = u * v
    out = prod @ beta_w + beta_b               # [B, 1]
    return out

if __name__ == "__main__":
    import jax
    _d = setup_inputs()
    print(jax.jit(kernel)(*tuple(_d.values())))

</pallas_src>

<mosaic_0001>
#map = affine_map<(d0, d1) -> (0)>
#map1 = affine_map<(d0, d1) -> (0, 0)>
module attributes {stable_mosaic.version = 14 : i64} {
  func.func @_gmf_body(%arg0: i32, %arg1: i32, %arg2: memref<16384xi32, #tpu.memory_space<hbm>>, %arg3: memref<16384xi32, #tpu.memory_space<hbm>>, %arg4: memref<1000000x64xf32, #tpu.memory_space<hbm>>, %arg5: memref<100000x64xf32, #tpu.memory_space<hbm>>, %arg6: memref<64xf32, #tpu.memory_space<hbm>>, %arg7: memref<16xf32, #tpu.memory_space<hbm>>, %arg8: memref<16384xf32, #tpu.memory_space<hbm>>, %arg9: memref<512xi32, #tpu.memory_space<vmem>>, %arg10: memref<512xi32, #tpu.memory_space<vmem>>, %arg11: memref<256x64xf32, #tpu.memory_space<vmem>>, %arg12: memref<256x64xf32, #tpu.memory_space<vmem>>, %arg13: memref<64xf32, #tpu.memory_space<vmem>>, %arg14: memref<16xf32, #tpu.memory_space<vmem>>, %arg15: memref<512xf32, #tpu.memory_space<vmem>>, %arg16: memref<512xi32, #tpu.memory_space<smem>>, %arg17: memref<512xi32, #tpu.memory_space<smem>>, %arg18: memref<!tpu.dma_semaphore, #tpu.memory_space<semaphore_mem>>) attributes {dimension_semantics = [#tpu.dimension_semantics<core_parallel>, #tpu.dimension_semantics<subcore_parallel>], iteration_bounds = array<i64: 2, 16>, scalar_prefetch = 0 : i64, scratch_operands = 10 : i64, tpu.core_type = #tpu.core_type<sc_vector_subcore>, window_params = [{transform_indices = #map}, {transform_indices = #map}, {transform_indices = #map1}, {transform_indices = #map1}, {transform_indices = #map}, {transform_indices = #map}, {transform_indices = #map}]} {
    %mul3A = arith.constant 2 : i32
    %mul3A_0 = arith.muli %arg1, %mul3A : i32
    %add3A = arith.addi %mul3A_0, %arg0 : i32
    %mul3A_1 = arith.constant 512 : i32
    %mul3A_2 = arith.muli %add3A, %mul3A_1 : i32
    "tpu.region"() ({
      %run_scoped3A = tpu.sem_alloc : memref<!tpu.dma_semaphore, #tpu.memory_space<semaphore_mem>>
      %dma_start3A = tpu.memref_slice %arg2[%mul3A_2] : memref<16384xi32, #tpu.memory_space<hbm>> -> memref<512xi32, #tpu.memory_space<hbm>>
      %dma_start3A_38 = tpu.memref_slice %arg2[%mul3A_2] : memref<16384xi32, #tpu.memory_space<hbm>> -> memref<512xi32, #tpu.memory_space<hbm>>
      tpu.enqueue_dma source(%dma_start3A_38 : memref<512xi32, #tpu.memory_space<hbm>>) target(%arg9 : memref<512xi32, #tpu.memory_space<vmem>>) target_semaphore(%run_scoped3A : memref<!tpu.dma_semaphore, #tpu.memory_space<semaphore_mem>>)
      %dma_wait3A = tpu.memref_slice %arg2[%mul3A_2] : memref<16384xi32, #tpu.memory_space<hbm>> -> memref<512xi32, #tpu.memory_space<hbm>>
      %dma_wait3A_39 = tpu.memref_slice %arg2[%mul3A_2] : memref<16384xi32, #tpu.memory_space<hbm>> -> memref<512xi32, #tpu.memory_space<hbm>>
      tpu.wait_dma2 semaphore(%run_scoped3A : memref<!tpu.dma_semaphore, #tpu.memory_space<semaphore_mem>>) src(%dma_wait3A_39 : memref<512xi32, #tpu.memory_space<hbm>>) dst(%arg9 : memref<512xi32, #tpu.memory_space<vmem>>)
      tpu.yield
    }) : () -> ()
    "tpu.region"() ({
      %run_scoped3A = tpu.sem_alloc : memref<!tpu.dma_semaphore, #tpu.memory_space<semaphore_mem>>
      %dma_start3A = tpu.memref_slice %arg3[%mul3A_2] : memref<16384xi32, #tpu.memory_space<hbm>> -> memref<512xi32, #tpu.memory_space<hbm>>
      %dma_start3A_38 = tpu.memref_slice %arg3[%mul3A_2] : memref<16384xi32, #tpu.memory_space<hbm>> -> memref<512xi32, #tpu.memory_space<hbm>>
      tpu.enqueue_dma source(%dma_start3A_38 : memref<512xi32, #tpu.memory_space<hbm>>) target(%arg10 : memref<512xi32, #tpu.memory_space<vmem>>) target_semaphore(%run_scoped3A : memref<!tpu.dma_semaphore, #tpu.memory_space<semaphore_mem>>)
      %dma_wait3A = tpu.memref_slice %arg3[%mul3A_2] : memref<16384xi32, #tpu.memory_space<hbm>> -> memref<512xi32, #tpu.memory_space<hbm>>
      %dma_wait3A_39 = tpu.memref_slice %arg3[%mul3A_2] : memref<16384xi32, #tpu.memory_space<hbm>> -> memref<512xi32, #tpu.memory_space<hbm>>
      tpu.wait_dma2 semaphore(%run_scoped3A : memref<!tpu.dma_semaphore, #tpu.memory_space<semaphore_mem>>) src(%dma_wait3A_39 : memref<512xi32, #tpu.memory_space<hbm>>) dst(%arg10 : memref<512xi32, #tpu.memory_space<vmem>>)
      tpu.yield
    }) : () -> ()
    "tpu.region"() ({
      %run_scoped3A = tpu.sem_alloc : memref<!tpu.dma_semaphore, #tpu.memory_space<semaphore_mem>>
      tpu.enqueue_dma source(%arg6 : memref<64xf32, #tpu.memory_space<hbm>>) target(%arg13 : memref<64xf32, #tpu.memory_space<vmem>>) target_semaphore(%run_scoped3A : memref<!tpu.dma_semaphore, #tpu.memory_space<semaphore_mem>>)
      tpu.wait_dma2 semaphore(%run_scoped3A : memref<!tpu.dma_semaphore, #tpu.memory_space<semaphore_mem>>) src(%arg6 : memref<64xf32, #tpu.memory_space<hbm>>) dst(%arg13 : memref<64xf32, #tpu.memory_space<vmem>>)
      tpu.yield
    }) : () -> ()
    "tpu.region"() ({
      %run_scoped3A = tpu.sem_alloc : memref<!tpu.dma_semaphore, #tpu.memory_space<semaphore_mem>>
      tpu.enqueue_dma source(%arg7 : memref<16xf32, #tpu.memory_space<hbm>>) target(%arg14 : memref<16xf32, #tpu.memory_space<vmem>>) target_semaphore(%run_scoped3A : memref<!tpu.dma_semaphore, #tpu.memory_space<semaphore_mem>>)
      tpu.wait_dma2 semaphore(%run_scoped3A : memref<!tpu.dma_semaphore, #tpu.memory_space<semaphore_mem>>) src(%arg7 : memref<16xf32, #tpu.memory_space<hbm>>) dst(%arg14 : memref<16xf32, #tpu.memory_space<vmem>>)
      tpu.yield
    }) : () -> ()
    %scan3A = arith.constant 0 : i32
    %scan3A_3 = arith.constant 0 : i32
    %scan3A_4 = arith.constant 32 : i32
    %scan3A_5 = arith.addi %scan3A_3, %scan3A_4 : i32
    %scan3A_6 = arith.constant 1 : i32
    %scan3A_7 = scf.for %scan3A_38 = %scan3A_3 to %scan3A_5 step %scan3A_6 iter_args(%scan3A_39 = %scan3A) -> (i32)  : i32 {
      %mul3A_40 = arith.constant 16 : i32
      %mul3A_41 = arith.muli %scan3A_38, %mul3A_40 : i32
      %get3A_42 = arith.index_cast %mul3A_41 : i32 to index
      %get3A_43 = tpu.vector_load %arg9[%get3A_42] {strides = array<i32>} : memref<512xi32, #tpu.memory_space<vmem>>, vector<16xi32>,
      %mul3A_44 = arith.constant 16 : i32
      %mul3A_45 = arith.muli %scan3A_38, %mul3A_44 : i32
      %get3A_46 = arith.index_cast %mul3A_45 : i32 to index
      %get3A_47 = tpu.vector_load %arg10[%get3A_46] {strides = array<i32>} : memref<512xi32, #tpu.memory_space<vmem>>, vector<16xi32>,
      %slice3A = vector.extract_strided_slice %get3A_43 {offsets = [0], sizes = [1], strides = [1]} : vector<16xi32> to vector<1xi32>
      %squeeze3A = vector.extract %slice3A[0] : i32 from vector<1xi32>
      %mul3A_48 = arith.constant 16 : i32
      %mul3A_49 = arith.muli %scan3A_38, %mul3A_48 : i32
      %add3A_50 = arith.constant 0 : i32
      %add3A_51 = arith.addi %mul3A_49, %add3A_50 : i32
      %swap3A = arith.index_cast %add3A_51 : i32 to index
      %swap3A_52 = memref.load %arg16[%swap3A] : memref<512xi32, #tpu.memory_space<smem>>
      memref.store %squeeze3A, %arg16[%swap3A] : memref<512xi32, #tpu.memory_space<smem>>
      %slice3A_53 = vector.extract_strided_slice %get3A_47 {offsets = [0], sizes = [1], strides = [1]} : vector<16xi32> to vector<1xi32>
      %squeeze3A_54 = vector.extract %slice3A_53[0] : i32 from vector<1xi32>
      %mul3A_55 = arith.constant 16 : i32
      %mul3A_56 = arith.muli %scan3A_38, %mul3A_55 : i32
      %add3A_57 = arith.constant 0 : i32
      %add3A_58 = arith.addi %mul3A_56, %add3A_57 : i32
      %swap3A_59 = arith.index_cast %add3A_58 : i32 to index
      %swap3A_60 = memref.load %arg17[%swap3A_59] : memref<512xi32, #tpu.memory_space<smem>>
      memref.store %squeeze3A_54, %arg17[%swap3A_59] : memref<512xi32, #tpu.memory_space<smem>>
      %slice3A_61 = vector.extract_strided_slice %get3A_43 {offsets = [1], sizes = [1], strides = [1]} : vector<16xi32> to vector<1xi32>
      %squeeze3A_62 = vector.extract %slice3A_61[0] : i32 from vector<1xi32>
      %mul3A_63 = arith.constant 16 : i32
      %mul3A_64 = arith.muli %scan3A_38, %mul3A_63 : i32
      %add3A_65 = arith.constant 1 : i32
      %add3A_66 = arith.addi %mul3A_64, %add3A_65 : i32
      %swap3A_67 = arith.index_cast %add3A_66 : i32 to index
      %swap3A_68 = memref.load %arg16[%swap3A_67] : memref<512xi32, #tpu.memory_space<smem>>
      memref.store %squeeze3A_62, %arg16[%swap3A_67] : memref<512xi32, #tpu.memory_space<smem>>
      %slice3A_69 = vector.extract_strided_slice %get3A_47 {offsets = [1], sizes = [1], strides = [1]} : vector<16xi32> to vector<1xi32>
      %squeeze3A_70 = vector.extract %slice3A_69[0] : i32 from vector<1xi32>
      %mul3A_71 = arith.constant 16 : i32
      %mul3A_72 = arith.muli %scan3A_38, %mul3A_71 : i32
      %add3A_73 = arith.constant 1 : i32
      %add3A_74 = arith.addi %mul3A_72, %add3A_73 : i32
      %swap3A_75 = arith.index_cast %add3A_74 : i32 to index
      %swap3A_76 = memref.load %arg17[%swap3A_75] : memref<512xi32, #tpu.memory_space<smem>>
      memref.store %squeeze3A_70, %arg17[%swap3A_75] : memref<512xi32, #tpu.memory_space<smem>>
      %slice3A_77 = vector.extract_strided_slice %get3A_43 {offsets = [2], sizes = [1], strides = [1]} : vector<16xi32> to vector<1xi32>
      %squeeze3A_78 = vector.extract %slice3A_77[0] : i32 from vector<1xi32>
      %mul3A_79 = arith.constant 16 : i32
      %mul3A_80 = arith.muli %scan3A_38, %mul3A_79 : i32
      %add3A_81 = arith.constant 2 : i32
      %add3A_82 = arith.addi %mul3A_80, %add3A_81 : i32
      %swap3A_83 = arith.index_cast %add3A_82 : i32 to index
      %swap3A_84 = memref.load %arg16[%swap3A_83] : memref<512xi32, #tpu.memory_space<smem>>
      memref.store %squeeze3A_78, %arg16[%swap3A_83] : memref<512xi32, #tpu.memory_space<smem>>
      %slice3A_85 = vector.extract_strided_slice %get3A_47 {offsets = [2], sizes = [1], strides = [1]} : vector<16xi32> to vector<1xi32>
      %squeeze3A_86 = vector.extract %slice3A_85[0] : i32 from vector<1xi32>
      %mul3A_87 = arith.constant 16 : i32
      %mul3A_88 = arith.muli %scan3A_38, %mul3A_87 : i32
      %add3A_89 = arith.constant 2 : i32
      %add3A_90 = arith.addi %mul3A_88, %add3A_89 : i32
      %swap3A_91 = arith.index_cast %add3A_90 : i32 to index
      %swap3A_92 = memref.load %arg17[%swap3A_91] : memref<512xi32, #tpu.memory_space<smem>>
      memref.store %squeeze3A_86, %arg17[%swap3A_91] : memref<512xi32, #tpu.memory_space<smem>>
      %slice3A_93 = vector.extract_strided_slice %get3A_43 {offsets = [3], sizes = [1], strides = [1]} : vector<16xi32> to vector<1xi32>
      %squeeze3A_94 = vector.extract %slice3A_93[0] : i32 from vector<1xi32>
      %mul3A_95 = arith.constant 16 : i32
      %mul3A_96 = arith.muli %scan3A_38, %mul3A_95 : i32
      %add3A_97 = arith.constant 3 : i32
      %add3A_98 = arith.addi %mul3A_96, %add3A_97 : i32
      %swap3A_99 = arith.index_cast %add3A_98 : i32 to index
      %swap3A_100 = memref.load %arg16[%swap3A_99] : memref<512xi32, #tpu.memory_space<smem>>
      memref.store %squeeze3A_94, %arg16[%swap3A_99] : memref<512xi32, #tpu.memory_space<smem>>
      %slice3A_101 = vector.extract_strided_slice %get3A_47 {offsets = [3], sizes = [1], strides = [1]} : vector<16xi32> to vector<1xi32>
      %squeeze3A_102 = vector.extract %slice3A_101[0] : i32 from vector<1xi32>
      %mul3A_103 = arith.constant 16 : i32
      %mul3A_104 = arith.muli %scan3A_38, %mul3A_103 : i32
      %add3A_105 = arith.constant 3 : i32
      %add3A_106 = arith.addi %mul3A_104, %add3A_105 : i32
      %swap3A_107 = arith.index_cast %add3A_106 : i32 to index
      %swap3A_108 = memref.load %arg17[%swap3A_107] : memref<512xi32, #tpu.memory_space<smem>>
      memref.store %squeeze3A_102, %arg17[%swap3A_107] : memref<512xi32, #tpu.memory_space<smem>>
      %slice3A_109 = vector.extract_strided_slice %get3A_43 {offsets = [4], sizes = [1], strides = [1]} : vector<16xi32> to vector<1xi32>
      %squeeze3A_110 = vector.extract %slice3A_109[0] : i32 from vector<1xi32>
      %mul3A_111 = arith.constant 16 : i32
      %mul3A_112 = arith.muli %scan3A_38, %mul3A_111 : i32
      %add3A_113 = arith.constant 4 : i32
      %add3A_114 = arith.addi %mul3A_112, %add3A_113 : i32
      %swap3A_115 = arith.index_cast %add3A_114 : i32 to index
      %swap3A_116 = memref.load %arg16[%swap3A_115] : memref<512xi32, #tpu.memory_space<smem>>
      memref.store %squeeze3A_110, %arg16[%swap3A_115] : memref<512xi32, #tpu.memory_space<smem>>
      %slice3A_117 = vector.extract_strided_slice %get3A_47 {offsets = [4], sizes = [1], strides = [1]} : vector<16xi32> to vector<1xi32>
      %squeeze3A_118 = vector.extract %slice3A_117[0] : i32 from vector<1xi32>
      %mul3A_119 = arith.constant 16 : i32
      %mul3A_120 = arith.muli %scan3A_38, %mul3A_119 : i32
      %add3A_121 = arith.constant 4 : i32
      %add3A_122 = arith.addi %mul3A_120, %add3A_121 : i32
      %swap3A_123 = arith.index_cast %add3A_122 : i32 to index
      %swap3A_124 = memref.load %arg17[%swap3A_123] : memref<512xi32, #tpu.memory_space<smem>>
      memref.store %squeeze3A_118, %arg17[%swap3A_123] : memref<512xi32, #tpu.memory_space<smem>>
      %slice3A_125 = vector.extract_strided_slice %get3A_43 {offsets = [5], sizes = [1], strides = [1]} : vector<16xi32> to vector<1xi32>
      %squeeze3A_126 = vector.extract %slice3A_125[0] : i32 from vector<1xi32>
      %mul3A_127 = arith.constant 16 : i32
      %mul3A_128 = arith.muli %scan3A_38, %mul3A_127 : i32
      %add3A_129 = arith.constant 5 : i32
      %add3A_130 = arith.addi %mul3A_128, %add3A_129 : i32
      %swap3A_131 = arith.index_cast %add3A_130 : i32 to index
      %swap3A_132 = memref.load %arg16[%swap3A_131] : memref<512xi32, #tpu.memory_space<smem>>
      memref.store %squeeze3A_126, %arg16[%swap3A_131] : memref<512xi32, #tpu.memory_space<smem>>
      %slice3A_133 = vector.extract_strided_slice %get3A_47 {offsets = [5], sizes = [1], strides = [1]} : vector<16xi32> to vector<1xi32>
      %squeeze3A_134 = vector.extract %slice3A_133[0] : i32 from vector<1xi32>
      %mul3A_135 = arith.constant 16 : i32
      %mul3A_136 = arith.muli %scan3A_38, %mul3A_135 : i32
      %add3A_137 = arith.constant 5 : i32
      %add3A_138 = arith.addi %mul3A_136, %add3A_137 : i32
      %swap3A_139 = arith.index_cast %add3A_138 : i32 to index
      %swap3A_140 = memref.load %arg17[%swap3A_139] : memref<512xi32, #tpu.memory_space<smem>>
      memref.store %squeeze3A_134, %arg17[%swap3A_139] : memref<512xi32, #tpu.memory_space<smem>>
      %slice3A_141 = vector.extract_strided_slice %get3A_43 {offsets = [6], sizes = [1], strides = [1]} : vector<16xi32> to vector<1xi32>
      %squeeze3A_142 = vector.extract %slice3A_141[0] : i32 from vector<1xi32>
      %mul3A_143 = arith.constant 16 : i32
      %mul3A_144 = arith.muli %scan3A_38, %mul3A_143 : i32
      %add3A_145 = arith.constant 6 : i32
      %add3A_146 = arith.addi %mul3A_144, %add3A_145 : i32
      %swap3A_147 = arith.index_cast %add3A_146 : i32 to index
      %swap3A_148 = memref.load %arg16[%swap3A_147] : memref<512xi32, #tpu.memory_space<smem>>
      memref.store %squeeze3A_142, %arg16[%swap3A_147] : memref<512xi32, #tpu.memory_space<smem>>
      %slice3A_149 = vector.extract_strided_slice %get3A_47 {offsets = [6], sizes = [1], strides = [1]} : vector<16xi32> to vector<1xi32>
      %squeeze3A_150 = vector.extract %slice3A_149[0] : i32 from vector<1xi32>
      %mul3A_151 = arith.constant 16 : i32
      %mul3A_152 = arith.muli %scan3A_38, %mul3A_151 : i32
      %add3A_153 = arith.constant 6 : i32
      %add3A_154 = arith.addi %mul3A_152, %add3A_153 : i32
      %swap3A_155 = arith.index_cast %add3A_154 : i32 to index
      %swap3A_156 = memref.load %arg17[%swap3A_155] : memref<512xi32, #tpu.memory_space<smem>>
      memref.store %squeeze3A_150, %arg17[%swap3A_155] : memref<512xi32, #tpu.memory_space<smem>>
      %slice3A_157 = vector.extract_strided_slice %get3A_43 {offsets = [7], sizes = [1], strides = [1]} : vector<16xi32> to vector<1xi32>
      %squeeze3A_158 = vector.extract %slice3A_157[0] : i32 from vector<1xi32>
      %mul3A_159 = arith.constant 16 : i32
      %mul3A_160 = arith.muli %scan3A_38, %mul3A_159 : i32
      %add3A_161 = arith.constant 7 : i32
      %add3A_162 = arith.addi %mul3A_160, %add3A_161 : i32
      %swap3A_163 = arith.index_cast %add3A_162 : i32 to index
      %swap3A_164 = memref.load %arg16[%swap3A_163] : memref<512xi32, #tpu.memory_space<smem>>
      memref.store %squeeze3A_158, %arg16[%swap3A_163] : memref<512xi32, #tpu.memory_space<smem>>
      %slice3A_165 = vector.extract_strided_slice %get3A_47 {offsets = [7], sizes = [1], strides = [1]} : vector<16xi32> to vector<1xi32>
      %squeeze3A_166 = vector.extract %slice3A_165[0] : i32 from vector<1xi32>
      %mul3A_167 = arith.constant 16 : i32
      %mul3A_168 = arith.muli %scan3A_38, %mul3A_167 : i32
      %add3A_169 = arith.constant 7 : i32
      %add3A_170 = arith.addi %mul3A_168, %add3A_169 : i32
      %swap3A_171 = arith.index_cast %add3A_170 : i32 to index
      %swap3A_172 = memref.load %arg17[%swap3A_171] : memref<512xi32, #tpu.memory_space<smem>>
      memref.store %squeeze3A_166, %arg17[%swap3A_171] : memref<512xi32, #tpu.memory_space<smem>>
      %slice3A_173 = vector.extract_strided_slice %get3A_43 {offsets = [8], sizes = [1], strides = [1]} : vector<16xi32> to vector<1xi32>
      %squeeze3A_174 = vector.extract %slice3A_173[0] : i32 from vector<1xi32>
      %mul3A_175 = arith.constant 16 : i32
      %mul3A_176 = arith.muli %scan3A_38, %mul3A_175 : i32
      %add3A_177 = arith.constant 8 : i32
      %add3A_178 = arith.addi %mul3A_176, %add3A_177 : i32
      %swap3A_179 = arith.index_cast %add3A_178 : i32 to index
      %swap3A_180 = memref.load %arg16[%swap3A_179] : memref<512xi32, #tpu.memory_space<smem>>
      memref.store %squeeze3A_174, %arg16[%swap3A_179] : memref<512xi32, #tpu.memory_space<smem>>
      %slice3A_181 = vector.extract_strided_slice %get3A_47 {offsets = [8], sizes = [1], strides = [1]} : vector<16xi32> to vector<1xi32>
      %squeeze3A_182 = vector.extract %slice3A_181[0] : i32 from vector<1xi32>
      %mul3A_183 = arith.constant 16 : i32
      %mul3A_184 = arith.muli %scan3A_38, %mul3A_183 : i32
      %add3A_185 = arith.constant 8 : i32
      %add3A_186 = arith.addi %mul3A_184, %add3A_185 : i32
      %swap3A_187 = arith.index_cast %add3A_186 : i32 to index
      %swap3A_188 = memref.load %arg17[%swap3A_187] : memref<512xi32, #tpu.memory_space<smem>>
      memref.store %squeeze3A_182, %arg17[%swap3A_187] : memref<512xi32, #tpu.memory_space<smem>>
      %slice3A_189 = vector.extract_strided_slice %get3A_43 {offsets = [9], sizes = [1], strides = [1]} : vector<16xi32> to vector<1xi32>
      %squeeze3A_190 = vector.extract %slice3A_189[0] : i32 from vector<1xi32>
      %mul3A_191 = arith.constant 16 : i32
      %mul3A_192 = arith.muli %scan3A_38, %mul3A_191 : i32
      %add3A_193 = arith.constant 9 : i32
      %add3A_194 = arith.addi %mul3A_192, %add3A_193 : i32
      %swap3A_195 = arith.index_cast %add3A_194 : i32 to index
      %swap3A_196 = memref.load %arg16[%swap3A_195] : memref<512xi32, #tpu.memory_space<smem>>
      memref.store %squeeze3A_190, %arg16[%swap3A_195] : memref<512xi32, #tpu.memory_space<smem>>
      %slice3A_197 = vector.extract_strided_slice %get3A_47 {offsets = [9], sizes = [1], strides = [1]} : vector<16xi32> to vector<1xi32>
      %squeeze3A_198 = vector.extract %slice3A_197[0] : i32 from vector<1xi32>
      %mul3A_199 = arith.constant 16 : i32
      %mul3A_200 = arith.muli %scan3A_38, %mul3A_199 : i32
      %add3A_201 = arith.constant 9 : i32
      %add3A_202 = arith.addi %mul3A_200, %add3A_201 : i32
      %swap3A_203 = arith.index_cast %add3A_202 : i32 to index
      %swap3A_204 = memref.load %arg17[%swap3A_203] : memref<512xi32, #tpu.memory_space<smem>>
      memref.store %squeeze3A_198, %arg17[%swap3A_203] : memref<512xi32, #tpu.memory_space<smem>>
      %slice3A_205 = vector.extract_strided_slice %get3A_43 {offsets = [10], sizes = [1], strides = [1]} : vector<16xi32> to vector<1xi32>
      %squeeze3A_206 = vector.extract %slice3A_205[0] : i32 from vector<1xi32>
      %mul3A_207 = arith.constant 16 : i32
      %mul3A_208 = arith.muli %scan3A_38, %mul3A_207 : i32
      %add3A_209 = arith.constant 10 : i32
      %add3A_210 = arith.addi %mul3A_208, %add3A_209 : i32
      %swap3A_211 = arith.index_cast %add3A_210 : i32 to index
      %swap3A_212 = memref.load %arg16[%swap3A_211] : memref<512xi32, #tpu.memory_space<smem>>
      memref.store %squeeze3A_206, %arg16[%swap3A_211] : memref<512xi32, #tpu.memory_space<smem>>
      %slice3A_213 = vector.extract_strided_slice %get3A_47 {offsets = [10], sizes = [1], strides = [1]} : vector<16xi32> to vector<1xi32>
      %squeeze3A_214 = vector.extract %slice3A_213[0] : i32 from vector<1xi32>
      %mul3A_215 = arith.constant 16 : i32
      %mul3A_216 = arith.muli %scan3A_38, %mul3A_215 : i32
      %add3A_217 = arith.constant 10 : i32
      %add3A_218 = arith.addi %mul3A_216, %add3A_217 : i32
      %swap3A_219 = arith.index_cast %add3A_218 : i32 to index
      %swap3A_220 = memref.load %arg17[%swap3A_219] : memref<512xi32, #tpu.memory_space<smem>>
      memref.store %squeeze3A_214, %arg17[%swap3A_219] : memref<512xi32, #tpu.memory_space<smem>>
      %slice3A_221 = vector.extract_strided_slice %get3A_43 {offsets = [11], sizes = [1], strides = [1]} : vector<16xi32> to vector<1xi32>
      %squeeze3A_222 = vector.extract %slice3A_221[0] : i32 from vector<1xi32>
      %mul3A_223 = arith.constant 16 : i32
      %mul3A_224 = arith.muli %scan3A_38, %mul3A_223 : i32
      %add3A_225 = arith.constant 11 : i32
      %add3A_226 = arith.addi %mul3A_224, %add3A_225 : i32
      %swap3A_227 = arith.index_cast %add3A_226 : i32 to index
      %swap3A_228 = memref.load %arg16[%swap3A_227] : memref<512xi32, #tpu.memory_space<smem>>
      memref.store %squeeze3A_222, %arg16[%swap3A_227] : memref<512xi32, #tpu.memory_space<smem>>
      %slice3A_229 = vector.extract_strided_slice %get3A_47 {offsets = [11], sizes = [1], strides = [1]} : vector<16xi32> to vector<1xi32>
      %squeeze3A_230 = vector.extract %slice3A_229[0] : i32 from vector<1xi32>
      %mul3A_231 = arith.constant 16 : i32
      %mul3A_232 = arith.muli %scan3A_38, %mul3A_231 : i32
      %add3A_233 = arith.constant 11 : i32
      %add3A_234 = arith.addi %mul3A_232, %add3A_233 : i32
      %swap3A_235 = arith.index_cast %add3A_234 : i32 to index
      %swap3A_236 = memref.load %arg17[%swap3A_235] : memref<512xi32, #tpu.memory_space<smem>>
      memref.store %squeeze3A_230, %arg17[%swap3A_235] : memref<512xi32, #tpu.memory_space<smem>>
      %slice3A_237 = vector.extract_strided_slice %get3A_43 {offsets = [12], sizes = [1], strides = [1]} : vector<16xi32> to vector<1xi32>
      %squeeze3A_238 = vector.extract %slice3A_237[0] : i32 from vector<1xi32>
      %mul3A_239 = arith.constant 16 : i32
      %mul3A_240 = arith.muli %scan3A_38, %mul3A_239 : i32
      %add3A_241 = arith.constant 12 : i32
      %add3A_242 = arith.addi %mul3A_240, %add3A_241 : i32
      %swap3A_243 = arith.index_cast %add3A_242 : i32 to index
      %swap3A_244 = memref.load %arg16[%swap3A_243] : memref<512xi32, #tpu.memory_space<smem>>
      memref.store %squeeze3A_238, %arg16[%swap3A_243] : memref<512xi32, #tpu.memory_space<smem>>
      %slice3A_245 = vector.extract_strided_slice %get3A_47 {offsets = [12], sizes = [1], strides = [1]} : vector<16xi32> to vector<1xi32>
      %squeeze3A_246 = vector.extract %slice3A_245[0] : i32 from vector<1xi32>
      %mul3A_247 = arith.constant 16 : i32
      %mul3A_248 = arith.muli %scan3A_38, %mul3A_247 : i32
      %add3A_249 = arith.constant 12 : i32
      %add3A_250 = arith.addi %mul3A_248, %add3A_249 : i32
      %swap3A_251 = arith.index_cast %add3A_250 : i32 to index
      %swap3A_252 = memref.load %arg17[%swap3A_251] : memref<512xi32, #tpu.memory_space<smem>>
      memref.store %squeeze3A_246, %arg17[%swap3A_251] : memref<512xi32, #tpu.memory_space<smem>>
      %slice3A_253 = vector.extract_strided_slice %get3A_43 {offsets = [13], sizes = [1], strides = [1]} : vector<16xi32> to vector<1xi32>
      %squeeze3A_254 = vector.extract %slice3A_253[0] : i32 from vector<1xi32>
      %mul3A_255 = arith.constant 16 : i32
      %mul3A_256 = arith.muli %scan3A_38, %mul3A_255 : i32
      %add3A_257 = arith.constant 13 : i32
      %add3A_258 = arith.addi %mul3A_256, %add3A_257 : i32
      %swap3A_259 = arith.index_cast %add3A_258 : i32 to index
      %swap3A_260 = memref.load %arg16[%swap3A_259] : memref<512xi32, #tpu.memory_space<smem>>
      memref.store %squeeze3A_254, %arg16[%swap3A_259] : memref<512xi32, #tpu.memory_space<smem>>
      %slice3A_261 = vector.extract_strided_slice %get3A_47 {offsets = [13], sizes = [1], strides = [1]} : vector<16xi32> to vector<1xi32>
      %squeeze3A_262 = vector.extract %slice3A_261[0] : i32 from vector<1xi32>
      %mul3A_263 = arith.constant 16 : i32
      %mul3A_264 = arith.muli %scan3A_38, %mul3A_263 : i32
      %add3A_265 = arith.constant 13 : i32
      %add3A_266 = arith.addi %mul3A_264, %add3A_265 : i32
      %swap3A_267 = arith.index_cast %add3A_266 : i32 to index
      %swap3A_268 = memref.load %arg17[%swap3A_267] : memref<512xi32, #tpu.memory_space<smem>>
      memref.store %squeeze3A_262, %arg17[%swap3A_267] : memref<512xi32, #tpu.memory_space<smem>>
      %slice3A_269 = vector.extract_strided_slice %get3A_43 {offsets = [14], sizes = [1], strides = [1]} : vector<16xi32> to vector<1xi32>
      %squeeze3A_270 = vector.extract %slice3A_269[0] : i32 from vector<1xi32>
      %mul3A_271 = arith.constant 16 : i32
      %mul3A_272 = arith.muli %scan3A_38, %mul3A_271 : i32
      %add3A_273 = arith.constant 14 : i32
      %add3A_274 = arith.addi %mul3A_272, %add3A_273 : i32
      %swap3A_275 = arith.index_cast %add3A_274 : i32 to index
      %swap3A_276 = memref.load %arg16[%swap3A_275] : memref<512xi32, #tpu.memory_space<smem>>
      memref.store %squeeze3A_270, %arg16[%swap3A_275] : memref<512xi32, #tpu.memory_space<smem>>
      %slice3A_277 = vector.extract_strided_slice %get3A_47 {offsets = [14], sizes = [1], strides = [1]} : vector<16xi32> to vector<1xi32>
      %squeeze3A_278 = vector.extract %slice3A_277[0] : i32 from vector<1xi32>
      %mul3A_279 = arith.constant 16 : i32
      %mul3A_280 = arith.muli %scan3A_38, %mul3A_279 : i32
      %add3A_281 = arith.constant 14 : i32
      %add3A_282 = arith.addi %mul3A_280, %add3A_281 : i32
      %swap3A_283 = arith.index_cast %add3A_282 : i32 to index
      %swap3A_284 = memref.load %arg17[%swap3A_283] : memref<512xi32, #tpu.memory_space<smem>>
      memref.store %squeeze3A_278, %arg17[%swap3A_283] : memref<512xi32, #tpu.memory_space<smem>>
      %slice3A_285 = vector.extract_strided_slice %get3A_43 {offsets = [15], sizes = [1], strides = [1]} : vector<16xi32> to vector<1xi32>
      %squeeze3A_286 = vector.extract %slice3A_285[0] : i32 from vector<1xi32>
      %mul3A_287 = arith.constant 16 : i32
      %mul3A_288 = arith.muli %scan3A_38, %mul3A_287 : i32
      %add3A_289 = arith.constant 15 : i32
      %add3A_290 = arith.addi %mul3A_288, %add3A_289 : i32
      %swap3A_291 = arith.index_cast %add3A_290 : i32 to index
      %swap3A_292 = memref.load %arg16[%swap3A_291] : memref<512xi32, #tpu.memory_space<smem>>
      memref.store %squeeze3A_286, %arg16[%swap3A_291] : memref<512xi32, #tpu.memory_space<smem>>
      %slice3A_293 = vector.extract_strided_slice %get3A_47 {offsets = [15], sizes = [1], strides = [1]} : vector<16xi32> to vector<1xi32>
      %squeeze3A_294 = vector.extract %slice3A_293[0] : i32 from vector<1xi32>
      %mul3A_295 = arith.constant 16 : i32
      %mul3A_296 = arith.muli %scan3A_38, %mul3A_295 : i32
      %add3A_297 = arith.constant 15 : i32
      %add3A_298 = arith.addi %mul3A_296, %add3A_297 : i32
      %swap3A_299 = arith.index_cast %add3A_298 : i32 to index
      %swap3A_300 = memref.load %arg17[%swap3A_299] : memref<512xi32, #tpu.memory_space<smem>>
      memref.store %squeeze3A_294, %arg17[%swap3A_299] : memref<512xi32, #tpu.memory_space<smem>>
      %scan3A_301 = arith.constant 0 : i32
      scf.yield %scan3A_301 : i32
    }
    %scan3A_8 = arith.constant 32 : i32
    %iota3A = tpu.iota {dimensions = array<i32: 0>} : vector<16xi32>
    %get3A = arith.constant 0 : index
    %get3A_9 = tpu.vector_load %arg14[%get3A] {strides = array<i32>} : memref<16xf32, #tpu.memory_space<vmem>>, vector<16xf32>,
    %scan3A_10 = arith.constant 0 : i32
    %scan3A_11 = arith.constant 0 : i32
    %scan3A_12 = arith.constant 16 : i32
    %scan3A_13 = arith.addi %scan3A_11, %scan3A_12 : i32
    %scan3A_14 = arith.constant 1 : i32
    %scan3A_15 = scf.for %scan3A_38 = %scan3A_11 to %scan3A_13 step %scan3A_14 iter_args(%scan3A_39 = %scan3A_10) -> (i32)  : i32 {
      %mul3A_40 = arith.constant 16 : i32
      %mul3A_41 = arith.muli %scan3A_38, %mul3A_40 : i32
      %add3A_42 = arith.constant 0 : i32
      %add3A_43 = arith.addi %mul3A_41, %add3A_42 : i32
      %add3A_44 = arith.constant 0 : i32
      %add3A_45 = arith.addi %add3A_44, %add3A_43 : i32
      %get3A_46 = arith.index_cast %add3A_45 : i32 to index
      %get3A_47 = memref.load %arg16[%get3A_46] : memref<512xi32, #tpu.memory_space<smem>>
      %dma_start3A = arith.constant 0 : i32
      %dma_start3A_48 = tpu.memref_slice %arg11[%add3A_43, %dma_start3A] : memref<256x64xf32, #tpu.memory_space<vmem>> -> memref<1x64xf32, #tpu.memory_space<vmem>>
      %dma_start3A_49 = arith.constant 0 : i32
      %dma_start3A_50 = tpu.memref_slice %arg4[%get3A_47, %dma_start3A_49] : memref<1000000x64xf32, #tpu.memory_space<hbm>> -> memref<1x64xf32, #tpu.memory_space<hbm>>
      %dma_start3A_51 = arith.constant 0 : i32
      %dma_start3A_52 = tpu.memref_slice %arg11[%add3A_43, %dma_start3A_51] : memref<256x64xf32, #tpu.memory_space<vmem>> -> memref<1x64xf32, #tpu.memory_space<vmem>>
      %dma_start3A_53 = arith.constant 0 : i32
      %dma_start3A_54 = tpu.memref_slice %arg4[%get3A_47, %dma_start3A_53] : memref<1000000x64xf32, #tpu.memory_space<hbm>> -> memref<1x64xf32, #tpu.memory_space<hbm>>
      tpu.enqueue_dma source(%dma_start3A_54 : memref<1x64xf32, #tpu.memory_space<hbm>>) target(%dma_start3A_52 : memref<1x64xf32, #tpu.memory_space<vmem>>) target_semaphore(%arg18 : memref<!tpu.dma_semaphore, #tpu.memory_space<semaphore_mem>>)
      %add3A_55 = arith.constant 0 : i32
      %add3A_56 = arith.addi %add3A_55, %add3A_43 : i32
      %get3A_57 = arith.index_cast %add3A_56 : i32 to index
      %get3A_58 = memref.load %arg17[%get3A_57] : memref<512xi32, #tpu.memory_space<smem>>
      %dma_start3A_59 = arith.constant 0 : i32
      %dma_start3A_60 = tpu.memref_slice %arg12[%add3A_43, %dma_start3A_59] : memref<256x64xf32, #tpu.memory_space<vmem>> -> memref<1x64xf32, #tpu.memory_space<vmem>>
      %dma_start3A_61 = arith.constant 0 : i32
      %dma_start3A_62 = tpu.memref_slice %arg5[%get3A_58, %dma_start3A_61] : memref<100000x64xf32, #tpu.memory_space<hbm>> -> memref<1x64xf32, #tpu.memory_space<hbm>>
      %dma_start3A_63 = arith.constant 0 : i32
      %dma_start3A_64 = tpu.memref_slice %arg12[%add3A_43, %dma_start3A_63] : memref<256x64xf32, #tpu.memory_space<vmem>> -> memref<1x64xf32, #tpu.memory_space<vmem>>
      %dma_start3A_65 = arith.constant 0 : i32
      %dma_start3A_66 = tpu.memref_slice %arg5[%get3A_58, %dma_start3A_65] : memref<100000x64xf32, #tpu.memory_space<hbm>> -> memref<1x64xf32, #tpu.memory_space<hbm>>
      tpu.enqueue_dma source(%dma_start3A_66 : memref<1x64xf32, #tpu.memory_space<hbm>>) target(%dma_start3A_64 : memref<1x64xf32, #tpu.memory_space<vmem>>) target_semaphore(%arg18 : memref<!tpu.dma_semaphore, #tpu.memory_space<semaphore_mem>>)
      %mul3A_67 = arith.constant 16 : i32
      %mul3A_68 = arith.muli %scan3A_38, %mul3A_67 : i32
      %add3A_69 = arith.constant 1 : i32
      %add3A_70 = arith.addi %mul3A_68, %add3A_69 : i32
      %add3A_71 = arith.constant 0 : i32
      %add3A_72 = arith.addi %add3A_71, %add3A_70 : i32
      %get3A_73 = arith.index_cast %add3A_72 : i32 to index
      %get3A_74 = memref.load %arg16[%get3A_73] : memref<512xi32, #tpu.memory_space<smem>>
      %dma_start3A_75 = arith.constant 0 : i32
      %dma_start3A_76 = tpu.memref_slice %arg11[%add3A_70, %dma_start3A_75] : memref<256x64xf32, #tpu.memory_space<vmem>> -> memref<1x64xf32, #tpu.memory_space<vmem>>
      %dma_start3A_77 = arith.constant 0 : i32
      %dma_start3A_78 = tpu.memref_slice %arg4[%get3A_74, %dma_start3A_77] : memref<1000000x64xf32, #tpu.memory_space<hbm>> -> memref<1x64xf32, #tpu.memory_space<hbm>>
      %dma_start3A_79 = arith.constant 0 : i32
      %dma_start3A_80 = tpu.memref_slice %arg11[%add3A_70, %dma_start3A_79] : memref<256x64xf32, #tpu.memory_space<vmem>> -> memref<1x64xf32, #tpu.memory_space<vmem>>
      %dma_start3A_81 = arith.constant 0 : i32
      %dma_start3A_82 = tpu.memref_slice %arg4[%get3A_74, %dma_start3A_81] : memref<1000000x64xf32, #tpu.memory_space<hbm>> -> memref<1x64xf32, #tpu.memory_space<hbm>>
      tpu.enqueue_dma source(%dma_start3A_82 : memref<1x64xf32, #tpu.memory_space<hbm>>) target(%dma_start3A_80 : memref<1x64xf32, #tpu.memory_space<vmem>>) target_semaphore(%arg18 : memref<!tpu.dma_semaphore, #tpu.memory_space<semaphore_mem>>)
      %add3A_83 = arith.constant 0 : i32
      %add3A_84 = arith.addi %add3A_83, %add3A_70 : i32
      %get3A_85 = arith.index_cast %add3A_84 : i32 to index
      %get3A_86 = memref.load %arg17[%get3A_85] : memref<512xi32, #tpu.memory_space<smem>>
      %dma_start3A_87 = arith.constant 0 : i32
      %dma_start3A_88 = tpu.memref_slice %arg12[%add3A_70, %dma_start3A_87] : memref<256x64xf32, #tpu.memory_space<vmem>> -> memref<1x64xf32, #tpu.memory_space<vmem>>
      %dma_start3A_89 = arith.constant 0 : i32
      %dma_start3A_90 = tpu.memref_slice %arg5[%get3A_86, %dma_start3A_89] : memref<100000x64xf32, #tpu.memory_space<hbm>> -> memref<1x64xf32, #tpu.memory_space<hbm>>
      %dma_start3A_91 = arith.constant 0 : i32
      %dma_start3A_92 = tpu.memref_slice %arg12[%add3A_70, %dma_start3A_91] : memref<256x64xf32, #tpu.memory_space<vmem>> -> memref<1x64xf32, #tpu.memory_space<vmem>>
      %dma_start3A_93 = arith.constant 0 : i32
      %dma_start3A_94 = tpu.memref_slice %arg5[%get3A_86, %dma_start3A_93] : memref<100000x64xf32, #tpu.memory_space<hbm>> -> memref<1x64xf32, #tpu.memory_space<hbm>>
      tpu.enqueue_dma source(%dma_start3A_94 : memref<1x64xf32, #tpu.memory_space<hbm>>) target(%dma_start3A_92 : memref<1x64xf32, #tpu.memory_space<vmem>>) target_semaphore(%arg18 : memref<!tpu.dma_semaphore, #tpu.memory_space<semaphore_mem>>)
      %mul3A_95 = arith.constant 16 : i32
      %mul3A_96 = arith.muli %scan3A_38, %mul3A_95 : i32
      %add3A_97 = arith.constant 2 : i32
      %add3A_98 = arith.addi %mul3A_96, %add3A_97 : i32
      %add3A_99 = arith.constant 0 : i32
      %add3A_100 = arith.addi %add3A_99, %add3A_98 : i32
      %get3A_101 = arith.index_cast %add3A_100 : i32 to index
      %get3A_102 = memref.load %arg16[%get3A_101] : memref<512xi32, #tpu.memory_space<smem>>
      %dma_start3A_103 = arith.constant 0 : i32
      %dma_start3A_104 = tpu.memref_slice %arg11[%add3A_98, %dma_start3A_103] : memref<256x64xf32, #tpu.memory_space<vmem>> -> memref<1x64xf32, #tpu.memory_space<vmem>>
      %dma_start3A_105 = arith.constant 0 : i32
      %dma_start3A_106 = tpu.memref_slice %arg4[%get3A_102, %dma_start3A_105] : memref<1000000x64xf32, #tpu.memory_space<hbm>> -> memref<1x64xf32, #tpu.memory_space<hbm>>
      %dma_start3A_107 = arith.constant 0 : i32
      %dma_start3A_108 = tpu.memref_slice %arg11[%add3A_98, %dma_start3A_107] : memref<256x64xf32, #tpu.memory_space<vmem>> -> memref<1x64xf32, #tpu.memory_space<vmem>>
      %dma_start3A_109 = arith.constant 0 : i32
      %dma_start3A_110 = tpu.memref_slice %arg4[%get3A_102, %dma_start3A_109] : memref<1000000x64xf32, #tpu.memory_space<hbm>> -> memref<1x64xf32, #tpu.memory_space<hbm>>
      tpu.enqueue_dma source(%dma_start3A_110 : memref<1x64xf32, #tpu.memory_space<hbm>>) target(%dma_start3A_108 : memref<1x64xf32, #tpu.memory_space<vmem>>) target_semaphore(%arg18 : memref<!tpu.dma_semaphore, #tpu.memory_space<semaphore_mem>>)
      %add3A_111 = arith.constant 0 : i32
      %add3A_112 = arith.addi %add3A_111, %add3A_98 : i32
      %get3A_113 = arith.index_cast %add3A_112 : i32 to index
      %get3A_114 = memref.load %arg17[%get3A_113] : memref<512xi32, #tpu.memory_space<smem>>
      %dma_start3A_115 = arith.constant 0 : i32
      %dma_start3A_116 = tpu.memref_slice %arg12[%add3A_98, %dma_start3A_115] : memref<256x64xf32, #tpu.memory_space<vmem>> -> memref<1x64xf32, #tpu.memory_space<vmem>>
      %dma_start3A_117 = arith.constant 0 : i32
      %dma_start3A_118 = tpu.memref_slice %arg5[%get3A_114, %dma_start3A_117] : memref<100000x64xf32, #tpu.memory_space<hbm>> -> memref<1x64xf32, #tpu.memory_space<hbm>>
      %dma_start3A_119 = arith.constant 0 : i32
      %dma_start3A_120 = tpu.memref_slice %arg12[%add3A_98, %dma_start3A_119] : memref<256x64xf32, #tpu.memory_space<vmem>> -> memref<1x64xf32, #tpu.memory_space<vmem>>
      %dma_start3A_121 = arith.constant 0 : i32
      %dma_start3A_122 = tpu.memref_slice %arg5[%get3A_114, %dma_start3A_121] : memref<100000x64xf32, #tpu.memory_space<hbm>> -> memref<1x64xf32, #tpu.memory_space<hbm>>
      tpu.enqueue_dma source(%dma_start3A_122 : memref<1x64xf32, #tpu.memory_space<hbm>>) target(%dma_start3A_120 : memref<1x64xf32, #tpu.memory_space<vmem>>) target_semaphore(%arg18 : memref<!tpu.dma_semaphore, #tpu.memory_space<semaphore_mem>>)
      %mul3A_123 = arith.constant 16 : i32
      %mul3A_124 = arith.muli %scan3A_38, %mul3A_123 : i32
      %add3A_125 = arith.constant 3 : i32
      %add3A_126 = arith.addi %mul3A_124, %add3A_125 : i32
      %add3A_127 = arith.constant 0 : i32
      %add3A_128 = arith.addi %add3A_127, %add3A_126 : i32
      %get3A_129 = arith.index_cast %add3A_128 : i32 to index
      %get3A_130 = memref.load %arg16[%get3A_129] : memref<512xi32, #tpu.memory_space<smem>>
      %dma_start3A_131 = arith.constant 0 : i32
      %dma_start3A_132 = tpu.memref_slice %arg11[%add3A_126, %dma_start3A_131] : memref<256x64xf32, #tpu.memory_space<vmem>> -> memref<1x64xf32, #tpu.memory_space<vmem>>
      %dma_start3A_133 = arith.constant 0 : i32
      %dma_start3A_134 = tpu.memref_slice %arg4[%get3A_130, %dma_start3A_133] : memref<1000000x64xf32, #tpu.memory_space<hbm>> -> memref<1x64xf32, #tpu.memory_space<hbm>>
      %dma_start3A_135 = arith.constant 0 : i32
      %dma_start3A_136 = tpu.memref_slice %arg11[%add3A_126, %dma_start3A_135] : memref<256x64xf32, #tpu.memory_space<vmem>> -> memref<1x64xf32, #tpu.memory_space<vmem>>
      %dma_start3A_137 = arith.constant 0 : i32
      %dma_start3A_138 = tpu.memref_slice %arg4[%get3A_130, %dma_start3A_137] : memref<1000000x64xf32, #tpu.memory_space<hbm>> -> memref<1x64xf32, #tpu.memory_space<hbm>>
      tpu.enqueue_dma source(%dma_start3A_138 : memref<1x64xf32, #tpu.memory_space<hbm>>) target(%dma_start3A_136 : memref<1x64xf32, #tpu.memory_space<vmem>>) target_semaphore(%arg18 : memref<!tpu.dma_semaphore, #tpu.memory_space<semaphore_mem>>)
      %add3A_139 = arith.constant 0 : i32
      %add3A_140 = arith.addi %add3A_139, %add3A_126 : i32
      %get3A_141 = arith.index_cast %add3A_140 : i32 to index
      %get3A_142 = memref.load %arg17[%get3A_141] : memref<512xi32, #tpu.memory_space<smem>>
      %dma_start3A_143 = arith.constant 0 : i32
      %dma_start3A_144 = tpu.memref_slice %arg12[%add3A_126, %dma_start3A_143] : memref<256x64xf32, #tpu.memory_space<vmem>> -> memref<1x64xf32, #tpu.memory_space<vmem>>
      %dma_start3A_145 = arith.constant 0 : i32
      %dma_start3A_146 = tpu.memref_slice %arg5[%get3A_142, %dma_start3A_145] : memref<100000x64xf32, #tpu.memory_space<hbm>> -> memref<1x64xf32, #tpu.memory_space<hbm>>
      %dma_start3A_147 = arith.constant 0 : i32
      %dma_start3A_148 = tpu.memref_slice %arg12[%add3A_126, %dma_start3A_147] : memref<256x64xf32, #tpu.memory_space<vmem>> -> memref<1x64xf32, #tpu.memory_space<vmem>>
      %dma_start3A_149 = arith.constant 0 : i32
      %dma_start3A_150 = tpu.memref_slice %arg5[%get3A_142, %dma_start3A_149] : memref<100000x64xf32, #tpu.memory_space<hbm>> -> memref<1x64xf32, #tpu.memory_space<hbm>>
      tpu.enqueue_dma source(%dma_start3A_150 : memref<1x64xf32, #tpu.memory_space<hbm>>) target(%dma_start3A_148 : memref<1x64xf32, #tpu.memory_space<vmem>>) target_semaphore(%arg18 : memref<!tpu.dma_semaphore, #tpu.memory_space<semaphore_mem>>)
      %mul3A_151 = arith.constant 16 : i32
      %mul3A_152 = arith.muli %scan3A_38, %mul3A_151 : i32
      %add3A_153 = arith.constant 4 : i32
      %add3A_154 = arith.addi %mul3A_152, %add3A_153 : i32
      %add3A_155 = arith.constant 0 : i32
      %add3A_156 = arith.addi %add3A_155, %add3A_154 : i32
      %get3A_157 = arith.index_cast %add3A_156 : i32 to index
      %get3A_158 = memref.load %arg16[%get3A_157] : memref<512xi32, #tpu.memory_space<smem>>
      %dma_start3A_159 = arith.constant 0 : i32
      %dma_start3A_160 = tpu.memref_slice %arg11[%add3A_154, %dma_start3A_159] : memref<256x64xf32, #tpu.memory_space<vmem>> -> memref<1x64xf32, #tpu.memory_space<vmem>>
      %dma_start3A_161 = arith.constant 0 : i32
      %dma_start3A_162 = tpu.memref_slice %arg4[%get3A_158, %dma_start3A_161] : memref<1000000x64xf32, #tpu.memory_space<hbm>> -> memref<1x64xf32, #tpu.memory_space<hbm>>
      %dma_start3A_163 = arith.constant 0 : i32
      %dma_start3A_164 = tpu.memref_slice %arg11[%add3A_154, %dma_start3A_163] : memref<256x64xf32, #tpu.memory_space<vmem>> -> memref<1x64xf32, #tpu.memory_space<vmem>>
      %dma_start3A_165 = arith.constant 0 : i32
      %dma_start3A_166 = tpu.memref_slice %arg4[%get3A_158, %dma_start3A_165] : memref<1000000x64xf32, #tpu.memory_space<hbm>> -> memref<1x64xf32, #tpu.memory_space<hbm>>
      tpu.enqueue_dma source(%dma_start3A_166 : memref<1x64xf32, #tpu.memory_space<hbm>>) target(%dma_start3A_164 : memref<1x64xf32, #tpu.memory_space<vmem>>) target_semaphore(%arg18 : memref<!tpu.dma_semaphore, #tpu.memory_space<semaphore_mem>>)
      %add3A_167 = arith.constant 0 : i32
      %add3A_168 = arith.addi %add3A_167, %add3A_154 : i32
      %get3A_169 = arith.index_cast %add3A_168 : i32 to index
      %get3A_170 = memref.load %arg17[%get3A_169] : memref<512xi32, #tpu.memory_space<smem>>
      %dma_start3A_171 = arith.constant 0 : i32
      %dma_start3A_172 = tpu.memref_slice %arg12[%add3A_154, %dma_start3A_171] : memref<256x64xf32, #tpu.memory_space<vmem>> -> memref<1x64xf32, #tpu.memory_space<vmem>>
      %dma_start3A_173 = arith.constant 0 : i32
      %dma_start3A_174 = tpu.memref_slice %arg5[%get3A_170, %dma_start3A_173] : memref<100000x64xf32, #tpu.memory_space<hbm>> -> memref<1x64xf32, #tpu.memory_space<hbm>>
      %dma_start3A_175 = arith.constant 0 : i32
      %dma_start3A_176 = tpu.memref_slice %arg12[%add3A_154, %dma_start3A_175] : memref<256x64xf32, #tpu.memory_space<vmem>> -> memref<1x64xf32, #tpu.memory_space<vmem>>
      %dma_start3A_177 = arith.constant 0 : i32
      %dma_start3A_178 = tpu.memref_slice %arg5[%get3A_170, %dma_start3A_177] : memref<100000x64xf32, #tpu.memory_space<hbm>> -> memref<1x64xf32, #tpu.memory_space<hbm>>
      tpu.enqueue_dma source(%dma_start3A_178 : memref<1x64xf32, #tpu.memory_space<hbm>>) target(%dma_start3A_176 : memref<1x64xf32, #tpu.memory_space<vmem>>) target_semaphore(%arg18 : memref<!tpu.dma_semaphore, #tpu.memory_space<semaphore_mem>>)
      %mul3A_179 = arith.constant 16 : i32
      %mul3A_180 = arith.muli %scan3A_38, %mul3A_179 : i32
      %add3A_181 = arith.constant 5 : i32
      %add3A_182 = arith.addi %mul3A_180, %add3A_181 : i32
      %add3A_183 = arith.constant 0 : i32
      %add3A_184 = arith.addi %add3A_183, %add3A_182 : i32
      %get3A_185 = arith.index_cast %add3A_184 : i32 to index
      %get3A_186 = memref.load %arg16[%get3A_185] : memref<512xi32, #tpu.memory_space<smem>>
      %dma_start3A_187 = arith.constant 0 : i32
      %dma_start3A_188 = tpu.memref_slice %arg11[%add3A_182, %dma_start3A_187] : memref<256x64xf32, #tpu.memory_space<vmem>> -> memref<1x64xf32, #tpu.memory_space<vmem>>
      %dma_start3A_189 = arith.constant 0 : i32
      %dma_start3A_190 = tpu.memref_slice %arg4[%get3A_186, %dma_start3A_189] : memref<1000000x64xf32, #tpu.memory_space<hbm>> -> memref<1x64xf32, #tpu.memory_space<hbm>>
      %dma_start3A_191 = arith.constant 0 : i32
      %dma_start3A_192 = tpu.memref_slice %arg11[%add3A_182, %dma_start3A_191] : memref<256x64xf32, #tpu.memory_space<vmem>> -> memref<1x64xf32, #tpu.memory_space<vmem>>
      %dma_start3A_193 = arith.constant 0 : i32
      %dma_start3A_194 = tpu.memref_slice %arg4[%get3A_186, %dma_start3A_193] : memref<1000000x64xf32, #tpu.memory_space<hbm>> -> memref<1x64xf32, #tpu.memory_space<hbm>>
      tpu.enqueue_dma source(%dma_start3A_194 : memref<1x64xf32, #tpu.memory_space<hbm>>) target(%dma_start3A_192 : memref<1x64xf32, #tpu.memory_space<vmem>>) target_semaphore(%arg18 : memref<!tpu.dma_semaphore, #tpu.memory_space<semaphore_mem>>)
      %add3A_195 = arith.constant 0 : i32
      %add3A_196 = arith.addi %add3A_195, %add3A_182 : i32
      %get3A_197 = arith.index_cast %add3A_196 : i32 to index
      %get3A_198 = memref.load %arg17[%get3A_197] : memref<512xi32, #tpu.memory_space<smem>>
      %dma_start3A_199 = arith.constant 0 : i32
      %dma_start3A_200 = tpu.memref_slice %arg12[%add3A_182, %dma_start3A_199] : memref<256x64xf32, #tpu.memory_space<vmem>> -> memref<1x64xf32, #tpu.memory_space<vmem>>
      %dma_start3A_201 = arith.constant 0 : i32
      %dma_start3A_202 = tpu.memref_slice %arg5[%get3A_198, %dma_start3A_201] : memref<100000x64xf32, #tpu.memory_space<hbm>> -> memref<1x64xf32, #tpu.memory_space<hbm>>
      %dma_start3A_203 = arith.constant 0 : i32
      %dma_start3A_204 = tpu.memref_slice %arg12[%add3A_182, %dma_start3A_203] : memref<256x64xf32, #tpu.memory_space<vmem>> -> memref<1x64xf32, #tpu.memory_space<vmem>>
      %dma_start3A_205 = arith.constant 0 : i32
      %dma_start3A_206 = tpu.memref_slice %arg5[%get3A_198, %dma_start3A_205] : memref<100000x64xf32, #tpu.memory_space<hbm>> -> memref<1x64xf32, #tpu.memory_space<hbm>>
      tpu.enqueue_dma source(%dma_start3A_206 : memref<1x64xf32, #tpu.memory_space<hbm>>) target(%dma_start3A_204 : memref<1x64xf32, #tpu.memory_space<vmem>>) target_semaphore(%arg18 : memref<!tpu.dma_semaphore, #tpu.memory_space<semaphore_mem>>)
      %mul3A_207 = arith.constant 16 : i32
      %mul3A_208 = arith.muli %scan3A_38, %mul3A_207 : i32
      %add3A_209 = arith.constant 6 : i32
      %add3A_210 = arith.addi %mul3A_208, %add3A_209 : i32
      %add3A_211 = arith.constant 0 : i32
      %add3A_212 = arith.addi %add3A_211, %add3A_210 : i32
      %get3A_213 = arith.index_cast %add3A_212 : i32 to index
      %get3A_214 = memref.load %arg16[%get3A_213] : memref<512xi32, #tpu.memory_space<smem>>
      %dma_start3A_215 = arith.constant 0 : i32
      %dma_start3A_216 = tpu.memref_slice %arg11[%add3A_210, %dma_start3A_215] : memref<256x64xf32, #tpu.memory_space<vmem>> -> memref<1x64xf32, #tpu.memory_space<vmem>>
      %dma_start3A_217 = arith.constant 0 : i32
      %dma_start3A_218 = tpu.memref_slice %arg4[%get3A_214, %dma_start3A_217] : memref<1000000x64xf32, #tpu.memory_space<hbm>> -> memref<1x64xf32, #tpu.memory_space<hbm>>
      %dma_start3A_219 = arith.constant 0 : i32
      %dma_start3A_220 = tpu.memref_slice %arg11[%add3A_210, %dma_start3A_219] : memref<256x64xf32, #tpu.memory_space<vmem>> -> memref<1x64xf32, #tpu.memory_space<vmem>>
      %dma_start3A_221 = arith.constant 0 : i32
      %dma_start3A_222 = tpu.memref_slice %arg4[%get3A_214, %dma_start3A_221] : memref<1000000x64xf32, #tpu.memory_space<hbm>> -> memref<1x64xf32, #tpu.memory_space<hbm>>
      tpu.enqueue_dma source(%dma_start3A_222 : memref<1x64xf32, #tpu.memory_space<hbm>>) target(%dma_start3A_220 : memref<1x64xf32, #tpu.memory_space<vmem>>) target_semaphore(%arg18 : memref<!tpu.dma_semaphore, #tpu.memory_space<semaphore_mem>>)
      %add3A_223 = arith.constant 0 : i32
      %add3A_224 = arith.addi %add3A_223, %add3A_210 : i32
      %get3A_225 = arith.index_cast %add3A_224 : i32 to index
      %get3A_226 = memref.load %arg17[%get3A_225] : memref<512xi32, #tpu.memory_space<smem>>
      %dma_start3A_227 = arith.constant 0 : i32
      %dma_start3A_228 = tpu.memref_slice %arg12[%add3A_210, %dma_start3A_227] : memref<256x64xf32, #tpu.memory_space<vmem>> -> memref<1x64xf32, #tpu.memory_space<vmem>>
      %dma_start3A_229 = arith.constant 0 : i32
      %dma_start3A_230 = tpu.memref_slice %arg5[%get3A_226, %dma_start3A_229] : memref<100000x64xf32, #tpu.memory_space<hbm>> -> memref<1x64xf32, #tpu.memory_space<hbm>>
      %dma_start3A_231 = arith.constant 0 : i32
      %dma_start3A_232 = tpu.memref_slice %arg12[%add3A_210, %dma_start3A_231] : memref<256x64xf32, #tpu.memory_space<vmem>> -> memref<1x64xf32, #tpu.memory_space<vmem>>
      %dma_start3A_233 = arith.constant 0 : i32
      %dma_start3A_234 = tpu.memref_slice %arg5[%get3A_226, %dma_start3A_233] : memref<100000x64xf32, #tpu.memory_space<hbm>> -> memref<1x64xf32, #tpu.memory_space<hbm>>
      tpu.enqueue_dma source(%dma_start3A_234 : memref<1x64xf32, #tpu.memory_space<hbm>>) target(%dma_start3A_232 : memref<1x64xf32, #tpu.memory_space<vmem>>) target_semaphore(%arg18 : memref<!tpu.dma_semaphore, #tpu.memory_space<semaphore_mem>>)
      %mul3A_235 = arith.constant 16 : i32
      %mul3A_236 = arith.muli %scan3A_38, %mul3A_235 : i32
      %add3A_237 = arith.constant 7 : i32
      %add3A_238 = arith.addi %mul3A_236, %add3A_237 : i32
      %add3A_239 = arith.constant 0 : i32
      %add3A_240 = arith.addi %add3A_239, %add3A_238 : i32
      %get3A_241 = arith.index_cast %add3A_240 : i32 to index
      %get3A_242 = memref.load %arg16[%get3A_241] : memref<512xi32, #tpu.memory_space<smem>>
      %dma_start3A_243 = arith.constant 0 : i32
      %dma_start3A_244 = tpu.memref_slice %arg11[%add3A_238, %dma_start3A_243] : memref<256x64xf32, #tpu.memory_space<vmem>> -> memref<1x64xf32, #tpu.memory_space<vmem>>
      %dma_start3A_245 = arith.constant 0 : i32
      %dma_start3A_246 = tpu.memref_slice %arg4[%get3A_242, %dma_start3A_245] : memref<1000000x64xf32, #tpu.memory_space<hbm>> -> memref<1x64xf32, #tpu.memory_space<hbm>>
      %dma_start3A_247 = arith.constant 0 : i32
      %dma_start3A_248 = tpu.memref_slice %arg11[%add3A_238, %dma_start3A_247] : memref<256x64xf32, #tpu.memory_space<vmem>> -> memref<1x64xf32, #tpu.memory_space<vmem>>
      %dma_start3A_249 = arith.constant 0 : i32
      %dma_start3A_250 = tpu.memref_slice %arg4[%get3A_242, %dma_start3A_249] : memref<1000000x64xf32, #tpu.memory_space<hbm>> -> memref<1x64xf32, #tpu.memory_space<hbm>>
      tpu.enqueue_dma source(%dma_start3A_250 : memref<1x64xf32, #tpu.memory_space<hbm>>) target(%dma_start3A_248 : memref<1x64xf32, #tpu.memory_space<vmem>>) target_semaphore(%arg18 : memref<!tpu.dma_semaphore, #tpu.memory_space<semaphore_mem>>)
      %add3A_251 = arith.constant 0 : i32
      %add3A_252 = arith.addi %add3A_251, %add3A_238 : i32
      %get3A_253 = arith.index_cast %add3A_252 : i32 to index
      %get3A_254 = memref.load %arg17[%get3A_253] : memref<512xi32, #tpu.memory_space<smem>>
      %dma_start3A_255 = arith.constant 0 : i32
      %dma_start3A_256 = tpu.memref_slice %arg12[%add3A_238, %dma_start3A_255] : memref<256x64xf32, #tpu.memory_space<vmem>> -> memref<1x64xf32, #tpu.memory_space<vmem>>
      %dma_start3A_257 = arith.constant 0 : i32
      %dma_start3A_258 = tpu.memref_slice %arg5[%get3A_254, %dma_start3A_257] : memref<100000x64xf32, #tpu.memory_space<hbm>> -> memref<1x64xf32, #tpu.memory_space<hbm>>
      %dma_start3A_259 = arith.constant 0 : i32
      %dma_start3A_260 = tpu.memref_slice %arg12[%add3A_238, %dma_start3A_259] : memref<256x64xf32, #tpu.memory_space<vmem>> -> memref<1x64xf32, #tpu.memory_space<vmem>>
      %dma_start3A_261 = arith.constant 0 : i32
      %dma_start3A_262 = tpu.memref_slice %arg5[%get3A_254, %dma_start3A_261] : memref<100000x64xf32, #tpu.memory_space<hbm>> -> memref<1x64xf32, #tpu.memory_space<hbm>>
      tpu.enqueue_dma source(%dma_start3A_262 : memref<1x64xf32, #tpu.memory_space<hbm>>) target(%dma_start3A_260 : memref<1x64xf32, #tpu.memory_space<vmem>>) target_semaphore(%arg18 : memref<!tpu.dma_semaphore, #tpu.memory_space<semaphore_mem>>)
      %mul3A_263 = arith.constant 16 : i32
      %mul3A_264 = arith.muli %scan3A_38, %mul3A_263 : i32
      %add3A_265 = arith.constant 8 : i32
      %add3A_266 = arith.addi %mul3A_264, %add3A_265 : i32
      %add3A_267 = arith.constant 0 : i32
      %add3A_268 = arith.addi %add3A_267, %add3A_266 : i32
      %get3A_269 = arith.index_cast %add3A_268 : i32 to index
      %get3A_270 = memref.load %arg16[%get3A_269] : memref<512xi32, #tpu.memory_space<smem>>
      %dma_start3A_271 = arith.constant 0 : i32
      %dma_start3A_272 = tpu.memref_slice %arg11[%add3A_266, %dma_start3A_271] : memref<256x64xf32, #tpu.memory_space<vmem>> -> memref<1x64xf32, #tpu.memory_space<vmem>>
      %dma_start3A_273 = arith.constant 0 : i32
      %dma_start3A_274 = tpu.memref_slice %arg4[%get3A_270, %dma_start3A_273] : memref<1000000x64xf32, #tpu.memory_space<hbm>> -> memref<1x64xf32, #tpu.memory_space<hbm>>
      %dma_start3A_275 = arith.constant 0 : i32
      %dma_start3A_276 = tpu.memref_slice %arg11[%add3A_266, %dma_start3A_275] : memref<256x64xf32, #tpu.memory_space<vmem>> -> memref<1x64xf32, #tpu.memory_space<vmem>>
      %dma_start3A_277 = arith.constant 0 : i32
      %dma_start3A_278 = tpu.memref_slice %arg4[%get3A_270, %dma_start3A_277] : memref<1000000x64xf32, #tpu.memory_space<hbm>> -> memref<1x64xf32, #tpu.memory_space<hbm>>
      tpu.enqueue_dma source(%dma_start3A_278 : memref<1x64xf32, #tpu.memory_space<hbm>>) target(%dma_start3A_276 : memref<1x64xf32, #tpu.memory_space<vmem>>) target_semaphore(%arg18 : memref<!tpu.dma_semaphore, #tpu.memory_space<semaphore_mem>>)
      %add3A_279 = arith.constant 0 : i32
      %add3A_280 = arith.addi %add3A_279, %add3A_266 : i32
      %get3A_281 = arith.index_cast %add3A_280 : i32 to index
      %get3A_282 = memref.load %arg17[%get3A_281] : memref<512xi32, #tpu.memory_space<smem>>
      %dma_start3A_283 = arith.constant 0 : i32
      %dma_start3A_284 = tpu.memref_slice %arg12[%add3A_266, %dma_start3A_283] : memref<256x64xf32, #tpu.memory_space<vmem>> -> memref<1x64xf32, #tpu.memory_space<vmem>>
      %dma_start3A_285 = arith.constant 0 : i32
      %dma_start3A_286 = tpu.memref_slice %arg5[%get3A_282, %dma_start3A_285] : memref<100000x64xf32, #tpu.memory_space<hbm>> -> memref<1x64xf32, #tpu.memory_space<hbm>>
      %dma_start3A_287 = arith.constant 0 : i32
      %dma_start3A_288 = tpu.memref_slice %arg12[%add3A_266, %dma_start3A_287] : memref<256x64xf32, #tpu.memory_space<vmem>> -> memref<1x64xf32, #tpu.memory_space<vmem>>
      %dma_start3A_289 = arith.constant 0 : i32
      %dma_start3A_290 = tpu.memref_slice %arg5[%get3A_282, %dma_start3A_289] : memref<100000x64xf32, #tpu.memory_space<hbm>> -> memref<1x64xf32, #tpu.memory_space<hbm>>
      tpu.enqueue_dma source(%dma_start3A_290 : memref<1x64xf32, #tpu.memory_space<hbm>>) target(%dma_start3A_288 : memref<1x64xf32, #tpu.memory_space<vmem>>) target_semaphore(%arg18 : memref<!tpu.dma_semaphore, #tpu.memory_space<semaphore_mem>>)
      %mul3A_291 = arith.constant 16 : i32
      %mul3A_292 = arith.muli %scan3A_38, %mul3A_291 : i32
      %add3A_293 = arith.constant 9 : i32
      %add3A_294 = arith.addi %mul3A_292, %add3A_293 : i32
      %add3A_295 = arith.constant 0 : i32
      %add3A_296 = arith.addi %add3A_295, %add3A_294 : i32
      %get3A_297 = arith.index_cast %add3A_296 : i32 to index
      %get3A_298 = memref.load %arg16[%get3A_297] : memref<512xi32, #tpu.memory_space<smem>>
      %dma_start3A_299 = arith.constant 0 : i32
      %dma_start3A_300 = tpu.memref_slice %arg11[%add3A_294, %dma_start3A_299] : memref<256x64xf32, #tpu.memory_space<vmem>> -> memref<1x64xf32, #tpu.memory_space<vmem>>
      %dma_start3A_301 = arith.constant 0 : i32
      %dma_start3A_302 = tpu.memref_slice %arg4[%get3A_298, %dma_start3A_301] : memref<1000000x64xf32, #tpu.memory_space<hbm>> -> memref<1x64xf32, #tpu.memory_space<hbm>>
      %dma_start3A_303 = arith.constant 0 : i32
      %dma_start3A_304 = tpu.memref_slice %arg11[%add3A_294, %dma_start3A_303] : memref<256x64xf32, #tpu.memory_space<vmem>> -> memref<1x64xf32, #tpu.memory_space<vmem>>
      %dma_start3A_305 = arith.constant 0 : i32
      %dma_start3A_306 = tpu.memref_slice %arg4[%get3A_298, %dma_start3A_305] : memref<1000000x64xf32, #tpu.memory_space<hbm>> -> memref<1x64xf32, #tpu.memory_space<hbm>>
      tpu.enqueue_dma source(%dma_start3A_306 : memref<1x64xf32, #tpu.memory_space<hbm>>) target(%dma_start3A_304 : memref<1x64xf32, #tpu.memory_space<vmem>>) target_semaphore(%arg18 : memref<!tpu.dma_semaphore, #tpu.memory_space<semaphore_mem>>)
      %add3A_307 = arith.constant 0 : i32
      %add3A_308 = arith.addi %add3A_307, %add3A_294 : i32
      %get3A_309 = arith.index_cast %add3A_308 : i32 to index
      %get3A_310 = memref.load %arg17[%get3A_309] : memref<512xi32, #tpu.memory_space<smem>>
      %dma_start3A_311 = arith.constant 0 : i32
      %dma_start3A_312 = tpu.memref_slice %arg12[%add3A_294, %dma_start3A_311] : memref<256x64xf32, #tpu.memory_space<vmem>> -> memref<1x64xf32, #tpu.memory_space<vmem>>
      %dma_start3A_313 = arith.constant 0 : i32
      %dma_start3A_314 = tpu.memref_slice %arg5[%get3A_310, %dma_start3A_313] : memref<100000x64xf32, #tpu.memory_space<hbm>> -> memref<1x64xf32, #tpu.memory_space<hbm>>
      %dma_start3A_315 = arith.constant 0 : i32
      %dma_start3A_316 = tpu.memref_slice %arg12[%add3A_294, %dma_start3A_315] : memref<256x64xf32, #tpu.memory_space<vmem>> -> memref<1x64xf32, #tpu.memory_space<vmem>>
      %dma_start3A_317 = arith.constant 0 : i32
      %dma_start3A_318 = tpu.memref_slice %arg5[%get3A_310, %dma_start3A_317] : memref<100000x64xf32, #tpu.memory_space<hbm>> -> memref<1x64xf32, #tpu.memory_space<hbm>>
      tpu.enqueue_dma source(%dma_start3A_318 : memref<1x64xf32, #tpu.memory_space<hbm>>) target(%dma_start3A_316 : memref<1x64xf32, #tpu.memory_space<vmem>>) target_semaphore(%arg18 : memref<!tpu.dma_semaphore, #tpu.memory_space<semaphore_mem>>)
      %mul3A_319 = arith.constant 16 : i32
      %mul3A_320 = arith.muli %scan3A_38, %mul3A_319 : i32
      %add3A_321 = arith.constant 10 : i32
      %add3A_322 = arith.addi %mul3A_320, %add3A_321 : i32
      %add3A_323 = arith.constant 0 : i32
      %add3A_324 = arith.addi %add3A_323, %add3A_322 : i32
      %get3A_325 = arith.index_cast %add3A_324 : i32 to index
      %get3A_326 = memref.load %arg16[%get3A_325] : memref<512xi32, #tpu.memory_space<smem>>
      %dma_start3A_327 = arith.constant 0 : i32
      %dma_start3A_328 = tpu.memref_slice %arg11[%add3A_322, %dma_start3A_327] : memref<256x64xf32, #tpu.memory_space<vmem>> -> memref<1x64xf32, #tpu.memory_space<vmem>>
      %dma_start3A_329 = arith.constant 0 : i32
      %dma_start3A_330 = tpu.memref_slice %arg4[%get3A_326, %dma_start3A_329] : memref<1000000x64xf32, #tpu.memory_space<hbm>> -> memref<1x64xf32, #tpu.memory_space<hbm>>
      %dma_start3A_331 = arith.constant 0 : i32
      %dma_start3A_332 = tpu.memref_slice %arg11[%add3A_322, %dma_start3A_331] : memref<256x64xf32, #tpu.memory_space<vmem>> -> memref<1x64xf32, #tpu.memory_space<vmem>>
      %dma_start3A_333 = arith.constant 0 : i32
      %dma_start3A_334 = tpu.memref_slice %arg4[%get3A_326, %dma_start3A_333] : memref<1000000x64xf32, #tpu.memory_space<hbm>> -> memref<1x64xf32, #tpu.memory_space<hbm>>
      tpu.enqueue_dma source(%dma_start3A_334 : memref<1x64xf32, #tpu.memory_space<hbm>>) target(%dma_start3A_332 : memref<1x64xf32, #tpu.memory_space<vmem>>) target_semaphore(%arg18 : memref<!tpu.dma_semaphore, #tpu.memory_space<semaphore_mem>>)
      %add3A_335 = arith.constant 0 : i32
      %add3A_336 = arith.addi %add3A_335, %add3A_322 : i32
      %get3A_337 = arith.index_cast %add3A_336 : i32 to index
      %get3A_338 = memref.load %arg17[%get3A_337] : memref<512xi32, #tpu.memory_space<smem>>
      %dma_start3A_339 = arith.constant 0 : i32
      %dma_start3A_340 = tpu.memref_slice %arg12[%add3A_322, %dma_start3A_339] : memref<256x64xf32, #tpu.memory_space<vmem>> -> memref<1x64xf32, #tpu.memory_space<vmem>>
      %dma_start3A_341 = arith.constant 0 : i32
      %dma_start3A_342 = tpu.memref_slice %arg5[%get3A_338, %dma_start3A_341] : memref<100000x64xf32, #tpu.memory_space<hbm>> -> memref<1x64xf32, #tpu.memory_space<hbm>>
      %dma_start3A_343 = arith.constant 0 : i32
      %dma_start3A_344 = tpu.memref_slice %arg12[%add3A_322, %dma_start3A_343] : memref<256x64xf32, #tpu.memory_space<vmem>> -> memref<1x64xf32, #tpu.memory_space<vmem>>
      %dma_start3A_345 = arith.constant 0 : i32
      %dma_start3A_346 = tpu.memref_slice %arg5[%get3A_338, %dma_start3A_345] : memref<100000x64xf32, #tpu.memory_space<hbm>> -> memref<1x64xf32, #tpu.memory_space<hbm>>
      tpu.enqueue_dma source(%dma_start3A_346 : memref<1x64xf32, #tpu.memory_space<hbm>>) target(%dma_start3A_344 : memref<1x64xf32, #tpu.memory_space<vmem>>) target_semaphore(%arg18 : memref<!tpu.dma_semaphore, #tpu.memory_space<semaphore_mem>>)
      %mul3A_347 = arith.constant 16 : i32
      %mul3A_348 = arith.muli %scan3A_38, %mul3A_347 : i32
      %add3A_349 = arith.constant 11 : i32
      %add3A_350 = arith.addi %mul3A_348, %add3A_349 : i32
      %add3A_351 = arith.constant 0 : i32
      %add3A_352 = arith.addi %add3A_351, %add3A_350 : i32
      %get3A_353 = arith.index_cast %add3A_352 : i32 to index
      %get3A_354 = memref.load %arg16[%get3A_353] : memref<512xi32, #tpu.memory_space<smem>>
      %dma_start3A_355 = arith.constant 0 : i32
      %dma_start3A_356 = tpu.memref_slice %arg11[%add3A_350, %dma_start3A_355] : memref<256x64xf32, #tpu.memory_space<vmem>> -> memref<1x64xf32, #tpu.memory_space<vmem>>
      %dma_start3A_357 = arith.constant 0 : i32
      %dma_start3A_358 = tpu.memref_slice %arg4[%get3A_354, %dma_start3A_357] : memref<1000000x64xf32, #tpu.memory_space<hbm>> -> memref<1x64xf32, #tpu.memory_space<hbm>>
      %dma_start3A_359 = arith.constant 0 : i32
      %dma_start3A_360 = tpu.memref_slice %arg11[%add3A_350, %dma_start3A_359] : memref<256x64xf32, #tpu.memory_space<vmem>> -> memref<1x64xf32, #tpu.memory_space<vmem>>
      %dma_start3A_361 = arith.constant 0 : i32
      %dma_start3A_362 = tpu.memref_slice %arg4[%get3A_354, %dma_start3A_361] : memref<1000000x64xf32, #tpu.memory_space<hbm>> -> memref<1x64xf32, #tpu.memory_space<hbm>>
      tpu.enqueue_dma source(%dma_start3A_362 : memref<1x64xf32, #tpu.memory_space<hbm>>) target(%dma_start3A_360 : memref<1x64xf32, #tpu.memory_space<vmem>>) target_semaphore(%arg18 : memref<!tpu.dma_semaphore, #tpu.memory_space<semaphore_mem>>)
      %add3A_363 = arith.constant 0 : i32
      %add3A_364 = arith.addi %add3A_363, %add3A_350 : i32
      %get3A_365 = arith.index_cast %add3A_364 : i32 to index
      %get3A_366 = memref.load %arg17[%get3A_365] : memref<512xi32, #tpu.memory_space<smem>>
      %dma_start3A_367 = arith.constant 0 : i32
      %dma_start3A_368 = tpu.memref_slice %arg12[%add3A_350, %dma_start3A_367] : memref<256x64xf32, #tpu.memory_space<vmem>> -> memref<1x64xf32, #tpu.memory_space<vmem>>
      %dma_start3A_369 = arith.constant 0 : i32
      %dma_start3A_370 = tpu.memref_slice %arg5[%get3A_366, %dma_start3A_369] : memref<100000x64xf32, #tpu.memory_space<hbm>> -> memref<1x64xf32, #tpu.memory_space<hbm>>
      %dma_start3A_371 = arith.constant 0 : i32
      %dma_start3A_372 = tpu.memref_slice %arg12[%add3A_350, %dma_start3A_371] : memref<256x64xf32, #tpu.memory_space<vmem>> -> memref<1x64xf32, #tpu.memory_space<vmem>>
      %dma_start3A_373 = arith.constant 0 : i32
      %dma_start3A_374 = tpu.memref_slice %arg5[%get3A_366, %dma_start3A_373] : memref<100000x64xf32, #tpu.memory_space<hbm>> -> memref<1x64xf32, #tpu.memory_space<hbm>>
      tpu.enqueue_dma source(%dma_start3A_374 : memref<1x64xf32, #tpu.memory_space<hbm>>) target(%dma_start3A_372 : memref<1x64xf32, #tpu.memory_space<vmem>>) target_semaphore(%arg18 : memref<!tpu.dma_semaphore, #tpu.memory_space<semaphore_mem>>)
      %mul3A_375 = arith.constant 16 : i32
      %mul3A_376 = arith.muli %scan3A_38, %mul3A_375 : i32
      %add3A_377 = arith.constant 12 : i32
      %add3A_378 = arith.addi %mul3A_376, %add3A_377 : i32
      %add3A_379 = arith.constant 0 : i32
      %add3A_380 = arith.addi %add3A_379, %add3A_378 : i32
      %get3A_381 = arith.index_cast %add3A_380 : i32 to index
      %get3A_382 = memref.load %arg16[%get3A_381] : memref<512xi32, #tpu.memory_space<smem>>
      %dma_start3A_383 = arith.constant 0 : i32
      %dma_start3A_384 = tpu.memref_slice %arg11[%add3A_378, %dma_start3A_383] : memref<256x64xf32, #tpu.memory_space<vmem>> -> memref<1x64xf32, #tpu.memory_space<vmem>>
      %dma_start3A_385 = arith.constant 0 : i32
      %dma_start3A_386 = tpu.memref_slice %arg4[%get3A_382, %dma_start3A_385] : memref<1000000x64xf32, #tpu.memory_space<hbm>> -> memref<1x64xf32, #tpu.memory_space<hbm>>
      %dma_start3A_387 = arith.constant 0 : i32
      %dma_start3A_388 = tpu.memref_slice %arg11[%add3A_378, %dma_start3A_387] : memref<256x64xf32, #tpu.memory_space<vmem>> -> memref<1x64xf32, #tpu.memory_space<vmem>>
      %dma_start3A_389 = arith.constant 0 : i32
      %dma_start3A_390 = tpu.memref_slice %arg4[%get3A_382, %dma_start3A_389] : memref<1000000x64xf32, #tpu.memory_space<hbm>> -> memref<1x64xf32, #tpu.memory_space<hbm>>
      tpu.enqueue_dma source(%dma_start3A_390 : memref<1x64xf32, #tpu.memory_space<hbm>>) target(%dma_start3A_388 : memref<1x64xf32, #tpu.memory_space<vmem>>) target_semaphore(%arg18 : memref<!tpu.dma_semaphore, #tpu.memory_space<semaphore_mem>>)
      %add3A_391 = arith.constant 0 : i32
      %add3A_392 = arith.addi %add3A_391, %add3A_378 : i32
      %get3A_393 = arith.index_cast %add3A_392 : i32 to index
      %get3A_394 = memref.load %arg17[%get3A_393] : memref<512xi32, #tpu.memory_space<smem>>
      %dma_start3A_395 = arith.constant 0 : i32
      %dma_start3A_396 = tpu.memref_slice %arg12[%add3A_378, %dma_start3A_395] : memref<256x64xf32, #tpu.memory_space<vmem>> -> memref<1x64xf32, #tpu.memory_space<vmem>>
      %dma_start3A_397 = arith.constant 0 : i32
      %dma_start3A_398 = tpu.memref_slice %arg5[%get3A_394, %dma_start3A_397] : memref<100000x64xf32, #tpu.memory_space<hbm>> -> memref<1x64xf32, #tpu.memory_space<hbm>>
      %dma_start3A_399 = arith.constant 0 : i32
      %dma_start3A_400 = tpu.memref_slice %arg12[%add3A_378, %dma_start3A_399] : memref<256x64xf32, #tpu.memory_space<vmem>> -> memref<1x64xf32, #tpu.memory_space<vmem>>
      %dma_start3A_401 = arith.constant 0 : i32
      %dma_start3A_402 = tpu.memref_slice %arg5[%get3A_394, %dma_start3A_401] : memref<100000x64xf32, #tpu.memory_space<hbm>> -> memref<1x64xf32, #tpu.memory_space<hbm>>
      tpu.enqueue_dma source(%dma_start3A_402 : memref<1x64xf32, #tpu.memory_space<hbm>>) target(%dma_start3A_400 : memref<1x64xf32, #tpu.memory_space<vmem>>) target_semaphore(%arg18 : memref<!tpu.dma_semaphore, #tpu.memory_space<semaphore_mem>>)
      %mul3A_403 = arith.constant 16 : i32
      %mul3A_404 = arith.muli %scan3A_38, %mul3A_403 : i32
      %add3A_405 = arith.constant 13 : i32
      %add3A_406 = arith.addi %mul3A_404, %add3A_405 : i32
      %add3A_407 = arith.constant 0 : i32
      %add3A_408 = arith.addi %add3A_407, %add3A_406 : i32
      %get3A_409 = arith.index_cast %add3A_408 : i32 to index
      %get3A_410 = memref.load %arg16[%get3A_409] : memref<512xi32, #tpu.memory_space<smem>>
      %dma_start3A_411 = arith.constant 0 : i32
      %dma_start3A_412 = tpu.memref_slice %arg11[%add3A_406, %dma_start3A_411] : memref<256x64xf32, #tpu.memory_space<vmem>> -> memref<1x64xf32, #tpu.memory_space<vmem>>
      %dma_start3A_413 = arith.constant 0 : i32
      %dma_start3A_414 = tpu.memref_slice %arg4[%get3A_410, %dma_start3A_413] : memref<1000000x64xf32, #tpu.memory_space<hbm>> -> memref<1x64xf32, #tpu.memory_space<hbm>>
      %dma_start3A_415 = arith.constant 0 : i32
      %dma_start3A_416 = tpu.memref_slice %arg11[%add3A_406, %dma_start3A_415] : memref<256x64xf32, #tpu.memory_space<vmem>> -> memref<1x64xf32, #tpu.memory_space<vmem>>
      %dma_start3A_417 = arith.constant 0 : i32
      %dma_start3A_418 = tpu.memref_slice %arg4[%get3A_410, %dma_start3A_417] : memref<1000000x64xf32, #tpu.memory_space<hbm>> -> memref<1x64xf32, #tpu.memory_space<hbm>>
      tpu.enqueue_dma source(%dma_start3A_418 : memref<1x64xf32, #tpu.memory_space<hbm>>) target(%dma_start3A_416 : memref<1x64xf32, #tpu.memory_space<vmem>>) target_semaphore(%arg18 : memref<!tpu.dma_semaphore, #tpu.memory_space<semaphore_mem>>)
      %add3A_419 = arith.constant 0 : i32
      %add3A_420 = arith.addi %add3A_419, %add3A_406 : i32
      %get3A_421 = arith.index_cast %add3A_420 : i32 to index
      %get3A_422 = memref.load %arg17[%get3A_421] : memref<512xi32, #tpu.memory_space<smem>>
      %dma_start3A_423 = arith.constant 0 : i32
      %dma_start3A_424 = tpu.memref_slice %arg12[%add3A_406, %dma_start3A_423] : memref<256x64xf32, #tpu.memory_space<vmem>> -> memref<1x64xf32, #tpu.memory_space<vmem>>
      %dma_start3A_425 = arith.constant 0 : i32
      %dma_start3A_426 = tpu.memref_slice %arg5[%get3A_422, %dma_start3A_425] : memref<100000x64xf32, #tpu.memory_space<hbm>> -> memref<1x64xf32, #tpu.memory_space<hbm>>
      %dma_start3A_427 = arith.constant 0 : i32
      %dma_start3A_428 = tpu.memref_slice %arg12[%add3A_406, %dma_start3A_427] : memref<256x64xf32, #tpu.memory_space<vmem>> -> memref<1x64xf32, #tpu.memory_space<vmem>>
      %dma_start3A_429 = arith.constant 0 : i32
      %dma_start3A_430 = tpu.memref_slice %arg5[%get3A_422, %dma_start3A_429] : memref<100000x64xf32, #tpu.memory_space<hbm>> -> memref<1x64xf32, #tpu.memory_space<hbm>>
      tpu.enqueue_dma source(%dma_start3A_430 : memref<1x64xf32, #tpu.memory_space<hbm>>) target(%dma_start3A_428 : memref<1x64xf32, #tpu.memory_space<vmem>>) target_semaphore(%arg18 : memref<!tpu.dma_semaphore, #tpu.memory_space<semaphore_mem>>)
      %mul3A_431 = arith.constant 16 : i32
      %mul3A_432 = arith.muli %scan3A_38, %mul3A_431 : i32
      %add3A_433 = arith.constant 14 : i32
      %add3A_434 = arith.addi %mul3A_432, %add3A_433 : i32
      %add3A_435 = arith.constant 0 : i32
      %add3A_436 = arith.addi %add3A_435, %add3A_434 : i32
      %get3A_437 = arith.index_cast %add3A_436 : i32 to index
      %get3A_438 = memref.load %arg16[%get3A_437] : memref<512xi32, #tpu.memory_space<smem>>
      %dma_start3A_439 = arith.constant 0 : i32
      %dma_start3A_440 = tpu.memref_slice %arg11[%add3A_434, %dma_start3A_439] : memref<256x64xf32, #tpu.memory_space<vmem>> -> memref<1x64xf32, #tpu.memory_space<vmem>>
      %dma_start3A_441 = arith.constant 0 : i32
      %dma_start3A_442 = tpu.memref_slice %arg4[%get3A_438, %dma_start3A_441] : memref<1000000x64xf32, #tpu.memory_space<hbm>> -> memref<1x64xf32, #tpu.memory_space<hbm>>
      %dma_start3A_443 = arith.constant 0 : i32
      %dma_start3A_444 = tpu.memref_slice %arg11[%add3A_434, %dma_start3A_443] : memref<256x64xf32, #tpu.memory_space<vmem>> -> memref<1x64xf32, #tpu.memory_space<vmem>>
      %dma_start3A_445 = arith.constant 0 : i32
      %dma_start3A_446 = tpu.memref_slice %arg4[%get3A_438, %dma_start3A_445] : memref<1000000x64xf32, #tpu.memory_space<hbm>> -> memref<1x64xf32, #tpu.memory_space<hbm>>
      tpu.enqueue_dma source(%dma_start3A_446 : memref<1x64xf32, #tpu.memory_space<hbm>>) target(%dma_start3A_444 : memref<1x64xf32, #tpu.memory_space<vmem>>) target_semaphore(%arg18 : memref<!tpu.dma_semaphore, #tpu.memory_space<semaphore_mem>>)
      %add3A_447 = arith.constant 0 : i32
      %add3A_448 = arith.addi %add3A_447, %add3A_434 : i32
      %get3A_449 = arith.index_cast %add3A_448 : i32 to index
      %get3A_450 = memref.load %arg17[%get3A_449] : memref<512xi32, #tpu.memory_space<smem>>
      %dma_start3A_451 = arith.constant 0 : i32
      %dma_start3A_452 = tpu.memref_slice %arg12[%add3A_434, %dma_start3A_451] : memref<256x64xf32, #tpu.memory_space<vmem>> -> memref<1x64xf32, #tpu.memory_space<vmem>>
      %dma_start3A_453 = arith.constant 0 : i32
      %dma_start3A_454 = tpu.memref_slice %arg5[%get3A_450, %dma_start3A_453] : memref<100000x64xf32, #tpu.memory_space<hbm>> -> memref<1x64xf32, #tpu.memory_space<hbm>>
      %dma_start3A_455 = arith.constant 0 : i32
      %dma_start3A_456 = tpu.memref_slice %arg12[%add3A_434, %dma_start3A_455] : memref<256x64xf32, #tpu.memory_space<vmem>> -> memref<1x64xf32, #tpu.memory_space<vmem>>
      %dma_start3A_457 = arith.constant 0 : i32
      %dma_start3A_458 = tpu.memref_slice %arg5[%get3A_450, %dma_start3A_457] : memref<100000x64xf32, #tpu.memory_space<hbm>> -> memref<1x64xf32, #tpu.memory_space<hbm>>
      tpu.enqueue_dma source(%dma_start3A_458 : memref<1x64xf32, #tpu.memory_space<hbm>>) target(%dma_start3A_456 : memref<1x64xf32, #tpu.memory_space<vmem>>) target_semaphore(%arg18 : memref<!tpu.dma_semaphore, #tpu.memory_space<semaphore_mem>>)
      %mul3A_459 = arith.constant 16 : i32
      %mul3A_460 = arith.muli %scan3A_38, %mul3A_459 : i32
      %add3A_461 = arith.constant 15 : i32
      %add3A_462 = arith.addi %mul3A_460, %add3A_461 : i32
      %add3A_463 = arith.constant 0 : i32
      %add3A_464 = arith.addi %add3A_463, %add3A_462 : i32
      %get3A_465 = arith.index_cast %add3A_464 : i32 to index
      %get3A_466 = memref.load %arg16[%get3A_465] : memref<512xi32, #tpu.memory_space<smem>>
      %dma_start3A_467 = arith.constant 0 : i32
      %dma_start3A_468 = tpu.memref_slice %arg11[%add3A_462, %dma_start3A_467] : memref<256x64xf32, #tpu.memory_space<vmem>> -> memref<1x64xf32, #tpu.memory_space<vmem>>
      %dma_start3A_469 = arith.constant 0 : i32
      %dma_start3A_470 = tpu.memref_slice %arg4[%get3A_466, %dma_start3A_469] : memref<1000000x64xf32, #tpu.memory_space<hbm>> -> memref<1x64xf32, #tpu.memory_space<hbm>>
      %dma_start3A_471 = arith.constant 0 : i32
      %dma_start3A_472 = tpu.memref_slice %arg11[%add3A_462, %dma_start3A_471] : memref<256x64xf32, #tpu.memory_space<vmem>> -> memref<1x64xf32, #tpu.memory_space<vmem>>
      %dma_start3A_473 = arith.constant 0 : i32
      %dma_start3A_474 = tpu.memref_slice %arg4[%get3A_466, %dma_start3A_473] : memref<1000000x64xf32, #tpu.memory_space<hbm>> -> memref<1x64xf32, #tpu.memory_space<hbm>>
      tpu.enqueue_dma source(%dma_start3A_474 : memref<1x64xf32, #tpu.memory_space<hbm>>) target(%dma_start3A_472 : memref<1x64xf32, #tpu.memory_space<vmem>>) target_semaphore(%arg18 : memref<!tpu.dma_semaphore, #tpu.memory_space<semaphore_mem>>)
      %add3A_475 = arith.constant 0 : i32
      %add3A_476 = arith.addi %add3A_475, %add3A_462 : i32
      %get3A_477 = arith.index_cast %add3A_476 : i32 to index
      %get3A_478 = memref.load %arg17[%get3A_477] : memref<512xi32, #tpu.memory_space<smem>>
      %dma_start3A_479 = arith.constant 0 : i32
      %dma_start3A_480 = tpu.memref_slice %arg12[%add3A_462, %dma_start3A_479] : memref<256x64xf32, #tpu.memory_space<vmem>> -> memref<1x64xf32, #tpu.memory_space<vmem>>
      %dma_start3A_481 = arith.constant 0 : i32
      %dma_start3A_482 = tpu.memref_slice %arg5[%get3A_478, %dma_start3A_481] : memref<100000x64xf32, #tpu.memory_space<hbm>> -> memref<1x64xf32, #tpu.memory_space<hbm>>
      %dma_start3A_483 = arith.constant 0 : i32
      %dma_start3A_484 = tpu.memref_slice %arg12[%add3A_462, %dma_start3A_483] : memref<256x64xf32, #tpu.memory_space<vmem>> -> memref<1x64xf32, #tpu.memory_space<vmem>>
      %dma_start3A_485 = arith.constant 0 : i32
      %dma_start3A_486 = tpu.memref_slice %arg5[%get3A_478, %dma_start3A_485] : memref<100000x64xf32, #tpu.memory_space<hbm>> -> memref<1x64xf32, #tpu.memory_space<hbm>>
      tpu.enqueue_dma source(%dma_start3A_486 : memref<1x64xf32, #tpu.memory_space<hbm>>) target(%dma_start3A_484 : memref<1x64xf32, #tpu.memory_space<vmem>>) target_semaphore(%arg18 : memref<!tpu.dma_semaphore, #tpu.memory_space<semaphore_mem>>)
      %scan3A_487 = arith.constant 0 : i32
      scf.yield %scan3A_487 : i32
    }
    %scan3A_16 = arith.constant 16 : i32
    %scan3A_17 = arith.constant 0 : i32
    %scan3A_18 = arith.constant 0 : i32
    %scan3A_19 = arith.constant 16 : i32
    %scan3A_20 = arith.addi %scan3A_18, %scan3A_19 : i32
    %scan3A_21 = arith.constant 1 : i32
    %scan3A_22 = scf.for %scan3A_38 = %scan3A_18 to %scan3A_20 step %scan3A_21 iter_args(%scan3A_39 = %scan3A_17) -> (i32)  : i32 {
      %dma_wait3A = arith.constant 0 : i32
      %dma_wait3A_40 = arith.constant 0 : i32
      %dma_wait3A_41 = tpu.memref_slice %arg11[%dma_wait3A, %dma_wait3A_40] : memref<256x64xf32, #tpu.memory_space<vmem>> -> memref<16x64xf32, #tpu.memory_space<vmem>>
      %dma_wait3A_42 = arith.constant 0 : i32
      %dma_wait3A_43 = arith.constant 0 : i32
      %dma_wait3A_44 = tpu.memref_slice %arg4[%dma_wait3A_42, %dma_wait3A_43] : memref<1000000x64xf32, #tpu.memory_space<hbm>> -> memref<16x64xf32, #tpu.memory_space<hbm>>
      %dma_wait3A_45 = arith.constant 0 : i32
      %dma_wait3A_46 = arith.constant 0 : i32
      %dma_wait3A_47 = tpu.memref_slice %arg11[%dma_wait3A_45, %dma_wait3A_46] : memref<256x64xf32, #tpu.memory_space<vmem>> -> memref<16x64xf32, #tpu.memory_space<vmem>>
      %dma_wait3A_48 = arith.constant 0 : i32
      %dma_wait3A_49 = arith.constant 0 : i32
      %dma_wait3A_50 = tpu.memref_slice %arg4[%dma_wait3A_48, %dma_wait3A_49] : memref<1000000x64xf32, #tpu.memory_space<hbm>> -> memref<16x64xf32, #tpu.memory_space<hbm>>
      tpu.wait_dma2 semaphore(%arg18 : memref<!tpu.dma_semaphore, #tpu.memory_space<semaphore_mem>>) src(%dma_wait3A_50 : memref<16x64xf32, #tpu.memory_space<hbm>>) dst(%dma_wait3A_47 : memref<16x64xf32, #tpu.memory_space<vmem>>)
      %dma_wait3A_51 = arith.constant 0 : i32
      %dma_wait3A_52 = arith.constant 0 : i32
      %dma_wait3A_53 = tpu.memref_slice %arg12[%dma_wait3A_51, %dma_wait3A_52] : memref<256x64xf32, #tpu.memory_space<vmem>> -> memref<16x64xf32, #tpu.memory_space<vmem>>
      %dma_wait3A_54 = arith.constant 0 : i32
      %dma_wait3A_55 = arith.constant 0 : i32
      %dma_wait3A_56 = tpu.memref_slice %arg5[%dma_wait3A_54, %dma_wait3A_55] : memref<100000x64xf32, #tpu.memory_space<hbm>> -> memref<16x64xf32, #tpu.memory_space<hbm>>
      %dma_wait3A_57 = arith.constant 0 : i32
      %dma_wait3A_58 = arith.constant 0 : i32
      %dma_wait3A_59 = tpu.memref_slice %arg12[%dma_wait3A_57, %dma_wait3A_58] : memref<256x64xf32, #tpu.memory_space<vmem>> -> memref<16x64xf32, #tpu.memory_space<vmem>>
      %dma_wait3A_60 = arith.constant 0 : i32
      %dma_wait3A_61 = arith.constant 0 : i32
      %dma_wait3A_62 = tpu.memref_slice %arg5[%dma_wait3A_60, %dma_wait3A_61] : memref<100000x64xf32, #tpu.memory_space<hbm>> -> memref<16x64xf32, #tpu.memory_space<hbm>>
      tpu.wait_dma2 semaphore(%arg18 : memref<!tpu.dma_semaphore, #tpu.memory_space<semaphore_mem>>) src(%dma_wait3A_62 : memref<16x64xf32, #tpu.memory_space<hbm>>) dst(%dma_wait3A_59 : memref<16x64xf32, #tpu.memory_space<vmem>>)
      %mul3A_63 = arith.constant 16 : i32
      %mul3A_64 = arith.muli %scan3A_38, %mul3A_63 : i32
      %add3A_65 = vector.broadcast %mul3A_64 : i32 to vector<16xi32>
      %add3A_66 = arith.addi %add3A_65, %iota3A : vector<16xi32>
      %get3A_67 = arith.constant 0 : index
      %get3A_68 = tpu.vector_load %arg13[%get3A_67] {strides = array<i32>} : memref<64xf32, #tpu.memory_space<vmem>>, vector<16xf32>,
      %get3A_69 = arith.constant 16 : index
      %get3A_70 = tpu.vector_load %arg13[%get3A_69] {strides = array<i32>} : memref<64xf32, #tpu.memory_space<vmem>>, vector<16xf32>,
      %get3A_71 = arith.constant 32 : index
      %get3A_72 = tpu.vector_load %arg13[%get3A_71] {strides = array<i32>} : memref<64xf32, #tpu.memory_space<vmem>>, vector<16xf32>,
      %get3A_73 = arith.constant 48 : index
      %get3A_74 = tpu.vector_load %arg13[%get3A_73] {strides = array<i32>} : memref<64xf32, #tpu.memory_space<vmem>>, vector<16xf32>,
      %broadcast_in_dim3A = arith.constant 0.000000e+00 : f32
      %broadcast_in_dim3A_75 = vector.broadcast %broadcast_in_dim3A : f32 to vector<16xf32>
      %broadcast_in_dim3A_76 = arith.constant 0.000000e+00 : f32
      %broadcast_in_dim3A_77 = vector.broadcast %broadcast_in_dim3A_76 : f32 to vector<16xf32>
      %broadcast_in_dim3A_78 = arith.constant 0.000000e+00 : f32
      %broadcast_in_dim3A_79 = vector.broadcast %broadcast_in_dim3A_78 : f32 to vector<16xf32>
      %broadcast_in_dim3A_80 = arith.constant 0 : i32
      %broadcast_in_dim3A_81 = vector.broadcast %broadcast_in_dim3A_80 : i32 to vector<16xi32>
      %gather3A = tpu.vector_load_idx %arg11[%add3A_66, %broadcast_in_dim3A_81] : memref<256x64xf32, #tpu.memory_space<vmem>>[vector<16xi32>, vector<16xi32>], vector<16xf32>,
      %gather3A_82 = tpu.vector_load_idx %arg12[%add3A_66, %broadcast_in_dim3A_81] : memref<256x64xf32, #tpu.memory_space<vmem>>[vector<16xi32>, vector<16xi32>], vector<16xf32>,
      %slice3A = vector.extract_strided_slice %get3A_68 {offsets = [0], sizes = [1], strides = [1]} : vector<16xf32> to vector<1xf32>
      %squeeze3A = vector.extract %slice3A[0] : f32 from vector<1xf32>
      %mul3A_83 = arith.mulf %gather3A, %gather3A_82 : vector<16xf32>
      %mul3A_84 = vector.broadcast %squeeze3A : f32 to vector<16xf32>
      %mul3A_85 = arith.mulf %mul3A_83, %mul3A_84 : vector<16xf32>
      %add3A_86 = arith.addf %get3A_9, %mul3A_85 : vector<16xf32>
      %broadcast_in_dim3A_87 = arith.constant 1 : i32
      %broadcast_in_dim3A_88 = vector.broadcast %broadcast_in_dim3A_87 : i32 to vector<16xi32>
      %gather3A_89 = tpu.vector_load_idx %arg11[%add3A_66, %broadcast_in_dim3A_88] : memref<256x64xf32, #tpu.memory_space<vmem>>[vector<16xi32>, vector<16xi32>], vector<16xf32>,
      %gather3A_90 = tpu.vector_load_idx %arg12[%add3A_66, %broadcast_in_dim3A_88] : memref<256x64xf32, #tpu.memory_space<vmem>>[vector<16xi32>, vector<16xi32>], vector<16xf32>,
      %slice3A_91 = vector.extract_strided_slice %get3A_68 {offsets = [1], sizes = [1], strides = [1]} : vector<16xf32> to vector<1xf32>
      %squeeze3A_92 = vector.extract %slice3A_91[0] : f32 from vector<1xf32>
      %mul3A_93 = arith.mulf %gather3A_89, %gather3A_90 : vector<16xf32>
      %mul3A_94 = vector.broadcast %squeeze3A_92 : f32 to vector<16xf32>
      %mul3A_95 = arith.mulf %mul3A_93, %mul3A_94 : vector<16xf32>
      %add3A_96 = arith.addf %broadcast_in_dim3A_75, %mul3A_95 : vector<16xf32>
      %broadcast_in_dim3A_97 = arith.constant 2 : i32
      %broadcast_in_dim3A_98 = vector.broadcast %broadcast_in_dim3A_97 : i32 to vector<16xi32>
      %gather3A_99 = tpu.vector_load_idx %arg11[%add3A_66, %broadcast_in_dim3A_98] : memref<256x64xf32, #tpu.memory_space<vmem>>[vector<16xi32>, vector<16xi32>], vector<16xf32>,
      %gather3A_100 = tpu.vector_load_idx %arg12[%add3A_66, %broadcast_in_dim3A_98] : memref<256x64xf32, #tpu.memory_space<vmem>>[vector<16xi32>, vector<16xi32>], vector<16xf32>,
      %slice3A_101 = vector.extract_strided_slice %get3A_68 {offsets = [2], sizes = [1], strides = [1]} : vector<16xf32> to vector<1xf32>
      %squeeze3A_102 = vector.extract %slice3A_101[0] : f32 from vector<1xf32>
      %mul3A_103 = arith.mulf %gather3A_99, %gather3A_100 : vector<16xf32>
      %mul3A_104 = vector.broadcast %squeeze3A_102 : f32 to vector<16xf32>
      %mul3A_105 = arith.mulf %mul3A_103, %mul3A_104 : vector<16xf32>
      %add3A_106 = arith.addf %broadcast_in_dim3A_77, %mul3A_105 : vector<16xf32>
      %broadcast_in_dim3A_107 = arith.constant 3 : i32
      %broadcast_in_dim3A_108 = vector.broadcast %broadcast_in_dim3A_107 : i32 to vector<16xi32>
      %gather3A_109 = tpu.vector_load_idx %arg11[%add3A_66, %broadcast_in_dim3A_108] : memref<256x64xf32, #tpu.memory_space<vmem>>[vector<16xi32>, vector<16xi32>], vector<16xf32>,
      %gather3A_110 = tpu.vector_load_idx %arg12[%add3A_66, %broadcast_in_dim3A_108] : memref<256x64xf32, #tpu.memory_space<vmem>>[vector<16xi32>, vector<16xi32>], vector<16xf32>,
      %slice3A_111 = vector.extract_strided_slice %get3A_68 {offsets = [3], sizes = [1], strides = [1]} : vector<16xf32> to vector<1xf32>
      %squeeze3A_112 = vector.extract %slice3A_111[0] : f32 from vector<1xf32>
      %mul3A_113 = arith.mulf %gather3A_109, %gather3A_110 : vector<16xf32>
      %mul3A_114 = vector.broadcast %squeeze3A_112 : f32 to vector<16xf32>
      %mul3A_115 = arith.mulf %mul3A_113, %mul3A_114 : vector<16xf32>
      %add3A_116 = arith.addf %broadcast_in_dim3A_79, %mul3A_115 : vector<16xf32>
      %broadcast_in_dim3A_117 = arith.constant 4 : i32
      %broadcast_in_dim3A_118 = vector.broadcast %broadcast_in_dim3A_117 : i32 to vector<16xi32>
      %gather3A_119 = tpu.vector_load_idx %arg11[%add3A_66, %broadcast_in_dim3A_118] : memref<256x64xf32, #tpu.memory_space<vmem>>[vector<16xi32>, vector<16xi32>], vector<16xf32>,
      %gather3A_120 = tpu.vector_load_idx %arg12[%add3A_66, %broadcast_in_dim3A_118] : memref<256x64xf32, #tpu.memory_space<vmem>>[vector<16xi32>, vector<16xi32>], vector<16xf32>,
      %slice3A_121 = vector.extract_strided_slice %get3A_68 {offsets = [4], sizes = [1], strides = [1]} : vector<16xf32> to vector<1xf32>
      %squeeze3A_122 = vector.extract %slice3A_121[0] : f32 from vector<1xf32>
      %mul3A_123 = arith.mulf %gather3A_119, %gather3A_120 : vector<16xf32>
      %mul3A_124 = vector.broadcast %squeeze3A_122 : f32 to vector<16xf32>
      %mul3A_125 = arith.mulf %mul3A_123, %mul3A_124 : vector<16xf32>
      %add3A_126 = arith.addf %add3A_86, %mul3A_125 : vector<16xf32>
      %broadcast_in_dim3A_127 = arith.constant 5 : i32
      %broadcast_in_dim3A_128 = vector.broadcast %broadcast_in_dim3A_127 : i32 to vector<16xi32>
      %gather3A_129 = tpu.vector_load_idx %arg11[%add3A_66, %broadcast_in_dim3A_128] : memref<256x64xf32, #tpu.memory_space<vmem>>[vector<16xi32>, vector<16xi32>], vector<16xf32>,
      %gather3A_130 = tpu.vector_load_idx %arg12[%add3A_66, %broadcast_in_dim3A_128] : memref<256x64xf32, #tpu.memory_space<vmem>>[vector<16xi32>, vector<16xi32>], vector<16xf32>,
      %slice3A_131 = vector.extract_strided_slice %get3A_68 {offsets = [5], sizes = [1], strides = [1]} : vector<16xf32> to vector<1xf32>
      %squeeze3A_132 = vector.extract %slice3A_131[0] : f32 from vector<1xf32>
      %mul3A_133 = arith.mulf %gather3A_129, %gather3A_130 : vector<16xf32>
      %mul3A_134 = vector.broadcast %squeeze3A_132 : f32 to vector<16xf32>
      %mul3A_135 = arith.mulf %mul3A_133, %mul3A_134 : vector<16xf32>
      %add3A_136 = arith.addf %add3A_96, %mul3A_135 : vector<16xf32>
      %broadcast_in_dim3A_137 = arith.constant 6 : i32
      %broadcast_in_dim3A_138 = vector.broadcast %broadcast_in_dim3A_137 : i32 to vector<16xi32>
      %gather3A_139 = tpu.vector_load_idx %arg11[%add3A_66, %broadcast_in_dim3A_138] : memref<256x64xf32, #tpu.memory_space<vmem>>[vector<16xi32>, vector<16xi32>], vector<16xf32>,
      %gather3A_140 = tpu.vector_load_idx %arg12[%add3A_66, %broadcast_in_dim3A_138] : memref<256x64xf32, #tpu.memory_space<vmem>>[vector<16xi32>, vector<16xi32>], vector<16xf32>,
      %slice3A_141 = vector.extract_strided_slice %get3A_68 {offsets = [6], sizes = [1], strides = [1]} : vector<16xf32> to vector<1xf32>
      %squeeze3A_142 = vector.extract %slice3A_141[0] : f32 from vector<1xf32>
      %mul3A_143 = arith.mulf %gather3A_139, %gather3A_140 : vector<16xf32>
      %mul3A_144 = vector.broadcast %squeeze3A_142 : f32 to vector<16xf32>
      %mul3A_145 = arith.mulf %mul3A_143, %mul3A_144 : vector<16xf32>
      %add3A_146 = arith.addf %add3A_106, %mul3A_145 : vector<16xf32>
      %broadcast_in_dim3A_147 = arith.constant 7 : i32
      %broadcast_in_dim3A_148 = vector.broadcast %broadcast_in_dim3A_147 : i32 to vector<16xi32>
      %gather3A_149 = tpu.vector_load_idx %arg11[%add3A_66, %broadcast_in_dim3A_148] : memref<256x64xf32, #tpu.memory_space<vmem>>[vector<16xi32>, vector<16xi32>], vector<16xf32>,
      %gather3A_150 = tpu.vector_load_idx %arg12[%add3A_66, %broadcast_in_dim3A_148] : memref<256x64xf32, #tpu.memory_space<vmem>>[vector<16xi32>, vector<16xi32>], vector<16xf32>,
      %slice3A_151 = vector.extract_strided_slice %get3A_68 {offsets = [7], sizes = [1], strides = [1]} : vector<16xf32> to vector<1xf32>
      %squeeze3A_152 = vector.extract %slice3A_151[0] : f32 from vector<1xf32>
      %mul3A_153 = arith.mulf %gather3A_149, %gather3A_150 : vector<16xf32>
      %mul3A_154 = vector.broadcast %squeeze3A_152 : f32 to vector<16xf32>
      %mul3A_155 = arith.mulf %mul3A_153, %mul3A_154 : vector<16xf32>
      %add3A_156 = arith.addf %add3A_116, %mul3A_155 : vector<16xf32>
      %broadcast_in_dim3A_157 = arith.constant 8 : i32
      %broadcast_in_dim3A_158 = vector.broadcast %broadcast_in_dim3A_157 : i32 to vector<16xi32>
      %gather3A_159 = tpu.vector_load_idx %arg11[%add3A_66, %broadcast_in_dim3A_158] : memref<256x64xf32, #tpu.memory_space<vmem>>[vector<16xi32>, vector<16xi32>], vector<16xf32>,
      %gather3A_160 = tpu.vector_load_idx %arg12[%add3A_66, %broadcast_in_dim3A_158] : memref<256x64xf32, #tpu.memory_space<vmem>>[vector<16xi32>, vector<16xi32>], vector<16xf32>,
      %slice3A_161 = vector.extract_strided_slice %get3A_68 {offsets = [8], sizes = [1], strides = [1]} : vector<16xf32> to vector<1xf32>
      %squeeze3A_162 = vector.extract %slice3A_161[0] : f32 from vector<1xf32>
      %mul3A_163 = arith.mulf %gather3A_159, %gather3A_160 : vector<16xf32>
      %mul3A_164 = vector.broadcast %squeeze3A_162 : f32 to vector<16xf32>
      %mul3A_165 = arith.mulf %mul3A_163, %mul3A_164 : vector<16xf32>
      %add3A_166 = arith.addf %add3A_126, %mul3A_165 : vector<16xf32>
      %broadcast_in_dim3A_167 = arith.constant 9 : i32
      %broadcast_in_dim3A_168 = vector.broadcast %broadcast_in_dim3A_167 : i32 to vector<16xi32>
      %gather3A_169 = tpu.vector_load_idx %arg11[%add3A_66, %broadcast_in_dim3A_168] : memref<256x64xf32, #tpu.memory_space<vmem>>[vector<16xi32>, vector<16xi32>], vector<16xf32>,
      %gather3A_170 = tpu.vector_load_idx %arg12[%add3A_66, %broadcast_in_dim3A_168] : memref<256x64xf32, #tpu.memory_space<vmem>>[vector<16xi32>, vector<16xi32>], vector<16xf32>,
      %slice3A_171 = vector.extract_strided_slice %get3A_68 {offsets = [9], sizes = [1], strides = [1]} : vector<16xf32> to vector<1xf32>
      %squeeze3A_172 = vector.extract %slice3A_171[0] : f32 from vector<1xf32>
      %mul3A_173 = arith.mulf %gather3A_169, %gather3A_170 : vector<16xf32>
      %mul3A_174 = vector.broadcast %squeeze3A_172 : f32 to vector<16xf32>
      %mul3A_175 = arith.mulf %mul3A_173, %mul3A_174 : vector<16xf32>
      %add3A_176 = arith.addf %add3A_136, %mul3A_175 : vector<16xf32>
      %broadcast_in_dim3A_177 = arith.constant 10 : i32
      %broadcast_in_dim3A_178 = vector.broadcast %broadcast_in_dim3A_177 : i32 to vector<16xi32>
      %gather3A_179 = tpu.vector_load_idx %arg11[%add3A_66, %broadcast_in_dim3A_178] : memref<256x64xf32, #tpu.memory_space<vmem>>[vector<16xi32>, vector<16xi32>], vector<16xf32>,
      %gather3A_180 = tpu.vector_load_idx %arg12[%add3A_66, %broadcast_in_dim3A_178] : memref<256x64xf32, #tpu.memory_space<vmem>>[vector<16xi32>, vector<16xi32>], vector<16xf32>,
      %slice3A_181 = vector.extract_strided_slice %get3A_68 {offsets = [10], sizes = [1], strides = [1]} : vector<16xf32> to vector<1xf32>
      %squeeze3A_182 = vector.extract %slice3A_181[0] : f32 from vector<1xf32>
      %mul3A_183 = arith.mulf %gather3A_179, %gather3A_180 : vector<16xf32>
      %mul3A_184 = vector.broadcast %squeeze3A_182 : f32 to vector<16xf32>
      %mul3A_185 = arith.mulf %mul3A_183, %mul3A_184 : vector<16xf32>
      %add3A_186 = arith.addf %add3A_146, %mul3A_185 : vector<16xf32>
      %broadcast_in_dim3A_187 = arith.constant 11 : i32
      %broadcast_in_dim3A_188 = vector.broadcast %broadcast_in_dim3A_187 : i32 to vector<16xi32>
      %gather3A_189 = tpu.vector_load_idx %arg11[%add3A_66, %broadcast_in_dim3A_188] : memref<256x64xf32, #tpu.memory_space<vmem>>[vector<16xi32>, vector<16xi32>], vector<16xf32>,
      %gather3A_190 = tpu.vector_load_idx %arg12[%add3A_66, %broadcast_in_dim3A_188] : memref<256x64xf32, #tpu.memory_space<vmem>>[vector<16xi32>, vector<16xi32>], vector<16xf32>,
      %slice3A_191 = vector.extract_strided_slice %get3A_68 {offsets = [11], sizes = [1], strides = [1]} : vector<16xf32> to vector<1xf32>
      %squeeze3A_192 = vector.extract %slice3A_191[0] : f32 from vector<1xf32>
      %mul3A_193 = arith.mulf %gather3A_189, %gather3A_190 : vector<16xf32>
      %mul3A_194 = vector.broadcast %squeeze3A_192 : f32 to vector<16xf32>
      %mul3A_195 = arith.mulf %mul3A_193, %mul3A_194 : vector<16xf32>
      %add3A_196 = arith.addf %add3A_156, %mul3A_195 : vector<16xf32>
      %broadcast_in_dim3A_197 = arith.constant 12 : i32
      %broadcast_in_dim3A_198 = vector.broadcast %broadcast_in_dim3A_197 : i32 to vector<16xi32>
      %gather3A_199 = tpu.vector_load_idx %arg11[%add3A_66, %broadcast_in_dim3A_198] : memref<256x64xf32, #tpu.memory_space<vmem>>[vector<16xi32>, vector<16xi32>], vector<16xf32>,
      %gather3A_200 = tpu.vector_load_idx %arg12[%add3A_66, %broadcast_in_dim3A_198] : memref<256x64xf32, #tpu.memory_space<vmem>>[vector<16xi32>, vector<16xi32>], vector<16xf32>,
      %slice3A_201 = vector.extract_strided_slice %get3A_68 {offsets = [12], sizes = [1], strides = [1]} : vector<16xf32> to vector<1xf32>
      %squeeze3A_202 = vector.extract %slice3A_201[0] : f32 from vector<1xf32>
      %mul3A_203 = arith.mulf %gather3A_199, %gather3A_200 : vector<16xf32>
      %mul3A_204 = vector.broadcast %squeeze3A_202 : f32 to vector<16xf32>
      %mul3A_205 = arith.mulf %mul3A_203, %mul3A_204 : vector<16xf32>
      %add3A_206 = arith.addf %add3A_166, %mul3A_205 : vector<16xf32>
      %broadcast_in_dim3A_207 = arith.constant 13 : i32
      %broadcast_in_dim3A_208 = vector.broadcast %broadcast_in_dim3A_207 : i32 to vector<16xi32>
      %gather3A_209 = tpu.vector_load_idx %arg11[%add3A_66, %broadcast_in_dim3A_208] : memref<256x64xf32, #tpu.memory_space<vmem>>[vector<16xi32>, vector<16xi32>], vector<16xf32>,
      %gather3A_210 = tpu.vector_load_idx %arg12[%add3A_66, %broadcast_in_dim3A_208] : memref<256x64xf32, #tpu.memory_space<vmem>>[vector<16xi32>, vector<16xi32>], vector<16xf32>,
      %slice3A_211 = vector.extract_strided_slice %get3A_68 {offsets = [13], sizes = [1], strides = [1]} : vector<16xf32> to vector<1xf32>
      %squeeze3A_212 = vector.extract %slice3A_211[0] : f32 from vector<1xf32>
      %mul3A_213 = arith.mulf %gather3A_209, %gather3A_210 : vector<16xf32>
      %mul3A_214 = vector.broadcast %squeeze3A_212 : f32 to vector<16xf32>
      %mul3A_215 = arith.mulf %mul3A_213, %mul3A_214 : vector<16xf32>
      %add3A_216 = arith.addf %add3A_176, %mul3A_215 : vector<16xf32>
      %broadcast_in_dim3A_217 = arith.constant 14 : i32
      %broadcast_in_dim3A_218 = vector.broadcast %broadcast_in_dim3A_217 : i32 to vector<16xi32>
      %gather3A_219 = tpu.vector_load_idx %arg11[%add3A_66, %broadcast_in_dim3A_218] : memref<256x64xf32, #tpu.memory_space<vmem>>[vector<16xi32>, vector<16xi32>], vector<16xf32>,
      %gather3A_220 = tpu.vector_load_idx %arg12[%add3A_66, %broadcast_in_dim3A_218] : memref<256x64xf32, #tpu.memory_space<vmem>>[vector<16xi32>, vector<16xi32>], vector<16xf32>,
      %slice3A_221 = vector.extract_strided_slice %get3A_68 {offsets = [14], sizes = [1], strides = [1]} : vector<16xf32> to vector<1xf32>
      %squeeze3A_222 = vector.extract %slice3A_221[0] : f32 from vector<1xf32>
      %mul3A_223 = arith.mulf %gather3A_219, %gather3A_220 : vector<16xf32>
      %mul3A_224 = vector.broadcast %squeeze3A_222 : f32 to vector<16xf32>
      %mul3A_225 = arith.mulf %mul3A_223, %mul3A_224 : vector<16xf32>
      %add3A_226 = arith.addf %add3A_186, %mul3A_225 : vector<16xf32>
      %broadcast_in_dim3A_227 = arith.constant 15 : i32
      %broadcast_in_dim3A_228 = vector.broadcast %broadcast_in_dim3A_227 : i32 to vector<16xi32>
      %gather3A_229 = tpu.vector_load_idx %arg11[%add3A_66, %broadcast_in_dim3A_228] : memref<256x64xf32, #tpu.memory_space<vmem>>[vector<16xi32>, vector<16xi32>], vector<16xf32>,
      %gather3A_230 = tpu.vector_load_idx %arg12[%add3A_66, %broadcast_in_dim3A_228] : memref<256x64xf32, #tpu.memory_space<vmem>>[vector<16xi32>, vector<16xi32>], vector<16xf32>,
      %slice3A_231 = vector.extract_strided_slice %get3A_68 {offsets = [15], sizes = [1], strides = [1]} : vector<16xf32> to vector<1xf32>
      %squeeze3A_232 = vector.extract %slice3A_231[0] : f32 from vector<1xf32>
      %mul3A_233 = arith.mulf %gather3A_229, %gather3A_230 : vector<16xf32>
      %mul3A_234 = vector.broadcast %squeeze3A_232 : f32 to vector<16xf32>
      %mul3A_235 = arith.mulf %mul3A_233, %mul3A_234 : vector<16xf32>
      %add3A_236 = arith.addf %add3A_196, %mul3A_235 : vector<16xf32>
      %broadcast_in_dim3A_237 = arith.constant 16 : i32
      %broadcast_in_dim3A_238 = vector.broadcast %broadcast_in_dim3A_237 : i32 to vector<16xi32>
      %gather3A_239 = tpu.vector_load_idx %arg11[%add3A_66, %broadcast_in_dim3A_238] : memref<256x64xf32, #tpu.memory_space<vmem>>[vector<16xi32>, vector<16xi32>], vector<16xf32>,
      %gather3A_240 = tpu.vector_load_idx %arg12[%add3A_66, %broadcast_in_dim3A_238] : memref<256x64xf32, #tpu.memory_space<vmem>>[vector<16xi32>, vector<16xi32>], vector<16xf32>,
      %slice3A_241 = vector.extract_strided_slice %get3A_70 {offsets = [0], sizes = [1], strides = [1]} : vector<16xf32> to vector<1xf32>
      %squeeze3A_242 = vector.extract %slice3A_241[0] : f32 from vector<1xf32>
      %mul3A_243 = arith.mulf %gather3A_239, %gather3A_240 : vector<16xf32>
      %mul3A_244 = vector.broadcast %squeeze3A_242 : f32 to vector<16xf32>
      %mul3A_245 = arith.mulf %mul3A_243, %mul3A_244 : vector<16xf32>
      %add3A_246 = arith.addf %add3A_206, %mul3A_245 : vector<16xf32>
      %broadcast_in_dim3A_247 = arith.constant 17 : i32
      %broadcast_in_dim3A_248 = vector.broadcast %broadcast_in_dim3A_247 : i32 to vector<16xi32>
      %gather3A_249 = tpu.vector_load_idx %arg11[%add3A_66, %broadcast_in_dim3A_248] : memref<256x64xf32, #tpu.memory_space<vmem>>[vector<16xi32>, vector<16xi32>], vector<16xf32>,
      %gather3A_250 = tpu.vector_load_idx %arg12[%add3A_66, %broadcast_in_dim3A_248] : memref<256x64xf32, #tpu.memory_space<vmem>>[vector<16xi32>, vector<16xi32>], vector<16xf32>,
      %slice3A_251 = vector.extract_strided_slice %get3A_70 {offsets = [1], sizes = [1], strides = [1]} : vector<16xf32> to vector<1xf32>
      %squeeze3A_252 = vector.extract %slice3A_251[0] : f32 from vector<1xf32>
      %mul3A_253 = arith.mulf %gather3A_249, %gather3A_250 : vector<16xf32>
      %mul3A_254 = vector.broadcast %squeeze3A_252 : f32 to vector<16xf32>
      %mul3A_255 = arith.mulf %mul3A_253, %mul3A_254 : vector<16xf32>
      %add3A_256 = arith.addf %add3A_216, %mul3A_255 : vector<16xf32>
      %broadcast_in_dim3A_257 = arith.constant 18 : i32
      %broadcast_in_dim3A_258 = vector.broadcast %broadcast_in_dim3A_257 : i32 to vector<16xi32>
      %gather3A_259 = tpu.vector_load_idx %arg11[%add3A_66, %broadcast_in_dim3A_258] : memref<256x64xf32, #tpu.memory_space<vmem>>[vector<16xi32>, vector<16xi32>], vector<16xf32>,
      %gather3A_260 = tpu.vector_load_idx %arg12[%add3A_66, %broadcast_in_dim3A_258] : memref<256x64xf32, #tpu.memory_space<vmem>>[vector<16xi32>, vector<16xi32>], vector<16xf32>,
      %slice3A_261 = vector.extract_strided_slice %get3A_70 {offsets = [2], sizes = [1], strides = [1]} : vector<16xf32> to vector<1xf32>
      %squeeze3A_262 = vector.extract %slice3A_261[0] : f32 from vector<1xf32>
      %mul3A_263 = arith.mulf %gather3A_259, %gather3A_260 : vector<16xf32>
      %mul3A_264 = vector.broadcast %squeeze3A_262 : f32 to vector<16xf32>
      %mul3A_265 = arith.mulf %mul3A_263, %mul3A_264 : vector<16xf32>
      %add3A_266 = arith.addf %add3A_226, %mul3A_265 : vector<16xf32>
      %broadcast_in_dim3A_267 = arith.constant 19 : i32
      %broadcast_in_dim3A_268 = vector.broadcast %broadcast_in_dim3A_267 : i32 to vector<16xi32>
      %gather3A_269 = tpu.vector_load_idx %arg11[%add3A_66, %broadcast_in_dim3A_268] : memref<256x64xf32, #tpu.memory_space<vmem>>[vector<16xi32>, vector<16xi32>], vector<16xf32>,
      %gather3A_270 = tpu.vector_load_idx %arg12[%add3A_66, %broadcast_in_dim3A_268] : memref<256x64xf32, #tpu.memory_space<vmem>>[vector<16xi32>, vector<16xi32>], vector<16xf32>,
      %slice3A_271 = vector.extract_strided_slice %get3A_70 {offsets = [3], sizes = [1], strides = [1]} : vector<16xf32> to vector<1xf32>
      %squeeze3A_272 = vector.extract %slice3A_271[0] : f32 from vector<1xf32>
      %mul3A_273 = arith.mulf %gather3A_269, %gather3A_270 : vector<16xf32>
      %mul3A_274 = vector.broadcast %squeeze3A_272 : f32 to vector<16xf32>
      %mul3A_275 = arith.mulf %mul3A_273, %mul3A_274 : vector<16xf32>
      %add3A_276 = arith.addf %add3A_236, %mul3A_275 : vector<16xf32>
      %broadcast_in_dim3A_277 = arith.constant 20 : i32
      %broadcast_in_dim3A_278 = vector.broadcast %broadcast_in_dim3A_277 : i32 to vector<16xi32>
      %gather3A_279 = tpu.vector_load_idx %arg11[%add3A_66, %broadcast_in_dim3A_278] : memref<256x64xf32, #tpu.memory_space<vmem>>[vector<16xi32>, vector<16xi32>], vector<16xf32>,
      %gather3A_280 = tpu.vector_load_idx %arg12[%add3A_66, %broadcast_in_dim3A_278] : memref<256x64xf32, #tpu.memory_space<vmem>>[vector<16xi32>, vector<16xi32>], vector<16xf32>,
      %slice3A_281 = vector.extract_strided_slice %get3A_70 {offsets = [4], sizes = [1], strides = [1]} : vector<16xf32> to vector<1xf32>
      %squeeze3A_282 = vector.extract %slice3A_281[0] : f32 from vector<1xf32>
      %mul3A_283 = arith.mulf %gather3A_279, %gather3A_280 : vector<16xf32>
      %mul3A_284 = vector.broadcast %squeeze3A_282 : f32 to vector<16xf32>
      %mul3A_285 = arith.mulf %mul3A_283, %mul3A_284 : vector<16xf32>
      %add3A_286 = arith.addf %add3A_246, %mul3A_285 : vector<16xf32>
      %broadcast_in_dim3A_287 = arith.constant 21 : i32
      %broadcast_in_dim3A_288 = vector.broadcast %broadcast_in_dim3A_287 : i32 to vector<16xi32>
      %gather3A_289 = tpu.vector_load_idx %arg11[%add3A_66, %broadcast_in_dim3A_288] : memref<256x64xf32, #tpu.memory_space<vmem>>[vector<16xi32>, vector<16xi32>], vector<16xf32>,
      %gather3A_290 = tpu.vector_load_idx %arg12[%add3A_66, %broadcast_in_dim3A_288] : memref<256x64xf32, #tpu.memory_space<vmem>>[vector<16xi32>, vector<16xi32>], vector<16xf32>,
      %slice3A_291 = vector.extract_strided_slice %get3A_70 {offsets = [5], sizes = [1], strides = [1]} : vector<16xf32> to vector<1xf32>
      %squeeze3A_292 = vector.extract %slice3A_291[0] : f32 from vector<1xf32>
      %mul3A_293 = arith.mulf %gather3A_289, %gather3A_290 : vector<16xf32>
      %mul3A_294 = vector.broadcast %squeeze3A_292 : f32 to vector<16xf32>
      %mul3A_295 = arith.mulf %mul3A_293, %mul3A_294 : vector<16xf32>
      %add3A_296 = arith.addf %add3A_256, %mul3A_295 : vector<16xf32>
      %broadcast_in_dim3A_297 = arith.constant 22 : i32
      %broadcast_in_dim3A_298 = vector.broadcast %broadcast_in_dim3A_297 : i32 to vector<16xi32>
      %gather3A_299 = tpu.vector_load_idx %arg11[%add3A_66, %broadcast_in_dim3A_298] : memref<256x64xf32, #tpu.memory_space<vmem>>[vector<16xi32>, vector<16xi32>], vector<16xf32>,
      %gather3A_300 = tpu.vector_load_idx %arg12[%add3A_66, %broadcast_in_dim3A_298] : memref<256x64xf32, #tpu.memory_space<vmem>>[vector<16xi32>, vector<16xi32>], vector<16xf32>,
      %slice3A_301 = vector.extract_strided_slice %get3A_70 {offsets = [6], sizes = [1], strides = [1]} : vector<16xf32> to vector<1xf32>
      %squeeze3A_302 = vector.extract %slice3A_301[0] : f32 from vector<1xf32>
      %mul3A_303 = arith.mulf %gather3A_299, %gather3A_300 : vector<16xf32>
      %mul3A_304 = vector.broadcast %squeeze3A_302 : f32 to vector<16xf32>
      %mul3A_305 = arith.mulf %mul3A_303, %mul3A_304 : vector<16xf32>
      %add3A_306 = arith.addf %add3A_266, %mul3A_305 : vector<16xf32>
      %broadcast_in_dim3A_307 = arith.constant 23 : i32
      %broadcast_in_dim3A_308 = vector.broadcast %broadcast_in_dim3A_307 : i32 to vector<16xi32>
      %gather3A_309 = tpu.vector_load_idx %arg11[%add3A_66, %broadcast_in_dim3A_308] : memref<256x64xf32, #tpu.memory_space<vmem>>[vector<16xi32>, vector<16xi32>], vector<16xf32>,
      %gather3A_310 = tpu.vector_load_idx %arg12[%add3A_66, %broadcast_in_dim3A_308] : memref<256x64xf32, #tpu.memory_space<vmem>>[vector<16xi32>, vector<16xi32>], vector<16xf32>,
      %slice3A_311 = vector.extract_strided_slice %get3A_70 {offsets = [7], sizes = [1], strides = [1]} : vector<16xf32> to vector<1xf32>
      %squeeze3A_312 = vector.extract %slice3A_311[0] : f32 from vector<1xf32>
      %mul3A_313 = arith.mulf %gather3A_309, %gather3A_310 : vector<16xf32>
      %mul3A_314 = vector.broadcast %squeeze3A_312 : f32 to vector<16xf32>
      %mul3A_315 = arith.mulf %mul3A_313, %mul3A_314 : vector<16xf32>
      %add3A_316 = arith.addf %add3A_276, %mul3A_315 : vector<16xf32>
      %broadcast_in_dim3A_317 = arith.constant 24 : i32
      %broadcast_in_dim3A_318 = vector.broadcast %broadcast_in_dim3A_317 : i32 to vector<16xi32>
      %gather3A_319 = tpu.vector_load_idx %arg11[%add3A_66, %broadcast_in_dim3A_318] : memref<256x64xf32, #tpu.memory_space<vmem>>[vector<16xi32>, vector<16xi32>], vector<16xf32>,
      %gather3A_320 = tpu.vector_load_idx %arg12[%add3A_66, %broadcast_in_dim3A_318] : memref<256x64xf32, #tpu.memory_space<vmem>>[vector<16xi32>, vector<16xi32>], vector<16xf32>,
      %slice3A_321 = vector.extract_strided_slice %get3A_70 {offsets = [8], sizes = [1], strides = [1]} : vector<16xf32> to vector<1xf32>
      %squeeze3A_322 = vector.extract %slice3A_321[0] : f32 from vector<1xf32>
      %mul3A_323 = arith.mulf %gather3A_319, %gather3A_320 : vector<16xf32>
      %mul3A_324 = vector.broadcast %squeeze3A_322 : f32 to vector<16xf32>
      %mul3A_325 = arith.mulf %mul3A_323, %mul3A_324 : vector<16xf32>
      %add3A_326 = arith.addf %add3A_286, %mul3A_325 : vector<16xf32>
      %broadcast_in_dim3A_327 = arith.constant 25 : i32
      %broadcast_in_dim3A_328 = vector.broadcast %broadcast_in_dim3A_327 : i32 to vector<16xi32>
      %gather3A_329 = tpu.vector_load_idx %arg11[%add3A_66, %broadcast_in_dim3A_328] : memref<256x64xf32, #tpu.memory_space<vmem>>[vector<16xi32>, vector<16xi32>], vector<16xf32>,
      %gather3A_330 = tpu.vector_load_idx %arg12[%add3A_66, %broadcast_in_dim3A_328] : memref<256x64xf32, #tpu.memory_space<vmem>>[vector<16xi32>, vector<16xi32>], vector<16xf32>,
      %slice3A_331 = vector.extract_strided_slice %get3A_70 {offsets = [9], sizes = [1], strides = [1]} : vector<16xf32> to vector<1xf32>
      %squeeze3A_332 = vector.extract %slice3A_331[0] : f32 from vector<1xf32>
      %mul3A_333 = arith.mulf %gather3A_329, %gather3A_330 : vector<16xf32>
      %mul3A_334 = vector.broadcast %squeeze3A_332 : f32 to vector<16xf32>
      %mul3A_335 = arith.mulf %mul3A_333, %mul3A_334 : vector<16xf32>
      %add3A_336 = arith.addf %add3A_296, %mul3A_335 : vector<16xf32>
      %broadcast_in_dim3A_337 = arith.constant 26 : i32
      %broadcast_in_dim3A_338 = vector.broadcast %broadcast_in_dim3A_337 : i32 to vector<16xi32>
      %gather3A_339 = tpu.vector_load_idx %arg11[%add3A_66, %broadcast_in_dim3A_338] : memref<256x64xf32, #tpu.memory_space<vmem>>[vector<16xi32>, vector<16xi32>], vector<16xf32>,
      %gather3A_340 = tpu.vector_load_idx %arg12[%add3A_66, %broadcast_in_dim3A_338] : memref<256x64xf32, #tpu.memory_space<vmem>>[vector<16xi32>, vector<16xi32>], vector<16xf32>,
      %slice3A_341 = vector.extract_strided_slice %get3A_70 {offsets = [10], sizes = [1], strides = [1]} : vector<16xf32> to vector<1xf32>
      %squeeze3A_342 = vector.extract %slice3A_341[0] : f32 from vector<1xf32>
      %mul3A_343 = arith.mulf %gather3A_339, %gather3A_340 : vector<16xf32>
      %mul3A_344 = vector.broadcast %squeeze3A_342 : f32 to vector<16xf32>
      %mul3A_345 = arith.mulf %mul3A_343, %mul3A_344 : vector<16xf32>
      %add3A_346 = arith.addf %add3A_306, %mul3A_345 : vector<16xf32>
      %broadcast_in_dim3A_347 = arith.constant 27 : i32
      %broadcast_in_dim3A_348 = vector.broadcast %broadcast_in_dim3A_347 : i32 to vector<16xi32>
      %gather3A_349 = tpu.vector_load_idx %arg11[%add3A_66, %broadcast_in_dim3A_348] : memref<256x64xf32, #tpu.memory_space<vmem>>[vector<16xi32>, vector<16xi32>], vector<16xf32>,
      %gather3A_350 = tpu.vector_load_idx %arg12[%add3A_66, %broadcast_in_dim3A_348] : memref<256x64xf32, #tpu.memory_space<vmem>>[vector<16xi32>, vector<16xi32>], vector<16xf32>,
      %slice3A_351 = vector.extract_strided_slice %get3A_70 {offsets = [11], sizes = [1], strides = [1]} : vector<16xf32> to vector<1xf32>
      %squeeze3A_352 = vector.extract %slice3A_351[0] : f32 from vector<1xf32>
      %mul3A_353 = arith.mulf %gather3A_349, %gather3A_350 : vector<16xf32>
      %mul3A_354 = vector.broadcast %squeeze3A_352 : f32 to vector<16xf32>
      %mul3A_355 = arith.mulf %mul3A_353, %mul3A_354 : vector<16xf32>
      %add3A_356 = arith.addf %add3A_316, %mul3A_355 : vector<16xf32>
      %broadcast_in_dim3A_357 = arith.constant 28 : i32
      %broadcast_in_dim3A_358 = vector.broadcast %broadcast_in_dim3A_357 : i32 to vector<16xi32>
      %gather3A_359 = tpu.vector_load_idx %arg11[%add3A_66, %broadcast_in_dim3A_358] : memref<256x64xf32, #tpu.memory_space<vmem>>[vector<16xi32>, vector<16xi32>], vector<16xf32>,
      %gather3A_360 = tpu.vector_load_idx %arg12[%add3A_66, %broadcast_in_dim3A_358] : memref<256x64xf32, #tpu.memory_space<vmem>>[vector<16xi32>, vector<16xi32>], vector<16xf32>,
      %slice3A_361 = vector.extract_strided_slice %get3A_70 {offsets = [12], sizes = [1], strides = [1]} : vector<16xf32> to vector<1xf32>
      %squeeze3A_362 = vector.extract %slice3A_361[0] : f32 from vector<1xf32>
      %mul3A_363 = arith.mulf %gather3A_359, %gather3A_360 : vector<16xf32>
      %mul3A_364 = vector.broadcast %squeeze3A_362 : f32 to vector<16xf32>
      %mul3A_365 = arith.mulf %mul3A_363, %mul3A_364 : vector<16xf32>
      %add3A_366 = arith.addf %add3A_326, %mul3A_365 : vector<16xf32>
      %broadcast_in_dim3A_367 = arith.constant 29 : i32
      %broadcast_in_dim3A_368 = vector.broadcast %broadcast_in_dim3A_367 : i32 to vector<16xi32>
      %gather3A_369 = tpu.vector_load_idx %arg11[%add3A_66, %broadcast_in_dim3A_368] : memref<256x64xf32, #tpu.memory_space<vmem>>[vector<16xi32>, vector<16xi32>], vector<16xf32>,
      %gather3A_370 = tpu.vector_load_idx %arg12[%add3A_66, %broadcast_in_dim3A_368] : memref<256x64xf32, #tpu.memory_space<vmem>>[vector<16xi32>, vector<16xi32>], vector<16xf32>,
      %slice3A_371 = vector.extract_strided_slice %get3A_70 {offsets = [13], sizes = [1], strides = [1]} : vector<16xf32> to vector<1xf32>
      %squeeze3A_372 = vector.extract %slice3A_371[0] : f32 from vector<1xf32>
      %mul3A_373 = arith.mulf %gather3A_369, %gather3A_370 : vector<16xf32>
      %mul3A_374 = vector.broadcast %squeeze3A_372 : f32 to vector<16xf32>
      %mul3A_375 = arith.mulf %mul3A_373, %mul3A_374 : vector<16xf32>
      %add3A_376 = arith.addf %add3A_336, %mul3A_375 : vector<16xf32>
      %broadcast_in_dim3A_377 = arith.constant 30 : i32
      %broadcast_in_dim3A_378 = vector.broadcast %broadcast_in_dim3A_377 : i32 to vector<16xi32>
      %gather3A_379 = tpu.vector_load_idx %arg11[%add3A_66, %broadcast_in_dim3A_378] : memref<256x64xf32, #tpu.memory_space<vmem>>[vector<16xi32>, vector<16xi32>], vector<16xf32>,
      %gather3A_380 = tpu.vector_load_idx %arg12[%add3A_66, %broadcast_in_dim3A_378] : memref<256x64xf32, #tpu.memory_space<vmem>>[vector<16xi32>, vector<16xi32>], vector<16xf32>,
      %slice3A_381 = vector.extract_strided_slice %get3A_70 {offsets = [14], sizes = [1], strides = [1]} : vector<16xf32> to vector<1xf32>
      %squeeze3A_382 = vector.extract %slice3A_381[0] : f32 from vector<1xf32>
      %mul3A_383 = arith.mulf %gather3A_379, %gather3A_380 : vector<16xf32>
      %mul3A_384 = vector.broadcast %squeeze3A_382 : f32 to vector<16xf32>
      %mul3A_385 = arith.mulf %mul3A_383, %mul3A_384 : vector<16xf32>
      %add3A_386 = arith.addf %add3A_346, %mul3A_385 : vector<16xf32>
      %broadcast_in_dim3A_387 = arith.constant 31 : i32
      %broadcast_in_dim3A_388 = vector.broadcast %broadcast_in_dim3A_387 : i32 to vector<16xi32>
      %gather3A_389 = tpu.vector_load_idx %arg11[%add3A_66, %broadcast_in_dim3A_388] : memref<256x64xf32, #tpu.memory_space<vmem>>[vector<16xi32>, vector<16xi32>], vector<16xf32>,
      %gather3A_390 = tpu.vector_load_idx %arg12[%add3A_66, %broadcast_in_dim3A_388] : memref<256x64xf32, #tpu.memory_space<vmem>>[vector<16xi32>, vector<16xi32>], vector<16xf32>,
      %slice3A_391 = vector.extract_strided_slice %get3A_70 {offsets = [15], sizes = [1], strides = [1]} : vector<16xf32> to vector<1xf32>
      %squeeze3A_392 = vector.extract %slice3A_391[0] : f32 from vector<1xf32>
      %mul3A_393 = arith.mulf %gather3A_389, %gather3A_390 : vector<16xf32>
      %mul3A_394 = vector.broadcast %squeeze3A_392 : f32 to vector<16xf32>
      %mul3A_395 = arith.mulf %mul3A_393, %mul3A_394 : vector<16xf32>
      %add3A_396 = arith.addf %add3A_356, %mul3A_395 : vector<16xf32>
      %broadcast_in_dim3A_397 = arith.constant 32 : i32
      %broadcast_in_dim3A_398 = vector.broadcast %broadcast_in_dim3A_397 : i32 to vector<16xi32>
      %gather3A_399 = tpu.vector_load_idx %arg11[%add3A_66, %broadcast_in_dim3A_398] : memref<256x64xf32, #tpu.memory_space<vmem>>[vector<16xi32>, vector<16xi32>], vector<16xf32>,
      %gather3A_400 = tpu.vector_load_idx %arg12[%add3A_66, %broadcast_in_dim3A_398] : memref<256x64xf32, #tpu.memory_space<vmem>>[vector<16xi32>, vector<16xi32>], vector<16xf32>,
      %slice3A_401 = vector.extract_strided_slice %get3A_72 {offsets = [0], sizes = [1], strides = [1]} : vector<16xf32> to vector<1xf32>
      %squeeze3A_402 = vector.extract %slice3A_401[0] : f32 from vector<1xf32>
      %mul3A_403 = arith.mulf %gather3A_399, %gather3A_400 : vector<16xf32>
      %mul3A_404 = vector.broadcast %squeeze3A_402 : f32 to vector<16xf32>
      %mul3A_405 = arith.mulf %mul3A_403, %mul3A_404 : vector<16xf32>
      %add3A_406 = arith.addf %add3A_366, %mul3A_405 : vector<16xf32>
      %broadcast_in_dim3A_407 = arith.constant 33 : i32
      %broadcast_in_dim3A_408 = vector.broadcast %broadcast_in_dim3A_407 : i32 to vector<16xi32>
      %gather3A_409 = tpu.vector_load_idx %arg11[%add3A_66, %broadcast_in_dim3A_408] : memref<256x64xf32, #tpu.memory_space<vmem>>[vector<16xi32>, vector<16xi32>], vector<16xf32>,
      %gather3A_410 = tpu.vector_load_idx %arg12[%add3A_66, %broadcast_in_dim3A_408] : memref<256x64xf32, #tpu.memory_space<vmem>>[vector<16xi32>, vector<16xi32>], vector<16xf32>,
      %slice3A_411 = vector.extract_strided_slice %get3A_72 {offsets = [1], sizes = [1], strides = [1]} : vector<16xf32> to vector<1xf32>
      %squeeze3A_412 = vector.extract %slice3A_411[0] : f32 from vector<1xf32>
      %mul3A_413 = arith.mulf %gather3A_409, %gather3A_410 : vector<16xf32>
      %mul3A_414 = vector.broadcast %squeeze3A_412 : f32 to vector<16xf32>
      %mul3A_415 = arith.mulf %mul3A_413, %mul3A_414 : vector<16xf32>
      %add3A_416 = arith.addf %add3A_376, %mul3A_415 : vector<16xf32>
      %broadcast_in_dim3A_417 = arith.constant 34 : i32
      %broadcast_in_dim3A_418 = vector.broadcast %broadcast_in_dim3A_417 : i32 to vector<16xi32>
      %gather3A_419 = tpu.vector_load_idx %arg11[%add3A_66, %broadcast_in_dim3A_418] : memref<256x64xf32, #tpu.memory_space<vmem>>[vector<16xi32>, vector<16xi32>], vector<16xf32>,
      %gather3A_420 = tpu.vector_load_idx %arg12[%add3A_66, %broadcast_in_dim3A_418] : memref<256x64xf32, #tpu.memory_space<vmem>>[vector<16xi32>, vector<16xi32>], vector<16xf32>,
      %slice3A_421 = vector.extract_strided_slice %get3A_72 {offsets = [2], sizes = [1], strides = [1]} : vector<16xf32> to vector<1xf32>
      %squeeze3A_422 = vector.extract %slice3A_421[0] : f32 from vector<1xf32>
      %mul3A_423 = arith.mulf %gather3A_419, %gather3A_420 : vector<16xf32>
      %mul3A_424 = vector.broadcast %squeeze3A_422 : f32 to vector<16xf32>
      %mul3A_425 = arith.mulf %mul3A_423, %mul3A_424 : vector<16xf32>
      %add3A_426 = arith.addf %add3A_386, %mul3A_425 : vector<16xf32>
      %broadcast_in_dim3A_427 = arith.constant 35 : i32
      %broadcast_in_dim3A_428 = vector.broadcast %broadcast_in_dim3A_427 : i32 to vector<16xi32>
      %gather3A_429 = tpu.vector_load_idx %arg11[%add3A_66, %broadcast_in_dim3A_428] : memref<256x64xf32, #tpu.memory_space<vmem>>[vector<16xi32>, vector<16xi32>], vector<16xf32>,
      %gather3A_430 = tpu.vector_load_idx %arg12[%add3A_66, %broadcast_in_dim3A_428] : memref<256x64xf32, #tpu.memory_space<vmem>>[vector<16xi32>, vector<16xi32>], vector<16xf32>,
      %slice3A_431 = vector.extract_strided_slice %get3A_72 {offsets = [3], sizes = [1], strides = [1]} : vector<16xf32> to vector<1xf32>
      %squeeze3A_432 = vector.extract %slice3A_431[0] : f32 from vector<1xf32>
      %mul3A_433 = arith.mulf %gather3A_429, %gather3A_430 : vector<16xf32>
      %mul3A_434 = vector.broadcast %squeeze3A_432 : f32 to vector<16xf32>
      %mul3A_435 = arith.mulf %mul3A_433, %mul3A_434 : vector<16xf32>
      %add3A_436 = arith.addf %add3A_396, %mul3A_435 : vector<16xf32>
      %broadcast_in_dim3A_437 = arith.constant 36 : i32
      %broadcast_in_dim3A_438 = vector.broadcast %broadcast_in_dim3A_437 : i32 to vector<16xi32>
      %gather3A_439 = tpu.vector_load_idx %arg11[%add3A_66, %broadcast_in_dim3A_438] : memref<256x64xf32, #tpu.memory_space<vmem>>[vector<16xi32>, vector<16xi32>], vector<16xf32>,
      %gather3A_440 = tpu.vector_load_idx %arg12[%add3A_66, %broadcast_in_dim3A_438] : memref<256x64xf32, #tpu.memory_space<vmem>>[vector<16xi32>, vector<16xi32>], vector<16xf32>,
      %slice3A_441 = vector.extract_strided_slice %get3A_72 {offsets = [4], sizes = [1], strides = [1]} : vector<16xf32> to vector<1xf32>
      %squeeze3A_442 = vector.extract %slice3A_441[0] : f32 from vector<1xf32>
      %mul3A_443 = arith.mulf %gather3A_439, %gather3A_440 : vector<16xf32>
      %mul3A_444 = vector.broadcast %squeeze3A_442 : f32 to vector<16xf32>
      %mul3A_445 = arith.mulf %mul3A_443, %mul3A_444 : vector<16xf32>
      %add3A_446 = arith.addf %add3A_406, %mul3A_445 : vector<16xf32>
      %broadcast_in_dim3A_447 = arith.constant 37 : i32
      %broadcast_in_dim3A_448 = vector.broadcast %broadcast_in_dim3A_447 : i32 to vector<16xi32>
      %gather3A_449 = tpu.vector_load_idx %arg11[%add3A_66, %broadcast_in_dim3A_448] : memref<256x64xf32, #tpu.memory_space<vmem>>[vector<16xi32>, vector<16xi32>], vector<16xf32>,
      %gather3A_450 = tpu.vector_load_idx %arg12[%add3A_66, %broadcast_in_dim3A_448] : memref<256x64xf32, #tpu.memory_space<vmem>>[vector<16xi32>, vector<16xi32>], vector<16xf32>,
      %slice3A_451 = vector.extract_strided_slice %get3A_72 {offsets = [5], sizes = [1], strides = [1]} : vector<16xf32> to vector<1xf32>
      %squeeze3A_452 = vector.extract %slice3A_451[0] : f32 from vector<1xf32>
      %mul3A_453 = arith.mulf %gather3A_449, %gather3A_450 : vector<16xf32>
      %mul3A_454 = vector.broadcast %squeeze3A_452 : f32 to vector<16xf32>
      %mul3A_455 = arith.mulf %mul3A_453, %mul3A_454 : vector<16xf32>
      %add3A_456 = arith.addf %add3A_416, %mul3A_455 : vector<16xf32>
      %broadcast_in_dim3A_457 = arith.constant 38 : i32
      %broadcast_in_dim3A_458 = vector.broadcast %broadcast_in_dim3A_457 : i32 to vector<16xi32>
      %gather3A_459 = tpu.vector_load_idx %arg11[%add3A_66, %broadcast_in_dim3A_458] : memref<256x64xf32, #tpu.memory_space<vmem>>[vector<16xi32>, vector<16xi32>], vector<16xf32>,
      %gather3A_460 = tpu.vector_load_idx %arg12[%add3A_66, %broadcast_in_dim3A_458] : memref<256x64xf32, #tpu.memory_space<vmem>>[vector<16xi32>, vector<16xi32>], vector<16xf32>,
      %slice3A_461 = vector.extract_strided_slice %get3A_72 {offsets = [6], sizes = [1], strides = [1]} : vector<16xf32> to vector<1xf32>
      %squeeze3A_462 = vector.extract %slice3A_461[0] : f32 from vector<1xf32>
      %mul3A_463 = arith.mulf %gather3A_459, %gather3A_460 : vector<16xf32>
      %mul3A_464 = vector.broadcast %squeeze3A_462 : f32 to vector<16xf32>
      %mul3A_465 = arith.mulf %mul3A_463, %mul3A_464 : vector<16xf32>
      %add3A_466 = arith.addf %add3A_426, %mul3A_465 : vector<16xf32>
      %broadcast_in_dim3A_467 = arith.constant 39 : i32
      %broadcast_in_dim3A_468 = vector.broadcast %broadcast_in_dim3A_467 : i32 to vector<16xi32>
      %gather3A_469 = tpu.vector_load_idx %arg11[%add3A_66, %broadcast_in_dim3A_468] : memref<256x64xf32, #tpu.memory_space<vmem>>[vector<16xi32>, vector<16xi32>], vector<16xf32>,
      %gather3A_470 = tpu.vector_load_idx %arg12[%add3A_66, %broadcast_in_dim3A_468] : memref<256x64xf32, #tpu.memory_space<vmem>>[vector<16xi32>, vector<16xi32>], vector<16xf32>,
      %slice3A_471 = vector.extract_strided_slice %get3A_72 {offsets = [7], sizes = [1], strides = [1]} : vector<16xf32> to vector<1xf32>
      %squeeze3A_472 = vector.extract %slice3A_471[0] : f32 from vector<1xf32>
      %mul3A_473 = arith.mulf %gather3A_469, %gather3A_470 : vector<16xf32>
      %mul3A_474 = vector.broadcast %squeeze3A_472 : f32 to vector<16xf32>
      %mul3A_475 = arith.mulf %mul3A_473, %mul3A_474 : vector<16xf32>
      %add3A_476 = arith.addf %add3A_436, %mul3A_475 : vector<16xf32>
      %broadcast_in_dim3A_477 = arith.constant 40 : i32
      %broadcast_in_dim3A_478 = vector.broadcast %broadcast_in_dim3A_477 : i32 to vector<16xi32>
      %gather3A_479 = tpu.vector_load_idx %arg11[%add3A_66, %broadcast_in_dim3A_478] : memref<256x64xf32, #tpu.memory_space<vmem>>[vector<16xi32>, vector<16xi32>], vector<16xf32>,
      %gather3A_480 = tpu.vector_load_idx %arg12[%add3A_66, %broadcast_in_dim3A_478] : memref<256x64xf32, #tpu.memory_space<vmem>>[vector<16xi32>, vector<16xi32>], vector<16xf32>,
      %slice3A_481 = vector.extract_strided_slice %get3A_72 {offsets = [8], sizes = [1], strides = [1]} : vector<16xf32> to vector<1xf32>
      %squeeze3A_482 = vector.extract %slice3A_481[0] : f32 from vector<1xf32>
      %mul3A_483 = arith.mulf %gather3A_479, %gather3A_480 : vector<16xf32>
      %mul3A_484 = vector.broadcast %squeeze3A_482 : f32 to vector<16xf32>
      %mul3A_485 = arith.mulf %mul3A_483, %mul3A_484 : vector<16xf32>
      %add3A_486 = arith.addf %add3A_446, %mul3A_485 : vector<16xf32>
      %broadcast_in_dim3A_487 = arith.constant 41 : i32
      %broadcast_in_dim3A_488 = vector.broadcast %broadcast_in_dim3A_487 : i32 to vector<16xi32>
      %gather3A_489 = tpu.vector_load_idx %arg11[%add3A_66, %broadcast_in_dim3A_488] : memref<256x64xf32, #tpu.memory_space<vmem>>[vector<16xi32>, vector<16xi32>], vector<16xf32>,
      %gather3A_490 = tpu.vector_load_idx %arg12[%add3A_66, %broadcast_in_dim3A_488] : memref<256x64xf32, #tpu.memory_space<vmem>>[vector<16xi32>, vector<16xi32>], vector<16xf32>,
      %slice3A_491 = vector.extract_strided_slice %get3A_72 {offsets = [9], sizes = [1], strides = [1]} : vector<16xf32> to vector<1xf32>
      %squeeze3A_492 = vector.extract %slice3A_491[0] : f32 from vector<1xf32>
      %mul3A_493 = arith.mulf %gather3A_489, %gather3A_490 : vector<16xf32>
      %mul3A_494 = vector.broadcast %squeeze3A_492 : f32 to vector<16xf32>
      %mul3A_495 = arith.mulf %mul3A_493, %mul3A_494 : vector<16xf32>
      %add3A_496 = arith.addf %add3A_456, %mul3A_495 : vector<16xf32>
      %broadcast_in_dim3A_497 = arith.constant 42 : i32
      %broadcast_in_dim3A_498 = vector.broadcast %broadcast_in_dim3A_497 : i32 to vector<16xi32>
      %gather3A_499 = tpu.vector_load_idx %arg11[%add3A_66, %broadcast_in_dim3A_498] : memref<256x64xf32, #tpu.memory_space<vmem>>[vector<16xi32>, vector<16xi32>], vector<16xf32>,
      %gather3A_500 = tpu.vector_load_idx %arg12[%add3A_66, %broadcast_in_dim3A_498] : memref<256x64xf32, #tpu.memory_space<vmem>>[vector<16xi32>, vector<16xi32>], vector<16xf32>,
      %slice3A_501 = vector.extract_strided_slice %get3A_72 {offsets = [10], sizes = [1], strides = [1]} : vector<16xf32> to vector<1xf32>
      %squeeze3A_502 = vector.extract %slice3A_501[0] : f32 from vector<1xf32>
      %mul3A_503 = arith.mulf %gather3A_499, %gather3A_500 : vector<16xf32>
      %mul3A_504 = vector.broadcast %squeeze3A_502 : f32 to vector<16xf32>
      %mul3A_505 = arith.mulf %mul3A_503, %mul3A_504 : vector<16xf32>
      %add3A_506 = arith.addf %add3A_466, %mul3A_505 : vector<16xf32>
      %broadcast_in_dim3A_507 = arith.constant 43 : i32
      %broadcast_in_dim3A_508 = vector.broadcast %broadcast_in_dim3A_507 : i32 to vector<16xi32>
      %gather3A_509 = tpu.vector_load_idx %arg11[%add3A_66, %broadcast_in_dim3A_508] : memref<256x64xf32, #tpu.memory_space<vmem>>[vector<16xi32>, vector<16xi32>], vector<16xf32>,
      %gather3A_510 = tpu.vector_load_idx %arg12[%add3A_66, %broadcast_in_dim3A_508] : memref<256x64xf32, #tpu.memory_space<vmem>>[vector<16xi32>, vector<16xi32>], vector<16xf32>,
      %slice3A_511 = vector.extract_strided_slice %get3A_72 {offsets = [11], sizes = [1], strides = [1]} : vector<16xf32> to vector<1xf32>
      %squeeze3A_512 = vector.extract %slice3A_511[0] : f32 from vector<1xf32>
      %mul3A_513 = arith.mulf %gather3A_509, %gather3A_510 : vector<16xf32>
      %mul3A_514 = vector.broadcast %squeeze3A_512 : f32 to vector<16xf32>
      %mul3A_515 = arith.mulf %mul3A_513, %mul3A_514 : vector<16xf32>
      %add3A_516 = arith.addf %add3A_476, %mul3A_515 : vector<16xf32>
      %broadcast_in_dim3A_517 = arith.constant 44 : i32
      %broadcast_in_dim3A_518 = vector.broadcast %broadcast_in_dim3A_517 : i32 to vector<16xi32>
      %gather3A_519 = tpu.vector_load_idx %arg11[%add3A_66, %broadcast_in_dim3A_518] : memref<256x64xf32, #tpu.memory_space<vmem>>[vector<16xi32>, vector<16xi32>], vector<16xf32>,
      %gather3A_520 = tpu.vector_load_idx %arg12[%add3A_66, %broadcast_in_dim3A_518] : memref<256x64xf32, #tpu.memory_space<vmem>>[vector<16xi32>, vector<16xi32>], vector<16xf32>,
      %slice3A_521 = vector.extract_strided_slice %get3A_72 {offsets = [12], sizes = [1], strides = [1]} : vector<16xf32> to vector<1xf32>
      %squeeze3A_522 = vector.extract %slice3A_521[0] : f32 from vector<1xf32>
      %mul3A_523 = arith.mulf %gather3A_519, %gather3A_520 : vector<16xf32>
      %mul3A_524 = vector.broadcast %squeeze3A_522 : f32 to vector<16xf32>
      %mul3A_525 = arith.mulf %mul3A_523, %mul3A_524 : vector<16xf32>
      %add3A_526 = arith.addf %add3A_486, %mul3A_525 : vector<16xf32>
      %broadcast_in_dim3A_527 = arith.constant 45 : i32
      %broadcast_in_dim3A_528 = vector.broadcast %broadcast_in_dim3A_527 : i32 to vector<16xi32>
      %gather3A_529 = tpu.vector_load_idx %arg11[%add3A_66, %broadcast_in_dim3A_528] : memref<256x64xf32, #tpu.memory_space<vmem>>[vector<16xi32>, vector<16xi32>], vector<16xf32>,
      %gather3A_530 = tpu.vector_load_idx %arg12[%add3A_66, %broadcast_in_dim3A_528] : memref<256x64xf32, #tpu.memory_space<vmem>>[vector<16xi32>, vector<16xi32>], vector<16xf32>,
      %slice3A_531 = vector.extract_strided_slice %get3A_72 {offsets = [13], sizes = [1], strides = [1]} : vector<16xf32> to vector<1xf32>
      %squeeze3A_532 = vector.extract %slice3A_531[0] : f32 from vector<1xf32>
      %mul3A_533 = arith.mulf %gather3A_529, %gather3A_530 : vector<16xf32>
      %mul3A_534 = vector.broadcast %squeeze3A_532 : f32 to vector<16xf32>
      %mul3A_535 = arith.mulf %mul3A_533, %mul3A_534 : vector<16xf32>
      %add3A_536 = arith.addf %add3A_496, %mul3A_535 : vector<16xf32>
      %broadcast_in_dim3A_537 = arith.constant 46 : i32
      %broadcast_in_dim3A_538 = vector.broadcast %broadcast_in_dim3A_537 : i32 to vector<16xi32>
      %gather3A_539 = tpu.vector_load_idx %arg11[%add3A_66, %broadcast_in_dim3A_538] : memref<256x64xf32, #tpu.memory_space<vmem>>[vector<16xi32>, vector<16xi32>], vector<16xf32>,
      %gather3A_540 = tpu.vector_load_idx %arg12[%add3A_66, %broadcast_in_dim3A_538] : memref<256x64xf32, #tpu.memory_space<vmem>>[vector<16xi32>, vector<16xi32>], vector<16xf32>,
      %slice3A_541 = vector.extract_strided_slice %get3A_72 {offsets = [14], sizes = [1], strides = [1]} : vector<16xf32> to vector<1xf32>
      %squeeze3A_542 = vector.extract %slice3A_541[0] : f32 from vector<1xf32>
      %mul3A_543 = arith.mulf %gather3A_539, %gather3A_540 : vector<16xf32>
      %mul3A_544 = vector.broadcast %squeeze3A_542 : f32 to vector<16xf32>
      %mul3A_545 = arith.mulf %mul3A_543, %mul3A_544 : vector<16xf32>
      %add3A_546 = arith.addf %add3A_506, %mul3A_545 : vector<16xf32>
      %broadcast_in_dim3A_547 = arith.constant 47 : i32
      %broadcast_in_dim3A_548 = vector.broadcast %broadcast_in_dim3A_547 : i32 to vector<16xi32>
      %gather3A_549 = tpu.vector_load_idx %arg11[%add3A_66, %broadcast_in_dim3A_548] : memref<256x64xf32, #tpu.memory_space<vmem>>[vector<16xi32>, vector<16xi32>], vector<16xf32>,
      %gather3A_550 = tpu.vector_load_idx %arg12[%add3A_66, %broadcast_in_dim3A_548] : memref<256x64xf32, #tpu.memory_space<vmem>>[vector<16xi32>, vector<16xi32>], vector<16xf32>,
      %slice3A_551 = vector.extract_strided_slice %get3A_72 {offsets = [15], sizes = [1], strides = [1]} : vector<16xf32> to vector<1xf32>
      %squeeze3A_552 = vector.extract %slice3A_551[0] : f32 from vector<1xf32>
      %mul3A_553 = arith.mulf %gather3A_549, %gather3A_550 : vector<16xf32>
      %mul3A_554 = vector.broadcast %squeeze3A_552 : f32 to vector<16xf32>
      %mul3A_555 = arith.mulf %mul3A_553, %mul3A_554 : vector<16xf32>
      %add3A_556 = arith.addf %add3A_516, %mul3A_555 : vector<16xf32>
      %broadcast_in_dim3A_557 = arith.constant 48 : i32
      %broadcast_in_dim3A_558 = vector.broadcast %broadcast_in_dim3A_557 : i32 to vector<16xi32>
      %gather3A_559 = tpu.vector_load_idx %arg11[%add3A_66, %broadcast_in_dim3A_558] : memref<256x64xf32, #tpu.memory_space<vmem>>[vector<16xi32>, vector<16xi32>], vector<16xf32>,
      %gather3A_560 = tpu.vector_load_idx %arg12[%add3A_66, %broadcast_in_dim3A_558] : memref<256x64xf32, #tpu.memory_space<vmem>>[vector<16xi32>, vector<16xi32>], vector<16xf32>,
      %slice3A_561 = vector.extract_strided_slice %get3A_74 {offsets = [0], sizes = [1], strides = [1]} : vector<16xf32> to vector<1xf32>
      %squeeze3A_562 = vector.extract %slice3A_561[0] : f32 from vector<1xf32>
      %mul3A_563 = arith.mulf %gather3A_559, %gather3A_560 : vector<16xf32>
      %mul3A_564 = vector.broadcast %squeeze3A_562 : f32 to vector<16xf32>
      %mul3A_565 = arith.mulf %mul3A_563, %mul3A_564 : vector<16xf32>
      %add3A_566 = arith.addf %add3A_526, %mul3A_565 : vector<16xf32>
      %broadcast_in_dim3A_567 = arith.constant 49 : i32
      %broadcast_in_dim3A_568 = vector.broadcast %broadcast_in_dim3A_567 : i32 to vector<16xi32>
      %gather3A_569 = tpu.vector_load_idx %arg11[%add3A_66, %broadcast_in_dim3A_568] : memref<256x64xf32, #tpu.memory_space<vmem>>[vector<16xi32>, vector<16xi32>], vector<16xf32>,
      %gather3A_570 = tpu.vector_load_idx %arg12[%add3A_66, %broadcast_in_dim3A_568] : memref<256x64xf32, #tpu.memory_space<vmem>>[vector<16xi32>, vector<16xi32>], vector<16xf32>,
      %slice3A_571 = vector.extract_strided_slice %get3A_74 {offsets = [1], sizes = [1], strides = [1]} : vector<16xf32> to vector<1xf32>
      %squeeze3A_572 = vector.extract %slice3A_571[0] : f32 from vector<1xf32>
      %mul3A_573 = arith.mulf %gather3A_569, %gather3A_570 : vector<16xf32>
      %mul3A_574 = vector.broadcast %squeeze3A_572 : f32 to vector<16xf32>
      %mul3A_575 = arith.mulf %mul3A_573, %mul3A_574 : vector<16xf32>
      %add3A_576 = arith.addf %add3A_536, %mul3A_575 : vector<16xf32>
      %broadcast_in_dim3A_577 = arith.constant 50 : i32
      %broadcast_in_dim3A_578 = vector.broadcast %broadcast_in_dim3A_577 : i32 to vector<16xi32>
      %gather3A_579 = tpu.vector_load_idx %arg11[%add3A_66, %broadcast_in_dim3A_578] : memref<256x64xf32, #tpu.memory_space<vmem>>[vector<16xi32>, vector<16xi32>], vector<16xf32>,
      %gather3A_580 = tpu.vector_load_idx %arg12[%add3A_66, %broadcast_in_dim3A_578] : memref<256x64xf32, #tpu.memory_space<vmem>>[vector<16xi32>, vector<16xi32>], vector<16xf32>,
      %slice3A_581 = vector.extract_strided_slice %get3A_74 {offsets = [2], sizes = [1], strides = [1]} : vector<16xf32> to vector<1xf32>
      %squeeze3A_582 = vector.extract %slice3A_581[0] : f32 from vector<1xf32>
      %mul3A_583 = arith.mulf %gather3A_579, %gather3A_580 : vector<16xf32>
      %mul3A_584 = vector.broadcast %squeeze3A_582 : f32 to vector<16xf32>
      %mul3A_585 = arith.mulf %mul3A_583, %mul3A_584 : vector<16xf32>
      %add3A_586 = arith.addf %add3A_546, %mul3A_585 : vector<16xf32>
      %broadcast_in_dim3A_587 = arith.constant 51 : i32
      %broadcast_in_dim3A_588 = vector.broadcast %broadcast_in_dim3A_587 : i32 to vector<16xi32>
      %gather3A_589 = tpu.vector_load_idx %arg11[%add3A_66, %broadcast_in_dim3A_588] : memref<256x64xf32, #tpu.memory_space<vmem>>[vector<16xi32>, vector<16xi32>], vector<16xf32>,
      %gather3A_590 = tpu.vector_load_idx %arg12[%add3A_66, %broadcast_in_dim3A_588] : memref<256x64xf32, #tpu.memory_space<vmem>>[vector<16xi32>, vector<16xi32>], vector<16xf32>,
      %slice3A_591 = vector.extract_strided_slice %get3A_74 {offsets = [3], sizes = [1], strides = [1]} : vector<16xf32> to vector<1xf32>
      %squeeze3A_592 = vector.extract %slice3A_591[0] : f32 from vector<1xf32>
      %mul3A_593 = arith.mulf %gather3A_589, %gather3A_590 : vector<16xf32>
      %mul3A_594 = vector.broadcast %squeeze3A_592 : f32 to vector<16xf32>
      %mul3A_595 = arith.mulf %mul3A_593, %mul3A_594 : vector<16xf32>
      %add3A_596 = arith.addf %add3A_556, %mul3A_595 : vector<16xf32>
      %broadcast_in_dim3A_597 = arith.constant 52 : i32
      %broadcast_in_dim3A_598 = vector.broadcast %broadcast_in_dim3A_597 : i32 to vector<16xi32>
      %gather3A_599 = tpu.vector_load_idx %arg11[%add3A_66, %broadcast_in_dim3A_598] : memref<256x64xf32, #tpu.memory_space<vmem>>[vector<16xi32>, vector<16xi32>], vector<16xf32>,
      %gather3A_600 = tpu.vector_load_idx %arg12[%add3A_66, %broadcast_in_dim3A_598] : memref<256x64xf32, #tpu.memory_space<vmem>>[vector<16xi32>, vector<16xi32>], vector<16xf32>,
      %slice3A_601 = vector.extract_strided_slice %get3A_74 {offsets = [4], sizes = [1], strides = [1]} : vector<16xf32> to vector<1xf32>
      %squeeze3A_602 = vector.extract %slice3A_601[0] : f32 from vector<1xf32>
      %mul3A_603 = arith.mulf %gather3A_599, %gather3A_600 : vector<16xf32>
      %mul3A_604 = vector.broadcast %squeeze3A_602 : f32 to vector<16xf32>
      %mul3A_605 = arith.mulf %mul3A_603, %mul3A_604 : vector<16xf32>
      %add3A_606 = arith.addf %add3A_566, %mul3A_605 : vector<16xf32>
      %broadcast_in_dim3A_607 = arith.constant 53 : i32
      %broadcast_in_dim3A_608 = vector.broadcast %broadcast_in_dim3A_607 : i32 to vector<16xi32>
      %gather3A_609 = tpu.vector_load_idx %arg11[%add3A_66, %broadcast_in_dim3A_608] : memref<256x64xf32, #tpu.memory_space<vmem>>[vector<16xi32>, vector<16xi32>], vector<16xf32>,
      %gather3A_610 = tpu.vector_load_idx %arg12[%add3A_66, %broadcast_in_dim3A_608] : memref<256x64xf32, #tpu.memory_space<vmem>>[vector<16xi32>, vector<16xi32>], vector<16xf32>,
      %slice3A_611 = vector.extract_strided_slice %get3A_74 {offsets = [5], sizes = [1], strides = [1]} : vector<16xf32> to vector<1xf32>
      %squeeze3A_612 = vector.extract %slice3A_611[0] : f32 from vector<1xf32>
      %mul3A_613 = arith.mulf %gather3A_609, %gather3A_610 : vector<16xf32>
      %mul3A_614 = vector.broadcast %squeeze3A_612 : f32 to vector<16xf32>
      %mul3A_615 = arith.mulf %mul3A_613, %mul3A_614 : vector<16xf32>
      %add3A_616 = arith.addf %add3A_576, %mul3A_615 : vector<16xf32>
      %broadcast_in_dim3A_617 = arith.constant 54 : i32
      %broadcast_in_dim3A_618 = vector.broadcast %broadcast_in_dim3A_617 : i32 to vector<16xi32>
      %gather3A_619 = tpu.vector_load_idx %arg11[%add3A_66, %broadcast_in_dim3A_618] : memref<256x64xf32, #tpu.memory_space<vmem>>[vector<16xi32>, vector<16xi32>], vector<16xf32>,
      %gather3A_620 = tpu.vector_load_idx %arg12[%add3A_66, %broadcast_in_dim3A_618] : memref<256x64xf32, #tpu.memory_space<vmem>>[vector<16xi32>, vector<16xi32>], vector<16xf32>,
      %slice3A_621 = vector.extract_strided_slice %get3A_74 {offsets = [6], sizes = [1], strides = [1]} : vector<16xf32> to vector<1xf32>
      %squeeze3A_622 = vector.extract %slice3A_621[0] : f32 from vector<1xf32>
      %mul3A_623 = arith.mulf %gather3A_619, %gather3A_620 : vector<16xf32>
      %mul3A_624 = vector.broadcast %squeeze3A_622 : f32 to vector<16xf32>
      %mul3A_625 = arith.mulf %mul3A_623, %mul3A_624 : vector<16xf32>
      %add3A_626 = arith.addf %add3A_586, %mul3A_625 : vector<16xf32>
      %broadcast_in_dim3A_627 = arith.constant 55 : i32
      %broadcast_in_dim3A_628 = vector.broadcast %broadcast_in_dim3A_627 : i32 to vector<16xi32>
      %gather3A_629 = tpu.vector_load_idx %arg11[%add3A_66, %broadcast_in_dim3A_628] : memref<256x64xf32, #tpu.memory_space<vmem>>[vector<16xi32>, vector<16xi32>], vector<16xf32>,
      %gather3A_630 = tpu.vector_load_idx %arg12[%add3A_66, %broadcast_in_dim3A_628] : memref<256x64xf32, #tpu.memory_space<vmem>>[vector<16xi32>, vector<16xi32>], vector<16xf32>,
      %slice3A_631 = vector.extract_strided_slice %get3A_74 {offsets = [7], sizes = [1], strides = [1]} : vector<16xf32> to vector<1xf32>
      %squeeze3A_632 = vector.extract %slice3A_631[0] : f32 from vector<1xf32>
      %mul3A_633 = arith.mulf %gather3A_629, %gather3A_630 : vector<16xf32>
      %mul3A_634 = vector.broadcast %squeeze3A_632 : f32 to vector<16xf32>
      %mul3A_635 = arith.mulf %mul3A_633, %mul3A_634 : vector<16xf32>
      %add3A_636 = arith.addf %add3A_596, %mul3A_635 : vector<16xf32>
      %broadcast_in_dim3A_637 = arith.constant 56 : i32
      %broadcast_in_dim3A_638 = vector.broadcast %broadcast_in_dim3A_637 : i32 to vector<16xi32>
      %gather3A_639 = tpu.vector_load_idx %arg11[%add3A_66, %broadcast_in_dim3A_638] : memref<256x64xf32, #tpu.memory_space<vmem>>[vector<16xi32>, vector<16xi32>], vector<16xf32>,
      %gather3A_640 = tpu.vector_load_idx %arg12[%add3A_66, %broadcast_in_dim3A_638] : memref<256x64xf32, #tpu.memory_space<vmem>>[vector<16xi32>, vector<16xi32>], vector<16xf32>,
      %slice3A_641 = vector.extract_strided_slice %get3A_74 {offsets = [8], sizes = [1], strides = [1]} : vector<16xf32> to vector<1xf32>
      %squeeze3A_642 = vector.extract %slice3A_641[0] : f32 from vector<1xf32>
      %mul3A_643 = arith.mulf %gather3A_639, %gather3A_640 : vector<16xf32>
      %mul3A_644 = vector.broadcast %squeeze3A_642 : f32 to vector<16xf32>
      %mul3A_645 = arith.mulf %mul3A_643, %mul3A_644 : vector<16xf32>
      %add3A_646 = arith.addf %add3A_606, %mul3A_645 : vector<16xf32>
      %broadcast_in_dim3A_647 = arith.constant 57 : i32
      %broadcast_in_dim3A_648 = vector.broadcast %broadcast_in_dim3A_647 : i32 to vector<16xi32>
      %gather3A_649 = tpu.vector_load_idx %arg11[%add3A_66, %broadcast_in_dim3A_648] : memref<256x64xf32, #tpu.memory_space<vmem>>[vector<16xi32>, vector<16xi32>], vector<16xf32>,
      %gather3A_650 = tpu.vector_load_idx %arg12[%add3A_66, %broadcast_in_dim3A_648] : memref<256x64xf32, #tpu.memory_space<vmem>>[vector<16xi32>, vector<16xi32>], vector<16xf32>,
      %slice3A_651 = vector.extract_strided_slice %get3A_74 {offsets = [9], sizes = [1], strides = [1]} : vector<16xf32> to vector<1xf32>
      %squeeze3A_652 = vector.extract %slice3A_651[0] : f32 from vector<1xf32>
      %mul3A_653 = arith.mulf %gather3A_649, %gather3A_650 : vector<16xf32>
      %mul3A_654 = vector.broadcast %squeeze3A_652 : f32 to vector<16xf32>
      %mul3A_655 = arith.mulf %mul3A_653, %mul3A_654 : vector<16xf32>
      %add3A_656 = arith.addf %add3A_616, %mul3A_655 : vector<16xf32>
      %broadcast_in_dim3A_657 = arith.constant 58 : i32
      %broadcast_in_dim3A_658 = vector.broadcast %broadcast_in_dim3A_657 : i32 to vector<16xi32>
      %gather3A_659 = tpu.vector_load_idx %arg11[%add3A_66, %broadcast_in_dim3A_658] : memref<256x64xf32, #tpu.memory_space<vmem>>[vector<16xi32>, vector<16xi32>], vector<16xf32>,
      %gather3A_660 = tpu.vector_load_idx %arg12[%add3A_66, %broadcast_in_dim3A_658] : memref<256x64xf32, #tpu.memory_space<vmem>>[vector<16xi32>, vector<16xi32>], vector<16xf32>,
      %slice3A_661 = vector.extract_strided_slice %get3A_74 {offsets = [10], sizes = [1], strides = [1]} : vector<16xf32> to vector<1xf32>
      %squeeze3A_662 = vector.extract %slice3A_661[0] : f32 from vector<1xf32>
      %mul3A_663 = arith.mulf %gather3A_659, %gather3A_660 : vector<16xf32>
      %mul3A_664 = vector.broadcast %squeeze3A_662 : f32 to vector<16xf32>
      %mul3A_665 = arith.mulf %mul3A_663, %mul3A_664 : vector<16xf32>
      %add3A_666 = arith.addf %add3A_626, %mul3A_665 : vector<16xf32>
      %broadcast_in_dim3A_667 = arith.constant 59 : i32
      %broadcast_in_dim3A_668 = vector.broadcast %broadcast_in_dim3A_667 : i32 to vector<16xi32>
      %gather3A_669 = tpu.vector_load_idx %arg11[%add3A_66, %broadcast_in_dim3A_668] : memref<256x64xf32, #tpu.memory_space<vmem>>[vector<16xi32>, vector<16xi32>], vector<16xf32>,
      %gather3A_670 = tpu.vector_load_idx %arg12[%add3A_66, %broadcast_in_dim3A_668] : memref<256x64xf32, #tpu.memory_space<vmem>>[vector<16xi32>, vector<16xi32>], vector<16xf32>,
      %slice3A_671 = vector.extract_strided_slice %get3A_74 {offsets = [11], sizes = [1], strides = [1]} : vector<16xf32> to vector<1xf32>
      %squeeze3A_672 = vector.extract %slice3A_671[0] : f32 from vector<1xf32>
      %mul3A_673 = arith.mulf %gather3A_669, %gather3A_670 : vector<16xf32>
      %mul3A_674 = vector.broadcast %squeeze3A_672 : f32 to vector<16xf32>
      %mul3A_675 = arith.mulf %mul3A_673, %mul3A_674 : vector<16xf32>
      %add3A_676 = arith.addf %add3A_636, %mul3A_675 : vector<16xf32>
      %broadcast_in_dim3A_677 = arith.constant 60 : i32
      %broadcast_in_dim3A_678 = vector.broadcast %broadcast_in_dim3A_677 : i32 to vector<16xi32>
      %gather3A_679 = tpu.vector_load_idx %arg11[%add3A_66, %broadcast_in_dim3A_678] : memref<256x64xf32, #tpu.memory_space<vmem>>[vector<16xi32>, vector<16xi32>], vector<16xf32>,
      %gather3A_680 = tpu.vector_load_idx %arg12[%add3A_66, %broadcast_in_dim3A_678] : memref<256x64xf32, #tpu.memory_space<vmem>>[vector<16xi32>, vector<16xi32>], vector<16xf32>,
      %slice3A_681 = vector.extract_strided_slice %get3A_74 {offsets = [12], sizes = [1], strides = [1]} : vector<16xf32> to vector<1xf32>
      %squeeze3A_682 = vector.extract %slice3A_681[0] : f32 from vector<1xf32>
      %mul3A_683 = arith.mulf %gather3A_679, %gather3A_680 : vector<16xf32>
      %mul3A_684 = vector.broadcast %squeeze3A_682 : f32 to vector<16xf32>
      %mul3A_685 = arith.mulf %mul3A_683, %mul3A_684 : vector<16xf32>
      %add3A_686 = arith.addf %add3A_646, %mul3A_685 : vector<16xf32>
      %broadcast_in_dim3A_687 = arith.constant 61 : i32
      %broadcast_in_dim3A_688 = vector.broadcast %broadcast_in_dim3A_687 : i32 to vector<16xi32>
      %gather3A_689 = tpu.vector_load_idx %arg11[%add3A_66, %broadcast_in_dim3A_688] : memref<256x64xf32, #tpu.memory_space<vmem>>[vector<16xi32>, vector<16xi32>], vector<16xf32>,
      %gather3A_690 = tpu.vector_load_idx %arg12[%add3A_66, %broadcast_in_dim3A_688] : memref<256x64xf32, #tpu.memory_space<vmem>>[vector<16xi32>, vector<16xi32>], vector<16xf32>,
      %slice3A_691 = vector.extract_strided_slice %get3A_74 {offsets = [13], sizes = [1], strides = [1]} : vector<16xf32> to vector<1xf32>
      %squeeze3A_692 = vector.extract %slice3A_691[0] : f32 from vector<1xf32>
      %mul3A_693 = arith.mulf %gather3A_689, %gather3A_690 : vector<16xf32>
      %mul3A_694 = vector.broadcast %squeeze3A_692 : f32 to vector<16xf32>
      %mul3A_695 = arith.mulf %mul3A_693, %mul3A_694 : vector<16xf32>
      %add3A_696 = arith.addf %add3A_656, %mul3A_695 : vector<16xf32>
      %broadcast_in_dim3A_697 = arith.constant 62 : i32
      %broadcast_in_dim3A_698 = vector.broadcast %broadcast_in_dim3A_697 : i32 to vector<16xi32>
      %gather3A_699 = tpu.vector_load_idx %arg11[%add3A_66, %broadcast_in_dim3A_698] : memref<256x64xf32, #tpu.memory_space<vmem>>[vector<16xi32>, vector<16xi32>], vector<16xf32>,
      %gather3A_700 = tpu.vector_load_idx %arg12[%add3A_66, %broadcast_in_dim3A_698] : memref<256x64xf32, #tpu.memory_space<vmem>>[vector<16xi32>, vector<16xi32>], vector<16xf32>,
      %slice3A_701 = vector.extract_strided_slice %get3A_74 {offsets = [14], sizes = [1], strides = [1]} : vector<16xf32> to vector<1xf32>
      %squeeze3A_702 = vector.extract %slice3A_701[0] : f32 from vector<1xf32>
      %mul3A_703 = arith.mulf %gather3A_699, %gather3A_700 : vector<16xf32>
      %mul3A_704 = vector.broadcast %squeeze3A_702 : f32 to vector<16xf32>
      %mul3A_705 = arith.mulf %mul3A_703, %mul3A_704 : vector<16xf32>
      %add3A_706 = arith.addf %add3A_666, %mul3A_705 : vector<16xf32>
      %broadcast_in_dim3A_707 = arith.constant 63 : i32
      %broadcast_in_dim3A_708 = vector.broadcast %broadcast_in_dim3A_707 : i32 to vector<16xi32>
      %gather3A_709 = tpu.vector_load_idx %arg11[%add3A_66, %broadcast_in_dim3A_708] : memref<256x64xf32, #tpu.memory_space<vmem>>[vector<16xi32>, vector<16xi32>], vector<16xf32>,
      %gather3A_710 = tpu.vector_load_idx %arg12[%add3A_66, %broadcast_in_dim3A_708] : memref<256x64xf32, #tpu.memory_space<vmem>>[vector<16xi32>, vector<16xi32>], vector<16xf32>,
      %slice3A_711 = vector.extract_strided_slice %get3A_74 {offsets = [15], sizes = [1], strides = [1]} : vector<16xf32> to vector<1xf32>
      %squeeze3A_712 = vector.extract %slice3A_711[0] : f32 from vector<1xf32>
      %mul3A_713 = arith.mulf %gather3A_709, %gather3A_710 : vector<16xf32>
      %mul3A_714 = vector.broadcast %squeeze3A_712 : f32 to vector<16xf32>
      %mul3A_715 = arith.mulf %mul3A_713, %mul3A_714 : vector<16xf32>
      %add3A_716 = arith.addf %add3A_676, %mul3A_715 : vector<16xf32>
      %add3A_717 = arith.addf %add3A_686, %add3A_696 : vector<16xf32>
      %add3A_718 = arith.addf %add3A_706, %add3A_716 : vector<16xf32>
      %add3A_719 = arith.addf %add3A_717, %add3A_718 : vector<16xf32>
      %mul3A_720 = arith.constant 16 : i32
      %mul3A_721 = arith.muli %scan3A_38, %mul3A_720 : i32
      %add3A_722 = arith.constant 0 : i32
      %add3A_723 = arith.addi %add3A_722, %mul3A_721 : i32
      %swap3A = arith.index_cast %add3A_723 : i32 to index
      %swap3A_724 = tpu.vector_load %arg15[%swap3A] {strides = array<i32>} : memref<512xf32, #tpu.memory_space<vmem>>, vector<16xf32>,
      tpu.vector_store %arg15[%swap3A], %add3A_719 {strides = array<i32>} : memref<512xf32, #tpu.memory_space<vmem>>, vector<16xf32>,
      %scan3A_725 = arith.constant 0 : i32
      scf.yield %scan3A_725 : i32
    }
    %scan3A_23 = arith.constant 16 : i32
    %scan3A_24 = arith.constant 0 : i32
    %scan3A_25 = arith.constant 0 : i32
    %scan3A_26 = arith.constant 16 : i32
    %scan3A_27 = arith.addi %scan3A_25, %scan3A_26 : i32
    %scan3A_28 = arith.constant 1 : i32
    %scan3A_29 = scf.for %scan3A_38 = %scan3A_25 to %scan3A_27 step %scan3A_28 iter_args(%scan3A_39 = %scan3A_24) -> (i32)  : i32 {
      %mul3A_40 = arith.constant 16 : i32
      %mul3A_41 = arith.muli %scan3A_38, %mul3A_40 : i32
      %add3A_42 = arith.constant 0 : i32
      %add3A_43 = arith.addi %mul3A_41, %add3A_42 : i32
      %add3A_44 = arith.constant 256 : i32
      %add3A_45 = arith.addi %add3A_44, %add3A_43 : i32
      %get3A_46 = arith.index_cast %add3A_45 : i32 to index
      %get3A_47 = memref.load %arg16[%get3A_46] : memref<512xi32, #tpu.memory_space<smem>>
      %dma_start3A = arith.constant 0 : i32
      %dma_start3A_48 = tpu.memref_slice %arg11[%add3A_43, %dma_start3A] : memref<256x64xf32, #tpu.memory_space<vmem>> -> memref<1x64xf32, #tpu.memory_space<vmem>>
      %dma_start3A_49 = arith.constant 0 : i32
      %dma_start3A_50 = tpu.memref_slice %arg4[%get3A_47, %dma_start3A_49] : memref<1000000x64xf32, #tpu.memory_space<hbm>> -> memref<1x64xf32, #tpu.memory_space<hbm>>
      %dma_start3A_51 = arith.constant 0 : i32
      %dma_start3A_52 = tpu.memref_slice %arg11[%add3A_43, %dma_start3A_51] : memref<256x64xf32, #tpu.memory_space<vmem>> -> memref<1x64xf32, #tpu.memory_space<vmem>>
      %dma_start3A_53 = arith.constant 0 : i32
      %dma_start3A_54 = tpu.memref_slice %arg4[%get3A_47, %dma_start3A_53] : memref<1000000x64xf32, #tpu.memory_space<hbm>> -> memref<1x64xf32, #tpu.memory_space<hbm>>
      tpu.enqueue_dma source(%dma_start3A_54 : memref<1x64xf32, #tpu.memory_space<hbm>>) target(%dma_start3A_52 : memref<1x64xf32, #tpu.memory_space<vmem>>) target_semaphore(%arg18 : memref<!tpu.dma_semaphore, #tpu.memory_space<semaphore_mem>>)
      %add3A_55 = arith.constant 256 : i32
      %add3A_56 = arith.addi %add3A_55, %add3A_43 : i32
      %get3A_57 = arith.index_cast %add3A_56 : i32 to index
      %get3A_58 = memref.load %arg17[%get3A_57] : memref<512xi32, #tpu.memory_space<smem>>
      %dma_start3A_59 = arith.constant 0 : i32
      %dma_start3A_60 = tpu.memref_slice %arg12[%add3A_43, %dma_start3A_59] : memref<256x64xf32, #tpu.memory_space<vmem>> -> memref<1x64xf32, #tpu.memory_space<vmem>>
      %dma_start3A_61 = arith.constant 0 : i32
      %dma_start3A_62 = tpu.memref_slice %arg5[%get3A_58, %dma_start3A_61] : memref<100000x64xf32, #tpu.memory_space<hbm>> -> memref<1x64xf32, #tpu.memory_space<hbm>>
      %dma_start3A_63 = arith.constant 0 : i32
      %dma_start3A_64 = tpu.memref_slice %arg12[%add3A_43, %dma_start3A_63] : memref<256x64xf32, #tpu.memory_space<vmem>> -> memref<1x64xf32, #tpu.memory_space<vmem>>
      %dma_start3A_65 = arith.constant 0 : i32
      %dma_start3A_66 = tpu.memref_slice %arg5[%get3A_58, %dma_start3A_65] : memref<100000x64xf32, #tpu.memory_space<hbm>> -> memref<1x64xf32, #tpu.memory_space<hbm>>
      tpu.enqueue_dma source(%dma_start3A_66 : memref<1x64xf32, #tpu.memory_space<hbm>>) target(%dma_start3A_64 : memref<1x64xf32, #tpu.memory_space<vmem>>) target_semaphore(%arg18 : memref<!tpu.dma_semaphore, #tpu.memory_space<semaphore_mem>>)
      %mul3A_67 = arith.constant 16 : i32
      %mul3A_68 = arith.muli %scan3A_38, %mul3A_67 : i32
      %add3A_69 = arith.constant 1 : i32
      %add3A_70 = arith.addi %mul3A_68, %add3A_69 : i32
      %add3A_71 = arith.constant 256 : i32
      %add3A_72 = arith.addi %add3A_71, %add3A_70 : i32
      %get3A_73 = arith.index_cast %add3A_72 : i32 to index
      %get3A_74 = memref.load %arg16[%get3A_73] : memref<512xi32, #tpu.memory_space<smem>>
      %dma_start3A_75 = arith.constant 0 : i32
      %dma_start3A_76 = tpu.memref_slice %arg11[%add3A_70, %dma_start3A_75] : memref<256x64xf32, #tpu.memory_space<vmem>> -> memref<1x64xf32, #tpu.memory_space<vmem>>
      %dma_start3A_77 = arith.constant 0 : i32
      %dma_start3A_78 = tpu.memref_slice %arg4[%get3A_74, %dma_start3A_77] : memref<1000000x64xf32, #tpu.memory_space<hbm>> -> memref<1x64xf32, #tpu.memory_space<hbm>>
      %dma_start3A_79 = arith.constant 0 : i32
      %dma_start3A_80 = tpu.memref_slice %arg11[%add3A_70, %dma_start3A_79] : memref<256x64xf32, #tpu.memory_space<vmem>> -> memref<1x64xf32, #tpu.memory_space<vmem>>
      %dma_start3A_81 = arith.constant 0 : i32
      %dma_start3A_82 = tpu.memref_slice %arg4[%get3A_74, %dma_start3A_81] : memref<1000000x64xf32, #tpu.memory_space<hbm>> -> memref<1x64xf32, #tpu.memory_space<hbm>>
      tpu.enqueue_dma source(%dma_start3A_82 : memref<1x64xf32, #tpu.memory_space<hbm>>) target(%dma_start3A_80 : memref<1x64xf32, #tpu.memory_space<vmem>>) target_semaphore(%arg18 : memref<!tpu.dma_semaphore, #tpu.memory_space<semaphore_mem>>)
      %add3A_83 = arith.constant 256 : i32
      %add3A_84 = arith.addi %add3A_83, %add3A_70 : i32
      %get3A_85 = arith.index_cast %add3A_84 : i32 to index
      %get3A_86 = memref.load %arg17[%get3A_85] : memref<512xi32, #tpu.memory_space<smem>>
      %dma_start3A_87 = arith.constant 0 : i32
      %dma_start3A_88 = tpu.memref_slice %arg12[%add3A_70, %dma_start3A_87] : memref<256x64xf32, #tpu.memory_space<vmem>> -> memref<1x64xf32, #tpu.memory_space<vmem>>
      %dma_start3A_89 = arith.constant 0 : i32
      %dma_start3A_90 = tpu.memref_slice %arg5[%get3A_86, %dma_start3A_89] : memref<100000x64xf32, #tpu.memory_space<hbm>> -> memref<1x64xf32, #tpu.memory_space<hbm>>
      %dma_start3A_91 = arith.constant 0 : i32
      %dma_start3A_92 = tpu.memref_slice %arg12[%add3A_70, %dma_start3A_91] : memref<256x64xf32, #tpu.memory_space<vmem>> -> memref<1x64xf32, #tpu.memory_space<vmem>>
      %dma_start3A_93 = arith.constant 0 : i32
      %dma_start3A_94 = tpu.memref_slice %arg5[%get3A_86, %dma_start3A_93] : memref<100000x64xf32, #tpu.memory_space<hbm>> -> memref<1x64xf32, #tpu.memory_space<hbm>>
      tpu.enqueue_dma source(%dma_start3A_94 : memref<1x64xf32, #tpu.memory_space<hbm>>) target(%dma_start3A_92 : memref<1x64xf32, #tpu.memory_space<vmem>>) target_semaphore(%arg18 : memref<!tpu.dma_semaphore, #tpu.memory_space<semaphore_mem>>)
      %mul3A_95 = arith.constant 16 : i32
      %mul3A_96 = arith.muli %scan3A_38, %mul3A_95 : i32
      %add3A_97 = arith.constant 2 : i32
      %add3A_98 = arith.addi %mul3A_96, %add3A_97 : i32
      %add3A_99 = arith.constant 256 : i32
      %add3A_100 = arith.addi %add3A_99, %add3A_98 : i32
      %get3A_101 = arith.index_cast %add3A_100 : i32 to index
      %get3A_102 = memref.load %arg16[%get3A_101] : memref<512xi32, #tpu.memory_space<smem>>
      %dma_start3A_103 = arith.constant 0 : i32
      %dma_start3A_104 = tpu.memref_slice %arg11[%add3A_98, %dma_start3A_103] : memref<256x64xf32, #tpu.memory_space<vmem>> -> memref<1x64xf32, #tpu.memory_space<vmem>>
      %dma_start3A_105 = arith.constant 0 : i32
      %dma_start3A_106 = tpu.memref_slice %arg4[%get3A_102, %dma_start3A_105] : memref<1000000x64xf32, #tpu.memory_space<hbm>> -> memref<1x64xf32, #tpu.memory_space<hbm>>
      %dma_start3A_107 = arith.constant 0 : i32
      %dma_start3A_108 = tpu.memref_slice %arg11[%add3A_98, %dma_start3A_107] : memref<256x64xf32, #tpu.memory_space<vmem>> -> memref<1x64xf32, #tpu.memory_space<vmem>>
      %dma_start3A_109 = arith.constant 0 : i32
      %dma_start3A_110 = tpu.memref_slice %arg4[%get3A_102, %dma_start3A_109] : memref<1000000x64xf32, #tpu.memory_space<hbm>> -> memref<1x64xf32, #tpu.memory_space<hbm>>
      tpu.enqueue_dma source(%dma_start3A_110 : memref<1x64xf32, #tpu.memory_space<hbm>>) target(%dma_start3A_108 : memref<1x64xf32, #tpu.memory_space<vmem>>) target_semaphore(%arg18 : memref<!tpu.dma_semaphore, #tpu.memory_space<semaphore_mem>>)
      %add3A_111 = arith.constant 256 : i32
      %add3A_112 = arith.addi %add3A_111, %add3A_98 : i32
      %get3A_113 = arith.index_cast %add3A_112 : i32 to index
      %get3A_114 = memref.load %arg17[%get3A_113] : memref<512xi32, #tpu.memory_space<smem>>
      %dma_start3A_115 = arith.constant 0 : i32
      %dma_start3A_116 = tpu.memref_slice %arg12[%add3A_98, %dma_start3A_115] : memref<256x64xf32, #tpu.memory_space<vmem>> -> memref<1x64xf32, #tpu.memory_space<vmem>>
      %dma_start3A_117 = arith.constant 0 : i32
      %dma_start3A_118 = tpu.memref_slice %arg5[%get3A_114, %dma_start3A_117] : memref<100000x64xf32, #tpu.memory_space<hbm>> -> memref<1x64xf32, #tpu.memory_space<hbm>>
      %dma_start3A_119 = arith.constant 0 : i32
      %dma_start3A_120 = tpu.memref_slice %arg12[%add3A_98, %dma_start3A_119] : memref<256x64xf32, #tpu.memory_space<vmem>> -> memref<1x64xf32, #tpu.memory_space<vmem>>
      %dma_start3A_121 = arith.constant 0 : i32
      %dma_start3A_122 = tpu.memref_slice %arg5[%get3A_114, %dma_start3A_121] : memref<100000x64xf32, #tpu.memory_space<hbm>> -> memref<1x64xf32, #tpu.memory_space<hbm>>
      tpu.enqueue_dma source(%dma_start3A_122 : memref<1x64xf32, #tpu.memory_space<hbm>>) target(%dma_start3A_120 : memref<1x64xf32, #tpu.memory_space<vmem>>) target_semaphore(%arg18 : memref<!tpu.dma_semaphore, #tpu.memory_space<semaphore_mem>>)
      %mul3A_123 = arith.constant 16 : i32
      %mul3A_124 = arith.muli %scan3A_38, %mul3A_123 : i32
      %add3A_125 = arith.constant 3 : i32
      %add3A_126 = arith.addi %mul3A_124, %add3A_125 : i32
      %add3A_127 = arith.constant 256 : i32
      %add3A_128 = arith.addi %add3A_127, %add3A_126 : i32
      %get3A_129 = arith.index_cast %add3A_128 : i32 to index
      %get3A_130 = memref.load %arg16[%get3A_129] : memref<512xi32, #tpu.memory_space<smem>>
      %dma_start3A_131 = arith.constant 0 : i32
      %dma_start3A_132 = tpu.memref_slice %arg11[%add3A_126, %dma_start3A_131] : memref<256x64xf32, #tpu.memory_space<vmem>> -> memref<1x64xf32, #tpu.memory_space<vmem>>
      %dma_start3A_133 = arith.constant 0 : i32
      %dma_start3A_134 = tpu.memref_slice %arg4[%get3A_130, %dma_start3A_133] : memref<1000000x64xf32, #tpu.memory_space<hbm>> -> memref<1x64xf32, #tpu.memory_space<hbm>>
      %dma_start3A_135 = arith.constant 0 : i32
      %dma_start3A_136 = tpu.memref_slice %arg11[%add3A_126, %dma_start3A_135] : memref<256x64xf32, #tpu.memory_space<vmem>> -> memref<1x64xf32, #tpu.memory_space<vmem>>
      %dma_start3A_137 = arith.constant 0 : i32
      %dma_start3A_138 = tpu.memref_slice %arg4[%get3A_130, %dma_start3A_137] : memref<1000000x64xf32, #tpu.memory_space<hbm>> -> memref<1x64xf32, #tpu.memory_space<hbm>>
      tpu.enqueue_dma source(%dma_start3A_138 : memref<1x64xf32, #tpu.memory_space<hbm>>) target(%dma_start3A_136 : memref<1x64xf32, #tpu.memory_space<vmem>>) target_semaphore(%arg18 : memref<!tpu.dma_semaphore, #tpu.memory_space<semaphore_mem>>)
      %add3A_139 = arith.constant 256 : i32
      %add3A_140 = arith.addi %add3A_139, %add3A_126 : i32
      %get3A_141 = arith.index_cast %add3A_140 : i32 to index
      %get3A_142 = memref.load %arg17[%get3A_141] : memref<512xi32, #tpu.memory_space<smem>>
      %dma_start3A_143 = arith.constant 0 : i32
      %dma_start3A_144 = tpu.memref_slice %arg12[%add3A_126, %dma_start3A_143] : memref<256x64xf32, #tpu.memory_space<vmem>> -> memref<1x64xf32, #tpu.memory_space<vmem>>
      %dma_start3A_145 = arith.constant 0 : i32
      %dma_start3A_146 = tpu.memref_slice %arg5[%get3A_142, %dma_start3A_145] : memref<100000x64xf32, #tpu.memory_space<hbm>> -> memref<1x64xf32, #tpu.memory_space<hbm>>
      %dma_start3A_147 = arith.constant 0 : i32
      %dma_start3A_148 = tpu.memref_slice %arg12[%add3A_126, %dma_start3A_147] : memref<256x64xf32, #tpu.memory_space<vmem>> -> memref<1x64xf32, #tpu.memory_space<vmem>>
      %dma_start3A_149 = arith.constant 0 : i32
      %dma_start3A_150 = tpu.memref_slice %arg5[%get3A_142, %dma_start3A_149] : memref<100000x64xf32, #tpu.memory_space<hbm>> -> memref<1x64xf32, #tpu.memory_space<hbm>>
      tpu.enqueue_dma source(%dma_start3A_150 : memref<1x64xf32, #tpu.memory_space<hbm>>) target(%dma_start3A_148 : memref<1x64xf32, #tpu.memory_space<vmem>>) target_semaphore(%arg18 : memref<!tpu.dma_semaphore, #tpu.memory_space<semaphore_mem>>)
      %mul3A_151 = arith.constant 16 : i32
      %mul3A_152 = arith.muli %scan3A_38, %mul3A_151 : i32
      %add3A_153 = arith.constant 4 : i32
      %add3A_154 = arith.addi %mul3A_152, %add3A_153 : i32
      %add3A_155 = arith.constant 256 : i32
      %add3A_156 = arith.addi %add3A_155, %add3A_154 : i32
      %get3A_157 = arith.index_cast %add3A_156 : i32 to index
      %get3A_158 = memref.load %arg16[%get3A_157] : memref<512xi32, #tpu.memory_space<smem>>
      %dma_start3A_159 = arith.constant 0 : i32
      %dma_start3A_160 = tpu.memref_slice %arg11[%add3A_154, %dma_start3A_159] : memref<256x64xf32, #tpu.memory_space<vmem>> -> memref<1x64xf32, #tpu.memory_space<vmem>>
      %dma_start3A_161 = arith.constant 0 : i32
      %dma_start3A_162 = tpu.memref_slice %arg4[%get3A_158, %dma_start3A_161] : memref<1000000x64xf32, #tpu.memory_space<hbm>> -> memref<1x64xf32, #tpu.memory_space<hbm>>
      %dma_start3A_163 = arith.constant 0 : i32
      %dma_start3A_164 = tpu.memref_slice %arg11[%add3A_154, %dma_start3A_163] : memref<256x64xf32, #tpu.memory_space<vmem>> -> memref<1x64xf32, #tpu.memory_space<vmem>>
      %dma_start3A_165 = arith.constant 0 : i32
      %dma_start3A_166 = tpu.memref_slice %arg4[%get3A_158, %dma_start3A_165] : memref<1000000x64xf32, #tpu.memory_space<hbm>> -> memref<1x64xf32, #tpu.memory_space<hbm>>
      tpu.enqueue_dma source(%dma_start3A_166 : memref<1x64xf32, #tpu.memory_space<hbm>>) target(%dma_start3A_164 : memref<1x64xf32, #tpu.memory_space<vmem>>) target_semaphore(%arg18 : memref<!tpu.dma_semaphore, #tpu.memory_space<semaphore_mem>>)
      %add3A_167 = arith.constant 256 : i32
      %add3A_168 = arith.addi %add3A_167, %add3A_154 : i32
      %get3A_169 = arith.index_cast %add3A_168 : i32 to index
      %get3A_170 = memref.load %arg17[%get3A_169] : memref<512xi32, #tpu.memory_space<smem>>
      %dma_start3A_171 = arith.constant 0 : i32
      %dma_start3A_172 = tpu.memref_slice %arg12[%add3A_154, %dma_start3A_171] : memref<256x64xf32, #tpu.memory_space<vmem>> -> memref<1x64xf32, #tpu.memory_space<vmem>>
      %dma_start3A_173 = arith.constant 0 : i32
      %dma_start3A_174 = tpu.memref_slice %arg5[%get3A_170, %dma_start3A_173] : memref<100000x64xf32, #tpu.memory_space<hbm>> -> memref<1x64xf32, #tpu.memory_space<hbm>>
      %dma_start3A_175 = arith.constant 0 : i32
      %dma_start3A_176 = tpu.memref_slice %arg12[%add3A_154, %dma_start3A_175] : memref<256x64xf32, #tpu.memory_space<vmem>> -> memref<1x64xf32, #tpu.memory_space<vmem>>
      %dma_start3A_177 = arith.constant 0 : i32
      %dma_start3A_178 = tpu.memref_slice %arg5[%get3A_170, %dma_start3A_177] : memref<100000x64xf32, #tpu.memory_space<hbm>> -> memref<1x64xf32, #tpu.memory_space<hbm>>
      tpu.enqueue_dma source(%dma_start3A_178 : memref<1x64xf32, #tpu.memory_space<hbm>>) target(%dma_start3A_176 : memref<1x64xf32, #tpu.memory_space<vmem>>) target_semaphore(%arg18 : memref<!tpu.dma_semaphore, #tpu.memory_space<semaphore_mem>>)
      %mul3A_179 = arith.constant 16 : i32
      %mul3A_180 = arith.muli %scan3A_38, %mul3A_179 : i32
      %add3A_181 = arith.constant 5 : i32
      %add3A_182 = arith.addi %mul3A_180, %add3A_181 : i32
      %add3A_183 = arith.constant 256 : i32
      %add3A_184 = arith.addi %add3A_183, %add3A_182 : i32
      %get3A_185 = arith.index_cast %add3A_184 : i32 to index
      %get3A_186 = memref.load %arg16[%get3A_185] : memref<512xi32, #tpu.memory_space<smem>>
      %dma_start3A_187 = arith.constant 0 : i32
      %dma_start3A_188 = tpu.memref_slice %arg11[%add3A_182, %dma_start3A_187] : memref<256x64xf32, #tpu.memory_space<vmem>> -> memref<1x64xf32, #tpu.memory_space<vmem>>
      %dma_start3A_189 = arith.constant 0 : i32
      %dma_start3A_190 = tpu.memref_slice %arg4[%get3A_186, %dma_start3A_189] : memref<1000000x64xf32, #tpu.memory_space<hbm>> -> memref<1x64xf32, #tpu.memory_space<hbm>>
      %dma_start3A_191 = arith.constant 0 : i32
      %dma_start3A_192 = tpu.memref_slice %arg11[%add3A_182, %dma_start3A_191] : memref<256x64xf32, #tpu.memory_space<vmem>> -> memref<1x64xf32, #tpu.memory_space<vmem>>
      %dma_start3A_193 = arith.constant 0 : i32
      %dma_start3A_194 = tpu.memref_slice %arg4[%get3A_186, %dma_start3A_193] : memref<1000000x64xf32, #tpu.memory_space<hbm>> -> memref<1x64xf32, #tpu.memory_space<hbm>>
      tpu.enqueue_dma source(%dma_start3A_194 : memref<1x64xf32, #tpu.memory_space<hbm>>) target(%dma_start3A_192 : memref<1x64xf32, #tpu.memory_space<vmem>>) target_semaphore(%arg18 : memref<!tpu.dma_semaphore, #tpu.memory_space<semaphore_mem>>)
      %add3A_195 = arith.constant 256 : i32
      %add3A_196 = arith.addi %add3A_195, %add3A_182 : i32
      %get3A_197 = arith.index_cast %add3A_196 : i32 to index
      %get3A_198 = memref.load %arg17[%get3A_197] : memref<512xi32, #tpu.memory_space<smem>>
      %dma_start3A_199 = arith.constant 0 : i32
      %dma_start3A_200 = tpu.memref_slice %arg12[%add3A_182, %dma_start3A_199] : memref<256x64xf32, #tpu.memory_space<vmem>> -> memref<1x64xf32, #tpu.memory_space<vmem>>
      %dma_start3A_201 = arith.constant 0 : i32
      %dma_start3A_202 = tpu.memref_slice %arg5[%get3A_198, %dma_start3A_201] : memref<100000x64xf32, #tpu.memory_space<hbm>> -> memref<1x64xf32, #tpu.memory_space<hbm>>
      %dma_start3A_203 = arith.constant 0 : i32
      %dma_start3A_204 = tpu.memref_slice %arg12[%add3A_182, %dma_start3A_203] : memref<256x64xf32, #tpu.memory_space<vmem>> -> memref<1x64xf32, #tpu.memory_space<vmem>>
      %dma_start3A_205 = arith.constant 0 : i32
      %dma_start3A_206 = tpu.memref_slice %arg5[%get3A_198, %dma_start3A_205] : memref<100000x64xf32, #tpu.memory_space<hbm>> -> memref<1x64xf32, #tpu.memory_space<hbm>>
      tpu.enqueue_dma source(%dma_start3A_206 : memref<1x64xf32, #tpu.memory_space<hbm>>) target(%dma_start3A_204 : memref<1x64xf32, #tpu.memory_space<vmem>>) target_semaphore(%arg18 : memref<!tpu.dma_semaphore, #tpu.memory_space<semaphore_mem>>)
      %mul3A_207 = arith.constant 16 : i32
      %mul3A_208 = arith.muli %scan3A_38, %mul3A_207 : i32
      %add3A_209 = arith.constant 6 : i32
      %add3A_210 = arith.addi %mul3A_208, %add3A_209 : i32
      %add3A_211 = arith.constant 256 : i32
      %add3A_212 = arith.addi %add3A_211, %add3A_210 : i32
      %get3A_213 = arith.index_cast %add3A_212 : i32 to index
      %get3A_214 = memref.load %arg16[%get3A_213] : memref<512xi32, #tpu.memory_space<smem>>
      %dma_start3A_215 = arith.constant 0 : i32
      %dma_start3A_216 = tpu.memref_slice %arg11[%add3A_210, %dma_start3A_215] : memref<256x64xf32, #tpu.memory_space<vmem>> -> memref<1x64xf32, #tpu.memory_space<vmem>>
      %dma_start3A_217 = arith.constant 0 : i32
      %dma_start3A_218 = tpu.memref_slice %arg4[%get3A_214, %dma_start3A_217] : memref<1000000x64xf32, #tpu.memory_space<hbm>> -> memref<1x64xf32, #tpu.memory_space<hbm>>
      %dma_start3A_219 = arith.constant 0 : i32
      %dma_start3A_220 = tpu.memref_slice %arg11[%add3A_210, %dma_start3A_219] : memref<256x64xf32, #tpu.memory_space<vmem>> -> memref<1x64xf32, #tpu.memory_space<vmem>>
      %dma_start3A_221 = arith.constant 0 : i32
      %dma_start3A_222 = tpu.memref_slice %arg4[%get3A_214, %dma_start3A_221] : memref<1000000x64xf32, #tpu.memory_space<hbm>> -> memref<1x64xf32, #tpu.memory_space<hbm>>
      tpu.enqueue_dma source(%dma_start3A_222 : memref<1x64xf32, #tpu.memory_space<hbm>>) target(%dma_start3A_220 : memref<1x64xf32, #tpu.memory_space<vmem>>) target_semaphore(%arg18 : memref<!tpu.dma_semaphore, #tpu.memory_space<semaphore_mem>>)
      %add3A_223 = arith.constant 256 : i32
      %add3A_224 = arith.addi %add3A_223, %add3A_210 : i32
      %get3A_225 = arith.index_cast %add3A_224 : i32 to index
      %get3A_226 = memref.load %arg17[%get3A_225] : memref<512xi32, #tpu.memory_space<smem>>
      %dma_start3A_227 = arith.constant 0 : i32
      %dma_start3A_228 = tpu.memref_slice %arg12[%add3A_210, %dma_start3A_227] : memref<256x64xf32, #tpu.memory_space<vmem>> -> memref<1x64xf32, #tpu.memory_space<vmem>>
      %dma_start3A_229 = arith.constant 0 : i32
      %dma_start3A_230 = tpu.memref_slice %arg5[%get3A_226, %dma_start3A_229] : memref<100000x64xf32, #tpu.memory_space<hbm>> -> memref<1x64xf32, #tpu.memory_space<hbm>>
      %dma_start3A_231 = arith.constant 0 : i32
      %dma_start3A_232 = tpu.memref_slice %arg12[%add3A_210, %dma_start3A_231] : memref<256x64xf32, #tpu.memory_space<vmem>> -> memref<1x64xf32, #tpu.memory_space<vmem>>
      %dma_start3A_233 = arith.constant 0 : i32
      %dma_start3A_234 = tpu.memref_slice %arg5[%get3A_226, %dma_start3A_233] : memref<100000x64xf32, #tpu.memory_space<hbm>> -> memref<1x64xf32, #tpu.memory_space<hbm>>
      tpu.enqueue_dma source(%dma_start3A_234 : memref<1x64xf32, #tpu.memory_space<hbm>>) target(%dma_start3A_232 : memref<1x64xf32, #tpu.memory_space<vmem>>) target_semaphore(%arg18 : memref<!tpu.dma_semaphore, #tpu.memory_space<semaphore_mem>>)
      %mul3A_235 = arith.constant 16 : i32
      %mul3A_236 = arith.muli %scan3A_38, %mul3A_235 : i32
      %add3A_237 = arith.constant 7 : i32
      %add3A_238 = arith.addi %mul3A_236, %add3A_237 : i32
      %add3A_239 = arith.constant 256 : i32
      %add3A_240 = arith.addi %add3A_239, %add3A_238 : i32
      %get3A_241 = arith.index_cast %add3A_240 : i32 to index
      %get3A_242 = memref.load %arg16[%get3A_241] : memref<512xi32, #tpu.memory_space<smem>>
      %dma_start3A_243 = arith.constant 0 : i32
      %dma_start3A_244 = tpu.memref_slice %arg11[%add3A_238, %dma_start3A_243] : memref<256x64xf32, #tpu.memory_space<vmem>> -> memref<1x64xf32, #tpu.memory_space<vmem>>
      %dma_start3A_245 = arith.constant 0 : i32
      %dma_start3A_246 = tpu.memref_slice %arg4[%get3A_242, %dma_start3A_245] : memref<1000000x64xf32, #tpu.memory_space<hbm>> -> memref<1x64xf32, #tpu.memory_space<hbm>>
      %dma_start3A_247 = arith.constant 0 : i32
      %dma_start3A_248 = tpu.memref_slice %arg11[%add3A_238, %dma_start3A_247] : memref<256x64xf32, #tpu.memory_space<vmem>> -> memref<1x64xf32, #tpu.memory_space<vmem>>
      %dma_start3A_249 = arith.constant 0 : i32
      %dma_start3A_250 = tpu.memref_slice %arg4[%get3A_242, %dma_start3A_249] : memref<1000000x64xf32, #tpu.memory_space<hbm>> -> memref<1x64xf32, #tpu.memory_space<hbm>>
      tpu.enqueue_dma source(%dma_start3A_250 : memref<1x64xf32, #tpu.memory_space<hbm>>) target(%dma_start3A_248 : memref<1x64xf32, #tpu.memory_space<vmem>>) target_semaphore(%arg18 : memref<!tpu.dma_semaphore, #tpu.memory_space<semaphore_mem>>)
      %add3A_251 = arith.constant 256 : i32
      %add3A_252 = arith.addi %add3A_251, %add3A_238 : i32
      %get3A_253 = arith.index_cast %add3A_252 : i32 to index
      %get3A_254 = memref.load %arg17[%get3A_253] : memref<512xi32, #tpu.memory_space<smem>>
      %dma_start3A_255 = arith.constant 0 : i32
      %dma_start3A_256 = tpu.memref_slice %arg12[%add3A_238, %dma_start3A_255] : memref<256x64xf32, #tpu.memory_space<vmem>> -> memref<1x64xf32, #tpu.memory_space<vmem>>
      %dma_start3A_257 = arith.constant 0 : i32
      %dma_start3A_258 = tpu.memref_slice %arg5[%get3A_254, %dma_start3A_257] : memref<100000x64xf32, #tpu.memory_space<hbm>> -> memref<1x64xf32, #tpu.memory_space<hbm>>
      %dma_start3A_259 = arith.constant 0 : i32
      %dma_start3A_260 = tpu.memref_slice %arg12[%add3A_238, %dma_start3A_259] : memref<256x64xf32, #tpu.memory_space<vmem>> -> memref<1x64xf32, #tpu.memory_space<vmem>>
      %dma_start3A_261 = arith.constant 0 : i32
      %dma_start3A_262 = tpu.memref_slice %arg5[%get3A_254, %dma_start3A_261] : memref<100000x64xf32, #tpu.memory_space<hbm>> -> memref<1x64xf32, #tpu.memory_space<hbm>>
      tpu.enqueue_dma source(%dma_start3A_262 : memref<1x64xf32, #tpu.memory_space<hbm>>) target(%dma_start3A_260 : memref<1x64xf32, #tpu.memory_space<vmem>>) target_semaphore(%arg18 : memref<!tpu.dma_semaphore, #tpu.memory_space<semaphore_mem>>)
      %mul3A_263 = arith.constant 16 : i32
      %mul3A_264 = arith.muli %scan3A_38, %mul3A_263 : i32
      %add3A_265 = arith.constant 8 : i32
      %add3A_266 = arith.addi %mul3A_264, %add3A_265 : i32
      %add3A_267 = arith.constant 256 : i32
      %add3A_268 = arith.addi %add3A_267, %add3A_266 : i32
      %get3A_269 = arith.index_cast %add3A_268 : i32 to index
      %get3A_270 = memref.load %arg16[%get3A_269] : memref<512xi32, #tpu.memory_space<smem>>
      %dma_start3A_271 = arith.constant 0 : i32
      %dma_start3A_272 = tpu.memref_slice %arg11[%add3A_266, %dma_start3A_271] : memref<256x64xf32, #tpu.memory_space<vmem>> -> memref<1x64xf32, #tpu.memory_space<vmem>>
      %dma_start3A_273 = arith.constant 0 : i32
      %dma_start3A_274 = tpu.memref_slice %arg4[%get3A_270, %dma_start3A_273] : memref<1000000x64xf32, #tpu.memory_space<hbm>> -> memref<1x64xf32, #tpu.memory_space<hbm>>
      %dma_start3A_275 = arith.constant 0 : i32
      %dma_start3A_276 = tpu.memref_slice %arg11[%add3A_266, %dma_start3A_275] : memref<256x64xf32, #tpu.memory_space<vmem>> -> memref<1x64xf32, #tpu.memory_space<vmem>>
      %dma_start3A_277 = arith.constant 0 : i32
      %dma_start3A_278 = tpu.memref_slice %arg4[%get3A_270, %dma_start3A_277] : memref<1000000x64xf32, #tpu.memory_space<hbm>> -> memref<1x64xf32, #tpu.memory_space<hbm>>
      tpu.enqueue_dma source(%dma_start3A_278 : memref<1x64xf32, #tpu.memory_space<hbm>>) target(%dma_start3A_276 : memref<1x64xf32, #tpu.memory_space<vmem>>) target_semaphore(%arg18 : memref<!tpu.dma_semaphore, #tpu.memory_space<semaphore_mem>>)
      %add3A_279 = arith.constant 256 : i32
      %add3A_280 = arith.addi %add3A_279, %add3A_266 : i32
      %get3A_281 = arith.index_cast %add3A_280 : i32 to index
      %get3A_282 = memref.load %arg17[%get3A_281] : memref<512xi32, #tpu.memory_space<smem>>
      %dma_start3A_283 = arith.constant 0 : i32
      %dma_start3A_284 = tpu.memref_slice %arg12[%add3A_266, %dma_start3A_283] : memref<256x64xf32, #tpu.memory_space<vmem>> -> memref<1x64xf32, #tpu.memory_space<vmem>>
      %dma_start3A_285 = arith.constant 0 : i32
      %dma_start3A_286 = tpu.memref_slice %arg5[%get3A_282, %dma_start3A_285] : memref<100000x64xf32, #tpu.memory_space<hbm>> -> memref<1x64xf32, #tpu.memory_space<hbm>>
      %dma_start3A_287 = arith.constant 0 : i32
      %dma_start3A_288 = tpu.memref_slice %arg12[%add3A_266, %dma_start3A_287] : memref<256x64xf32, #tpu.memory_space<vmem>> -> memref<1x64xf32, #tpu.memory_space<vmem>>
      %dma_start3A_289 = arith.constant 0 : i32
      %dma_start3A_290 = tpu.memref_slice %arg5[%get3A_282, %dma_start3A_289] : memref<100000x64xf32, #tpu.memory_space<hbm>> -> memref<1x64xf32, #tpu.memory_space<hbm>>
      tpu.enqueue_dma source(%dma_start3A_290 : memref<1x64xf32, #tpu.memory_space<hbm>>) target(%dma_start3A_288 : memref<1x64xf32, #tpu.memory_space<vmem>>) target_semaphore(%arg18 : memref<!tpu.dma_semaphore, #tpu.memory_space<semaphore_mem>>)
      %mul3A_291 = arith.constant 16 : i32
      %mul3A_292 = arith.muli %scan3A_38, %mul3A_291 : i32
      %add3A_293 = arith.constant 9 : i32
      %add3A_294 = arith.addi %mul3A_292, %add3A_293 : i32
      %add3A_295 = arith.constant 256 : i32
      %add3A_296 = arith.addi %add3A_295, %add3A_294 : i32
      %get3A_297 = arith.index_cast %add3A_296 : i32 to index
      %get3A_298 = memref.load %arg16[%get3A_297] : memref<512xi32, #tpu.memory_space<smem>>
      %dma_start3A_299 = arith.constant 0 : i32
      %dma_start3A_300 = tpu.memref_slice %arg11[%add3A_294, %dma_start3A_299] : memref<256x64xf32, #tpu.memory_space<vmem>> -> memref<1x64xf32, #tpu.memory_space<vmem>>
      %dma_start3A_301 = arith.constant 0 : i32
      %dma_start3A_302 = tpu.memref_slice %arg4[%get3A_298, %dma_start3A_301] : memref<1000000x64xf32, #tpu.memory_space<hbm>> -> memref<1x64xf32, #tpu.memory_space<hbm>>
      %dma_start3A_303 = arith.constant 0 : i32
      %dma_start3A_304 = tpu.memref_slice %arg11[%add3A_294, %dma_start3A_303] : memref<256x64xf32, #tpu.memory_space<vmem>> -> memref<1x64xf32, #tpu.memory_space<vmem>>
      %dma_start3A_305 = arith.constant 0 : i32
      %dma_start3A_306 = tpu.memref_slice %arg4[%get3A_298, %dma_start3A_305] : memref<1000000x64xf32, #tpu.memory_space<hbm>> -> memref<1x64xf32, #tpu.memory_space<hbm>>
      tpu.enqueue_dma source(%dma_start3A_306 : memref<1x64xf32, #tpu.memory_space<hbm>>) target(%dma_start3A_304 : memref<1x64xf32, #tpu.memory_space<vmem>>) target_semaphore(%arg18 : memref<!tpu.dma_semaphore, #tpu.memory_space<semaphore_mem>>)
      %add3A_307 = arith.constant 256 : i32
      %add3A_308 = arith.addi %add3A_307, %add3A_294 : i32
      %get3A_309 = arith.index_cast %add3A_308 : i32 to index
      %get3A_310 = memref.load %arg17[%get3A_309] : memref<512xi32, #tpu.memory_space<smem>>
      %dma_start3A_311 = arith.constant 0 : i32
      %dma_start3A_312 = tpu.memref_slice %arg12[%add3A_294, %dma_start3A_311] : memref<256x64xf32, #tpu.memory_space<vmem>> -> memref<1x64xf32, #tpu.memory_space<vmem>>
      %dma_start3A_313 = arith.constant 0 : i32
      %dma_start3A_314 = tpu.memref_slice %arg5[%get3A_310, %dma_start3A_313] : memref<100000x64xf32, #tpu.memory_space<hbm>> -> memref<1x64xf32, #tpu.memory_space<hbm>>
      %dma_start3A_315 = arith.constant 0 : i32
      %dma_start3A_316 = tpu.memref_slice %arg12[%add3A_294, %dma_start3A_315] : memref<256x64xf32, #tpu.memory_space<vmem>> -> memref<1x64xf32, #tpu.memory_space<vmem>>
      %dma_start3A_317 = arith.constant 0 : i32
      %dma_start3A_318 = tpu.memref_slice %arg5[%get3A_310, %dma_start3A_317] : memref<100000x64xf32, #tpu.memory_space<hbm>> -> memref<1x64xf32, #tpu.memory_space<hbm>>
      tpu.enqueue_dma source(%dma_start3A_318 : memref<1x64xf32, #tpu.memory_space<hbm>>) target(%dma_start3A_316 : memref<1x64xf32, #tpu.memory_space<vmem>>) target_semaphore(%arg18 : memref<!tpu.dma_semaphore, #tpu.memory_space<semaphore_mem>>)
      %mul3A_319 = arith.constant 16 : i32
      %mul3A_320 = arith.muli %scan3A_38, %mul3A_319 : i32
      %add3A_321 = arith.constant 10 : i32
      %add3A_322 = arith.addi %mul3A_320, %add3A_321 : i32
      %add3A_323 = arith.constant 256 : i32
      %add3A_324 = arith.addi %add3A_323, %add3A_322 : i32
      %get3A_325 = arith.index_cast %add3A_324 : i32 to index
      %get3A_326 = memref.load %arg16[%get3A_325] : memref<512xi32, #tpu.memory_space<smem>>
      %dma_start3A_327 = arith.constant 0 : i32
      %dma_start3A_328 = tpu.memref_slice %arg11[%add3A_322, %dma_start3A_327] : memref<256x64xf32, #tpu.memory_space<vmem>> -> memref<1x64xf32, #tpu.memory_space<vmem>>
      %dma_start3A_329 = arith.constant 0 : i32
      %dma_start3A_330 = tpu.memref_slice %arg4[%get3A_326, %dma_start3A_329] : memref<1000000x64xf32, #tpu.memory_space<hbm>> -> memref<1x64xf32, #tpu.memory_space<hbm>>
      %dma_start3A_331 = arith.constant 0 : i32
      %dma_start3A_332 = tpu.memref_slice %arg11[%add3A_322, %dma_start3A_331] : memref<256x64xf32, #tpu.memory_space<vmem>> -> memref<1x64xf32, #tpu.memory_space<vmem>>
      %dma_start3A_333 = arith.constant 0 : i32
      %dma_start3A_334 = tpu.memref_slice %arg4[%get3A_326, %dma_start3A_333] : memref<1000000x64xf32, #tpu.memory_space<hbm>> -> memref<1x64xf32, #tpu.memory_space<hbm>>
      tpu.enqueue_dma source(%dma_start3A_334 : memref<1x64xf32, #tpu.memory_space<hbm>>) target(%dma_start3A_332 : memref<1x64xf32, #tpu.memory_space<vmem>>) target_semaphore(%arg18 : memref<!tpu.dma_semaphore, #tpu.memory_space<semaphore_mem>>)
      %add3A_335 = arith.constant 256 : i32
      %add3A_336 = arith.addi %add3A_335, %add3A_322 : i32
      %get3A_337 = arith.index_cast %add3A_336 : i32 to index
      %get3A_338 = memref.load %arg17[%get3A_337] : memref<512xi32, #tpu.memory_space<smem>>
      %dma_start3A_339 = arith.constant 0 : i32
      %dma_start3A_340 = tpu.memref_slice %arg12[%add3A_322, %dma_start3A_339] : memref<256x64xf32, #tpu.memory_space<vmem>> -> memref<1x64xf32, #tpu.memory_space<vmem>>
      %dma_start3A_341 = arith.constant 0 : i32
      %dma_start3A_342 = tpu.memref_slice %arg5[%get3A_338, %dma_start3A_341] : memref<100000x64xf32, #tpu.memory_space<hbm>> -> memref<1x64xf32, #tpu.memory_space<hbm>>
      %dma_start3A_343 = arith.constant 0 : i32
      %dma_start3A_344 = tpu.memref_slice %arg12[%add3A_322, %dma_start3A_343] : memref<256x64xf32, #tpu.memory_space<vmem>> -> memref<1x64xf32, #tpu.memory_space<vmem>>
      %dma_start3A_345 = arith.constant 0 : i32
      %dma_start3A_346 = tpu.memref_slice %arg5[%get3A_338, %dma_start3A_345] : memref<100000x64xf32, #tpu.memory_space<hbm>> -> memref<1x64xf32, #tpu.memory_space<hbm>>
      tpu.enqueue_dma source(%dma_start3A_346 : memref<1x64xf32, #tpu.memory_space<hbm>>) target(%dma_start3A_344 : memref<1x64xf32, #tpu.memory_space<vmem>>) target_semaphore(%arg18 : memref<!tpu.dma_semaphore, #tpu.memory_space<semaphore_mem>>)
      %mul3A_347 = arith.constant 16 : i32
      %mul3A_348 = arith.muli %scan3A_38, %mul3A_347 : i32
      %add3A_349 = arith.constant 11 : i32
      %add3A_350 = arith.addi %mul3A_348, %add3A_349 : i32
      %add3A_351 = arith.constant 256 : i32
      %add3A_352 = arith.addi %add3A_351, %add3A_350 : i32
      %get3A_353 = arith.index_cast %add3A_352 : i32 to index
      %get3A_354 = memref.load %arg16[%get3A_353] : memref<512xi32, #tpu.memory_space<smem>>
      %dma_start3A_355 = arith.constant 0 : i32
      %dma_start3A_356 = tpu.memref_slice %arg11[%add3A_350, %dma_start3A_355] : memref<256x64xf32, #tpu.memory_space<vmem>> -> memref<1x64xf32, #tpu.memory_space<vmem>>
      %dma_start3A_357 = arith.constant 0 : i32
      %dma_start3A_358 = tpu.memref_slice %arg4[%get3A_354, %dma_start3A_357] : memref<1000000x64xf32, #tpu.memory_space<hbm>> -> memref<1x64xf32, #tpu.memory_space<hbm>>
      %dma_start3A_359 = arith.constant 0 : i32
      %dma_start3A_360 = tpu.memref_slice %arg11[%add3A_350, %dma_start3A_359] : memref<256x64xf32, #tpu.memory_space<vmem>> -> memref<1x64xf32, #tpu.memory_space<vmem>>
      %dma_start3A_361 = arith.constant 0 : i32
      %dma_start3A_362 = tpu.memref_slice %arg4[%get3A_354, %dma_start3A_361] : memref<1000000x64xf32, #tpu.memory_space<hbm>> -> memref<1x64xf32, #tpu.memory_space<hbm>>
      tpu.enqueue_dma source(%dma_start3A_362 : memref<1x64xf32, #tpu.memory_space<hbm>>) target(%dma_start3A_360 : memref<1x64xf32, #tpu.memory_space<vmem>>) target_semaphore(%arg18 : memref<!tpu.dma_semaphore, #tpu.memory_space<semaphore_mem>>)
      %add3A_363 = arith.constant 256 : i32
      %add3A_364 = arith.addi %add3A_363, %add3A_350 : i32
      %get3A_365 = arith.index_cast %add3A_364 : i32 to index
      %get3A_366 = memref.load %arg17[%get3A_365] : memref<512xi32, #tpu.memory_space<smem>>
      %dma_start3A_367 = arith.constant 0 : i32
      %dma_start3A_368 = tpu.memref_slice %arg12[%add3A_350, %dma_start3A_367] : memref<256x64xf32, #tpu.memory_space<vmem>> -> memref<1x64xf32, #tpu.memory_space<vmem>>
      %dma_start3A_369 = arith.constant 0 : i32
      %dma_start3A_370 = tpu.memref_slice %arg5[%get3A_366, %dma_start3A_369] : memref<100000x64xf32, #tpu.memory_space<hbm>> -> memref<1x64xf32, #tpu.memory_space<hbm>>
      %dma_start3A_371 = arith.constant 0 : i32
      %dma_start3A_372 = tpu.memref_slice %arg12[%add3A_350, %dma_start3A_371] : memref<256x64xf32, #tpu.memory_space<vmem>> -> memref<1x64xf32, #tpu.memory_space<vmem>>
      %dma_start3A_373 = arith.constant 0 : i32
      %dma_start3A_374 = tpu.memref_slice %arg5[%get3A_366, %dma_start3A_373] : memref<100000x64xf32, #tpu.memory_space<hbm>> -> memref<1x64xf32, #tpu.memory_space<hbm>>
      tpu.enqueue_dma source(%dma_start3A_374 : memref<1x64xf32, #tpu.memory_space<hbm>>) target(%dma_start3A_372 : memref<1x64xf32, #tpu.memory_space<vmem>>) target_semaphore(%arg18 : memref<!tpu.dma_semaphore, #tpu.memory_space<semaphore_mem>>)
      %mul3A_375 = arith.constant 16 : i32
      %mul3A_376 = arith.muli %scan3A_38, %mul3A_375 : i32
      %add3A_377 = arith.constant 12 : i32
      %add3A_378 = arith.addi %mul3A_376, %add3A_377 : i32
      %add3A_379 = arith.constant 256 : i32
      %add3A_380 = arith.addi %add3A_379, %add3A_378 : i32
      %get3A_381 = arith.index_cast %add3A_380 : i32 to index
      %get3A_382 = memref.load %arg16[%get3A_381] : memref<512xi32, #tpu.memory_space<smem>>
      %dma_start3A_383 = arith.constant 0 : i32
      %dma_start3A_384 = tpu.memref_slice %arg11[%add3A_378, %dma_start3A_383] : memref<256x64xf32, #tpu.memory_space<vmem>> -> memref<1x64xf32, #tpu.memory_space<vmem>>
      %dma_start3A_385 = arith.constant 0 : i32
      %dma_start3A_386 = tpu.memref_slice %arg4[%get3A_382, %dma_start3A_385] : memref<1000000x64xf32, #tpu.memory_space<hbm>> -> memref<1x64xf32, #tpu.memory_space<hbm>>
      %dma_start3A_387 = arith.constant 0 : i32
      %dma_start3A_388 = tpu.memref_slice %arg11[%add3A_378, %dma_start3A_387] : memref<256x64xf32, #tpu.memory_space<vmem>> -> memref<1x64xf32, #tpu.memory_space<vmem>>
      %dma_start3A_389 = arith.constant 0 : i32
      %dma_start3A_390 = tpu.memref_slice %arg4[%get3A_382, %dma_start3A_389] : memref<1000000x64xf32, #tpu.memory_space<hbm>> -> memref<1x64xf32, #tpu.memory_space<hbm>>
      tpu.enqueue_dma source(%dma_start3A_390 : memref<1x64xf32, #tpu.memory_space<hbm>>) target(%dma_start3A_388 : memref<1x64xf32, #tpu.memory_space<vmem>>) target_semaphore(%arg18 : memref<!tpu.dma_semaphore, #tpu.memory_space<semaphore_mem>>)
      %add3A_391 = arith.constant 256 : i32
      %add3A_392 = arith.addi %add3A_391, %add3A_378 : i32
      %get3A_393 = arith.index_cast %add3A_392 : i32 to index
      %get3A_394 = memref.load %arg17[%get3A_393] : memref<512xi32, #tpu.memory_space<smem>>
      %dma_start3A_395 = arith.constant 0 : i32
      %dma_start3A_396 = tpu.memref_slice %arg12[%add3A_378, %dma_start3A_395] : memref<256x64xf32, #tpu.memory_space<vmem>> -> memref<1x64xf32, #tpu.memory_space<vmem>>
      %dma_start3A_397 = arith.constant 0 : i32
      %dma_start3A_398 = tpu.memref_slice %arg5[%get3A_394, %dma_start3A_397] : memref<100000x64xf32, #tpu.memory_space<hbm>> -> memref<1x64xf32, #tpu.memory_space<hbm>>
      %dma_start3A_399 = arith.constant 0 : i32
      %dma_start3A_400 = tpu.memref_slice %arg12[%add3A_378, %dma_start3A_399] : memref<256x64xf32, #tpu.memory_space<vmem>> -> memref<1x64xf32, #tpu.memory_space<vmem>>
      %dma_start3A_401 = arith.constant 0 : i32
      %dma_start3A_402 = tpu.memref_slice %arg5[%get3A_394, %dma_start3A_401] : memref<100000x64xf32, #tpu.memory_space<hbm>> -> memref<1x64xf32, #tpu.memory_space<hbm>>
      tpu.enqueue_dma source(%dma_start3A_402 : memref<1x64xf32, #tpu.memory_space<hbm>>) target(%dma_start3A_400 : memref<1x64xf32, #tpu.memory_space<vmem>>) target_semaphore(%arg18 : memref<!tpu.dma_semaphore, #tpu.memory_space<semaphore_mem>>)
      %mul3A_403 = arith.constant 16 : i32
      %mul3A_404 = arith.muli %scan3A_38, %mul3A_403 : i32
      %add3A_405 = arith.constant 13 : i32
      %add3A_406 = arith.addi %mul3A_404, %add3A_405 : i32
      %add3A_407 = arith.constant 256 : i32
      %add3A_408 = arith.addi %add3A_407, %add3A_406 : i32
      %get3A_409 = arith.index_cast %add3A_408 : i32 to index
      %get3A_410 = memref.load %arg16[%get3A_409] : memref<512xi32, #tpu.memory_space<smem>>
      %dma_start3A_411 = arith.constant 0 : i32
      %dma_start3A_412 = tpu.memref_slice %arg11[%add3A_406, %dma_start3A_411] : memref<256x64xf32, #tpu.memory_space<vmem>> -> memref<1x64xf32, #tpu.memory_space<vmem>>
      %dma_start3A_413 = arith.constant 0 : i32
      %dma_start3A_414 = tpu.memref_slice %arg4[%get3A_410, %dma_start3A_413] : memref<1000000x64xf32, #tpu.memory_space<hbm>> -> memref<1x64xf32, #tpu.memory_space<hbm>>
      %dma_start3A_415 = arith.constant 0 : i32
      %dma_start3A_416 = tpu.memref_slice %arg11[%add3A_406, %dma_start3A_415] : memref<256x64xf32, #tpu.memory_space<vmem>> -> memref<1x64xf32, #tpu.memory_space<vmem>>
      %dma_start3A_417 = arith.constant 0 : i32
      %dma_start3A_418 = tpu.memref_slice %arg4[%get3A_410, %dma_start3A_417] : memref<1000000x64xf32, #tpu.memory_space<hbm>> -> memref<1x64xf32, #tpu.memory_space<hbm>>
      tpu.enqueue_dma source(%dma_start3A_418 : memref<1x64xf32, #tpu.memory_space<hbm>>) target(%dma_start3A_416 : memref<1x64xf32, #tpu.memory_space<vmem>>) target_semaphore(%arg18 : memref<!tpu.dma_semaphore, #tpu.memory_space<semaphore_mem>>)
      %add3A_419 = arith.constant 256 : i32
      %add3A_420 = arith.addi %add3A_419, %add3A_406 : i32
      %get3A_421 = arith.index_cast %add3A_420 : i32 to index
      %get3A_422 = memref.load %arg17[%get3A_421] : memref<512xi32, #tpu.memory_space<smem>>
      %dma_start3A_423 = arith.constant 0 : i32
      %dma_start3A_424 = tpu.memref_slice %arg12[%add3A_406, %dma_start3A_423] : memref<256x64xf32, #tpu.memory_space<vmem>> -> memref<1x64xf32, #tpu.memory_space<vmem>>
      %dma_start3A_425 = arith.constant 0 : i32
      %dma_start3A_426 = tpu.memref_slice %arg5[%get3A_422, %dma_start3A_425] : memref<100000x64xf32, #tpu.memory_space<hbm>> -> memref<1x64xf32, #tpu.memory_space<hbm>>
      %dma_start3A_427 = arith.constant 0 : i32
      %dma_start3A_428 = tpu.memref_slice %arg12[%add3A_406, %dma_start3A_427] : memref<256x64xf32, #tpu.memory_space<vmem>> -> memref<1x64xf32, #tpu.memory_space<vmem>>
      %dma_start3A_429 = arith.constant 0 : i32
      %dma_start3A_430 = tpu.memref_slice %arg5[%get3A_422, %dma_start3A_429] : memref<100000x64xf32, #tpu.memory_space<hbm>> -> memref<1x64xf32, #tpu.memory_space<hbm>>
      tpu.enqueue_dma source(%dma_start3A_430 : memref<1x64xf32, #tpu.memory_space<hbm>>) target(%dma_start3A_428 : memref<1x64xf32, #tpu.memory_space<vmem>>) target_semaphore(%arg18 : memref<!tpu.dma_semaphore, #tpu.memory_space<semaphore_mem>>)
      %mul3A_431 = arith.constant 16 : i32
      %mul3A_432 = arith.muli %scan3A_38, %mul3A_431 : i32
      %add3A_433 = arith.constant 14 : i32
      %add3A_434 = arith.addi %mul3A_432, %add3A_433 : i32
      %add3A_435 = arith.constant 256 : i32
      %add3A_436 = arith.addi %add3A_435, %add3A_434 : i32
      %get3A_437 = arith.index_cast %add3A_436 : i32 to index
      %get3A_438 = memref.load %arg16[%get3A_437] : memref<512xi32, #tpu.memory_space<smem>>
      %dma_start3A_439 = arith.constant 0 : i32
      %dma_start3A_440 = tpu.memref_slice %arg11[%add3A_434, %dma_start3A_439] : memref<256x64xf32, #tpu.memory_space<vmem>> -> memref<1x64xf32, #tpu.memory_space<vmem>>
      %dma_start3A_441 = arith.constant 0 : i32
      %dma_start3A_442 = tpu.memref_slice %arg4[%get3A_438, %dma_start3A_441] : memref<1000000x64xf32, #tpu.memory_space<hbm>> -> memref<1x64xf32, #tpu.memory_space<hbm>>
      %dma_start3A_443 = arith.constant 0 : i32
      %dma_start3A_444 = tpu.memref_slice %arg11[%add3A_434, %dma_start3A_443] : memref<256x64xf32, #tpu.memory_space<vmem>> -> memref<1x64xf32, #tpu.memory_space<vmem>>
      %dma_start3A_445 = arith.constant 0 : i32
      %dma_start3A_446 = tpu.memref_slice %arg4[%get3A_438, %dma_start3A_445] : memref<1000000x64xf32, #tpu.memory_space<hbm>> -> memref<1x64xf32, #tpu.memory_space<hbm>>
      tpu.enqueue_dma source(%dma_start3A_446 : memref<1x64xf32, #tpu.memory_space<hbm>>) target(%dma_start3A_444 : memref<1x64xf32, #tpu.memory_space<vmem>>) target_semaphore(%arg18 : memref<!tpu.dma_semaphore, #tpu.memory_space<semaphore_mem>>)
      %add3A_447 = arith.constant 256 : i32
      %add3A_448 = arith.addi %add3A_447, %add3A_434 : i32
      %get3A_449 = arith.index_cast %add3A_448 : i32 to index
      %get3A_450 = memref.load %arg17[%get3A_449] : memref<512xi32, #tpu.memory_space<smem>>
      %dma_start3A_451 = arith.constant 0 : i32
      %dma_start3A_452 = tpu.memref_slice %arg12[%add3A_434, %dma_start3A_451] : memref<256x64xf32, #tpu.memory_space<vmem>> -> memref<1x64xf32, #tpu.memory_space<vmem>>
      %dma_start3A_453 = arith.constant 0 : i32
      %dma_start3A_454 = tpu.memref_slice %arg5[%get3A_450, %dma_start3A_453] : memref<100000x64xf32, #tpu.memory_space<hbm>> -> memref<1x64xf32, #tpu.memory_space<hbm>>
      %dma_start3A_455 = arith.constant 0 : i32
      %dma_start3A_456 = tpu.memref_slice %arg12[%add3A_434, %dma_start3A_455] : memref<256x64xf32, #tpu.memory_space<vmem>> -> memref<1x64xf32, #tpu.memory_space<vmem>>
      %dma_start3A_457 = arith.constant 0 : i32
      %dma_start3A_458 = tpu.memref_slice %arg5[%get3A_450, %dma_start3A_457] : memref<100000x64xf32, #tpu.memory_space<hbm>> -> memref<1x64xf32, #tpu.memory_space<hbm>>
      tpu.enqueue_dma source(%dma_start3A_458 : memref<1x64xf32, #tpu.memory_space<hbm>>) target(%dma_start3A_456 : memref<1x64xf32, #tpu.memory_space<vmem>>) target_semaphore(%arg18 : memref<!tpu.dma_semaphore, #tpu.memory_space<semaphore_mem>>)
      %mul3A_459 = arith.constant 16 : i32
      %mul3A_460 = arith.muli %scan3A_38, %mul3A_459 : i32
      %add3A_461 = arith.constant 15 : i32
      %add3A_462 = arith.addi %mul3A_460, %add3A_461 : i32
      %add3A_463 = arith.constant 256 : i32
      %add3A_464 = arith.addi %add3A_463, %add3A_462 : i32
      %get3A_465 = arith.index_cast %add3A_464 : i32 to index
      %get3A_466 = memref.load %arg16[%get3A_465] : memref<512xi32, #tpu.memory_space<smem>>
      %dma_start3A_467 = arith.constant 0 : i32
      %dma_start3A_468 = tpu.memref_slice %arg11[%add3A_462, %dma_start3A_467] : memref<256x64xf32, #tpu.memory_space<vmem>> -> memref<1x64xf32, #tpu.memory_space<vmem>>
      %dma_start3A_469 = arith.constant 0 : i32
      %dma_start3A_470 = tpu.memref_slice %arg4[%get3A_466, %dma_start3A_469] : memref<1000000x64xf32, #tpu.memory_space<hbm>> -> memref<1x64xf32, #tpu.memory_space<hbm>>
      %dma_start3A_471 = arith.constant 0 : i32
      %dma_start3A_472 = tpu.memref_slice %arg11[%add3A_462, %dma_start3A_471] : memref<256x64xf32, #tpu.memory_space<vmem>> -> memref<1x64xf32, #tpu.memory_space<vmem>>
      %dma_start3A_473 = arith.constant 0 : i32
      %dma_start3A_474 = tpu.memref_slice %arg4[%get3A_466, %dma_start3A_473] : memref<1000000x64xf32, #tpu.memory_space<hbm>> -> memref<1x64xf32, #tpu.memory_space<hbm>>
      tpu.enqueue_dma source(%dma_start3A_474 : memref<1x64xf32, #tpu.memory_space<hbm>>) target(%dma_start3A_472 : memref<1x64xf32, #tpu.memory_space<vmem>>) target_semaphore(%arg18 : memref<!tpu.dma_semaphore, #tpu.memory_space<semaphore_mem>>)
      %add3A_475 = arith.constant 256 : i32
      %add3A_476 = arith.addi %add3A_475, %add3A_462 : i32
      %get3A_477 = arith.index_cast %add3A_476 : i32 to index
      %get3A_478 = memref.load %arg17[%get3A_477] : memref<512xi32, #tpu.memory_space<smem>>
      %dma_start3A_479 = arith.constant 0 : i32
      %dma_start3A_480 = tpu.memref_slice %arg12[%add3A_462, %dma_start3A_479] : memref<256x64xf32, #tpu.memory_space<vmem>> -> memref<1x64xf32, #tpu.memory_space<vmem>>
      %dma_start3A_481 = arith.constant 0 : i32
      %dma_start3A_482 = tpu.memref_slice %arg5[%get3A_478, %dma_start3A_481] : memref<100000x64xf32, #tpu.memory_space<hbm>> -> memref<1x64xf32, #tpu.memory_space<hbm>>
      %dma_start3A_483 = arith.constant 0 : i32
      %dma_start3A_484 = tpu.memref_slice %arg12[%add3A_462, %dma_start3A_483] : memref<256x64xf32, #tpu.memory_space<vmem>> -> memref<1x64xf32, #tpu.memory_space<vmem>>
      %dma_start3A_485 = arith.constant 0 : i32
      %dma_start3A_486 = tpu.memref_slice %arg5[%get3A_478, %dma_start3A_485] : memref<100000x64xf32, #tpu.memory_space<hbm>> -> memref<1x64xf32, #tpu.memory_space<hbm>>
      tpu.enqueue_dma source(%dma_start3A_486 : memref<1x64xf32, #tpu.memory_space<hbm>>) target(%dma_start3A_484 : memref<1x64xf32, #tpu.memory_space<vmem>>) target_semaphore(%arg18 : memref<!tpu.dma_semaphore, #tpu.memory_space<semaphore_mem>>)
      %scan3A_487 = arith.constant 0 : i32
      scf.yield %scan3A_487 : i32
    }
    %scan3A_30 = arith.constant 16 : i32
    %scan3A_31 = arith.constant 0 : i32
    %scan3A_32 = arith.constant 0 : i32
    %scan3A_33 = arith.constant 16 : i32
    %scan3A_34 = arith.addi %scan3A_32, %scan3A_33 : i32
    %scan3A_35 = arith.constant 1 : i32
    %scan3A_36 = scf.for %scan3A_38 = %scan3A_32 to %scan3A_34 step %scan3A_35 iter_args(%scan3A_39 = %scan3A_31) -> (i32)  : i32 {
      %dma_wait3A = arith.constant 0 : i32
      %dma_wait3A_40 = arith.constant 0 : i32
      %dma_wait3A_41 = tpu.memref_slice %arg11[%dma_wait3A, %dma_wait3A_40] : memref<256x64xf32, #tpu.memory_space<vmem>> -> memref<16x64xf32, #tpu.memory_space<vmem>>
      %dma_wait3A_42 = arith.constant 0 : i32
      %dma_wait3A_43 = arith.constant 0 : i32
      %dma_wait3A_44 = tpu.memref_slice %arg4[%dma_wait3A_42, %dma_wait3A_43] : memref<1000000x64xf32, #tpu.memory_space<hbm>> -> memref<16x64xf32, #tpu.memory_space<hbm>>
      %dma_wait3A_45 = arith.constant 0 : i32
      %dma_wait3A_46 = arith.constant 0 : i32
      %dma_wait3A_47 = tpu.memref_slice %arg11[%dma_wait3A_45, %dma_wait3A_46] : memref<256x64xf32, #tpu.memory_space<vmem>> -> memref<16x64xf32, #tpu.memory_space<vmem>>
      %dma_wait3A_48 = arith.constant 0 : i32
      %dma_wait3A_49 = arith.constant 0 : i32
      %dma_wait3A_50 = tpu.memref_slice %arg4[%dma_wait3A_48, %dma_wait3A_49] : memref<1000000x64xf32, #tpu.memory_space<hbm>> -> memref<16x64xf32, #tpu.memory_space<hbm>>
      tpu.wait_dma2 semaphore(%arg18 : memref<!tpu.dma_semaphore, #tpu.memory_space<semaphore_mem>>) src(%dma_wait3A_50 : memref<16x64xf32, #tpu.memory_space<hbm>>) dst(%dma_wait3A_47 : memref<16x64xf32, #tpu.memory_space<vmem>>)
      %dma_wait3A_51 = arith.constant 0 : i32
      %dma_wait3A_52 = arith.constant 0 : i32
      %dma_wait3A_53 = tpu.memref_slice %arg12[%dma_wait3A_51, %dma_wait3A_52] : memref<256x64xf32, #tpu.memory_space<vmem>> -> memref<16x64xf32, #tpu.memory_space<vmem>>
      %dma_wait3A_54 = arith.constant 0 : i32
      %dma_wait3A_55 = arith.constant 0 : i32
      %dma_wait3A_56 = tpu.memref_slice %arg5[%dma_wait3A_54, %dma_wait3A_55] : memref<100000x64xf32, #tpu.memory_space<hbm>> -> memref<16x64xf32, #tpu.memory_space<hbm>>
      %dma_wait3A_57 = arith.constant 0 : i32
      %dma_wait3A_58 = arith.constant 0 : i32
      %dma_wait3A_59 = tpu.memref_slice %arg12[%dma_wait3A_57, %dma_wait3A_58] : memref<256x64xf32, #tpu.memory_space<vmem>> -> memref<16x64xf32, #tpu.memory_space<vmem>>
      %dma_wait3A_60 = arith.constant 0 : i32
      %dma_wait3A_61 = arith.constant 0 : i32
      %dma_wait3A_62 = tpu.memref_slice %arg5[%dma_wait3A_60, %dma_wait3A_61] : memref<100000x64xf32, #tpu.memory_space<hbm>> -> memref<16x64xf32, #tpu.memory_space<hbm>>
      tpu.wait_dma2 semaphore(%arg18 : memref<!tpu.dma_semaphore, #tpu.memory_space<semaphore_mem>>) src(%dma_wait3A_62 : memref<16x64xf32, #tpu.memory_space<hbm>>) dst(%dma_wait3A_59 : memref<16x64xf32, #tpu.memory_space<vmem>>)
      %mul3A_63 = arith.constant 16 : i32
      %mul3A_64 = arith.muli %scan3A_38, %mul3A_63 : i32
      %add3A_65 = vector.broadcast %mul3A_64 : i32 to vector<16xi32>
      %add3A_66 = arith.addi %add3A_65, %iota3A : vector<16xi32>
      %get3A_67 = arith.constant 0 : index
      %get3A_68 = tpu.vector_load %arg13[%get3A_67] {strides = array<i32>} : memref<64xf32, #tpu.memory_space<vmem>>, vector<16xf32>,
      %get3A_69 = arith.constant 16 : index
      %get3A_70 = tpu.vector_load %arg13[%get3A_69] {strides = array<i32>} : memref<64xf32, #tpu.memory_space<vmem>>, vector<16xf32>,
      %get3A_71 = arith.constant 32 : index
      %get3A_72 = tpu.vector_load %arg13[%get3A_71] {strides = array<i32>} : memref<64xf32, #tpu.memory_space<vmem>>, vector<16xf32>,
      %get3A_73 = arith.constant 48 : index
      %get3A_74 = tpu.vector_load %arg13[%get3A_73] {strides = array<i32>} : memref<64xf32, #tpu.memory_space<vmem>>, vector<16xf32>,
      %broadcast_in_dim3A = arith.constant 0.000000e+00 : f32
      %broadcast_in_dim3A_75 = vector.broadcast %broadcast_in_dim3A : f32 to vector<16xf32>
      %broadcast_in_dim3A_76 = arith.constant 0.000000e+00 : f32
      %broadcast_in_dim3A_77 = vector.broadcast %broadcast_in_dim3A_76 : f32 to vector<16xf32>
      %broadcast_in_dim3A_78 = arith.constant 0.000000e+00 : f32
      %broadcast_in_dim3A_79 = vector.broadcast %broadcast_in_dim3A_78 : f32 to vector<16xf32>
      %broadcast_in_dim3A_80 = arith.constant 0 : i32
      %broadcast_in_dim3A_81 = vector.broadcast %broadcast_in_dim3A_80 : i32 to vector<16xi32>
      %gather3A = tpu.vector_load_idx %arg11[%add3A_66, %broadcast_in_dim3A_81] : memref<256x64xf32, #tpu.memory_space<vmem>>[vector<16xi32>, vector<16xi32>], vector<16xf32>,
      %gather3A_82 = tpu.vector_load_idx %arg12[%add3A_66, %broadcast_in_dim3A_81] : memref<256x64xf32, #tpu.memory_space<vmem>>[vector<16xi32>, vector<16xi32>], vector<16xf32>,
      %slice3A = vector.extract_strided_slice %get3A_68 {offsets = [0], sizes = [1], strides = [1]} : vector<16xf32> to vector<1xf32>
      %squeeze3A = vector.extract %slice3A[0] : f32 from vector<1xf32>
      %mul3A_83 = arith.mulf %gather3A, %gather3A_82 : vector<16xf32>
      %mul3A_84 = vector.broadcast %squeeze3A : f32 to vector<16xf32>
      %mul3A_85 = arith.mulf %mul3A_83, %mul3A_84 : vector<16xf32>
      %add3A_86 = arith.addf %get3A_9, %mul3A_85 : vector<16xf32>
      %broadcast_in_dim3A_87 = arith.constant 1 : i32
      %broadcast_in_dim3A_88 = vector.broadcast %broadcast_in_dim3A_87 : i32 to vector<16xi32>
      %gather3A_89 = tpu.vector_load_idx %arg11[%add3A_66, %broadcast_in_dim3A_88] : memref<256x64xf32, #tpu.memory_space<vmem>>[vector<16xi32>, vector<16xi32>], vector<16xf32>,
      %gather3A_90 = tpu.vector_load_idx %arg12[%add3A_66, %broadcast_in_dim3A_88] : memref<256x64xf32, #tpu.memory_space<vmem>>[vector<16xi32>, vector<16xi32>], vector<16xf32>,
      %slice3A_91 = vector.extract_strided_slice %get3A_68 {offsets = [1], sizes = [1], strides = [1]} : vector<16xf32> to vector<1xf32>
      %squeeze3A_92 = vector.extract %slice3A_91[0] : f32 from vector<1xf32>
      %mul3A_93 = arith.mulf %gather3A_89, %gather3A_90 : vector<16xf32>
      %mul3A_94 = vector.broadcast %squeeze3A_92 : f32 to vector<16xf32>
      %mul3A_95 = arith.mulf %mul3A_93, %mul3A_94 : vector<16xf32>
      %add3A_96 = arith.addf %broadcast_in_dim3A_75, %mul3A_95 : vector<16xf32>
      %broadcast_in_dim3A_97 = arith.constant 2 : i32
      %broadcast_in_dim3A_98 = vector.broadcast %broadcast_in_dim3A_97 : i32 to vector<16xi32>
      %gather3A_99 = tpu.vector_load_idx %arg11[%add3A_66, %broadcast_in_dim3A_98] : memref<256x64xf32, #tpu.memory_space<vmem>>[vector<16xi32>, vector<16xi32>], vector<16xf32>,
      %gather3A_100 = tpu.vector_load_idx %arg12[%add3A_66, %broadcast_in_dim3A_98] : memref<256x64xf32, #tpu.memory_space<vmem>>[vector<16xi32>, vector<16xi32>], vector<16xf32>,
      %slice3A_101 = vector.extract_strided_slice %get3A_68 {offsets = [2], sizes = [1], strides = [1]} : vector<16xf32> to vector<1xf32>
      %squeeze3A_102 = vector.extract %slice3A_101[0] : f32 from vector<1xf32>
      %mul3A_103 = arith.mulf %gather3A_99, %gather3A_100 : vector<16xf32>
      %mul3A_104 = vector.broadcast %squeeze3A_102 : f32 to vector<16xf32>
      %mul3A_105 = arith.mulf %mul3A_103, %mul3A_104 : vector<16xf32>
      %add3A_106 = arith.addf %broadcast_in_dim3A_77, %mul3A_105 : vector<16xf32>
      %broadcast_in_dim3A_107 = arith.constant 3 : i32
      %broadcast_in_dim3A_108 = vector.broadcast %broadcast_in_dim3A_107 : i32 to vector<16xi32>
      %gather3A_109 = tpu.vector_load_idx %arg11[%add3A_66, %broadcast_in_dim3A_108] : memref<256x64xf32, #tpu.memory_space<vmem>>[vector<16xi32>, vector<16xi32>], vector<16xf32>,
      %gather3A_110 = tpu.vector_load_idx %arg12[%add3A_66, %broadcast_in_dim3A_108] : memref<256x64xf32, #tpu.memory_space<vmem>>[vector<16xi32>, vector<16xi32>], vector<16xf32>,
      %slice3A_111 = vector.extract_strided_slice %get3A_68 {offsets = [3], sizes = [1], strides = [1]} : vector<16xf32> to vector<1xf32>
      %squeeze3A_112 = vector.extract %slice3A_111[0] : f32 from vector<1xf32>
      %mul3A_113 = arith.mulf %gather3A_109, %gather3A_110 : vector<16xf32>
      %mul3A_114 = vector.broadcast %squeeze3A_112 : f32 to vector<16xf32>
      %mul3A_115 = arith.mulf %mul3A_113, %mul3A_114 : vector<16xf32>
      %add3A_116 = arith.addf %broadcast_in_dim3A_79, %mul3A_115 : vector<16xf32>
      %broadcast_in_dim3A_117 = arith.constant 4 : i32
      %broadcast_in_dim3A_118 = vector.broadcast %broadcast_in_dim3A_117 : i32 to vector<16xi32>
      %gather3A_119 = tpu.vector_load_idx %arg11[%add3A_66, %broadcast_in_dim3A_118] : memref<256x64xf32, #tpu.memory_space<vmem>>[vector<16xi32>, vector<16xi32>], vector<16xf32>,
      %gather3A_120 = tpu.vector_load_idx %arg12[%add3A_66, %broadcast_in_dim3A_118] : memref<256x64xf32, #tpu.memory_space<vmem>>[vector<16xi32>, vector<16xi32>], vector<16xf32>,
      %slice3A_121 = vector.extract_strided_slice %get3A_68 {offsets = [4], sizes = [1], strides = [1]} : vector<16xf32> to vector<1xf32>
      %squeeze3A_122 = vector.extract %slice3A_121[0] : f32 from vector<1xf32>
      %mul3A_123 = arith.mulf %gather3A_119, %gather3A_120 : vector<16xf32>
      %mul3A_124 = vector.broadcast %squeeze3A_122 : f32 to vector<16xf32>
      %mul3A_125 = arith.mulf %mul3A_123, %mul3A_124 : vector<16xf32>
      %add3A_126 = arith.addf %add3A_86, %mul3A_125 : vector<16xf32>
      %broadcast_in_dim3A_127 = arith.constant 5 : i32
      %broadcast_in_dim3A_128 = vector.broadcast %broadcast_in_dim3A_127 : i32 to vector<16xi32>
      %gather3A_129 = tpu.vector_load_idx %arg11[%add3A_66, %broadcast_in_dim3A_128] : memref<256x64xf32, #tpu.memory_space<vmem>>[vector<16xi32>, vector<16xi32>], vector<16xf32>,
      %gather3A_130 = tpu.vector_load_idx %arg12[%add3A_66, %broadcast_in_dim3A_128] : memref<256x64xf32, #tpu.memory_space<vmem>>[vector<16xi32>, vector<16xi32>], vector<16xf32>,
      %slice3A_131 = vector.extract_strided_slice %get3A_68 {offsets = [5], sizes = [1], strides = [1]} : vector<16xf32> to vector<1xf32>
      %squeeze3A_132 = vector.extract %slice3A_131[0] : f32 from vector<1xf32>
      %mul3A_133 = arith.mulf %gather3A_129, %gather3A_130 : vector<16xf32>
      %mul3A_134 = vector.broadcast %squeeze3A_132 : f32 to vector<16xf32>
      %mul3A_135 = arith.mulf %mul3A_133, %mul3A_134 : vector<16xf32>
      %add3A_136 = arith.addf %add3A_96, %mul3A_135 : vector<16xf32>
      %broadcast_in_dim3A_137 = arith.constant 6 : i32
      %broadcast_in_dim3A_138 = vector.broadcast %broadcast_in_dim3A_137 : i32 to vector<16xi32>
      %gather3A_139 = tpu.vector_load_idx %arg11[%add3A_66, %broadcast_in_dim3A_138] : memref<256x64xf32, #tpu.memory_space<vmem>>[vector<16xi32>, vector<16xi32>], vector<16xf32>,
      %gather3A_140 = tpu.vector_load_idx %arg12[%add3A_66, %broadcast_in_dim3A_138] : memref<256x64xf32, #tpu.memory_space<vmem>>[vector<16xi32>, vector<16xi32>], vector<16xf32>,
      %slice3A_141 = vector.extract_strided_slice %get3A_68 {offsets = [6], sizes = [1], strides = [1]} : vector<16xf32> to vector<1xf32>
      %squeeze3A_142 = vector.extract %slice3A_141[0] : f32 from vector<1xf32>
      %mul3A_143 = arith.mulf %gather3A_139, %gather3A_140 : vector<16xf32>
      %mul3A_144 = vector.broadcast %squeeze3A_142 : f32 to vector<16xf32>
      %mul3A_145 = arith.mulf %mul3A_143, %mul3A_144 : vector<16xf32>
      %add3A_146 = arith.addf %add3A_106, %mul3A_145 : vector<16xf32>
      %broadcast_in_dim3A_147 = arith.constant 7 : i32
      %broadcast_in_dim3A_148 = vector.broadcast %broadcast_in_dim3A_147 : i32 to vector<16xi32>
      %gather3A_149 = tpu.vector_load_idx %arg11[%add3A_66, %broadcast_in_dim3A_148] : memref<256x64xf32, #tpu.memory_space<vmem>>[vector<16xi32>, vector<16xi32>], vector<16xf32>,
      %gather3A_150 = tpu.vector_load_idx %arg12[%add3A_66, %broadcast_in_dim3A_148] : memref<256x64xf32, #tpu.memory_space<vmem>>[vector<16xi32>, vector<16xi32>], vector<16xf32>,
      %slice3A_151 = vector.extract_strided_slice %get3A_68 {offsets = [7], sizes = [1], strides = [1]} : vector<16xf32> to vector<1xf32>
      %squeeze3A_152 = vector.extract %slice3A_151[0] : f32 from vector<1xf32>
      %mul3A_153 = arith.mulf %gather3A_149, %gather3A_150 : vector<16xf32>
      %mul3A_154 = vector.broadcast %squeeze3A_152 : f32 to vector<16xf32>
      %mul3A_155 = arith.mulf %mul3A_153, %mul3A_154 : vector<16xf32>
      %add3A_156 = arith.addf %add3A_116, %mul3A_155 : vector<16xf32>
      %broadcast_in_dim3A_157 = arith.constant 8 : i32
      %broadcast_in_dim3A_158 = vector.broadcast %broadcast_in_dim3A_157 : i32 to vector<16xi32>
      %gather3A_159 = tpu.vector_load_idx %arg11[%add3A_66, %broadcast_in_dim3A_158] : memref<256x64xf32, #tpu.memory_space<vmem>>[vector<16xi32>, vector<16xi32>], vector<16xf32>,
      %gather3A_160 = tpu.vector_load_idx %arg12[%add3A_66, %broadcast_in_dim3A_158] : memref<256x64xf32, #tpu.memory_space<vmem>>[vector<16xi32>, vector<16xi32>], vector<16xf32>,
      %slice3A_161 = vector.extract_strided_slice %get3A_68 {offsets = [8], sizes = [1], strides = [1]} : vector<16xf32> to vector<1xf32>
      %squeeze3A_162 = vector.extract %slice3A_161[0] : f32 from vector<1xf32>
      %mul3A_163 = arith.mulf %gather3A_159, %gather3A_160 : vector<16xf32>
      %mul3A_164 = vector.broadcast %squeeze3A_162 : f32 to vector<16xf32>
      %mul3A_165 = arith.mulf %mul3A_163, %mul3A_164 : vector<16xf32>
      %add3A_166 = arith.addf %add3A_126, %mul3A_165 : vector<16xf32>
      %broadcast_in_dim3A_167 = arith.constant 9 : i32
      %broadcast_in_dim3A_168 = vector.broadcast %broadcast_in_dim3A_167 : i32 to vector<16xi32>
      %gather3A_169 = tpu.vector_load_idx %arg11[%add3A_66, %broadcast_in_dim3A_168] : memref<256x64xf32, #tpu.memory_space<vmem>>[vector<16xi32>, vector<16xi32>], vector<16xf32>,
      %gather3A_170 = tpu.vector_load_idx %arg12[%add3A_66, %broadcast_in_dim3A_168] : memref<256x64xf32, #tpu.memory_space<vmem>>[vector<16xi32>, vector<16xi32>], vector<16xf32>,
      %slice3A_171 = vector.extract_strided_slice %get3A_68 {offsets = [9], sizes = [1], strides = [1]} : vector<16xf32> to vector<1xf32>
      %squeeze3A_172 = vector.extract %slice3A_171[0] : f32 from vector<1xf32>
      %mul3A_173 = arith.mulf %gather3A_169, %gather3A_170 : vector<16xf32>
      %mul3A_174 = vector.broadcast %squeeze3A_172 : f32 to vector<16xf32>
      %mul3A_175 = arith.mulf %mul3A_173, %mul3A_174 : vector<16xf32>
      %add3A_176 = arith.addf %add3A_136, %mul3A_175 : vector<16xf32>
      %broadcast_in_dim3A_177 = arith.constant 10 : i32
      %broadcast_in_dim3A_178 = vector.broadcast %broadcast_in_dim3A_177 : i32 to vector<16xi32>
      %gather3A_179 = tpu.vector_load_idx %arg11[%add3A_66, %broadcast_in_dim3A_178] : memref<256x64xf32, #tpu.memory_space<vmem>>[vector<16xi32>, vector<16xi32>], vector<16xf32>,
      %gather3A_180 = tpu.vector_load_idx %arg12[%add3A_66, %broadcast_in_dim3A_178] : memref<256x64xf32, #tpu.memory_space<vmem>>[vector<16xi32>, vector<16xi32>], vector<16xf32>,
      %slice3A_181 = vector.extract_strided_slice %get3A_68 {offsets = [10], sizes = [1], strides = [1]} : vector<16xf32> to vector<1xf32>
      %squeeze3A_182 = vector.extract %slice3A_181[0] : f32 from vector<1xf32>
      %mul3A_183 = arith.mulf %gather3A_179, %gather3A_180 : vector<16xf32>
      %mul3A_184 = vector.broadcast %squeeze3A_182 : f32 to vector<16xf32>
      %mul3A_185 = arith.mulf %mul3A_183, %mul3A_184 : vector<16xf32>
      %add3A_186 = arith.addf %add3A_146, %mul3A_185 : vector<16xf32>
      %broadcast_in_dim3A_187 = arith.constant 11 : i32
      %broadcast_in_dim3A_188 = vector.broadcast %broadcast_in_dim3A_187 : i32 to vector<16xi32>
      %gather3A_189 = tpu.vector_load_idx %arg11[%add3A_66, %broadcast_in_dim3A_188] : memref<256x64xf32, #tpu.memory_space<vmem>>[vector<16xi32>, vector<16xi32>], vector<16xf32>,
      %gather3A_190 = tpu.vector_load_idx %arg12[%add3A_66, %broadcast_in_dim3A_188] : memref<256x64xf32, #tpu.memory_space<vmem>>[vector<16xi32>, vector<16xi32>], vector<16xf32>,
      %slice3A_191 = vector.extract_strided_slice %get3A_68 {offsets = [11], sizes = [1], strides = [1]} : vector<16xf32> to vector<1xf32>
      %squeeze3A_192 = vector.extract %slice3A_191[0] : f32 from vector<1xf32>
      %mul3A_193 = arith.mulf %gather3A_189, %gather3A_190 : vector<16xf32>
      %mul3A_194 = vector.broadcast %squeeze3A_192 : f32 to vector<16xf32>
      %mul3A_195 = arith.mulf %mul3A_193, %mul3A_194 : vector<16xf32>
      %add3A_196 = arith.addf %add3A_156, %mul3A_195 : vector<16xf32>
      %broadcast_in_dim3A_197 = arith.constant 12 : i32
      %broadcast_in_dim3A_198 = vector.broadcast %broadcast_in_dim3A_197 : i32 to vector<16xi32>
      %gather3A_199 = tpu.vector_load_idx %arg11[%add3A_66, %broadcast_in_dim3A_198] : memref<256x64xf32, #tpu.memory_space<vmem>>[vector<16xi32>, vector<16xi32>], vector<16xf32>,
      %gather3A_200 = tpu.vector_load_idx %arg12[%add3A_66, %broadcast_in_dim3A_198] : memref<256x64xf32, #tpu.memory_space<vmem>>[vector<16xi32>, vector<16xi32>], vector<16xf32>,
      %slice3A_201 = vector.extract_strided_slice %get3A_68 {offsets = [12], sizes = [1], strides = [1]} : vector<16xf32> to vector<1xf32>
      %squeeze3A_202 = vector.extract %slice3A_201[0] : f32 from vector<1xf32>
      %mul3A_203 = arith.mulf %gather3A_199, %gather3A_200 : vector<16xf32>
      %mul3A_204 = vector.broadcast %squeeze3A_202 : f32 to vector<16xf32>
      %mul3A_205 = arith.mulf %mul3A_203, %mul3A_204 : vector<16xf32>
      %add3A_206 = arith.addf %add3A_166, %mul3A_205 : vector<16xf32>
      %broadcast_in_dim3A_207 = arith.constant 13 : i32
      %broadcast_in_dim3A_208 = vector.broadcast %broadcast_in_dim3A_207 : i32 to vector<16xi32>
      %gather3A_209 = tpu.vector_load_idx %arg11[%add3A_66, %broadcast_in_dim3A_208] : memref<256x64xf32, #tpu.memory_space<vmem>>[vector<16xi32>, vector<16xi32>], vector<16xf32>,
      %gather3A_210 = tpu.vector_load_idx %arg12[%add3A_66, %broadcast_in_dim3A_208] : memref<256x64xf32, #tpu.memory_space<vmem>>[vector<16xi32>, vector<16xi32>], vector<16xf32>,
      %slice3A_211 = vector.extract_strided_slice %get3A_68 {offsets = [13], sizes = [1], strides = [1]} : vector<16xf32> to vector<1xf32>
      %squeeze3A_212 = vector.extract %slice3A_211[0] : f32 from vector<1xf32>
      %mul3A_213 = arith.mulf %gather3A_209, %gather3A_210 : vector<16xf32>
      %mul3A_214 = vector.broadcast %squeeze3A_212 : f32 to vector<16xf32>
      %mul3A_215 = arith.mulf %mul3A_213, %mul3A_214 : vector<16xf32>
      %add3A_216 = arith.addf %add3A_176, %mul3A_215 : vector<16xf32>
      %broadcast_in_dim3A_217 = arith.constant 14 : i32
      %broadcast_in_dim3A_218 = vector.broadcast %broadcast_in_dim3A_217 : i32 to vector<16xi32>
      %gather3A_219 = tpu.vector_load_idx %arg11[%add3A_66, %broadcast_in_dim3A_218] : memref<256x64xf32, #tpu.memory_space<vmem>>[vector<16xi32>, vector<16xi32>], vector<16xf32>,
      %gather3A_220 = tpu.vector_load_idx %arg12[%add3A_66, %broadcast_in_dim3A_218] : memref<256x64xf32, #tpu.memory_space<vmem>>[vector<16xi32>, vector<16xi32>], vector<16xf32>,
      %slice3A_221 = vector.extract_strided_slice %get3A_68 {offsets = [14], sizes = [1], strides = [1]} : vector<16xf32> to vector<1xf32>
      %squeeze3A_222 = vector.extract %slice3A_221[0] : f32 from vector<1xf32>
      %mul3A_223 = arith.mulf %gather3A_219, %gather3A_220 : vector<16xf32>
      %mul3A_224 = vector.broadcast %squeeze3A_222 : f32 to vector<16xf32>
      %mul3A_225 = arith.mulf %mul3A_223, %mul3A_224 : vector<16xf32>
      %add3A_226 = arith.addf %add3A_186, %mul3A_225 : vector<16xf32>
      %broadcast_in_dim3A_227 = arith.constant 15 : i32
      %broadcast_in_dim3A_228 = vector.broadcast %broadcast_in_dim3A_227 : i32 to vector<16xi32>
      %gather3A_229 = tpu.vector_load_idx %arg11[%add3A_66, %broadcast_in_dim3A_228] : memref<256x64xf32, #tpu.memory_space<vmem>>[vector<16xi32>, vector<16xi32>], vector<16xf32>,
      %gather3A_230 = tpu.vector_load_idx %arg12[%add3A_66, %broadcast_in_dim3A_228] : memref<256x64xf32, #tpu.memory_space<vmem>>[vector<16xi32>, vector<16xi32>], vector<16xf32>,
      %slice3A_231 = vector.extract_strided_slice %get3A_68 {offsets = [15], sizes = [1], strides = [1]} : vector<16xf32> to vector<1xf32>
      %squeeze3A_232 = vector.extract %slice3A_231[0] : f32 from vector<1xf32>
      %mul3A_233 = arith.mulf %gather3A_229, %gather3A_230 : vector<16xf32>
      %mul3A_234 = vector.broadcast %squeeze3A_232 : f32 to vector<16xf32>
      %mul3A_235 = arith.mulf %mul3A_233, %mul3A_234 : vector<16xf32>
      %add3A_236 = arith.addf %add3A_196, %mul3A_235 : vector<16xf32>
      %broadcast_in_dim3A_237 = arith.constant 16 : i32
      %broadcast_in_dim3A_238 = vector.broadcast %broadcast_in_dim3A_237 : i32 to vector<16xi32>
      %gather3A_239 = tpu.vector_load_idx %arg11[%add3A_66, %broadcast_in_dim3A_238] : memref<256x64xf32, #tpu.memory_space<vmem>>[vector<16xi32>, vector<16xi32>], vector<16xf32>,
      %gather3A_240 = tpu.vector_load_idx %arg12[%add3A_66, %broadcast_in_dim3A_238] : memref<256x64xf32, #tpu.memory_space<vmem>>[vector<16xi32>, vector<16xi32>], vector<16xf32>,
      %slice3A_241 = vector.extract_strided_slice %get3A_70 {offsets = [0], sizes = [1], strides = [1]} : vector<16xf32> to vector<1xf32>
      %squeeze3A_242 = vector.extract %slice3A_241[0] : f32 from vector<1xf32>
      %mul3A_243 = arith.mulf %gather3A_239, %gather3A_240 : vector<16xf32>
      %mul3A_244 = vector.broadcast %squeeze3A_242 : f32 to vector<16xf32>
      %mul3A_245 = arith.mulf %mul3A_243, %mul3A_244 : vector<16xf32>
      %add3A_246 = arith.addf %add3A_206, %mul3A_245 : vector<16xf32>
      %broadcast_in_dim3A_247 = arith.constant 17 : i32
      %broadcast_in_dim3A_248 = vector.broadcast %broadcast_in_dim3A_247 : i32 to vector<16xi32>
      %gather3A_249 = tpu.vector_load_idx %arg11[%add3A_66, %broadcast_in_dim3A_248] : memref<256x64xf32, #tpu.memory_space<vmem>>[vector<16xi32>, vector<16xi32>], vector<16xf32>,
      %gather3A_250 = tpu.vector_load_idx %arg12[%add3A_66, %broadcast_in_dim3A_248] : memref<256x64xf32, #tpu.memory_space<vmem>>[vector<16xi32>, vector<16xi32>], vector<16xf32>,
      %slice3A_251 = vector.extract_strided_slice %get3A_70 {offsets = [1], sizes = [1], strides = [1]} : vector<16xf32> to vector<1xf32>
      %squeeze3A_252 = vector.extract %slice3A_251[0] : f32 from vector<1xf32>
      %mul3A_253 = arith.mulf %gather3A_249, %gather3A_250 : vector<16xf32>
      %mul3A_254 = vector.broadcast %squeeze3A_252 : f32 to vector<16xf32>
      %mul3A_255 = arith.mulf %mul3A_253, %mul3A_254 : vector<16xf32>
      %add3A_256 = arith.addf %add3A_216, %mul3A_255 : vector<16xf32>
      %broadcast_in_dim3A_257 = arith.constant 18 : i32
      %broadcast_in_dim3A_258 = vector.broadcast %broadcast_in_dim3A_257 : i32 to vector<16xi32>
      %gather3A_259 = tpu.vector_load_idx %arg11[%add3A_66, %broadcast_in_dim3A_258] : memref<256x64xf32, #tpu.memory_space<vmem>>[vector<16xi32>, vector<16xi32>], vector<16xf32>,
      %gather3A_260 = tpu.vector_load_idx %arg12[%add3A_66, %broadcast_in_dim3A_258] : memref<256x64xf32, #tpu.memory_space<vmem>>[vector<16xi32>, vector<16xi32>], vector<16xf32>,
      %slice3A_261 = vector.extract_strided_slice %get3A_70 {offsets = [2], sizes = [1], strides = [1]} : vector<16xf32> to vector<1xf32>
      %squeeze3A_262 = vector.extract %slice3A_261[0] : f32 from vector<1xf32>
      %mul3A_263 = arith.mulf %gather3A_259, %gather3A_260 : vector<16xf32>
      %mul3A_264 = vector.broadcast %squeeze3A_262 : f32 to vector<16xf32>
      %mul3A_265 = arith.mulf %mul3A_263, %mul3A_264 : vector<16xf32>
      %add3A_266 = arith.addf %add3A_226, %mul3A_265 : vector<16xf32>
      %broadcast_in_dim3A_267 = arith.constant 19 : i32
      %broadcast_in_dim3A_268 = vector.broadcast %broadcast_in_dim3A_267 : i32 to vector<16xi32>
      %gather3A_269 = tpu.vector_load_idx %arg11[%add3A_66, %broadcast_in_dim3A_268] : memref<256x64xf32, #tpu.memory_space<vmem>>[vector<16xi32>, vector<16xi32>], vector<16xf32>,
      %gather3A_270 = tpu.vector_load_idx %arg12[%add3A_66, %broadcast_in_dim3A_268] : memref<256x64xf32, #tpu.memory_space<vmem>>[vector<16xi32>, vector<16xi32>], vector<16xf32>,
      %slice3A_271 = vector.extract_strided_slice %get3A_70 {offsets = [3], sizes = [1], strides = [1]} : vector<16xf32> to vector<1xf32>
      %squeeze3A_272 = vector.extract %slice3A_271[0] : f32 from vector<1xf32>
      %mul3A_273 = arith.mulf %gather3A_269, %gather3A_270 : vector<16xf32>
      %mul3A_274 = vector.broadcast %squeeze3A_272 : f32 to vector<16xf32>
      %mul3A_275 = arith.mulf %mul3A_273, %mul3A_274 : vector<16xf32>
      %add3A_276 = arith.addf %add3A_236, %mul3A_275 : vector<16xf32>
      %broadcast_in_dim3A_277 = arith.constant 20 : i32
      %broadcast_in_dim3A_278 = vector.broadcast %broadcast_in_dim3A_277 : i32 to vector<16xi32>
      %gather3A_279 = tpu.vector_load_idx %arg11[%add3A_66, %broadcast_in_dim3A_278] : memref<256x64xf32, #tpu.memory_space<vmem>>[vector<16xi32>, vector<16xi32>], vector<16xf32>,
      %gather3A_280 = tpu.vector_load_idx %arg12[%add3A_66, %broadcast_in_dim3A_278] : memref<256x64xf32, #tpu.memory_space<vmem>>[vector<16xi32>, vector<16xi32>], vector<16xf32>,
      %slice3A_281 = vector.extract_strided_slice %get3A_70 {offsets = [4], sizes = [1], strides = [1]} : vector<16xf32> to vector<1xf32>
      %squeeze3A_282 = vector.extract %slice3A_281[0] : f32 from vector<1xf32>
      %mul3A_283 = arith.mulf %gather3A_279, %gather3A_280 : vector<16xf32>
      %mul3A_284 = vector.broadcast %squeeze3A_282 : f32 to vector<16xf32>
      %mul3A_285 = arith.mulf %mul3A_283, %mul3A_284 : vector<16xf32>
      %add3A_286 = arith.addf %add3A_246, %mul3A_285 : vector<16xf32>
      %broadcast_in_dim3A_287 = arith.constant 21 : i32
      %broadcast_in_dim3A_288 = vector.broadcast %broadcast_in_dim3A_287 : i32 to vector<16xi32>
      %gather3A_289 = tpu.vector_load_idx %arg11[%add3A_66, %broadcast_in_dim3A_288] : memref<256x64xf32, #tpu.memory_space<vmem>>[vector<16xi32>, vector<16xi32>], vector<16xf32>,
      %gather3A_290 = tpu.vector_load_idx %arg12[%add3A_66, %broadcast_in_dim3A_288] : memref<256x64xf32, #tpu.memory_space<vmem>>[vector<16xi32>, vector<16xi32>], vector<16xf32>,
      %slice3A_291 = vector.extract_strided_slice %get3A_70 {offsets = [5], sizes = [1], strides = [1]} : vector<16xf32> to vector<1xf32>
      %squeeze3A_292 = vector.extract %slice3A_291[0] : f32 from vector<1xf32>
      %mul3A_293 = arith.mulf %gather3A_289, %gather3A_290 : vector<16xf32>
      %mul3A_294 = vector.broadcast %squeeze3A_292 : f32 to vector<16xf32>
      %mul3A_295 = arith.mulf %mul3A_293, %mul3A_294 : vector<16xf32>
      %add3A_296 = arith.addf %add3A_256, %mul3A_295 : vector<16xf32>
      %broadcast_in_dim3A_297 = arith.constant 22 : i32
      %broadcast_in_dim3A_298 = vector.broadcast %broadcast_in_dim3A_297 : i32 to vector<16xi32>
      %gather3A_299 = tpu.vector_load_idx %arg11[%add3A_66, %broadcast_in_dim3A_298] : memref<256x64xf32, #tpu.memory_space<vmem>>[vector<16xi32>, vector<16xi32>], vector<16xf32>,
      %gather3A_300 = tpu.vector_load_idx %arg12[%add3A_66, %broadcast_in_dim3A_298] : memref<256x64xf32, #tpu.memory_space<vmem>>[vector<16xi32>, vector<16xi32>], vector<16xf32>,
      %slice3A_301 = vector.extract_strided_slice %get3A_70 {offsets = [6], sizes = [1], strides = [1]} : vector<16xf32> to vector<1xf32>
      %squeeze3A_302 = vector.extract %slice3A_301[0] : f32 from vector<1xf32>
      %mul3A_303 = arith.mulf %gather3A_299, %gather3A_300 : vector<16xf32>
      %mul3A_304 = vector.broadcast %squeeze3A_302 : f32 to vector<16xf32>
      %mul3A_305 = arith.mulf %mul3A_303, %mul3A_304 : vector<16xf32>
      %add3A_306 = arith.addf %add3A_266, %mul3A_305 : vector<16xf32>
      %broadcast_in_dim3A_307 = arith.constant 23 : i32
      %broadcast_in_dim3A_308 = vector.broadcast %broadcast_in_dim3A_307 : i32 to vector<16xi32>
      %gather3A_309 = tpu.vector_load_idx %arg11[%add3A_66, %broadcast_in_dim3A_308] : memref<256x64xf32, #tpu.memory_space<vmem>>[vector<16xi32>, vector<16xi32>], vector<16xf32>,
      %gather3A_310 = tpu.vector_load_idx %arg12[%add3A_66, %broadcast_in_dim3A_308] : memref<256x64xf32, #tpu.memory_space<vmem>>[vector<16xi32>, vector<16xi32>], vector<16xf32>,
      %slice3A_311 = vector.extract_strided_slice %get3A_70 {offsets = [7], sizes = [1], strides = [1]} : vector<16xf32> to vector<1xf32>
      %squeeze3A_312 = vector.extract %slice3A_311[0] : f32 from vector<1xf32>
      %mul3A_313 = arith.mulf %gather3A_309, %gather3A_310 : vector<16xf32>
      %mul3A_314 = vector.broadcast %squeeze3A_312 : f32 to vector<16xf32>
      %mul3A_315 = arith.mulf %mul3A_313, %mul3A_314 : vector<16xf32>
      %add3A_316 = arith.addf %add3A_276, %mul3A_315 : vector<16xf32>
      %broadcast_in_dim3A_317 = arith.constant 24 : i32
      %broadcast_in_dim3A_318 = vector.broadcast %broadcast_in_dim3A_317 : i32 to vector<16xi32>
      %gather3A_319 = tpu.vector_load_idx %arg11[%add3A_66, %broadcast_in_dim3A_318] : memref<256x64xf32, #tpu.memory_space<vmem>>[vector<16xi32>, vector<16xi32>], vector<16xf32>,
      %gather3A_320 = tpu.vector_load_idx %arg12[%add3A_66, %broadcast_in_dim3A_318] : memref<256x64xf32, #tpu.memory_space<vmem>>[vector<16xi32>, vector<16xi32>], vector<16xf32>,
      %slice3A_321 = vector.extract_strided_slice %get3A_70 {offsets = [8], sizes = [1], strides = [1]} : vector<16xf32> to vector<1xf32>
      %squeeze3A_322 = vector.extract %slice3A_321[0] : f32 from vector<1xf32>
      %mul3A_323 = arith.mulf %gather3A_319, %gather3A_320 : vector<16xf32>
      %mul3A_324 = vector.broadcast %squeeze3A_322 : f32 to vector<16xf32>
      %mul3A_325 = arith.mulf %mul3A_323, %mul3A_324 : vector<16xf32>
      %add3A_326 = arith.addf %add3A_286, %mul3A_325 : vector<16xf32>
      %broadcast_in_dim3A_327 = arith.constant 25 : i32
      %broadcast_in_dim3A_328 = vector.broadcast %broadcast_in_dim3A_327 : i32 to vector<16xi32>
      %gather3A_329 = tpu.vector_load_idx %arg11[%add3A_66, %broadcast_in_dim3A_328] : memref<256x64xf32, #tpu.memory_space<vmem>>[vector<16xi32>, vector<16xi32>], vector<16xf32>,
      %gather3A_330 = tpu.vector_load_idx %arg12[%add3A_66, %broadcast_in_dim3A_328] : memref<256x64xf32, #tpu.memory_space<vmem>>[vector<16xi32>, vector<16xi32>], vector<16xf32>,
      %slice3A_331 = vector.extract_strided_slice %get3A_70 {offsets = [9], sizes = [1], strides = [1]} : vector<16xf32> to vector<1xf32>
      %squeeze3A_332 = vector.extract %slice3A_331[0] : f32 from vector<1xf32>
      %mul3A_333 = arith.mulf %gather3A_329, %gather3A_330 : vector<16xf32>
      %mul3A_334 = vector.broadcast %squeeze3A_332 : f32 to vector<16xf32>
      %mul3A_335 = arith.mulf %mul3A_333, %mul3A_334 : vector<16xf32>
      %add3A_336 = arith.addf %add3A_296, %mul3A_335 : vector<16xf32>
      %broadcast_in_dim3A_337 = arith.constant 26 : i32
      %broadcast_in_dim3A_338 = vector.broadcast %broadcast_in_dim3A_337 : i32 to vector<16xi32>
      %gather3A_339 = tpu.vector_load_idx %arg11[%add3A_66, %broadcast_in_dim3A_338] : memref<256x64xf32, #tpu.memory_space<vmem>>[vector<16xi32>, vector<16xi32>], vector<16xf32>,
      %gather3A_340 = tpu.vector_load_idx %arg12[%add3A_66, %broadcast_in_dim3A_338] : memref<256x64xf32, #tpu.memory_space<vmem>>[vector<16xi32>, vector<16xi32>], vector<16xf32>,
      %slice3A_341 = vector.extract_strided_slice %get3A_70 {offsets = [10], sizes = [1], strides = [1]} : vector<16xf32> to vector<1xf32>
      %squeeze3A_342 = vector.extract %slice3A_341[0] : f32 from vector<1xf32>
      %mul3A_343 = arith.mulf %gather3A_339, %gather3A_340 : vector<16xf32>
      %mul3A_344 = vector.broadcast %squeeze3A_342 : f32 to vector<16xf32>
      %mul3A_345 = arith.mulf %mul3A_343, %mul3A_344 : vector<16xf32>
      %add3A_346 = arith.addf %add3A_306, %mul3A_345 : vector<16xf32>
      %broadcast_in_dim3A_347 = arith.constant 27 : i32
      %broadcast_in_dim3A_348 = vector.broadcast %broadcast_in_dim3A_347 : i32 to vector<16xi32>
      %gather3A_349 = tpu.vector_load_idx %arg11[%add3A_66, %broadcast_in_dim3A_348] : memref<256x64xf32, #tpu.memory_space<vmem>>[vector<16xi32>, vector<16xi32>], vector<16xf32>,
      %gather3A_350 = tpu.vector_load_idx %arg12[%add3A_66, %broadcast_in_dim3A_348] : memref<256x64xf32, #tpu.memory_space<vmem>>[vector<16xi32>, vector<16xi32>], vector<16xf32>,
      %slice3A_351 = vector.extract_strided_slice %get3A_70 {offsets = [11], sizes = [1], strides = [1]} : vector<16xf32> to vector<1xf32>
      %squeeze3A_352 = vector.extract %slice3A_351[0] : f32 from vector<1xf32>
      %mul3A_353 = arith.mulf %gather3A_349, %gather3A_350 : vector<16xf32>
      %mul3A_354 = vector.broadcast %squeeze3A_352 : f32 to vector<16xf32>
      %mul3A_355 = arith.mulf %mul3A_353, %mul3A_354 : vector<16xf32>
      %add3A_356 = arith.addf %add3A_316, %mul3A_355 : vector<16xf32>
      %broadcast_in_dim3A_357 = arith.constant 28 : i32
      %broadcast_in_dim3A_358 = vector.broadcast %broadcast_in_dim3A_357 : i32 to vector<16xi32>
      %gather3A_359 = tpu.vector_load_idx %arg11[%add3A_66, %broadcast_in_dim3A_358] : memref<256x64xf32, #tpu.memory_space<vmem>>[vector<16xi32>, vector<16xi32>], vector<16xf32>,
      %gather3A_360 = tpu.vector_load_idx %arg12[%add3A_66, %broadcast_in_dim3A_358] : memref<256x64xf32, #tpu.memory_space<vmem>>[vector<16xi32>, vector<16xi32>], vector<16xf32>,
      %slice3A_361 = vector.extract_strided_slice %get3A_70 {offsets = [12], sizes = [1], strides = [1]} : vector<16xf32> to vector<1xf32>
      %squeeze3A_362 = vector.extract %slice3A_361[0] : f32 from vector<1xf32>
      %mul3A_363 = arith.mulf %gather3A_359, %gather3A_360 : vector<16xf32>
      %mul3A_364 = vector.broadcast %squeeze3A_362 : f32 to vector<16xf32>
      %mul3A_365 = arith.mulf %mul3A_363, %mul3A_364 : vector<16xf32>
      %add3A_366 = arith.addf %add3A_326, %mul3A_365 : vector<16xf32>
      %broadcast_in_dim3A_367 = arith.constant 29 : i32
      %broadcast_in_dim3A_368 = vector.broadcast %broadcast_in_dim3A_367 : i32 to vector<16xi32>
      %gather3A_369 = tpu.vector_load_idx %arg11[%add3A_66, %broadcast_in_dim3A_368] : memref<256x64xf32, #tpu.memory_space<vmem>>[vector<16xi32>, vector<16xi32>], vector<16xf32>,
      %gather3A_370 = tpu.vector_load_idx %arg12[%add3A_66, %broadcast_in_dim3A_368] : memref<256x64xf32, #tpu.memory_space<vmem>>[vector<16xi32>, vector<16xi32>], vector<16xf32>,
      %slice3A_371 = vector.extract_strided_slice %get3A_70 {offsets = [13], sizes = [1], strides = [1]} : vector<16xf32> to vector<1xf32>
      %squeeze3A_372 = vector.extract %slice3A_371[0] : f32 from vector<1xf32>
      %mul3A_373 = arith.mulf %gather3A_369, %gather3A_370 : vector<16xf32>
      %mul3A_374 = vector.broadcast %squeeze3A_372 : f32 to vector<16xf32>
      %mul3A_375 = arith.mulf %mul3A_373, %mul3A_374 : vector<16xf32>
      %add3A_376 = arith.addf %add3A_336, %mul3A_375 : vector<16xf32>
      %broadcast_in_dim3A_377 = arith.constant 30 : i32
      %broadcast_in_dim3A_378 = vector.broadcast %broadcast_in_dim3A_377 : i32 to vector<16xi32>
      %gather3A_379 = tpu.vector_load_idx %arg11[%add3A_66, %broadcast_in_dim3A_378] : memref<256x64xf32, #tpu.memory_space<vmem>>[vector<16xi32>, vector<16xi32>], vector<16xf32>,
      %gather3A_380 = tpu.vector_load_idx %arg12[%add3A_66, %broadcast_in_dim3A_378] : memref<256x64xf32, #tpu.memory_space<vmem>>[vector<16xi32>, vector<16xi32>], vector<16xf32>,
      %slice3A_381 = vector.extract_strided_slice %get3A_70 {offsets = [14], sizes = [1], strides = [1]} : vector<16xf32> to vector<1xf32>
      %squeeze3A_382 = vector.extract %slice3A_381[0] : f32 from vector<1xf32>
      %mul3A_383 = arith.mulf %gather3A_379, %gather3A_380 : vector<16xf32>
      %mul3A_384 = vector.broadcast %squeeze3A_382 : f32 to vector<16xf32>
      %mul3A_385 = arith.mulf %mul3A_383, %mul3A_384 : vector<16xf32>
      %add3A_386 = arith.addf %add3A_346, %mul3A_385 : vector<16xf32>
      %broadcast_in_dim3A_387 = arith.constant 31 : i32
      %broadcast_in_dim3A_388 = vector.broadcast %broadcast_in_dim3A_387 : i32 to vector<16xi32>
      %gather3A_389 = tpu.vector_load_idx %arg11[%add3A_66, %broadcast_in_dim3A_388] : memref<256x64xf32, #tpu.memory_space<vmem>>[vector<16xi32>, vector<16xi32>], vector<16xf32>,
      %gather3A_390 = tpu.vector_load_idx %arg12[%add3A_66, %broadcast_in_dim3A_388] : memref<256x64xf32, #tpu.memory_space<vmem>>[vector<16xi32>, vector<16xi32>], vector<16xf32>,
      %slice3A_391 = vector.extract_strided_slice %get3A_70 {offsets = [15], sizes = [1], strides = [1]} : vector<16xf32> to vector<1xf32>
      %squeeze3A_392 = vector.extract %slice3A_391[0] : f32 from vector<1xf32>
      %mul3A_393 = arith.mulf %gather3A_389, %gather3A_390 : vector<16xf32>
      %mul3A_394 = vector.broadcast %squeeze3A_392 : f32 to vector<16xf32>
      %mul3A_395 = arith.mulf %mul3A_393, %mul3A_394 : vector<16xf32>
      %add3A_396 = arith.addf %add3A_356, %mul3A_395 : vector<16xf32>
      %broadcast_in_dim3A_397 = arith.constant 32 : i32
      %broadcast_in_dim3A_398 = vector.broadcast %broadcast_in_dim3A_397 : i32 to vector<16xi32>
      %gather3A_399 = tpu.vector_load_idx %arg11[%add3A_66, %broadcast_in_dim3A_398] : memref<256x64xf32, #tpu.memory_space<vmem>>[vector<16xi32>, vector<16xi32>], vector<16xf32>,
      %gather3A_400 = tpu.vector_load_idx %arg12[%add3A_66, %broadcast_in_dim3A_398] : memref<256x64xf32, #tpu.memory_space<vmem>>[vector<16xi32>, vector<16xi32>], vector<16xf32>,
      %slice3A_401 = vector.extract_strided_slice %get3A_72 {offsets = [0], sizes = [1], strides = [1]} : vector<16xf32> to vector<1xf32>
      %squeeze3A_402 = vector.extract %slice3A_401[0] : f32 from vector<1xf32>
      %mul3A_403 = arith.mulf %gather3A_399, %gather3A_400 : vector<16xf32>
      %mul3A_404 = vector.broadcast %squeeze3A_402 : f32 to vector<16xf32>
      %mul3A_405 = arith.mulf %mul3A_403, %mul3A_404 : vector<16xf32>
      %add3A_406 = arith.addf %add3A_366, %mul3A_405 : vector<16xf32>
      %broadcast_in_dim3A_407 = arith.constant 33 : i32
      %broadcast_in_dim3A_408 = vector.broadcast %broadcast_in_dim3A_407 : i32 to vector<16xi32>
      %gather3A_409 = tpu.vector_load_idx %arg11[%add3A_66, %broadcast_in_dim3A_408] : memref<256x64xf32, #tpu.memory_space<vmem>>[vector<16xi32>, vector<16xi32>], vector<16xf32>,
      %gather3A_410 = tpu.vector_load_idx %arg12[%add3A_66, %broadcast_in_dim3A_408] : memref<256x64xf32, #tpu.memory_space<vmem>>[vector<16xi32>, vector<16xi32>], vector<16xf32>,
      %slice3A_411 = vector.extract_strided_slice %get3A_72 {offsets = [1], sizes = [1], strides = [1]} : vector<16xf32> to vector<1xf32>
      %squeeze3A_412 = vector.extract %slice3A_411[0] : f32 from vector<1xf32>
      %mul3A_413 = arith.mulf %gather3A_409, %gather3A_410 : vector<16xf32>
      %mul3A_414 = vector.broadcast %squeeze3A_412 : f32 to vector<16xf32>
      %mul3A_415 = arith.mulf %mul3A_413, %mul3A_414 : vector<16xf32>
      %add3A_416 = arith.addf %add3A_376, %mul3A_415 : vector<16xf32>
      %broadcast_in_dim3A_417 = arith.constant 34 : i32
      %broadcast_in_dim3A_418 = vector.broadcast %broadcast_in_dim3A_417 : i32 to vector<16xi32>
      %gather3A_419 = tpu.vector_load_idx %arg11[%add3A_66, %broadcast_in_dim3A_418] : memref<256x64xf32, #tpu.memory_space<vmem>>[vector<16xi32>, vector<16xi32>], vector<16xf32>,
      %gather3A_420 = tpu.vector_load_idx %arg12[%add3A_66, %broadcast_in_dim3A_418] : memref<256x64xf32, #tpu.memory_space<vmem>>[vector<16xi32>, vector<16xi32>], vector<16xf32>,
      %slice3A_421 = vector.extract_strided_slice %get3A_72 {offsets = [2], sizes = [1], strides = [1]} : vector<16xf32> to vector<1xf32>
      %squeeze3A_422 = vector.extract %slice3A_421[0] : f32 from vector<1xf32>
      %mul3A_423 = arith.mulf %gather3A_419, %gather3A_420 : vector<16xf32>
      %mul3A_424 = vector.broadcast %squeeze3A_422 : f32 to vector<16xf32>
      %mul3A_425 = arith.mulf %mul3A_423, %mul3A_424 : vector<16xf32>
      %add3A_426 = arith.addf %add3A_386, %mul3A_425 : vector<16xf32>
      %broadcast_in_dim3A_427 = arith.constant 35 : i32
      %broadcast_in_dim3A_428 = vector.broadcast %broadcast_in_dim3A_427 : i32 to vector<16xi32>
      %gather3A_429 = tpu.vector_load_idx %arg11[%add3A_66, %broadcast_in_dim3A_428] : memref<256x64xf32, #tpu.memory_space<vmem>>[vector<16xi32>, vector<16xi32>], vector<16xf32>,
      %gather3A_430 = tpu.vector_load_idx %arg12[%add3A_66, %broadcast_in_dim3A_428] : memref<256x64xf32, #tpu.memory_space<vmem>>[vector<16xi32>, vector<16xi32>], vector<16xf32>,
      %slice3A_431 = vector.extract_strided_slice %get3A_72 {offsets = [3], sizes = [1], strides = [1]} : vector<16xf32> to vector<1xf32>
      %squeeze3A_432 = vector.extract %slice3A_431[0] : f32 from vector<1xf32>
      %mul3A_433 = arith.mulf %gather3A_429, %gather3A_430 : vector<16xf32>
      %mul3A_434 = vector.broadcast %squeeze3A_432 : f32 to vector<16xf32>
      %mul3A_435 = arith.mulf %mul3A_433, %mul3A_434 : vector<16xf32>
      %add3A_436 = arith.addf %add3A_396, %mul3A_435 : vector<16xf32>
      %broadcast_in_dim3A_437 = arith.constant 36 : i32
      %broadcast_in_dim3A_438 = vector.broadcast %broadcast_in_dim3A_437 : i32 to vector<16xi32>
      %gather3A_439 = tpu.vector_load_idx %arg11[%add3A_66, %broadcast_in_dim3A_438] : memref<256x64xf32, #tpu.memory_space<vmem>>[vector<16xi32>, vector<16xi32>], vector<16xf32>,
      %gather3A_440 = tpu.vector_load_idx %arg12[%add3A_66, %broadcast_in_dim3A_438] : memref<256x64xf32, #tpu.memory_space<vmem>>[vector<16xi32>, vector<16xi32>], vector<16xf32>,
      %slice3A_441 = vector.extract_strided_slice %get3A_72 {offsets = [4], sizes = [1], strides = [1]} : vector<16xf32> to vector<1xf32>
      %squeeze3A_442 = vector.extract %slice3A_441[0] : f32 from vector<1xf32>
      %mul3A_443 = arith.mulf %gather3A_439, %gather3A_440 : vector<16xf32>
      %mul3A_444 = vector.broadcast %squeeze3A_442 : f32 to vector<16xf32>
      %mul3A_445 = arith.mulf %mul3A_443, %mul3A_444 : vector<16xf32>
      %add3A_446 = arith.addf %add3A_406, %mul3A_445 : vector<16xf32>
      %broadcast_in_dim3A_447 = arith.constant 37 : i32
      %broadcast_in_dim3A_448 = vector.broadcast %broadcast_in_dim3A_447 : i32 to vector<16xi32>
      %gather3A_449 = tpu.vector_load_idx %arg11[%add3A_66, %broadcast_in_dim3A_448] : memref<256x64xf32, #tpu.memory_space<vmem>>[vector<16xi32>, vector<16xi32>], vector<16xf32>,
      %gather3A_450 = tpu.vector_load_idx %arg12[%add3A_66, %broadcast_in_dim3A_448] : memref<256x64xf32, #tpu.memory_space<vmem>>[vector<16xi32>, vector<16xi32>], vector<16xf32>,
      %slice3A_451 = vector.extract_strided_slice %get3A_72 {offsets = [5], sizes = [1], strides = [1]} : vector<16xf32> to vector<1xf32>
      %squeeze3A_452 = vector.extract %slice3A_451[0] : f32 from vector<1xf32>
      %mul3A_453 = arith.mulf %gather3A_449, %gather3A_450 : vector<16xf32>
      %mul3A_454 = vector.broadcast %squeeze3A_452 : f32 to vector<16xf32>
      %mul3A_455 = arith.mulf %mul3A_453, %mul3A_454 : vector<16xf32>
      %add3A_456 = arith.addf %add3A_416, %mul3A_455 : vector<16xf32>
      %broadcast_in_dim3A_457 = arith.constant 38 : i32
      %broadcast_in_dim3A_458 = vector.broadcast %broadcast_in_dim3A_457 : i32 to vector<16xi32>
      %gather3A_459 = tpu.vector_load_idx %arg11[%add3A_66, %broadcast_in_dim3A_458] : memref<256x64xf32, #tpu.memory_space<vmem>>[vector<16xi32>, vector<16xi32>], vector<16xf32>,
      %gather3A_460 = tpu.vector_load_idx %arg12[%add3A_66, %broadcast_in_dim3A_458] : memref<256x64xf32, #tpu.memory_space<vmem>>[vector<16xi32>, vector<16xi32>], vector<16xf32>,
      %slice3A_461 = vector.extract_strided_slice %get3A_72 {offsets = [6], sizes = [1], strides = [1]} : vector<16xf32> to vector<1xf32>
      %squeeze3A_462 = vector.extract %slice3A_461[0] : f32 from vector<1xf32>
      %mul3A_463 = arith.mulf %gather3A_459, %gather3A_460 : vector<16xf32>
      %mul3A_464 = vector.broadcast %squeeze3A_462 : f32 to vector<16xf32>
      %mul3A_465 = arith.mulf %mul3A_463, %mul3A_464 : vector<16xf32>
      %add3A_466 = arith.addf %add3A_426, %mul3A_465 : vector<16xf32>
      %broadcast_in_dim3A_467 = arith.constant 39 : i32
      %broadcast_in_dim3A_468 = vector.broadcast %broadcast_in_dim3A_467 : i32 to vector<16xi32>
      %gather3A_469 = tpu.vector_load_idx %arg11[%add3A_66, %broadcast_in_dim3A_468] : memref<256x64xf32, #tpu.memory_space<vmem>>[vector<16xi32>, vector<16xi32>], vector<16xf32>,
      %gather3A_470 = tpu.vector_load_idx %arg12[%add3A_66, %broadcast_in_dim3A_468] : memref<256x64xf32, #tpu.memory_space<vmem>>[vector<16xi32>, vector<16xi32>], vector<16xf32>,
      %slice3A_471 = vector.extract_strided_slice %get3A_72 {offsets = [7], sizes = [1], strides = [1]} : vector<16xf32> to vector<1xf32>
      %squeeze3A_472 = vector.extract %slice3A_471[0] : f32 from vector<1xf32>
      %mul3A_473 = arith.mulf %gather3A_469, %gather3A_470 : vector<16xf32>
      %mul3A_474 = vector.broadcast %squeeze3A_472 : f32 to vector<16xf32>
      %mul3A_475 = arith.mulf %mul3A_473, %mul3A_474 : vector<16xf32>
      %add3A_476 = arith.addf %add3A_436, %mul3A_475 : vector<16xf32>
      %broadcast_in_dim3A_477 = arith.constant 40 : i32
      %broadcast_in_dim3A_478 = vector.broadcast %broadcast_in_dim3A_477 : i32 to vector<16xi32>
      %gather3A_479 = tpu.vector_load_idx %arg11[%add3A_66, %broadcast_in_dim3A_478] : memref<256x64xf32, #tpu.memory_space<vmem>>[vector<16xi32>, vector<16xi32>], vector<16xf32>,
      %gather3A_480 = tpu.vector_load_idx %arg12[%add3A_66, %broadcast_in_dim3A_478] : memref<256x64xf32, #tpu.memory_space<vmem>>[vector<16xi32>, vector<16xi32>], vector<16xf32>,
      %slice3A_481 = vector.extract_strided_slice %get3A_72 {offsets = [8], sizes = [1], strides = [1]} : vector<16xf32> to vector<1xf32>
      %squeeze3A_482 = vector.extract %slice3A_481[0] : f32 from vector<1xf32>
      %mul3A_483 = arith.mulf %gather3A_479, %gather3A_480 : vector<16xf32>
      %mul3A_484 = vector.broadcast %squeeze3A_482 : f32 to vector<16xf32>
      %mul3A_485 = arith.mulf %mul3A_483, %mul3A_484 : vector<16xf32>
      %add3A_486 = arith.addf %add3A_446, %mul3A_485 : vector<16xf32>
      %broadcast_in_dim3A_487 = arith.constant 41 : i32
      %broadcast_in_dim3A_488 = vector.broadcast %broadcast_in_dim3A_487 : i32 to vector<16xi32>
      %gather3A_489 = tpu.vector_load_idx %arg11[%add3A_66, %broadcast_in_dim3A_488] : memref<256x64xf32, #tpu.memory_space<vmem>>[vector<16xi32>, vector<16xi32>], vector<16xf32>,
      %gather3A_490 = tpu.vector_load_idx %arg12[%add3A_66, %broadcast_in_dim3A_488] : memref<256x64xf32, #tpu.memory_space<vmem>>[vector<16xi32>, vector<16xi32>], vector<16xf32>,
      %slice3A_491 = vector.extract_strided_slice %get3A_72 {offsets = [9], sizes = [1], strides = [1]} : vector<16xf32> to vector<1xf32>
      %squeeze3A_492 = vector.extract %slice3A_491[0] : f32 from vector<1xf32>
      %mul3A_493 = arith.mulf %gather3A_489, %gather3A_490 : vector<16xf32>
      %mul3A_494 = vector.broadcast %squeeze3A_492 : f32 to vector<16xf32>
      %mul3A_495 = arith.mulf %mul3A_493, %mul3A_494 : vector<16xf32>
      %add3A_496 = arith.addf %add3A_456, %mul3A_495 : vector<16xf32>
      %broadcast_in_dim3A_497 = arith.constant 42 : i32
      %broadcast_in_dim3A_498 = vector.broadcast %broadcast_in_dim3A_497 : i32 to vector<16xi32>
      %gather3A_499 = tpu.vector_load_idx %arg11[%add3A_66, %broadcast_in_dim3A_498] : memref<256x64xf32, #tpu.memory_space<vmem>>[vector<16xi32>, vector<16xi32>], vector<16xf32>,
      %gather3A_500 = tpu.vector_load_idx %arg12[%add3A_66, %broadcast_in_dim3A_498] : memref<256x64xf32, #tpu.memory_space<vmem>>[vector<16xi32>, vector<16xi32>], vector<16xf32>,
      %slice3A_501 = vector.extract_strided_slice %get3A_72 {offsets = [10], sizes = [1], strides = [1]} : vector<16xf32> to vector<1xf32>
      %squeeze3A_502 = vector.extract %slice3A_501[0] : f32 from vector<1xf32>
      %mul3A_503 = arith.mulf %gather3A_499, %gather3A_500 : vector<16xf32>
      %mul3A_504 = vector.broadcast %squeeze3A_502 : f32 to vector<16xf32>
      %mul3A_505 = arith.mulf %mul3A_503, %mul3A_504 : vector<16xf32>
      %add3A_506 = arith.addf %add3A_466, %mul3A_505 : vector<16xf32>
      %broadcast_in_dim3A_507 = arith.constant 43 : i32
      %broadcast_in_dim3A_508 = vector.broadcast %broadcast_in_dim3A_507 : i32 to vector<16xi32>
      %gather3A_509 = tpu.vector_load_idx %arg11[%add3A_66, %broadcast_in_dim3A_508] : memref<256x64xf32, #tpu.memory_space<vmem>>[vector<16xi32>, vector<16xi32>], vector<16xf32>,
      %gather3A_510 = tpu.vector_load_idx %arg12[%add3A_66, %broadcast_in_dim3A_508] : memref<256x64xf32, #tpu.memory_space<vmem>>[vector<16xi32>, vector<16xi32>], vector<16xf32>,
      %slice3A_511 = vector.extract_strided_slice %get3A_72 {offsets = [11], sizes = [1], strides = [1]} : vector<16xf32> to vector<1xf32>
      %squeeze3A_512 = vector.extract %slice3A_511[0] : f32 from vector<1xf32>
      %mul3A_513 = arith.mulf %gather3A_509, %gather3A_510 : vector<16xf32>
      %mul3A_514 = vector.broadcast %squeeze3A_512 : f32 to vector<16xf32>
      %mul3A_515 = arith.mulf %mul3A_513, %mul3A_514 : vector<16xf32>
      %add3A_516 = arith.addf %add3A_476, %mul3A_515 : vector<16xf32>
      %broadcast_in_dim3A_517 = arith.constant 44 : i32
      %broadcast_in_dim3A_518 = vector.broadcast %broadcast_in_dim3A_517 : i32 to vector<16xi32>
      %gather3A_519 = tpu.vector_load_idx %arg11[%add3A_66, %broadcast_in_dim3A_518] : memref<256x64xf32, #tpu.memory_space<vmem>>[vector<16xi32>, vector<16xi32>], vector<16xf32>,
      %gather3A_520 = tpu.vector_load_idx %arg12[%add3A_66, %broadcast_in_dim3A_518] : memref<256x64xf32, #tpu.memory_space<vmem>>[vector<16xi32>, vector<16xi32>], vector<16xf32>,
      %slice3A_521 = vector.extract_strided_slice %get3A_72 {offsets = [12], sizes = [1], strides = [1]} : vector<16xf32> to vector<1xf32>
      %squeeze3A_522 = vector.extract %slice3A_521[0] : f32 from vector<1xf32>
      %mul3A_523 = arith.mulf %gather3A_519, %gather3A_520 : vector<16xf32>
      %mul3A_524 = vector.broadcast %squeeze3A_522 : f32 to vector<16xf32>
      %mul3A_525 = arith.mulf %mul3A_523, %mul3A_524 : vector<16xf32>
      %add3A_526 = arith.addf %add3A_486, %mul3A_525 : vector<16xf32>
      %broadcast_in_dim3A_527 = arith.constant 45 : i32
      %broadcast_in_dim3A_528 = vector.broadcast %broadcast_in_dim3A_527 : i32 to vector<16xi32>
      %gather3A_529 = tpu.vector_load_idx %arg11[%add3A_66, %broadcast_in_dim3A_528] : memref<256x64xf32, #tpu.memory_space<vmem>>[vector<16xi32>, vector<16xi32>], vector<16xf32>,
      %gather3A_530 = tpu.vector_load_idx %arg12[%add3A_66, %broadcast_in_dim3A_528] : memref<256x64xf32, #tpu.memory_space<vmem>>[vector<16xi32>, vector<16xi32>], vector<16xf32>,
      %slice3A_531 = vector.extract_strided_slice %get3A_72 {offsets = [13], sizes = [1], strides = [1]} : vector<16xf32> to vector<1xf32>
      %squeeze3A_532 = vector.extract %slice3A_531[0] : f32 from vector<1xf32>
      %mul3A_533 = arith.mulf %gather3A_529, %gather3A_530 : vector<16xf32>
      %mul3A_534 = vector.broadcast %squeeze3A_532 : f32 to vector<16xf32>
      %mul3A_535 = arith.mulf %mul3A_533, %mul3A_534 : vector<16xf32>
      %add3A_536 = arith.addf %add3A_496, %mul3A_535 : vector<16xf32>
      %broadcast_in_dim3A_537 = arith.constant 46 : i32
      %broadcast_in_dim3A_538 = vector.broadcast %broadcast_in_dim3A_537 : i32 to vector<16xi32>
      %gather3A_539 = tpu.vector_load_idx %arg11[%add3A_66, %broadcast_in_dim3A_538] : memref<256x64xf32, #tpu.memory_space<vmem>>[vector<16xi32>, vector<16xi32>], vector<16xf32>,
      %gather3A_540 = tpu.vector_load_idx %arg12[%add3A_66, %broadcast_in_dim3A_538] : memref<256x64xf32, #tpu.memory_space<vmem>>[vector<16xi32>, vector<16xi32>], vector<16xf32>,
      %slice3A_541 = vector.extract_strided_slice %get3A_72 {offsets = [14], sizes = [1], strides = [1]} : vector<16xf32> to vector<1xf32>
      %squeeze3A_542 = vector.extract %slice3A_541[0] : f32 from vector<1xf32>
      %mul3A_543 = arith.mulf %gather3A_539, %gather3A_540 : vector<16xf32>
      %mul3A_544 = vector.broadcast %squeeze3A_542 : f32 to vector<16xf32>
      %mul3A_545 = arith.mulf %mul3A_543, %mul3A_544 : vector<16xf32>
      %add3A_546 = arith.addf %add3A_506, %mul3A_545 : vector<16xf32>
      %broadcast_in_dim3A_547 = arith.constant 47 : i32
      %broadcast_in_dim3A_548 = vector.broadcast %broadcast_in_dim3A_547 : i32 to vector<16xi32>
      %gather3A_549 = tpu.vector_load_idx %arg11[%add3A_66, %broadcast_in_dim3A_548] : memref<256x64xf32, #tpu.memory_space<vmem>>[vector<16xi32>, vector<16xi32>], vector<16xf32>,
      %gather3A_550 = tpu.vector_load_idx %arg12[%add3A_66, %broadcast_in_dim3A_548] : memref<256x64xf32, #tpu.memory_space<vmem>>[vector<16xi32>, vector<16xi32>], vector<16xf32>,
      %slice3A_551 = vector.extract_strided_slice %get3A_72 {offsets = [15], sizes = [1], strides = [1]} : vector<16xf32> to vector<1xf32>
      %squeeze3A_552 = vector.extract %slice3A_551[0] : f32 from vector<1xf32>
      %mul3A_553 = arith.mulf %gather3A_549, %gather3A_550 : vector<16xf32>
      %mul3A_554 = vector.broadcast %squeeze3A_552 : f32 to vector<16xf32>
      %mul3A_555 = arith.mulf %mul3A_553, %mul3A_554 : vector<16xf32>
      %add3A_556 = arith.addf %add3A_516, %mul3A_555 : vector<16xf32>
      %broadcast_in_dim3A_557 = arith.constant 48 : i32
      %broadcast_in_dim3A_558 = vector.broadcast %broadcast_in_dim3A_557 : i32 to vector<16xi32>
      %gather3A_559 = tpu.vector_load_idx %arg11[%add3A_66, %broadcast_in_dim3A_558] : memref<256x64xf32, #tpu.memory_space<vmem>>[vector<16xi32>, vector<16xi32>], vector<16xf32>,
      %gather3A_560 = tpu.vector_load_idx %arg12[%add3A_66, %broadcast_in_dim3A_558] : memref<256x64xf32, #tpu.memory_space<vmem>>[vector<16xi32>, vector<16xi32>], vector<16xf32>,
      %slice3A_561 = vector.extract_strided_slice %get3A_74 {offsets = [0], sizes = [1], strides = [1]} : vector<16xf32> to vector<1xf32>
      %squeeze3A_562 = vector.extract %slice3A_561[0] : f32 from vector<1xf32>
      %mul3A_563 = arith.mulf %gather3A_559, %gather3A_560 : vector<16xf32>
      %mul3A_564 = vector.broadcast %squeeze3A_562 : f32 to vector<16xf32>
      %mul3A_565 = arith.mulf %mul3A_563, %mul3A_564 : vector<16xf32>
      %add3A_566 = arith.addf %add3A_526, %mul3A_565 : vector<16xf32>
      %broadcast_in_dim3A_567 = arith.constant 49 : i32
      %broadcast_in_dim3A_568 = vector.broadcast %broadcast_in_dim3A_567 : i32 to vector<16xi32>
      %gather3A_569 = tpu.vector_load_idx %arg11[%add3A_66, %broadcast_in_dim3A_568] : memref<256x64xf32, #tpu.memory_space<vmem>>[vector<16xi32>, vector<16xi32>], vector<16xf32>,
      %gather3A_570 = tpu.vector_load_idx %arg12[%add3A_66, %broadcast_in_dim3A_568] : memref<256x64xf32, #tpu.memory_space<vmem>>[vector<16xi32>, vector<16xi32>], vector<16xf32>,
      %slice3A_571 = vector.extract_strided_slice %get3A_74 {offsets = [1], sizes = [1], strides = [1]} : vector<16xf32> to vector<1xf32>
      %squeeze3A_572 = vector.extract %slice3A_571[0] : f32 from vector<1xf32>
      %mul3A_573 = arith.mulf %gather3A_569, %gather3A_570 : vector<16xf32>
      %mul3A_574 = vector.broadcast %squeeze3A_572 : f32 to vector<16xf32>
      %mul3A_575 = arith.mulf %mul3A_573, %mul3A_574 : vector<16xf32>
      %add3A_576 = arith.addf %add3A_536, %mul3A_575 : vector<16xf32>
      %broadcast_in_dim3A_577 = arith.constant 50 : i32
      %broadcast_in_dim3A_578 = vector.broadcast %broadcast_in_dim3A_577 : i32 to vector<16xi32>
      %gather3A_579 = tpu.vector_load_idx %arg11[%add3A_66, %broadcast_in_dim3A_578] : memref<256x64xf32, #tpu.memory_space<vmem>>[vector<16xi32>, vector<16xi32>], vector<16xf32>,
      %gather3A_580 = tpu.vector_load_idx %arg12[%add3A_66, %broadcast_in_dim3A_578] : memref<256x64xf32, #tpu.memory_space<vmem>>[vector<16xi32>, vector<16xi32>], vector<16xf32>,
      %slice3A_581 = vector.extract_strided_slice %get3A_74 {offsets = [2], sizes = [1], strides = [1]} : vector<16xf32> to vector<1xf32>
      %squeeze3A_582 = vector.extract %slice3A_581[0] : f32 from vector<1xf32>
      %mul3A_583 = arith.mulf %gather3A_579, %gather3A_580 : vector<16xf32>
      %mul3A_584 = vector.broadcast %squeeze3A_582 : f32 to vector<16xf32>
      %mul3A_585 = arith.mulf %mul3A_583, %mul3A_584 : vector<16xf32>
      %add3A_586 = arith.addf %add3A_546, %mul3A_585 : vector<16xf32>
      %broadcast_in_dim3A_587 = arith.constant 51 : i32
      %broadcast_in_dim3A_588 = vector.broadcast %broadcast_in_dim3A_587 : i32 to vector<16xi32>
      %gather3A_589 = tpu.vector_load_idx %arg11[%add3A_66, %broadcast_in_dim3A_588] : memref<256x64xf32, #tpu.memory_space<vmem>>[vector<16xi32>, vector<16xi32>], vector<16xf32>,
      %gather3A_590 = tpu.vector_load_idx %arg12[%add3A_66, %broadcast_in_dim3A_588] : memref<256x64xf32, #tpu.memory_space<vmem>>[vector<16xi32>, vector<16xi32>], vector<16xf32>,
      %slice3A_591 = vector.extract_strided_slice %get3A_74 {offsets = [3], sizes = [1], strides = [1]} : vector<16xf32> to vector<1xf32>
      %squeeze3A_592 = vector.extract %slice3A_591[0] : f32 from vector<1xf32>
      %mul3A_593 = arith.mulf %gather3A_589, %gather3A_590 : vector<16xf32>
      %mul3A_594 = vector.broadcast %squeeze3A_592 : f32 to vector<16xf32>
      %mul3A_595 = arith.mulf %mul3A_593, %mul3A_594 : vector<16xf32>
      %add3A_596 = arith.addf %add3A_556, %mul3A_595 : vector<16xf32>
      %broadcast_in_dim3A_597 = arith.constant 52 : i32
      %broadcast_in_dim3A_598 = vector.broadcast %broadcast_in_dim3A_597 : i32 to vector<16xi32>
      %gather3A_599 = tpu.vector_load_idx %arg11[%add3A_66, %broadcast_in_dim3A_598] : memref<256x64xf32, #tpu.memory_space<vmem>>[vector<16xi32>, vector<16xi32>], vector<16xf32>,
      %gather3A_600 = tpu.vector_load_idx %arg12[%add3A_66, %broadcast_in_dim3A_598] : memref<256x64xf32, #tpu.memory_space<vmem>>[vector<16xi32>, vector<16xi32>], vector<16xf32>,
      %slice3A_601 = vector.extract_strided_slice %get3A_74 {offsets = [4], sizes = [1], strides = [1]} : vector<16xf32> to vector<1xf32>
      %squeeze3A_602 = vector.extract %slice3A_601[0] : f32 from vector<1xf32>
      %mul3A_603 = arith.mulf %gather3A_599, %gather3A_600 : vector<16xf32>
      %mul3A_604 = vector.broadcast %squeeze3A_602 : f32 to vector<16xf32>
      %mul3A_605 = arith.mulf %mul3A_603, %mul3A_604 : vector<16xf32>
      %add3A_606 = arith.addf %add3A_566, %mul3A_605 : vector<16xf32>
      %broadcast_in_dim3A_607 = arith.constant 53 : i32
      %broadcast_in_dim3A_608 = vector.broadcast %broadcast_in_dim3A_607 : i32 to vector<16xi32>
      %gather3A_609 = tpu.vector_load_idx %arg11[%add3A_66, %broadcast_in_dim3A_608] : memref<256x64xf32, #tpu.memory_space<vmem>>[vector<16xi32>, vector<16xi32>], vector<16xf32>,
      %gather3A_610 = tpu.vector_load_idx %arg12[%add3A_66, %broadcast_in_dim3A_608] : memref<256x64xf32, #tpu.memory_space<vmem>>[vector<16xi32>, vector<16xi32>], vector<16xf32>,
      %slice3A_611 = vector.extract_strided_slice %get3A_74 {offsets = [5], sizes = [1], strides = [1]} : vector<16xf32> to vector<1xf32>
      %squeeze3A_612 = vector.extract %slice3A_611[0] : f32 from vector<1xf32>
      %mul3A_613 = arith.mulf %gather3A_609, %gather3A_610 : vector<16xf32>
      %mul3A_614 = vector.broadcast %squeeze3A_612 : f32 to vector<16xf32>
      %mul3A_615 = arith.mulf %mul3A_613, %mul3A_614 : vector<16xf32>
      %add3A_616 = arith.addf %add3A_576, %mul3A_615 : vector<16xf32>
      %broadcast_in_dim3A_617 = arith.constant 54 : i32
      %broadcast_in_dim3A_618 = vector.broadcast %broadcast_in_dim3A_617 : i32 to vector<16xi32>
      %gather3A_619 = tpu.vector_load_idx %arg11[%add3A_66, %broadcast_in_dim3A_618] : memref<256x64xf32, #tpu.memory_space<vmem>>[vector<16xi32>, vector<16xi32>], vector<16xf32>,
      %gather3A_620 = tpu.vector_load_idx %arg12[%add3A_66, %broadcast_in_dim3A_618] : memref<256x64xf32, #tpu.memory_space<vmem>>[vector<16xi32>, vector<16xi32>], vector<16xf32>,
      %slice3A_621 = vector.extract_strided_slice %get3A_74 {offsets = [6], sizes = [1], strides = [1]} : vector<16xf32> to vector<1xf32>
      %squeeze3A_622 = vector.extract %slice3A_621[0] : f32 from vector<1xf32>
      %mul3A_623 = arith.mulf %gather3A_619, %gather3A_620 : vector<16xf32>
      %mul3A_624 = vector.broadcast %squeeze3A_622 : f32 to vector<16xf32>
      %mul3A_625 = arith.mulf %mul3A_623, %mul3A_624 : vector<16xf32>
      %add3A_626 = arith.addf %add3A_586, %mul3A_625 : vector<16xf32>
      %broadcast_in_dim3A_627 = arith.constant 55 : i32
      %broadcast_in_dim3A_628 = vector.broadcast %broadcast_in_dim3A_627 : i32 to vector<16xi32>
      %gather3A_629 = tpu.vector_load_idx %arg11[%add3A_66, %broadcast_in_dim3A_628] : memref<256x64xf32, #tpu.memory_space<vmem>>[vector<16xi32>, vector<16xi32>], vector<16xf32>,
      %gather3A_630 = tpu.vector_load_idx %arg12[%add3A_66, %broadcast_in_dim3A_628] : memref<256x64xf32, #tpu.memory_space<vmem>>[vector<16xi32>, vector<16xi32>], vector<16xf32>,
      %slice3A_631 = vector.extract_strided_slice %get3A_74 {offsets = [7], sizes = [1], strides = [1]} : vector<16xf32> to vector<1xf32>
      %squeeze3A_632 = vector.extract %slice3A_631[0] : f32 from vector<1xf32>
      %mul3A_633 = arith.mulf %gather3A_629, %gather3A_630 : vector<16xf32>
      %mul3A_634 = vector.broadcast %squeeze3A_632 : f32 to vector<16xf32>
      %mul3A_635 = arith.mulf %mul3A_633, %mul3A_634 : vector<16xf32>
      %add3A_636 = arith.addf %add3A_596, %mul3A_635 : vector<16xf32>
      %broadcast_in_dim3A_637 = arith.constant 56 : i32
      %broadcast_in_dim3A_638 = vector.broadcast %broadcast_in_dim3A_637 : i32 to vector<16xi32>
      %gather3A_639 = tpu.vector_load_idx %arg11[%add3A_66, %broadcast_in_dim3A_638] : memref<256x64xf32, #tpu.memory_space<vmem>>[vector<16xi32>, vector<16xi32>], vector<16xf32>,
      %gather3A_640 = tpu.vector_load_idx %arg12[%add3A_66, %broadcast_in_dim3A_638] : memref<256x64xf32, #tpu.memory_space<vmem>>[vector<16xi32>, vector<16xi32>], vector<16xf32>,
      %slice3A_641 = vector.extract_strided_slice %get3A_74 {offsets = [8], sizes = [1], strides = [1]} : vector<16xf32> to vector<1xf32>
      %squeeze3A_642 = vector.extract %slice3A_641[0] : f32 from vector<1xf32>
      %mul3A_643 = arith.mulf %gather3A_639, %gather3A_640 : vector<16xf32>
      %mul3A_644 = vector.broadcast %squeeze3A_642 : f32 to vector<16xf32>
      %mul3A_645 = arith.mulf %mul3A_643, %mul3A_644 : vector<16xf32>
      %add3A_646 = arith.addf %add3A_606, %mul3A_645 : vector<16xf32>
      %broadcast_in_dim3A_647 = arith.constant 57 : i32
      %broadcast_in_dim3A_648 = vector.broadcast %broadcast_in_dim3A_647 : i32 to vector<16xi32>
      %gather3A_649 = tpu.vector_load_idx %arg11[%add3A_66, %broadcast_in_dim3A_648] : memref<256x64xf32, #tpu.memory_space<vmem>>[vector<16xi32>, vector<16xi32>], vector<16xf32>,
      %gather3A_650 = tpu.vector_load_idx %arg12[%add3A_66, %broadcast_in_dim3A_648] : memref<256x64xf32, #tpu.memory_space<vmem>>[vector<16xi32>, vector<16xi32>], vector<16xf32>,
      %slice3A_651 = vector.extract_strided_slice %get3A_74 {offsets = [9], sizes = [1], strides = [1]} : vector<16xf32> to vector<1xf32>
      %squeeze3A_652 = vector.extract %slice3A_651[0] : f32 from vector<1xf32>
      %mul3A_653 = arith.mulf %gather3A_649, %gather3A_650 : vector<16xf32>
      %mul3A_654 = vector.broadcast %squeeze3A_652 : f32 to vector<16xf32>
      %mul3A_655 = arith.mulf %mul3A_653, %mul3A_654 : vector<16xf32>
      %add3A_656 = arith.addf %add3A_616, %mul3A_655 : vector<16xf32>
      %broadcast_in_dim3A_657 = arith.constant 58 : i32
      %broadcast_in_dim3A_658 = vector.broadcast %broadcast_in_dim3A_657 : i32 to vector<16xi32>
      %gather3A_659 = tpu.vector_load_idx %arg11[%add3A_66, %broadcast_in_dim3A_658] : memref<256x64xf32, #tpu.memory_space<vmem>>[vector<16xi32>, vector<16xi32>], vector<16xf32>,
      %gather3A_660 = tpu.vector_load_idx %arg12[%add3A_66, %broadcast_in_dim3A_658] : memref<256x64xf32, #tpu.memory_space<vmem>>[vector<16xi32>, vector<16xi32>], vector<16xf32>,
      %slice3A_661 = vector.extract_strided_slice %get3A_74 {offsets = [10], sizes = [1], strides = [1]} : vector<16xf32> to vector<1xf32>
      %squeeze3A_662 = vector.extract %slice3A_661[0] : f32 from vector<1xf32>
      %mul3A_663 = arith.mulf %gather3A_659, %gather3A_660 : vector<16xf32>
      %mul3A_664 = vector.broadcast %squeeze3A_662 : f32 to vector<16xf32>
      %mul3A_665 = arith.mulf %mul3A_663, %mul3A_664 : vector<16xf32>
      %add3A_666 = arith.addf %add3A_626, %mul3A_665 : vector<16xf32>
      %broadcast_in_dim3A_667 = arith.constant 59 : i32
      %broadcast_in_dim3A_668 = vector.broadcast %broadcast_in_dim3A_667 : i32 to vector<16xi32>
      %gather3A_669 = tpu.vector_load_idx %arg11[%add3A_66, %broadcast_in_dim3A_668] : memref<256x64xf32, #tpu.memory_space<vmem>>[vector<16xi32>, vector<16xi32>], vector<16xf32>,
      %gather3A_670 = tpu.vector_load_idx %arg12[%add3A_66, %broadcast_in_dim3A_668] : memref<256x64xf32, #tpu.memory_space<vmem>>[vector<16xi32>, vector<16xi32>], vector<16xf32>,
      %slice3A_671 = vector.extract_strided_slice %get3A_74 {offsets = [11], sizes = [1], strides = [1]} : vector<16xf32> to vector<1xf32>
      %squeeze3A_672 = vector.extract %slice3A_671[0] : f32 from vector<1xf32>
      %mul3A_673 = arith.mulf %gather3A_669, %gather3A_670 : vector<16xf32>
      %mul3A_674 = vector.broadcast %squeeze3A_672 : f32 to vector<16xf32>
      %mul3A_675 = arith.mulf %mul3A_673, %mul3A_674 : vector<16xf32>
      %add3A_676 = arith.addf %add3A_636, %mul3A_675 : vector<16xf32>
      %broadcast_in_dim3A_677 = arith.constant 60 : i32
      %broadcast_in_dim3A_678 = vector.broadcast %broadcast_in_dim3A_677 : i32 to vector<16xi32>
      %gather3A_679 = tpu.vector_load_idx %arg11[%add3A_66, %broadcast_in_dim3A_678] : memref<256x64xf32, #tpu.memory_space<vmem>>[vector<16xi32>, vector<16xi32>], vector<16xf32>,
      %gather3A_680 = tpu.vector_load_idx %arg12[%add3A_66, %broadcast_in_dim3A_678] : memref<256x64xf32, #tpu.memory_space<vmem>>[vector<16xi32>, vector<16xi32>], vector<16xf32>,
      %slice3A_681 = vector.extract_strided_slice %get3A_74 {offsets = [12], sizes = [1], strides = [1]} : vector<16xf32> to vector<1xf32>
      %squeeze3A_682 = vector.extract %slice3A_681[0] : f32 from vector<1xf32>
      %mul3A_683 = arith.mulf %gather3A_679, %gather3A_680 : vector<16xf32>
      %mul3A_684 = vector.broadcast %squeeze3A_682 : f32 to vector<16xf32>
      %mul3A_685 = arith.mulf %mul3A_683, %mul3A_684 : vector<16xf32>
      %add3A_686 = arith.addf %add3A_646, %mul3A_685 : vector<16xf32>
      %broadcast_in_dim3A_687 = arith.constant 61 : i32
      %broadcast_in_dim3A_688 = vector.broadcast %broadcast_in_dim3A_687 : i32 to vector<16xi32>
      %gather3A_689 = tpu.vector_load_idx %arg11[%add3A_66, %broadcast_in_dim3A_688] : memref<256x64xf32, #tpu.memory_space<vmem>>[vector<16xi32>, vector<16xi32>], vector<16xf32>,
      %gather3A_690 = tpu.vector_load_idx %arg12[%add3A_66, %broadcast_in_dim3A_688] : memref<256x64xf32, #tpu.memory_space<vmem>>[vector<16xi32>, vector<16xi32>], vector<16xf32>,
      %slice3A_691 = vector.extract_strided_slice %get3A_74 {offsets = [13], sizes = [1], strides = [1]} : vector<16xf32> to vector<1xf32>
      %squeeze3A_692 = vector.extract %slice3A_691[0] : f32 from vector<1xf32>
      %mul3A_693 = arith.mulf %gather3A_689, %gather3A_690 : vector<16xf32>
      %mul3A_694 = vector.broadcast %squeeze3A_692 : f32 to vector<16xf32>
      %mul3A_695 = arith.mulf %mul3A_693, %mul3A_694 : vector<16xf32>
      %add3A_696 = arith.addf %add3A_656, %mul3A_695 : vector<16xf32>
      %broadcast_in_dim3A_697 = arith.constant 62 : i32
      %broadcast_in_dim3A_698 = vector.broadcast %broadcast_in_dim3A_697 : i32 to vector<16xi32>
      %gather3A_699 = tpu.vector_load_idx %arg11[%add3A_66, %broadcast_in_dim3A_698] : memref<256x64xf32, #tpu.memory_space<vmem>>[vector<16xi32>, vector<16xi32>], vector<16xf32>,
      %gather3A_700 = tpu.vector_load_idx %arg12[%add3A_66, %broadcast_in_dim3A_698] : memref<256x64xf32, #tpu.memory_space<vmem>>[vector<16xi32>, vector<16xi32>], vector<16xf32>,
      %slice3A_701 = vector.extract_strided_slice %get3A_74 {offsets = [14], sizes = [1], strides = [1]} : vector<16xf32> to vector<1xf32>
      %squeeze3A_702 = vector.extract %slice3A_701[0] : f32 from vector<1xf32>
      %mul3A_703 = arith.mulf %gather3A_699, %gather3A_700 : vector<16xf32>
      %mul3A_704 = vector.broadcast %squeeze3A_702 : f32 to vector<16xf32>
      %mul3A_705 = arith.mulf %mul3A_703, %mul3A_704 : vector<16xf32>
      %add3A_706 = arith.addf %add3A_666, %mul3A_705 : vector<16xf32>
      %broadcast_in_dim3A_707 = arith.constant 63 : i32
      %broadcast_in_dim3A_708 = vector.broadcast %broadcast_in_dim3A_707 : i32 to vector<16xi32>
      %gather3A_709 = tpu.vector_load_idx %arg11[%add3A_66, %broadcast_in_dim3A_708] : memref<256x64xf32, #tpu.memory_space<vmem>>[vector<16xi32>, vector<16xi32>], vector<16xf32>,
      %gather3A_710 = tpu.vector_load_idx %arg12[%add3A_66, %broadcast_in_dim3A_708] : memref<256x64xf32, #tpu.memory_space<vmem>>[vector<16xi32>, vector<16xi32>], vector<16xf32>,
      %slice3A_711 = vector.extract_strided_slice %get3A_74 {offsets = [15], sizes = [1], strides = [1]} : vector<16xf32> to vector<1xf32>
      %squeeze3A_712 = vector.extract %slice3A_711[0] : f32 from vector<1xf32>
      %mul3A_713 = arith.mulf %gather3A_709, %gather3A_710 : vector<16xf32>
      %mul3A_714 = vector.broadcast %squeeze3A_712 : f32 to vector<16xf32>
      %mul3A_715 = arith.mulf %mul3A_713, %mul3A_714 : vector<16xf32>
      %add3A_716 = arith.addf %add3A_676, %mul3A_715 : vector<16xf32>
      %add3A_717 = arith.addf %add3A_686, %add3A_696 : vector<16xf32>
      %add3A_718 = arith.addf %add3A_706, %add3A_716 : vector<16xf32>
      %add3A_719 = arith.addf %add3A_717, %add3A_718 : vector<16xf32>
      %mul3A_720 = arith.constant 16 : i32
      %mul3A_721 = arith.muli %scan3A_38, %mul3A_720 : i32
      %add3A_722 = arith.constant 256 : i32
      %add3A_723 = arith.addi %add3A_722, %mul3A_721 : i32
      %swap3A = arith.index_cast %add3A_723 : i32 to index
      %swap3A_724 = tpu.vector_load %arg15[%swap3A] {strides = array<i32>} : memref<512xf32, #tpu.memory_space<vmem>>, vector<16xf32>,
      tpu.vector_store %arg15[%swap3A], %add3A_719 {strides = array<i32>} : memref<512xf32, #tpu.memory_space<vmem>>, vector<16xf32>,
      %scan3A_725 = arith.constant 0 : i32
      scf.yield %scan3A_725 : i32
    }
    %scan3A_37 = arith.constant 16 : i32
    "tpu.region"() ({
      %run_scoped3A = tpu.sem_alloc : memref<!tpu.dma_semaphore, #tpu.memory_space<semaphore_mem>>
      %dma_start3A = tpu.memref_slice %arg8[%mul3A_2] : memref<16384xf32, #tpu.memory_space<hbm>> -> memref<512xf32, #tpu.memory_space<hbm>>
      %dma_start3A_38 = tpu.memref_slice %arg8[%mul3A_2] : memref<16384xf32, #tpu.memory_space<hbm>> -> memref<512xf32, #tpu.memory_space<hbm>>
      tpu.enqueue_dma source(%arg15 : memref<512xf32, #tpu.memory_space<vmem>>) target(%dma_start3A_38 : memref<512xf32, #tpu.memory_space<hbm>>) target_semaphore(%run_scoped3A : memref<!tpu.dma_semaphore, #tpu.memory_space<semaphore_mem>>)
      %dma_wait3A = tpu.memref_slice %arg8[%mul3A_2] : memref<16384xf32, #tpu.memory_space<hbm>> -> memref<512xf32, #tpu.memory_space<hbm>>
      %dma_wait3A_39 = tpu.memref_slice %arg8[%mul3A_2] : memref<16384xf32, #tpu.memory_space<hbm>> -> memref<512xf32, #tpu.memory_space<hbm>>
      tpu.wait_dma2 semaphore(%run_scoped3A : memref<!tpu.dma_semaphore, #tpu.memory_space<semaphore_mem>>) src(%arg15 : memref<512xf32, #tpu.memory_space<vmem>>) dst(%dma_wait3A_39 : memref<512xf32, #tpu.memory_space<hbm>>)
      tpu.yield
    }) : () -> ()
    return
  }
}

</mosaic_0001>

<sc_bundles>
// kernel: _gmf_call.3.cloned.1.call-start
scs
__scs_entry_jumppad:
0x0: {  	(pc) =	sbr.rel $0x88, $3  }
0x1: {  	(tag) =	ssettag $0x0;
	lr =	simm.s32 $0x1  }
0x2: {  	[smem:$0x3F9B] =	sst lr;
	_ =	strace $0xD0000000  }
0x3: {  	_ = 	snop  }
0x4: {  	_ = 	snop  }
0x5: {  	_ = 	snop  }
0x6: {  	_ = 	snop  }
0x7: {  	_ = 	snop  }
__scs_overlays_trampoline_lowered:
0x8: {  	[smem:$0x3FAA] =	sst s0  }
0x9: {  	[smem:$0x3FAB] =	sst s1  }
0xa: {  	[smem:$0x3FAC] =	sst s2  }
0xb: {  	[smem:$0x3FAD] =	sst s3  }
0xc: {  	[smem:$0x3FAE] =	sst s4  }
0xd: {  	[smem:$0x3FAF] =	sst s5  }
0xe: {  	[smem:$0x3FB0] =	sst s6  }
0xf: {  	[smem:$0x3FB1] =	sst s7  }
0x10: {  	[smem:$0x3FB2] =	sst s8  }
0x11: {  	[smem:$0x3FB3] =	sst s9;
	s0 =	simm.s32 @!p0 $0x0  }
0x12: {  	s1 =	sld [smem:$0x3F99];
	s0 =	simm.s32 @p0 $0x1  }
0x13: {  	[smem:$0x3FB4] =	sst s0;
	s0 =	simm.s32 @!p1 $0x0  }
0x14: {  	s2 =	sld [smem:$0x3F98];
	s0 =	simm.s32 @p1 $0x1  }
0x15: {  	[smem:$0x3FB5] =	sst s0;
	s0 =	simm.s32 @!p2 $0x0  }
0x16: {  	s3 =	sld [smem:$0x3FDB];
	s0 =	simm.s32 @p2 $0x1  }
0x17: {  	s4 =	simm.s32 $0x1BF5;
	[smem:$0x3FB7] =	sst s0  }
0x18: {  	s0 =	sld [smem:$0x3F9A];
	_ =	swait.ge [sflag:s4], $0x0  }
0x19: {  	s7 =	sld [smem:$0x3F9B]  }
0x1a: {  	s8 =	sadd.s32 $0xFFFFE003, lr  }
0x1b: {  	s9 =	sadd.s32 $0xFFFFFEF7, lr;
	s5 =	simm.s32 $0xFFFFFFFF;
	p2 =	slt.u32 s8, $0xFFFFF086  }
0x1c: {  	p1 =	slt.u32 s9, $0xF7A;
	s5 =	simm.s32 @!p2 $0x0  }
0x1d: {  	s5 =	simm.s32 @p1 $0x1;
	p0 =	seq.s32 s7, s2  }
0x1e: {  	s7 =	smul.u32 @!p0 $0xF7A, s2;
	p2 =	seq.s32 @!p0 s5, $0x0  }
0x1f: {  	s9 =	smul.u32 $0xF7A, s1;
	s8 =	simm.s32 @!p0 $0x1BF5;
	p2 =	por !p2, p0  }
0x20: {  	[sflag:s8] =	ssyncset.s32 @!p0 $0xFFFFF086;
	s6 =	sadd.s32 @!p0 s3, s7;
	s7 =	simm.s32 @!p0 $0x108  }
0x21: {  	s3 =	sadd.s32 s3, s9;
	s6 =	sadd.s32 @!p0 $0x88, s6;
	s7 =	simm.s32 @p2 $0x1082  }
0x22: {  	[simem:s7], [sflag:s8] =	dma.local @!p0 [hbm:s6], $0xF7A  }
0x23: {  	s9 =	sor.u32 $0xD0000000, s2;
	s6 =	simm.s32 $0x108;
	_ =	swait.ge @!p0 [sflag:s8], $0x0  }
0x24: {  	s3 =	sadd.s32 $0x88, s3;
	s6 =	simm.s32 @!p1 $0x1082;
	[sflag:s4] =	ssyncset.s32 $0xFFFFF086  }
0x25: {  	[simem:s6], [sflag:s4] =	dma.local [hbm:s3], $0xF7A  }
0x26: {  	[smem:$0x3F9B] =	sst s1;
	(tag) =	ssettag s2;
	_ =	strace s9  }
0x27: {  	s1 =	sld [smem:$0x3FAB]  }
0x28: {  	s2 =	sld [smem:$0x3FAC]  }
0x29: {  	s4 =	sld [smem:$0x3FAE]  }
0x2a: {  	p0 =	seq.s32 s5, $0x0;
	s5 =	sld [smem:$0x3FAF]  }
0x2b: {  	s6 =	sld [smem:$0x3FB0]  }
0x2c: {  	s7 =	sld [smem:$0x3FB1]  }
0x2d: {  	s3 =	simm.s32 $0x108;
	s8 =	sld [smem:$0x3FB2]  }
0x2e: {  	s3 =	simm.s32 @!p0 $0x1082;
	s9 =	sld [smem:$0x3FB3]  }
0x2f: {  	lr =	sadd.s32 s0, s3;
	s0 =	sld [smem:$0x3FAA]  }
0x30: {  	s3 =	sld [smem:$0x3FAD]  }
0x31: {  	[smem:$0x3FB6] =	sst s10  }
0x32: {  	s10 =	sld [smem:$0x3FB4];
	_ =	sdelay $0x3  }
0x33: {  	p0 =	seq.s32 s10, $0x1;
	s10 =	sld [smem:$0x3FB6];
	_ =	sdelay $0x3  }
0x34: {  	[smem:$0x3FB6] =	sst s10  }
0x35: {  	s10 =	sld [smem:$0x3FB5];
	_ =	sdelay $0x3  }
0x36: {  	p1 =	seq.s32 s10, $0x1;
	s10 =	sld [smem:$0x3FB6];
	_ =	sdelay $0x3  }
0x37: {  	[smem:$0x3FB6] =	sst s10  }
0x38: {  	s10 =	sld [smem:$0x3FB7]  }
0x39: {  	_ = 	snop;
	(pc) =	sbr.ind lr, $3  }
0x3a: {  	_ = 	snop  }
0x3b: {  	_ = 	snop  }
0x3c: {  	p2 =	seq.s32 s10, $0x1;
	s10 =	sld [smem:$0x3FB6]  }
0x3d: {  	_ =	shalt  }
0x3e: {  	_ =	shalt  }
0x3f: {  	_ =	shalt  }
0x40: {  	_ =	shalt  }
0x41: {  	_ =	shalt  }
0x42: {  	_ =	shalt  }
0x43: {  	_ =	shalt  }
0x44: {  	_ =	shalt  }
0x45: {  	_ =	shalt  }
0x46: {  	_ =	shalt  }
0x47: {  	_ =	shalt  }
0x48: {  	_ =	shalt  }
0x49: {  	_ =	shalt  }
0x4a: {  	_ =	shalt  }
0x4b: {  	_ =	shalt  }
0x4c: {  	_ =	shalt  }
0x4d: {  	_ =	shalt  }
0x4e: {  	_ =	shalt  }
0x4f: {  	_ =	shalt  }
0x50: {  	_ =	shalt  }
0x51: {  	_ =	shalt  }
0x52: {  	_ =	shalt  }
0x53: {  	_ =	shalt  }
0x54: {  	_ =	shalt  }
0x55: {  	_ =	shalt  }
0x56: {  	_ =	shalt  }
0x57: {  	_ =	shalt  }
0x58: {  	_ =	shalt  }
0x59: {  	_ =	shalt  }
0x5a: {  	_ =	shalt  }
0x5b: {  	_ =	shalt  }
0x5c: {  	_ =	shalt  }
0x5d: {  	_ =	shalt  }
0x5e: {  	_ =	shalt  }
0x5f: {  	_ =	shalt  }
0x60: {  	_ =	shalt  }
0x61: {  	_ =	shalt  }
0x62: {  	_ =	shalt  }
0x63: {  	_ =	shalt  }
0x64: {  	_ =	shalt  }
0x65: {  	_ =	shalt  }
0x66: {  	_ =	shalt  }
0x67: {  	_ =	shalt  }
0x68: {  	_ =	shalt  }
0x69: {  	_ =	shalt  }
0x6a: {  	_ =	shalt  }
0x6b: {  	_ =	shalt  }
0x6c: {  	_ =	shalt  }
0x6d: {  	_ =	shalt  }
0x6e: {  	_ =	shalt  }
0x6f: {  	_ =	shalt  }
0x70: {  	_ =	shalt  }
0x71: {  	_ =	shalt  }
0x72: {  	_ =	shalt  }
0x73: {  	_ =	shalt  }
0x74: {  	_ =	shalt  }
0x75: {  	_ =	shalt  }
0x76: {  	_ =	shalt  }
0x77: {  	_ =	shalt  }
0x78: {  	_ =	shalt  }
0x79: {  	_ =	shalt  }
0x7a: {  	_ =	shalt  }
0x7b: {  	_ =	shalt  }
0x7c: {  	_ =	shalt  }
0x7d: {  	_ =	shalt  }
0x7e: {  	_ =	shalt  }
0x7f: {  	_ =	shalt  }
0x80: {  	_ =	shalt  }
0x81: {  	_ =	shalt  }
0x82: {  	_ =	shalt  }
0x83: {  	_ =	shalt  }
0x84: {  	_ =	shalt  }
0x85: {  	_ =	shalt  }
0x86: {  	_ =	shalt  }
0x87: {  	_ =	shalt  }
.Lfunc_end0:
.L_simem_size_0:
called_computation_lowered:
.L_overlay_start_0:
0x88: {  	s2 =	sld [smem:$0x3FD9]  }
0x89: {  	s3 =	sld [smem:$0x3FFE];
	_ =	sdelay $0x1  }
0x8a: {  	s1 =	srdreg.scid  }
0x8b: {  	s0 =	sand.u32 $0x1, s1  }
0x8c: {  	s17 =	sshll.u32 s0, $0xA;
	s2 =	sadd.s32 s3, s2  }
0x8d: {  	s2 =	sadd.s32 s2, s17  }
0x8e: {  	[smem:$0x3FC2] =	sst s2  }
0x8f: {  	_ = 	snop  }
0x90: {  	s2 =	sld [smem:$0x3FC9]  }
0x91: {  	s18 =	sld [smem:$0x3FC8]  }
0x92: {  	s4 =	sld [smem:$0x3FC5]  }
0x93: {  	s5 =	sld [smem:$0x3FC4]  }
0x94: {  	s6 =	sld [smem:$0x3FD0];
	(tm) =	ssettm $0x1  }
0x95: {  	s7 =	sld [smem:$0x3FFB];
	_ =	sdelay $0x3  }
0x96: {  	_ =	strace s7  }
0x97: {  	s7 =	sld [smem:$0x3FFC];
	_ =	sdelay $0x3  }
0x98: {  	_ =	strace s7  }
0x99: {  	s7 =	sld [smem:$0x3FFD];
	_ =	sdelay $0x3  }
0x9a: {  	_ =	strace s7  }
0x9b: {  	_ =	strace $0x8FFFFFFF  }
0x9c: {  	s19 =	sld [smem:$0x3FDB];
	_ =	sdelay $0x1  }
0x9d: {  	s8 =	simm.s32 $_scs_section_size  }
0x9e: {  	s9 =	simm.s32 $_size__tile_overlayer_lowered;
	s10 =	simm.s32 $_tile_overlayer_lowered  }
0x9f: {  	s22 =	simm.s32 $0x1BFF;
	s21 =	sshll.u32 s10, $0x1;
	s7 =	sadd.s32 s8, s19  }
0xa0: {  	s11 =	simm.s32 $0x0;
	s20 =	sshll.u32 s9, $0x1;
	s9 =	sadd.s32 s21, s7  }
0xa1: {  	[timem:s11], [sflag:s22] =	dma.local [hbm:s9], s20  }
0xa2: {  	_ =	swait.ge [sflag:s22], s20  }
0xa3: {  	s8 =	ssub.s32 $0x0, s20;
	[sflag:s22] =	ssyncset.done $0x0  }
0xa4: {  	[sflag:s22] =	ssyncadd.s32 s8;
	_ =	sdelay $0x1  }
0xa5: {  	s23 =	simm.s32 $0x1B8B  }
0xa6: {  	_ =	swait.ge [sflag:s23], $0x1  }
0xa7: {  	[sflag:s23] =	ssyncset.done $0x0  }
0xa8: {  	s25 =	simm.s32 $0x1B8E;
	s24 =	sld [smem:$0x3FFE];
	[sflag:s23] =	ssyncadd.s32 $0xFFFFFFFF  }
0xa9: {  	s26 =	simm.s32 $execute0_lowered;
	[smem:$0x3FD2] =	sst s25  }
0xaa: {  	s9 =	sshll.u32 s26, $0x1;
	_ =	strace $0x80000046;
	[dreg:$0x1] =	wrdreg $0xFFFFFFFF  }
0xab: {  	s28 =	simm.s32 $_size_execute0_lowered;
	s7 =	sadd.s32 s7, s9;
	[dreg:$0x0] =	wrdreg $0x0  }
0xac: {  	s9 =	sshll.u32 s28, $0x1;
	[dreg:$0x2] =	wrdreg s7  }
0xad: {  	[dreg:$0x3] =	wrdreg s9  }
0xae: {  	[dreg:$0x4] =	wrdreg $0xC0  }
0xaf: {  	_ =	task [dreg:s11], $0x5FFFF  }
0xb0: {  	[dreg:$0x1] =	wrdreg $0xFFFFFFFF  }
0xb1: {  	[dreg:$0x0] =	wrdreg $0x60  }
0xb2: {  	[dreg:$0x2] =	wrdreg s2  }
0xb3: {  	[dreg:$0x3] =	wrdreg s18  }
0xb4: {  	[dreg:$0x4] =	wrdreg s24  }
0xb5: {  	[dreg:$0x5] =	wrdreg s4  }
0xb6: {  	[dreg:$0x6] =	wrdreg s5  }
0xb7: {  	[dreg:$0x7] =	wrdreg s6  }
0xb8: {  	[dreg:$0x8] =	wrdreg $0x9  }
0xb9: {  	_ =	task.clear_ibuf [dreg:s11], $0x9FFFF;
	_ =	strace $0x90000046  }
0xba: {  	s29 =	simm.s32 $0x9;
	_ =	strace $0x80000048  }
0xbb: {  	_ =	swait.ge [sflag:s29], $0x1  }
0xbc: {  	[sflag:s29] =	ssyncadd.s32 $0xFFFFFFFF  }
0xbd: {  	_ =	strace $0x90000048  }
0xbe: {  	_ =	sfence  }
0xbf: {  	s30 =	sld [smem:$0x0];
	_ =	sdelay $0x2  }
0xc0: {  	s31 =	sshll.u32 s1, $0xD;
	s1 =	sshrl.u32 s1, $0x2  }
0xc1: {  	s3 =	sand.u32 $0x4000, s31;
	s1 =	sadd.s32 s1, s30  }
0xc2: {  	s0 =	sor.u32 s3, s0;
	s1 =	sshll.u32 s1, $0x11  }
0xc3: {  	s0 =	sor.u32 s1, s0  }
0xc4: {  	s0 =	sadd.s32 $0x8F2B, s0  }
0xc5: {  	[sflag:s0] =	ssyncadd.remote.s32 $0x1  }
0xc6: {  	_ =	sfence.sel $0xFFFF  }
0xc7: {  	[dreg:$0x0] =	wrdreg $0xFFFFFFFF;
	(pc) =	sbr.abs _section_cstart, $3  }
0xc8: {  	[dreg:$0x1] =	wrdreg $0xFFFFFFFF  }
0xc9: {  	_ =	task.clear_ibuf [dreg:s11], $0x2FFFF;
	_ =	strace $0x9FFFFFFF  }
0xca: {  	(tm) =	ssettm $0x7FFFFFFF  }
0xcb: {  	_ =	shalt  }
tec
execute0_lowered:
.L_overlay_start_1:
0x0: {  	(tag) =	ssettag $0x1  }
0x1: {  	s0 =	rddreg [dreg:$0x0]  }
0x2: {  	s1 =	rddreg [dreg:$0x1]  }
0x3: {  	s2 =	rddreg [dreg:$0x2]  }
0x4: {  	s3 =	rddreg [dreg:$0x5];
	s9 =	simm.s32 $0x0;
	s4 =	srdreg.scid  }
0x5: {  	s5 =	stileid.u32;
	[smem:$0x7FF] =	sst s9  }
0x6: {  	s4 =	sand.u32 $0x1, s4;
	s6 =	sshll.u32 s5, $0x7;
	s26 =	sadd.s32 $0x186E00, s2  }
0x7: {  	s28 =	sadd.s32 $0x400, s2;
	s7 =	ssub.s32 $0x2, s4;
	s4 =	sshll.u32 s4, $0x6  }
0x8: {  	_ =	strace $0x80000047;
	[dreg:$0x7] =	wrdreg s26;
	s4 =	sor.u32 s4, s6  }
0x9: {  	[dreg:$0x8] =	wrdreg s28;
	s0 =	sadd.s32 s0, s4  }
0xa: {  	s8 =	sshrl.u32 s7, $0x1;
	s29 =	sadd.s32 s1, s4;
	[dreg:$0x17] =	wrdreg s0  }
0xb: {  	s25 =	ssub.s32 s7, s8;
	s30 =	sadd.s32 s3, s4;
	[dreg:$0x18] =	wrdreg s29  }
0xc: {  	v0 =	vlaneseq.u32;
	[dreg:$0x19] =	wrdreg s30;
	s31 =	smax.u32 s25, $0x1  }
0xd: {  	v0 =	vmul.u32 $0x80, v0;
	s2 =	simm.s32 $0x0;
	s1 =	simm.s32 $0x2;
	[dreg:$0x1a] =	wrdreg s31  }
.LBB2_1:
0xe: {  	[dreg:$0x1b] =	wrdreg s2  }
0xf: {  	s0 =	rddreg [dreg:$0x17]  }
0x10: {  	[tilespmem:s9], [sflag:$0x2] =	stream.linear.gather [hbm4b:s0+s9], $0x200, $0x38;
	[tilespmem:$0x10700] =	vst v63  }
0x11: {  	_ =	swait.ge [sflag:s1], $0x200  }
0x12: {  	[sflag:s1] =	ssyncset.done $0x0  }
0x13: {  	s21 =	simm.s32 $0x200;
	s20 =	rddreg [dreg:$0x18];
	[sflag:s1] =	ssyncadd.s32 $0xFFFFFE00  }
0x14: {  	[tilespmem:s21], [sflag:$0x2] =	stream.linear.gather [hbm4b:s20+s9], $0x200, $0x38;
	[tilespmem:$0x10700] =	vst v63  }
0x15: {  	_ =	swait.ge [sflag:s1], $0x200  }
0x16: {  	[sflag:s1] =	ssyncset.done $0x0  }
0x17: {  	[sflag:s1] =	ssyncadd.s32 $0xFFFFFE00  }
0x18: {  	s23 =	simm.s32 $0x10400;
	s22 =	rddreg [dreg:$0x3]  }
0x19: {  	[tilespmem:s23], [sflag:$0x2] =	stream.linear.gather [hbm4b:s22+s9], $0x80, $0x38;
	[tilespmem:$0x10700] =	vst v63  }
0x1a: {  	_ =	swait.ge [sflag:s1], $0x80  }
0x1b: {  	[sflag:s1] =	ssyncset.done $0x0  }
0x1c: {  	[sflag:s1] =	ssyncadd.s32 $0xFFFFFF80  }
0x1d: {  	s25 =	simm.s32 $0x10480;
	s24 =	rddreg [dreg:$0x4]  }
0x1e: {  	[tilespmem:s25], [sflag:$0x2] =	stream.linear.gather [hbm4b:s24+s9], $0x80, $0x38;
	[tilespmem:$0x10700] =	vst v63  }
0x1f: {  	_ =	swait.ge [sflag:s1], $0x80  }
0x20: {  	[sflag:s1] =	ssyncset.done $0x0  }
0x21: {  	s20 =	simm.s32 $0x0;
	[sflag:s1] =	ssyncadd.s32 $0xFFFFFF80  }
0x22: {  	v3 =	vld [tilespmem:s20+$0x0]  }
0x23: {  	v4 =	vld [tilespmem:s20+$0x200];
	_ =	sdelay $0x3  }
0x24: {  	(v2sf) =	vpush v3, $0x0  }
0x25: {  	(v2sf) =	vpush v4, $0x0;
	_ =	sdelay $0x1  }
0x26: {  	(v2sf) =	vpush v3, $0x1  }
0x27: {  	(v2sf) =	vpush v4, $0x1  }
0x28: {  	(v2sf) =	vpush v3, $0x2  }
0x29: {  	(v2sf) =	vpush v4, $0x2  }
0x2a: {  	(v2sf) =	vpush v3, $0x3  }
0x2b: {  	(v2sf) =	vpush v4, $0x3  }
0x2c: {  	(v2sf) =	vpush v3, $0x4  }
0x2d: {  	(v2sf) =	vpush v4, $0x4  }
0x2e: {  	(v2sf) =	vpush v3, $0x5  }
0x2f: {  	(v2sf) =	vpush v4, $0x5  }
0x30: {  	(v2sf) =	vpush v3, $0x6  }
0x31: {  	(v2sf) =	vpush v4, $0x6  }
0x32: {  	(v2sf) =	vpush v3, $0x7;
	s29 =	spop (v2sf)  }
0x33: {  	(v2sf) =	vpush v4, $0x7;
	[smem:s20] =	sst s29;
	s30 =	spop (v2sf)  }
0x34: {  	(v2sf) =	vpush v3, $0x8;
	[smem:$0x200] =	sst s30  }
0x35: {  	s0 =	spop (v2sf)  }
0x36: {  	(v2sf) =	vpush v4, $0x8;
	[smem:$0x1] =	sst s0  }
0x37: {  	s0 =	spop (v2sf)  }
0x38: {  	(v2sf) =	vpush v3, $0x9;
	[smem:$0x201] =	sst s0  }
0x39: {  	s0 =	spop (v2sf)  }
0x3a: {  	(v2sf) =	vpush v4, $0x9;
	[smem:$0x2] =	sst s0  }
0x3b: {  	s0 =	spop (v2sf)  }
0x3c: {  	(v2sf) =	vpush v3, $0xA;
	[smem:$0x202] =	sst s0  }
0x3d: {  	s0 =	spop (v2sf)  }
0x3e: {  	(v2sf) =	vpush v4, $0xA;
	[smem:$0x3] =	sst s0  }
0x3f: {  	s0 =	spop (v2sf)  }
0x40: {  	(v2sf) =	vpush v3, $0xB;
	[smem:$0x203] =	sst s0  }
0x41: {  	s0 =	spop (v2sf)  }
0x42: {  	(v2sf) =	vpush v4, $0xB;
	[smem:$0x4] =	sst s0  }
0x43: {  	s0 =	spop (v2sf)  }
0x44: {  	(v2sf) =	vpush v3, $0xC;
	[smem:$0x204] =	sst s0  }
0x45: {  	s0 =	spop (v2sf)  }
0x46: {  	(v2sf) =	vpush v4, $0xC;
	[smem:$0x5] =	sst s0  }
0x47: {  	s31 =	spop (v2sf)  }
0x48: {  	(v2sf) =	vpush v3, $0xD;
	[smem:$0x205] =	sst s31  }
0x49: {  	s0 =	simm.s32 $0x10;
	s1 =	spop (v2sf)  }
0x4a: {  	(v2sf) =	vpush v4, $0xD;
	v1 =	vld [tilespmem:s0+$0x0];
	[smem:$0x6] =	sst s1  }
0x4b: {  	s1 =	spop (v2sf)  }
0x4c: {  	(v2sf) =	vpush v3, $0xE;
	v2 =	vld [tilespmem:s0+$0x200];
	[smem:$0x206] =	sst s1  }
0x4d: {  	s1 =	spop (v2sf)  }
0x4e: {  	(v2sf) =	vpush v4, $0xE;
	[smem:$0x7] =	sst s1  }
0x4f: {  	s1 =	spop (v2sf)  }
0x50: {  	(v2sf) =	vpush v3, $0xF;
	[smem:$0x207] =	sst s1  }
0x51: {  	s1 =	spop (v2sf)  }
0x52: {  	(v2sf) =	vpush v4, $0xF;
	[smem:$0x8] =	sst s1  }
0x53: {  	s1 =	spop (v2sf)  }
0x54: {  	(v2sf) =	vpush v1, $0x0;
	[smem:$0x208] =	sst s1  }
0x55: {  	s1 =	spop (v2sf)  }
0x56: {  	(v2sf) =	vpush v2, $0x0;
	[smem:$0x9] =	sst s1  }
0x57: {  	s1 =	spop (v2sf)  }
0x58: {  	(v2sf) =	vpush v1, $0x1;
	[smem:$0x209] =	sst s1  }
0x59: {  	s1 =	spop (v2sf)  }
0x5a: {  	(v2sf) =	vpush v2, $0x1;
	[smem:$0xA] =	sst s1  }
0x5b: {  	s1 =	spop (v2sf)  }
0x5c: {  	(v2sf) =	vpush v1, $0x2;
	[smem:$0x20A] =	sst s1  }
0x5d: {  	s1 =	spop (v2sf)  }
0x5e: {  	(v2sf) =	vpush v2, $0x2;
	[smem:$0xB] =	sst s1  }
0x5f: {  	s1 =	spop (v2sf)  }
0x60: {  	(v2sf) =	vpush v1, $0x3;
	[smem:$0x20B] =	sst s1  }
0x61: {  	s1 =	spop (v2sf)  }
0x62: {  	(v2sf) =	vpush v2, $0x3;
	[smem:$0xC] =	sst s1  }
0x63: {  	s1 =	spop (v2sf)  }
0x64: {  	(v2sf) =	vpush v1, $0x4;
	[smem:$0x20C] =	sst s1  }
0x65: {  	s1 =	spop (v2sf)  }
0x66: {  	(v2sf) =	vpush v2, $0x4;
	[smem:$0xD] =	sst s1  }
0x67: {  	s1 =	spop (v2sf)  }
0x68: {  	(v2sf) =	vpush v1, $0x5;
	[smem:$0x20D] =	sst s1  }
0x69: {  	s1 =	spop (v2sf)  }
0x6a: {  	(v2sf) =	vpush v2, $0x5;
	[smem:$0xE] =	sst s1  }
0x6b: {  	s1 =	spop (v2sf)  }
0x6c: {  	(v2sf) =	vpush v1, $0x6;
	[smem:$0x20E] =	sst s1  }
0x6d: {  	s1 =	spop (v2sf)  }
0x6e: {  	(v2sf) =	vpush v2, $0x6;
	[smem:$0xF] =	sst s1  }
0x6f: {  	s1 =	simm.s32 $0x80;
	s2 =	spop (v2sf)  }
.LBB2_2:
0x70: {  	p0 =	sne.s32 s1, $0x7C0;
	[smem:s20+$0x20F] =	sst s2  }
0x71: {  	(v2sf) =	vpush v1, $0x7;
	s2 =	smov.u32 s1;
	s1 =	sadd.s32 $0x40, s1;
	s20 =	smov.u32 s0  }
0x72: {  	s0 =	spop (v2sf);
	(v2sf) =	vpush v2, $0x7  }
0x73: {  	[smem:s20] =	sst s0;
	s0 =	spop (v2sf);
	(v2sf) =	vpush v1, $0x8  }
0x74: {  	[smem:s20+$0x200] =	sst s0;
	s0 =	spop (v2sf);
	(v2sf) =	vpush v2, $0x8  }
0x75: {  	[smem:s20+$0x1] =	sst s0;
	s0 =	spop (v2sf);
	(v2sf) =	vpush v1, $0x9  }
0x76: {  	[smem:s20+$0x201] =	sst s0;
	s0 =	spop (v2sf);
	(v2sf) =	vpush v2, $0x9  }
0x77: {  	[smem:s20+$0x2] =	sst s0;
	s0 =	spop (v2sf);
	(v2sf) =	vpush v1, $0xA  }
0x78: {  	[smem:s20+$0x202] =	sst s0;
	s0 =	spop (v2sf);
	(v2sf) =	vpush v2, $0xA  }
0x79: {  	[smem:s20+$0x3] =	sst s0;
	s0 =	spop (v2sf);
	(v2sf) =	vpush v1, $0xB  }
0x7a: {  	[smem:s20+$0x203] =	sst s0;
	s0 =	spop (v2sf);
	(v2sf) =	vpush v2, $0xB  }
0x7b: {  	[smem:s20+$0x4] =	sst s0;
	s0 =	spop (v2sf);
	(v2sf) =	vpush v1, $0xC  }
0x7c: {  	[smem:s20+$0x204] =	sst s0;
	s0 =	spop (v2sf);
	(v2sf) =	vpush v2, $0xC  }
0x7d: {  	[smem:s20+$0x5] =	sst s0;
	s3 =	spop (v2sf);
	(v2sf) =	vpush v1, $0xD  }
0x7e: {  	s0 =	sshra.s32 s2, $0x2;
	[smem:s20+$0x205] =	sst s3;
	s2 =	spop (v2sf);
	(v2sf) =	vpush v2, $0xD  }
0x7f: {  	v3 =	vld [tilespmem:s0+$0x0];
	[smem:s20+$0x6] =	sst s2;
	s2 =	spop (v2sf);
	(v2sf) =	vpush v1, $0xE  }
0x80: {  	v4 =	vld [tilespmem:s0+$0x200];
	[smem:s20+$0x206] =	sst s2;
	s2 =	spop (v2sf);
	(v2sf) =	vpush v2, $0xE  }
0x81: {  	[smem:s20+$0x7] =	sst s2;
	s2 =	spop (v2sf);
	(v2sf) =	vpush v1, $0xF  }
0x82: {  	[smem:s20+$0x207] =	sst s2;
	s2 =	spop (v2sf);
	(v2sf) =	vpush v2, $0xF  }
0x83: {  	[smem:s20+$0x8] =	sst s2;
	s2 =	spop (v2sf)  }
0x84: {  	(v2sf) =	vpush v3, $0x0;
	[smem:s20+$0x208] =	sst s2;
	s2 =	spop (v2sf);
	v1 =	vmov v3  }
0x85: {  	(v2sf) =	vpush v4, $0x0;
	[smem:s20+$0x9] =	sst s2;
	s2 =	spop (v2sf);
	v2 =	vmov v4  }
0x86: {  	(v2sf) =	vpush v1, $0x1;
	[smem:s20+$0x209] =	sst s2;
	s2 =	spop (v2sf)  }
0x87: {  	(v2sf) =	vpush v2, $0x1;
	[smem:s20+$0xA] =	sst s2;
	s2 =	spop (v2sf)  }
0x88: {  	(v2sf) =	vpush v1, $0x2;
	[smem:s20+$0x20A] =	sst s2;
	s2 =	spop (v2sf)  }
0x89: {  	(v2sf) =	vpush v2, $0x2;
	[smem:s20+$0xB] =	sst s2;
	s2 =	spop (v2sf)  }
0x8a: {  	(v2sf) =	vpush v1, $0x3;
	[smem:s20+$0x20B] =	sst s2;
	s2 =	spop (v2sf)  }
0x8b: {  	(v2sf) =	vpush v2, $0x3;
	[smem:s20+$0xC] =	sst s2;
	s2 =	spop (v2sf)  }
0x8c: {  	(v2sf) =	vpush v1, $0x4;
	[smem:s20+$0x20C] =	sst s2;
	s2 =	spop (v2sf)  }
0x8d: {  	[smem:s20+$0xD] =	sst s2  }
.Ltmp0:
0x8e: {  	(v2sf) =	vpush v2, $0x4;
	s2 =	spop (v2sf);
	(pc) =	sbr.rel @p0 .LBB2_2-.Ltmp0, $4  }
0x8f: {  	(v2sf) =	vpush v1, $0x5;
	[smem:s20+$0x20D] =	sst s2;
	s2 =	spop (v2sf)  }
0x90: {  	(v2sf) =	vpush v2, $0x5;
	[smem:s20+$0xE] =	sst s2;
	s2 =	spop (v2sf)  }
0x91: {  	(v2sf) =	vpush v1, $0x6;
	[smem:s20+$0x20E] =	sst s2;
	s2 =	spop (v2sf)  }
0x92: {  	(v2sf) =	vpush v2, $0x6;
	[smem:s20+$0xF] =	sst s2;
	s2 =	spop (v2sf)  }
0x93: {  	(v2sf) =	vpush v1, $0x7  }
0x94: {  	[smem:s20+$0x20F] =	sst s2;
	s1 =	spop (v2sf);
	(v2sf) =	vpush v2, $0x7  }
0x95: {  	[smem:s0] =	sst s1;
	s22 =	spop (v2sf);
	(v2sf) =	vpush v1, $0x8  }
0x96: {  	[smem:s0+$0x200] =	sst s22;
	s23 =	spop (v2sf);
	(v2sf) =	vpush v2, $0x8  }
0x97: {  	[smem:s0+$0x1] =	sst s23;
	s24 =	spop (v2sf);
	(v2sf) =	vpush v1, $0x9  }
0x98: {  	[smem:s0+$0x201] =	sst s24;
	s25 =	spop (v2sf);
	(v2sf) =	vpush v2, $0x9  }
0x99: {  	[smem:s0+$0x2] =	sst s25;
	s29 =	spop (v2sf);
	(v2sf) =	vpush v1, $0xA  }
0x9a: {  	[smem:s0+$0x202] =	sst s29;
	s30 =	spop (v2sf);
	(v2sf) =	vpush v2, $0xA  }
0x9b: {  	[smem:s0+$0x3] =	sst s30;
	s31 =	spop (v2sf);
	(v2sf) =	vpush v1, $0xB  }
0x9c: {  	[smem:s0+$0x203] =	sst s31;
	s2 =	spop (v2sf);
	(v2sf) =	vpush v2, $0xB  }
0x9d: {  	[smem:s0+$0x4] =	sst s2;
	s3 =	spop (v2sf);
	(v2sf) =	vpush v1, $0xC  }
0x9e: {  	[smem:s0+$0x204] =	sst s3;
	s4 =	spop (v2sf);
	(v2sf) =	vpush v2, $0xC  }
0x9f: {  	[smem:s0+$0x5] =	sst s4;
	s5 =	spop (v2sf);
	(v2sf) =	vpush v1, $0xD  }
0xa0: {  	[smem:s0+$0x205] =	sst s5;
	s6 =	spop (v2sf);
	(v2sf) =	vpush v2, $0xD  }
0xa1: {  	[smem:s0+$0x6] =	sst s6;
	s7 =	spop (v2sf);
	(v2sf) =	vpush v1, $0xE  }
0xa2: {  	[smem:s0+$0x206] =	sst s7;
	s8 =	spop (v2sf);
	(v2sf) =	vpush v2, $0xE  }
0xa3: {  	[smem:s0+$0x7] =	sst s8;
	s9 =	spop (v2sf);
	(v2sf) =	vpush v1, $0xF  }
0xa4: {  	[smem:s0+$0x207] =	sst s9;
	s10 =	spop (v2sf);
	(v2sf) =	vpush v2, $0xF  }
0xa5: {  	[smem:s0+$0x8] =	sst s10;
	s11 =	spop (v2sf)  }
0xa6: {  	[smem:s0+$0x208] =	sst s11;
	s12 =	spop (v2sf)  }
0xa7: {  	[smem:s0+$0x9] =	sst s12;
	s13 =	spop (v2sf)  }
0xa8: {  	[smem:s0+$0x209] =	sst s13;
	s14 =	spop (v2sf)  }
0xa9: {  	[smem:s0+$0xA] =	sst s14;
	s15 =	spop (v2sf)  }
0xaa: {  	[smem:s0+$0x20A] =	sst s15;
	s16 =	spop (v2sf)  }
0xab: {  	[smem:s0+$0xB] =	sst s16;
	s17 =	spop (v2sf)  }
0xac: {  	[smem:s0+$0x20B] =	sst s17;
	s18 =	spop (v2sf)  }
0xad: {  	[smem:s0+$0xC] =	sst s18;
	s19 =	spop (v2sf)  }
0xae: {  	[smem:s0+$0x20C] =	sst s19;
	s20 =	spop (v2sf)  }
0xaf: {  	[smem:s0+$0xD] =	sst s20;
	s21 =	spop (v2sf)  }
0xb0: {  	[smem:s0+$0x20D] =	sst s21;
	s22 =	spop (v2sf)  }
0xb1: {  	[smem:s0+$0xE] =	sst s22;
	s23 =	spop (v2sf)  }
0xb2: {  	[smem:s0+$0x20E] =	sst s23;
	s24 =	spop (v2sf)  }
0xb3: {  	[smem:s0+$0xF] =	sst s24;
	s25 =	spop (v2sf)  }
0xb4: {  	[smem:s0+$0x20F] =	sst s25  }
0xb5: {  	v1 =	vld [tilespmem:$0x10480];
	s10 =	sld [smem:$0x208]  }
0xb6: {  	s3 =	sld [smem:$0x20A]  }
0xb7: {  	s4 =	sld [smem:$0xB]  }
0xb8: {  	s9 =	sld [smem:$0x20B]  }
0xb9: {  	s13 =	sld [smem:$0xC]  }
0xba: {  	s29 =	sld [smem:$0x201]  }
0xbb: {  	s30 =	sld [smem:$0x1]  }
0xbc: {  	s5 =	simm.s32 $0x8400;
	s7 =	sld [smem:$0x200]  }
0xbd: {  	s6 =	simm.s32 $0x480;
	s20 =	simm.s32 $0x0;
	s8 =	sld [smem:$0x2]  }
0xbe: {  	s24 =	simm.s32 $0x400;
	s3 =	sshll.u32 s3, $0x4;
	s17 =	sld [smem:$0x202]  }
0xbf: {  	s22 =	sshll.u32 s29, $0x4;
	s16 =	sshll.u32 s30, $0x4;
	s12 =	sld [smem:$0x20C]  }
0xc0: {  	s22 =	sand.u32 $0x1FFFFFF0, s22;
	s7 =	sshll.u32 s7, $0x4;
	s0 =	sld [smem:$0xD]  }
0xc1: {  	s16 =	sand.u32 $0x1FFFFFF0, s16;
	s30 =	sadd.s32 s28, s22;
	s18 =	sld [smem:$0x203]  }
0xc2: {  	s22 =	sshll.u32 s4, $0x4;
	s23 =	sand.u32 $0x1FFFFFF0, s7;
	s19 =	sld [smem:$0x3]  }
0xc3: {  	s8 =	sshll.u32 s8, $0x4;
	s31 =	sadd.s32 s28, s23;
	s14 =	sld [smem:$0x0]  }
0xc4: {  	s8 =	sand.u32 $0x1FFFFFF0, s8;
	s17 =	sshll.u32 s17, $0x4;
	s21 =	sld [smem:$0x4]  }
0xc5: {  	s23 =	simm.s32 $0x580;
	s17 =	sand.u32 $0x1FFFFFF0, s17;
	s11 =	sld [smem:$0x5]  }
0xc6: {  	s8 =	sadd.s32 s26, s8;
	s17 =	sadd.s32 s28, s17;
	s15 =	sld [smem:$0x204]  }
0xc7: {  	s18 =	sshll.u32 s18, $0x4;
	s19 =	sshll.u32 s19, $0x4;
	s1 =	sld [smem:$0x20D]  }
0xc8: {  	s18 =	sand.u32 $0x1FFFFFF0, s18;
	s14 =	sshll.u32 s14, $0x4;
	s2 =	sld [smem:$0xE]  }
0xc9: {  	s19 =	sand.u32 $0x1FFFFFF0, s19;
	s14 =	sand.u32 $0x1FFFFFF0, s14;
	s7 =	sld [smem:$0x20E]  }
0xca: {  	s21 =	sshll.u32 s21, $0x4;
	s14 =	sadd.s32 s26, s14;
	s25 =	sld [smem:$0x205]  }
0xcb: {  	[tilespmem:s24], [sflag:$0x1] =	stream.linear.gather [hbm4b:s14+s20], $0x80, $0x38;
	[tilespmem:$0x10700] =	vst v63  }
0xcc: {  	s19 =	sadd.s32 s26, s19;
	s4 =	sshll.u32 s15, $0x4;
	s29 =	sld [smem:$0x6]  }
0xcd: {  	[tilespmem:s5], [sflag:$0x1] =	stream.linear.gather [hbm4b:s31+s20], $0x80, $0x38;
	[tilespmem:$0x10700] =	vst v63  }
0xce: {  	s24 =	sadd.s32 s26, s16;
	s31 =	simm.s32 $0x8480;
	s14 =	sld [smem:$0xF]  }
0xcf: {  	[tilespmem:s6], [sflag:$0x1] =	stream.linear.gather [hbm4b:s24+s20], $0x80, $0x38;
	[tilespmem:$0x10700] =	vst v63  }
0xd0: {  	s5 =	simm.s32 $0x500;
	s2 =	sshll.u32 s2, $0x4;
	s6 =	simm.s32 $0x8500  }
0xd1: {  	s24 =	simm.s32 $0x8580;
	s7 =	sshll.u32 s7, $0x4;
	s16 =	sld [smem:$0x206]  }
0xd2: {  	[tilespmem:s31], [sflag:$0x1] =	stream.linear.gather [hbm4b:s30+s20], $0x80, $0x38;
	[tilespmem:$0x10700] =	vst v63  }
0xd3: {  	s31 =	sadd.s32 s28, s18;
	s7 =	sand.u32 $0x1FFFFFF0, s7;
	s30 =	sld [smem:$0x7]  }
0xd4: {  	[tilespmem:s5], [sflag:$0x1] =	stream.linear.gather [hbm4b:s8+s20], $0x80, $0x38;
	[tilespmem:$0x10700] =	vst v63  }
0xd5: {  	s5 =	sand.u32 $0x1FFFFFF0, s21;
	s21 =	simm.s32 $0x8;
	s8 =	sld [smem:$0x20F]  }
0xd6: {  	[tilespmem:s6], [sflag:$0x1] =	stream.linear.gather [hbm4b:s17+s20], $0x80, $0x38;
	[tilespmem:$0x10700] =	vst v63  }
0xd7: {  	s15 =	sshll.u32 s29, $0x4;
	s29 =	simm.s32 $0x8680;
	s6 =	simm.s32 $0x600  }
0xd8: {  	s18 =	sadd.s32 s26, s5;
	s5 =	sand.u32 $0x1FFFFFF0, s3;
	s3 =	sand.u32 $0x1FFFFFF0, s4  }
0xd9: {  	[tilespmem:s23], [sflag:$0x1] =	stream.linear.gather [hbm4b:s19+s20], $0x80, $0x38;
	[tilespmem:$0x10700] =	vst v63  }
0xda: {  	s3 =	sadd.s32 s28, s3;
	s23 =	simm.s32 $0x208;
	s19 =	sld [smem:$0x8]  }
0xdb: {  	[tilespmem:s24], [sflag:$0x1] =	stream.linear.gather [hbm4b:s31+s20], $0x80, $0x38;
	[tilespmem:$0x10700] =	vst v63  }
0xdc: {  	s24 =	simm.s32 $0x2000;
	s31 =	sshll.u32 s9, $0x4;
	s9 =	sshll.u32 s11, $0x4  }
0xdd: {  	s11 =	sshll.u32 s25, $0x4;
	s25 =	simm.s32 $0x680;
	s8 =	sshll.u32 s8, $0x4  }
0xde: {  	s17 =	sand.u32 $0x1FFFFFF0, s31;
	s4 =	sand.u32 $0x1FFFFFF0, s9;
	s9 =	sand.u32 $0x1FFFFFF0, s11  }
0xdf: {  	[tilespmem:s6], [sflag:$0x1] =	stream.linear.gather [hbm4b:s18+s20], $0x80, $0x38;
	[tilespmem:$0x10700] =	vst v63  }
0xe0: {  	s11 =	sand.u32 $0x1FFFFFF0, s15;
	s6 =	sand.u32 $0x1FFFFFF0, s22;
	s18 =	simm.s32 $0x8600  }
0xe1: {  	[tilespmem:s18], [sflag:$0x1] =	stream.linear.gather [hbm4b:s3+s20], $0x80, $0x38;
	[tilespmem:$0x10700] =	vst v63  }
0xe2: {  	s22 =	sadd.s32 s26, s4;
	s31 =	sadd.s32 s28, s9;
	s15 =	sld [smem:$0xA]  }
0xe3: {  	[tilespmem:s25], [sflag:$0x1] =	stream.linear.gather [hbm4b:s22+s20], $0x80, $0x38;
	[tilespmem:$0x10700] =	vst v63  }
0xe4: {  	s18 =	simm.s32 $0x700;
	s22 =	sadd.s32 s26, s11;
	s25 =	sshll.u32 s13, $0x4  }
0xe5: {  	s13 =	sshll.u32 s30, $0x4;
	s30 =	sshll.u32 s19, $0x4;
	s9 =	sld [smem:$0x9]  }
0xe6: {  	[tilespmem:s29], [sflag:$0x1] =	stream.linear.gather [hbm4b:s31+s20], $0x80, $0x38;
	[tilespmem:$0x10700] =	vst v63  }
0xe7: {  	s19 =	simm.s32 $0x800;
	s29 =	sshll.u32 s16, $0x4;
	s16 =	sand.u32 $0x1FFFFFF0, s25  }
0xe8: {  	s4 =	sand.u32 $0x1FFFFFF0, s13;
	s25 =	simm.s32 $0x780;
	s11 =	sld [smem:$0x207]  }
0xe9: {  	[tilespmem:s18], [sflag:$0x1] =	stream.linear.gather [hbm4b:s22+s20], $0x80, $0x38;
	[tilespmem:$0x10700] =	vst v63  }
0xea: {  	s13 =	sshll.u32 s0, $0x4;
	s22 =	simm.s32 $0x0;
	s31 =	sand.u32 $0x1FFFFFF0, s29  }
0xeb: {  	s18 =	simm.s32 $0x8700;
	s4 =	sadd.s32 s26, s4;
	s29 =	sshll.u32 s12, $0x4  }
0xec: {  	s12 =	sand.u32 $0x1FFFFFF0, s30;
	s30 =	sshll.u32 s14, $0x4;
	s3 =	sadd.s32 s28, s31  }
0xed: {  	[tilespmem:s18], [sflag:$0x1] =	stream.linear.gather [hbm4b:s3+s20], $0x80, $0x38;
	[tilespmem:$0x10700] =	vst v63  }
0xee: {  	s31 =	simm.s32 $0x8780;
	s12 =	sadd.s32 s26, s12;
	s3 =	sld [smem:$0x209]  }
0xef: {  	[tilespmem:s25], [sflag:$0x1] =	stream.linear.gather [hbm4b:s4+s20], $0x80, $0x38;
	[tilespmem:$0x10700] =	vst v63  }
0xf0: {  	s18 =	simm.s32 $0x880;
	s9 =	sshll.u32 s9, $0x4;
	s11 =	sshll.u32 s11, $0x4  }
0xf1: {  	s25 =	simm.s32 $0x8900;
	s4 =	sand.u32 $0x1FFFFFF0, s29;
	s11 =	sand.u32 $0x1FFFFFF0, s11  }
0xf2: {  	s29 =	sshll.u32 s1, $0x4;
	s1 =	sand.u32 $0x1FFFFFF0, s13;
	s11 =	sadd.s32 s28, s11  }
0xf3: {  	[tilespmem:s31], [sflag:$0x1] =	stream.linear.gather [hbm4b:s11+s20], $0x80, $0x38;
	[tilespmem:$0x10700] =	vst v63  }
0xf4: {  	s0 =	sand.u32 $0x1FFFFFF0, s29;
	s11 =	sand.u32 $0x1FFFFFF0, s30;
	s31 =	sand.u32 $0x1FFFFFF0, s2  }
0xf5: {  	s30 =	sand.u32 $0x1FFFFFF0, s9;
	s2 =	sadd.s32 s26, s11;
	s13 =	sadd.s32 s26, s31  }
0xf6: {  	s11 =	sshll.u32 s10, $0x4;
	s31 =	sshll.u32 s15, $0x4;
	s10 =	simm.s32 $0x8800  }
0xf7: {  	[tilespmem:s19], [sflag:$0x1] =	stream.linear.gather [hbm4b:s12+s20], $0x80, $0x38;
	[tilespmem:$0x10700] =	vst v63  }
0xf8: {  	s19 =	simm.s32 $0xA80;
	s12 =	sadd.s32 s28, s7;
	s7 =	sand.u32 $0x1FFFFFF0, s8  }
0xf9: {  	s29 =	sand.u32 $0x1FFFFFF0, s11;
	s8 =	sadd.s32 s26, s30;
	s9 =	sand.u32 $0x1FFFFFF0, s31  }
0xfa: {  	s14 =	sadd.s32 s28, s7;
	s7 =	sadd.s32 s28, s4;
	s11 =	sadd.s32 s28, s29  }
.LBB2_4:
0xfb: {  	s23 =	sadd.s32 $0x10, s23  }
0xfc: {  	[tilespmem:s10], [sflag:$0x1] =	stream.linear.gather [hbm4b:s11+s20], $0x80, $0x38;
	[tilespmem:$0x10700] =	vst v63  }
0xfd: {  	s29 =	sadd.s32 s28, s5;
	s30 =	sld [smem:s23+$0x0]  }
0xfe: {  	s5 =	sadd.s32 s26, s6;
	s6 =	sld [smem:s23+$0x3];
	s3 =	sshll.u32 s3, $0x4  }
0xff: {  	[tilespmem:s18], [sflag:$0x1] =	stream.linear.gather [hbm4b:s8+s20], $0x80, $0x38;
	[tilespmem:$0x10700] =	vst v63  }
0x100: {  	s31 =	sadd.s32 $0x8880, s22;
	s18 =	sld [smem:s23+$0x2];
	s3 =	sand.u32 $0x1FFFFFF0, s3  }
0x101: {  	s15 =	sadd.s32 s26, s9;
	s9 =	sld [smem:s23+$0xFFFFFFF8];
	s3 =	sadd.s32 s28, s3  }
0x102: {  	[tilespmem:s31], [sflag:$0x1] =	stream.linear.gather [hbm4b:s3+s20], $0x80, $0x38;
	[tilespmem:$0x10700] =	vst v63  }
0x103: {  	s21 =	sadd.s32 $0x10, s21;
	[dreg:$0x9] =	wrdreg s30;
	s3 =	sshll.u32 s18, $0x4  }
0x104: {  	s11 =	sadd.s32 $0x900, s22;
	s31 =	sld [smem:s21+$0x3];
	s3 =	sand.u32 $0x1FFFFFF0, s3  }
0x105: {  	[tilespmem:s11], [sflag:$0x1] =	stream.linear.gather [hbm4b:s15+s20], $0x80, $0x38;
	[tilespmem:$0x10700] =	vst v63  }
0x106: {  	s4 =	smov.u32 s24;
	s10 =	sadd.s32 $0x980, s22;
	[dreg:$0xb] =	wrdreg s3  }
0x107: {  	s15 =	sadd.s32 s28, s17;
	s17 =	sshll.u32 s31, $0x4;
	s31 =	sld [smem:s23+$0xFFFFFFF9]  }
0x108: {  	[tilespmem:s25], [sflag:$0x1] =	stream.linear.gather [hbm4b:s29+s20], $0x80, $0x38;
	[tilespmem:$0x10700] =	vst v63  }
0x109: {  	p0 =	sne.s32 s24, $0x1E000;
	s25 =	sshll.u32 s6, $0x4;
	s6 =	sld [smem:s21+$0xFFFFFFF9]  }
0x10a: {  	s24 =	sadd.s32 $0x2000, s24;
	s3 =	sand.u32 $0x1FFFFFF0, s17;
	s17 =	sld [smem:s21+$0xFFFFFFFC]  }
0x10b: {  	s1 =	sadd.s32 s26, s1;
	s30 =	sadd.s32 s26, s16;
	[dreg:$0xc] =	wrdreg s3  }
0x10c: {  	[tilespmem:s10], [sflag:$0x1] =	stream.linear.gather [hbm4b:s5+s20], $0x80, $0x38;
	[tilespmem:$0x10700] =	vst v63  }
0x10d: {  	s16 =	sadd.s32 $0x8980, s22;
	s3 =	sand.u32 $0x1FFFFFF0, s25;
	s25 =	sld [smem:s23+$0x4]  }
0x10e: {  	[tilespmem:s16], [sflag:$0x1] =	stream.linear.gather [hbm4b:s15+s20], $0x80, $0x38;
	[tilespmem:$0x10700] =	vst v63  }
0x10f: {  	s0 =	sadd.s32 s28, s0;
	s18 =	sadd.s32 $0xA00, s22;
	[dreg:$0x10] =	wrdreg s3  }
0x110: {  	[tilespmem:s18], [sflag:$0x1] =	stream.linear.gather [hbm4b:s30+s20], $0x80, $0x38;
	[tilespmem:$0x10700] =	vst v63  }
0x111: {  	s8 =	sadd.s32 $0xB00, s22;
	s11 =	sadd.s32 $0x8B80, s22;
	s30 =	sld [smem:s21+$0x4]  }
0x112: {  	s29 =	sadd.s32 $0x8A00, s22;
	s5 =	sadd.s32 $0x8A80, s22;
	s18 =	sld [smem:s23+$0xFFFFFFFA]  }
0x113: {  	s10 =	sadd.s32 $0x8B00, s22;
	s15 =	sshll.u32 s9, $0x4;
	s16 =	sld [smem:s21+$0xFFFFFFF8]  }
0x114: {  	[tilespmem:s29], [sflag:$0x1] =	stream.linear.gather [hbm4b:s7+s20], $0x80, $0x38;
	[tilespmem:$0x10700] =	vst v63  }
0x115: {  	s7 =	sld [smem:s21+$0xFFFFFFFB];
	s3 =	sshll.u32 s30, $0x4;
	s29 =	sshll.u32 s18, $0x4  }
0x116: {  	[tilespmem:s19], [sflag:$0x1] =	stream.linear.gather [hbm4b:s1+s20], $0x80, $0x38;
	[tilespmem:$0x10700] =	vst v63  }
0x117: {  	s1 =	sshll.u32 s31, $0x4;
	s3 =	sand.u32 $0x1FFFFFF0, s3;
	s31 =	sld [smem:s21+$0x5]  }
0x118: {  	s18 =	sand.u32 $0x1FFFFFF0, s15;
	s30 =	sand.u32 $0x1FFFFFF0, s29;
	[dreg:$0xe] =	wrdreg s3  }
0x119: {  	[tilespmem:s5], [sflag:$0x1] =	stream.linear.gather [hbm4b:s0+s20], $0x80, $0x38;
	[tilespmem:$0x10700] =	vst v63  }
0x11a: {  	s1 =	sand.u32 $0x1FFFFFF0, s1;
	s3 =	sld [smem:s23+$0xFFFFFFFC];
	s0 =	sshll.u32 s6, $0x4  }
0x11b: {  	s29 =	sshll.u32 s7, $0x4;
	s5 =	sld [smem:s23+$0xFFFFFFFB];
	s0 =	sand.u32 $0x1FFFFFF0, s0  }
0x11c: {  	[tilespmem:s8], [sflag:$0x1] =	stream.linear.gather [hbm4b:s13+s20], $0x80, $0x38;
	[tilespmem:$0x10700] =	vst v63  }
0x11d: {  	s13 =	sadd.s32 $0xB80, s22;
	s22 =	sshra.s32 s4, $0x2;
	s9 =	sadd.s32 s26, s0  }
0x11e: {  	s8 =	sadd.s32 s28, s30;
	s30 =	sand.u32 $0x1FFFFFF0, s29;
	s29 =	sld [smem:s23+$0x5]  }
0x11f: {  	s3 =	sshll.u32 s3, $0x4;
	s6 =	sadd.s32 $0x8900, s22;
	s4 =	sadd.s32 $0x8500, s22  }
0x120: {  	[tilespmem:s10], [sflag:$0x1] =	stream.linear.gather [hbm4b:s12+s20], $0x80, $0x38;
	[tilespmem:$0x10700] =	vst v63  }
0x121: {  	s15 =	sadd.s32 $0x580, s22;
	s7 =	sadd.s32 $0x8580, s22;
	s12 =	sld [smem:s21+$0xFFFFFFFA]  }
0x122: {  	s3 =	sand.u32 $0x1FFFFFF0, s3;
	s10 =	sadd.s32 $0x8480, s22;
	[dreg:$0x16] =	wrdreg s6  }
0x123: {  	[tilespmem:s13], [sflag:$0x1] =	stream.linear.gather [hbm4b:s2+s20], $0x80, $0x38;
	[tilespmem:$0x10700] =	vst v63  }
0x124: {  	s6 =	rddreg [dreg:$0x7];
	s29 =	sshll.u32 s29, $0x4;
	s13 =	sadd.s32 s28, s1  }
0x125: {  	s1 =	sshll.u32 s25, $0x4;
	s28 =	sld [smem:s21+$0xFFFFFFFD];
	s25 =	sadd.s32 s6, s30  }
0x126: {  	s6 =	sld [smem:s21+$0x6];
	s19 =	sshll.u32 s12, $0x4;
	s1 =	sand.u32 $0x1FFFFFF0, s1  }
0x127: {  	[tilespmem:s11], [sflag:$0x1] =	stream.linear.gather [hbm4b:s14+s20], $0x80, $0x38;
	[tilespmem:$0x10700] =	vst v63  }
0x128: {  	s2 =	sadd.s32 $0x480, s22;
	s0 =	sand.u32 $0x1FFFFFF0, s19;
	[dreg:$0x13] =	wrdreg s1  }
0x129: {  	s1 =	sshll.u32 s16, $0x4;
	s14 =	sadd.s32 s26, s0;
	s0 =	sshll.u32 s5, $0x4  }
0x12a: {  	s26 =	sshll.u32 s31, $0x4;
	s31 =	rddreg [dreg:$0x8];
	s0 =	sand.u32 $0x1FFFFFF0, s0  }
0x12b: {  	s5 =	sshll.u32 s17, $0x4;
	s17 =	rddreg [dreg:$0x8];
	s11 =	sadd.s32 s31, s0  }
0x12c: {  	s0 =	sand.u32 $0x1FFFFFF0, s5;
	s5 =	sadd.s32 s17, s18;
	s18 =	rddreg [dreg:$0x7]  }
0x12d: {  	s30 =	sand.u32 $0x1FFFFFF0, s1;
	s1 =	sand.u32 $0x1FFFFFF0, s26;
	s31 =	rddreg [dreg:$0x7]  }
0x12e: {  	s26 =	sld [smem:s23+$0x6];
	s17 =	sadd.s32 s18, s0;
	s30 =	sadd.s32 s31, s30  }
0x12f: {  	s0 =	sand.u32 $0x1FFFFFF0, s29;
	s29 =	sadd.s32 $0x400, s22;
	s31 =	sld [smem:s23+$0xFFFFFFFD]  }
0x130: {  	[tilespmem:s29], [sflag:$0x1] =	stream.linear.gather [hbm4b:s30+s20], $0x80, $0x38;
	[tilespmem:$0x10700] =	vst v63  }
0x131: {  	s12 =	sadd.s32 $0x500, s22;
	s29 =	sadd.s32 $0x8400, s22;
	s30 =	sld [smem:s21+$0xFFFFFFFE]  }
0x132: {  	[tilespmem:s29], [sflag:$0x1] =	stream.linear.gather [hbm4b:s5+s20], $0x80, $0x38;
	[tilespmem:$0x10700] =	vst v63  }
0x133: {  	s19 =	sadd.s32 $0xA80, s22;
	s5 =	sshll.u32 s31, $0x4;
	s31 =	sld [smem:s21+$0x7]  }
0x134: {  	[tilespmem:s2], [sflag:$0x1] =	stream.linear.gather [hbm4b:s9+s20], $0x80, $0x38;
	[tilespmem:$0x10700] =	vst v63  }
0x135: {  	s16 =	sadd.s32 $0x600, s22;
	s28 =	sshll.u32 s28, $0x4;
	s9 =	sld [smem:s23+$0xFFFFFFFE]  }
0x136: {  	s30 =	sshll.u32 s30, $0x4;
	s29 =	sshll.u32 s31, $0x4;
	s31 =	rddreg [dreg:$0x7]  }
0x137: {  	[tilespmem:s10], [sflag:$0x1] =	stream.linear.gather [hbm4b:s13+s20], $0x80, $0x38;
	[tilespmem:$0x10700] =	vst v63  }
0x138: {  	s30 =	sand.u32 $0x1FFFFFF0, s30;
	s2 =	sand.u32 $0x1FFFFFF0, s29;
	s29 =	rddreg [dreg:$0x7]  }
0x139: {  	s6 =	sshll.u32 s6, $0x4;
	s30 =	sadd.s32 s31, s30;
	s31 =	sld [smem:s21+$0xFFFFFFFF]  }
0x13a: {  	s28 =	sand.u32 $0x1FFFFFF0, s28;
	s6 =	sand.u32 $0x1FFFFFF0, s6;
	s13 =	rddreg [dreg:$0x7]  }
0x13b: {  	s18 =	sadd.s32 $0x880, s22;
	s28 =	sadd.s32 s29, s28;
	s29 =	rddreg [dreg:$0x7]  }
0x13c: {  	s26 =	sshll.u32 s26, $0x4;
	s13 =	sadd.s32 s13, s6;
	s6 =	sld [smem:s21+$0x0]  }
0x13d: {  	[tilespmem:s12], [sflag:$0x1] =	stream.linear.gather [hbm4b:s14+s20], $0x80, $0x38;
	[tilespmem:$0x10700] =	vst v63  }
0x13e: {  	s26 =	sand.u32 $0x1FFFFFF0, s26;
	s5 =	sand.u32 $0x1FFFFFF0, s5;
	s14 =	sld [smem:s23+$0x7]  }
0x13f: {  	s10 =	sadd.s32 $0x700, s22;
	s2 =	sadd.s32 s29, s2;
	s29 =	rddreg [dreg:$0x8]  }
0x140: {  	s9 =	sshll.u32 s9, $0x4;
	s12 =	sadd.s32 s29, s26;
	s26 =	rddreg [dreg:$0x7]  }
0x141: {  	s9 =	sand.u32 $0x1FFFFFF0, s9;
	s31 =	sshll.u32 s31, $0x4;
	s29 =	rddreg [dreg:$0x8]  }
0x142: {  	[tilespmem:s4], [sflag:$0x1] =	stream.linear.gather [hbm4b:s8+s20], $0x80, $0x38;
	[tilespmem:$0x10700] =	vst v63  }
0x143: {  	s4 =	sand.u32 $0x1FFFFFF0, s31;
	s3 =	sadd.s32 s29, s3;
	s29 =	sld [smem:s21+$0x1]  }
0x144: {  	[tilespmem:s15], [sflag:$0x1] =	stream.linear.gather [hbm4b:s25+s20], $0x80, $0x38;
	[tilespmem:$0x10700] =	vst v63  }
0x145: {  	s6 =	sshll.u32 s6, $0x4;
	s31 =	sshll.u32 s14, $0x4;
	s25 =	rddreg [dreg:$0x16]  }
0x146: {  	[tilespmem:s7], [sflag:$0x1] =	stream.linear.gather [hbm4b:s11+s20], $0x80, $0x38;
	[tilespmem:$0x10700] =	vst v63  }
0x147: {  	s6 =	sand.u32 $0x1FFFFFF0, s6;
	s4 =	sadd.s32 s26, s4;
	s7 =	rddreg [dreg:$0x8]  }
0x148: {  	s15 =	sadd.s32 $0x8600, s22;
	s8 =	sand.u32 $0x1FFFFFF0, s31;
	s11 =	sld [smem:s21+$0x2]  }
0x149: {  	[tilespmem:s16], [sflag:$0x1] =	stream.linear.gather [hbm4b:s17+s20], $0x80, $0x38;
	[tilespmem:$0x10700] =	vst v63  }
0x14a: {  	s31 =	sadd.s32 $0x680, s22;
	s6 =	sadd.s32 s26, s6;
	s17 =	rddreg [dreg:$0x10]  }
0x14b: {  	[tilespmem:s15], [sflag:$0x1] =	stream.linear.gather [hbm4b:s3+s20], $0x80, $0x38;
	[tilespmem:$0x10700] =	vst v63  }
0x14c: {  	s29 =	sshll.u32 s29, $0x4;
	s14 =	sadd.s32 s7, s8;
	s15 =	rddreg [dreg:$0x9]  }
0x14d: {  	[tilespmem:s31], [sflag:$0x1] =	stream.linear.gather [hbm4b:s28+s20], $0x80, $0x38;
	[tilespmem:$0x10700] =	vst v63  }
0x14e: {  	s8 =	sadd.s32 $0x8680, s22;
	s16 =	sshll.u32 s15, $0x4;
	s28 =	rddreg [dreg:$0x8]  }
0x14f: {  	s31 =	sld [smem:s23+$0xFFFFFFFF];
	s16 =	sand.u32 $0x1FFFFFF0, s16;
	s5 =	sadd.s32 s28, s5  }
0x150: {  	[tilespmem:s8], [sflag:$0x1] =	stream.linear.gather [hbm4b:s5+s20], $0x80, $0x38;
	[tilespmem:$0x10700] =	vst v63  }
0x151: {  	s9 =	sadd.s32 s28, s9;
	s5 =	sadd.s32 $0x8780, s22;
	s8 =	sand.u32 $0x1FFFFFF0, s29  }
0x152: {  	[tilespmem:s10], [sflag:$0x1] =	stream.linear.gather [hbm4b:s30+s20], $0x80, $0x38;
	[tilespmem:$0x10700] =	vst v63  }
0x153: {  	s3 =	sshll.u32 s31, $0x4;
	s31 =	sadd.s32 $0x780, s22;
	s10 =	sadd.s32 $0x8700, s22  }
0x154: {  	[tilespmem:s10], [sflag:$0x1] =	stream.linear.gather [hbm4b:s9+s20], $0x80, $0x38;
	[tilespmem:$0x10700] =	vst v63  }
0x155: {  	s8 =	sadd.s32 s26, s8;
	s30 =	rddreg [dreg:$0x13];
	s3 =	sand.u32 $0x1FFFFFF0, s3  }
0x156: {  	[tilespmem:s31], [sflag:$0x1] =	stream.linear.gather [hbm4b:s4+s20], $0x80, $0x38;
	[tilespmem:$0x10700] =	vst v63  }
0x157: {  	s29 =	sadd.s32 s28, s3;
	s3 =	sld [smem:s23+$0x1];
	s31 =	sshll.u32 s11, $0x4  }
.Ltmp1:
0x158: {  	s11 =	sadd.s32 s28, s16;
	s16 =	rddreg [dreg:$0xe];
	(pc) =	sbr.rel @p0 .LBB2_4-.Ltmp1, $4  }
0x159: {  	[tilespmem:s5], [sflag:$0x1] =	stream.linear.gather [hbm4b:s29+s20], $0x80, $0x38;
	[tilespmem:$0x10700] =	vst v63  }
0x15a: {  	s7 =	sadd.s32 s28, s30;
	s30 =	sadd.s32 $0x800, s22;
	s5 =	rddreg [dreg:$0xb]  }
0x15b: {  	[tilespmem:s30], [sflag:$0x1] =	stream.linear.gather [hbm4b:s6+s20], $0x80, $0x38;
	[tilespmem:$0x10700] =	vst v63  }
0x15c: {  	s10 =	sadd.s32 $0x8800, s22;
	s9 =	sand.u32 $0x1FFFFFF0, s31;
	s6 =	rddreg [dreg:$0xc]  }
0x15d: {  	s3 =	sshll.u32 s3, $0x4  }
0x15e: {  	[tilespmem:s10], [sflag:$0x1] =	stream.linear.gather [hbm4b:s11+s20], $0x80, $0x38;
	[tilespmem:$0x10700] =	vst v63  }
0x15f: {  	s3 =	sand.u32 $0x1FFFFFF0, s3  }
0x160: {  	[tilespmem:s18], [sflag:$0x1] =	stream.linear.gather [hbm4b:s8+s20], $0x80, $0x38;
	[tilespmem:$0x10700] =	vst v63  }
0x161: {  	s4 =	sadd.s32 $0x8880, s22;
	s3 =	sadd.s32 s28, s3  }
0x162: {  	[tilespmem:s4], [sflag:$0x1] =	stream.linear.gather [hbm4b:s3+s20], $0x80, $0x38;
	[tilespmem:$0x10700] =	vst v63  }
0x163: {  	s8 =	sadd.s32 s26, s9;
	s4 =	sadd.s32 $0x900, s22  }
0x164: {  	[tilespmem:s4], [sflag:$0x1] =	stream.linear.gather [hbm4b:s8+s20], $0x80, $0x38;
	[tilespmem:$0x10700] =	vst v63  }
0x165: {  	s9 =	sadd.s32 s28, s5  }
0x166: {  	[tilespmem:s25], [sflag:$0x1] =	stream.linear.gather [hbm4b:s9+s20], $0x80, $0x38;
	[tilespmem:$0x10700] =	vst v63  }
0x167: {  	s10 =	sadd.s32 $0x980, s22;
	s11 =	sadd.s32 s26, s6  }
0x168: {  	[tilespmem:s10], [sflag:$0x1] =	stream.linear.gather [hbm4b:s11+s20], $0x80, $0x38;
	[tilespmem:$0x10700] =	vst v63  }
0x169: {  	s15 =	sadd.s32 s28, s17;
	s17 =	sadd.s32 $0x8980, s22  }
0x16a: {  	[tilespmem:s17], [sflag:$0x1] =	stream.linear.gather [hbm4b:s15+s20], $0x80, $0x38;
	[tilespmem:$0x10700] =	vst v63  }
0x16b: {  	s21 =	sadd.s32 $0xA00, s22;
	s18 =	sadd.s32 s26, s16  }
0x16c: {  	[tilespmem:s21], [sflag:$0x1] =	stream.linear.gather [hbm4b:s18+s20], $0x80, $0x38;
	[tilespmem:$0x10700] =	vst v63  }
0x16d: {  	s23 =	sadd.s32 $0x8A00, s22  }
0x16e: {  	[tilespmem:s23], [sflag:$0x1] =	stream.linear.gather [hbm4b:s7+s20], $0x80, $0x38;
	[tilespmem:$0x10700] =	vst v63  }
0x16f: {  	s1 =	sadd.s32 s26, s1  }
0x170: {  	[tilespmem:s19], [sflag:$0x1] =	stream.linear.gather [hbm4b:s1+s20], $0x80, $0x38;
	[tilespmem:$0x10700] =	vst v63  }
0x171: {  	s24 =	sadd.s32 $0x8A80, s22;
	s0 =	sadd.s32 s28, s0  }
0x172: {  	[tilespmem:s24], [sflag:$0x1] =	stream.linear.gather [hbm4b:s0+s20], $0x80, $0x38;
	[tilespmem:$0x10700] =	vst v63  }
0x173: {  	s25 =	sadd.s32 $0xB00, s22  }
0x174: {  	[tilespmem:s25], [sflag:$0x1] =	stream.linear.gather [hbm4b:s13+s20], $0x80, $0x38;
	[tilespmem:$0x10700] =	vst v63  }
0x175: {  	s29 =	sadd.s32 $0x8B00, s22  }
0x176: {  	[tilespmem:s29], [sflag:$0x1] =	stream.linear.gather [hbm4b:s12+s20], $0x80, $0x38;
	[tilespmem:$0x10700] =	vst v63  }
0x177: {  	s30 =	sadd.s32 $0xB80, s22;
	s31 =	sadd.s32 $0x8B80, s22;
	s21 =	simm.s32 $0x10500  }
0x178: {  	[tilespmem:s30], [sflag:$0x1] =	stream.linear.gather [hbm4b:s2+s20], $0x80, $0x38;
	[tilespmem:$0x10700] =	vst v63  }
0x179: {  	s1 =	simm.s32 $0x400;
	s0 =	simm.s32 $0x1;
	s2 =	simm.s32 $0x8400  }
0x17a: {  	[tilespmem:s31], [sflag:$0x1] =	stream.linear.gather [hbm4b:s14+s20], $0x80, $0x38;
	[tilespmem:$0x10700] =	vst v63  }
.LBB2_6:
0x17b: {  	_ =	swait.ge [sflag:s0], $0x800  }
0x17c: {  	[sflag:s0] =	ssyncset.done $0x0  }
0x17d: {  	[sflag:s0] =	ssyncadd.s32 $0xFFFFF800  }
0x17e: {  	v2 =	vmov s20;
	_ =	swait.ge [sflag:s0], $0x800  }
0x17f: {  	v2 =	vshll.u32 v2, $0x7;
	[sflag:s0] =	ssyncset.done $0x0  }
0x180: {  	v3 =	vor.u32 v0, v2;
	[sflag:s0] =	ssyncadd.s32 $0xFFFFF800  }
0x181: {  	v6 =	vld [tilespmem:$0x10400]  }
0x182: {  	v7 =	vor.u32 $0x1, v3;
	v5 =	vld [tilespmem:$0x10410]  }
0x183: {  	v4 =	vld [tilespmem:$0x10420]  }
0x184: {  	v8 =	vor.u32 $0x2, v3;
	v2 =	vld [tilespmem:$0x10430]  }
0x185: {  	v9 =	vld.idx.msk [tilespmem:v3+s1+$0x0], $0xffff  }
0x186: {  	v11 =	vor.u32 $0x3, v3;
	v10 =	vld.idx.msk [tilespmem:v3+s2+$0x0], $0xffff  }
0x187: {  	v12 =	vld.idx.msk [tilespmem:v7+s1+$0x0], $0xffff  }
0x188: {  	v13 =	vor.u32 $0x4, v3;
	v7 =	vld.idx.msk [tilespmem:v7+s2+$0x0], $0xffff  }
0x189: {  	v14 =	vld.idx.msk [tilespmem:v8+s1+$0x0], $0xffff  }
0x18a: {  	v15 =	vor.u32 $0x5, v3;
	v8 =	vld.idx.msk [tilespmem:v8+s2+$0x0], $0xffff  }
0x18b: {  	v16 =	vld.idx.msk [tilespmem:v11+s1+$0x0], $0xffff  }
0x18c: {  	v17 =	vor.u32 $0x6, v3;
	v11 =	vld.idx.msk [tilespmem:v11+s2+$0x0], $0xffff  }
0x18d: {  	v18 =	vld.idx.msk [tilespmem:v13+s1+$0x0], $0xffff  }
0x18e: {  	v19 =	vor.u32 $0x7, v3;
	v13 =	vld.idx.msk [tilespmem:v13+s2+$0x0], $0xffff  }
0x18f: {  	v20 =	vld.idx.msk [tilespmem:v15+s1+$0x0], $0xffff  }
0x190: {  	v21 =	vor.u32 $0x8, v3;
	v15 =	vld.idx.msk [tilespmem:v15+s2+$0x0], $0xffff  }
0x191: {  	v22 =	vld.idx.msk [tilespmem:v17+s1+$0x0], $0xffff  }
0x192: {  	v23 =	vor.u32 $0x9, v3;
	v17 =	vld.idx.msk [tilespmem:v17+s2+$0x0], $0xffff  }
0x193: {  	v24 =	vld.idx.msk [tilespmem:v19+s1+$0x0], $0xffff  }
0x194: {  	v25 =	vor.u32 $0xA, v3;
	v19 =	vld.idx.msk [tilespmem:v19+s2+$0x0], $0xffff  }
0x195: {  	v26 =	vld.idx.msk [tilespmem:v21+s1+$0x0], $0xffff  }
0x196: {  	v27 =	vor.u32 $0xB, v3;
	v21 =	vld.idx.msk [tilespmem:v21+s2+$0x0], $0xffff  }
0x197: {  	v28 =	vld.idx.msk [tilespmem:v23+s1+$0x0], $0xffff  }
0x198: {  	v29 =	vor.u32 $0xC, v3;
	v23 =	vld.idx.msk [tilespmem:v23+s2+$0x0], $0xffff  }
0x199: {  	v30 =	vld.idx.msk [tilespmem:v25+s1+$0x0], $0xffff  }
0x19a: {  	v31 =	vor.u32 $0xD, v3;
	v25 =	vld.idx.msk [tilespmem:v25+s2+$0x0], $0xffff  }
0x19b: {  	v32 =	vld.idx.msk [tilespmem:v27+s1+$0x0], $0xffff  }
0x19c: {  	v33 =	vor.u32 $0xE, v3;
	v27 =	vld.idx.msk [tilespmem:v27+s2+$0x0], $0xffff  }
0x19d: {  	v34 =	vld.idx.msk [tilespmem:v29+s1+$0x0], $0xffff  }
0x19e: {  	v35 =	vor.u32 $0xF, v3;
	v29 =	vld.idx.msk [tilespmem:v29+s2+$0x0], $0xffff  }
0x19f: {  	v36 =	vld.idx.msk [tilespmem:v31+s1+$0x0], $0xffff  }
0x1a0: {  	v37 =	vor.u32 $0x10, v3;
	v31 =	vld.idx.msk [tilespmem:v31+s2+$0x0], $0xffff  }
0x1a1: {  	v38 =	vld.idx.msk [tilespmem:v33+s1+$0x0], $0xffff  }
0x1a2: {  	v39 =	vor.u32 $0x11, v3;
	v33 =	vld.idx.msk [tilespmem:v33+s2+$0x0], $0xffff  }
0x1a3: {  	v40 =	vld.idx.msk [tilespmem:v35+s1+$0x0], $0xffff  }
0x1a4: {  	v41 =	vor.u32 $0x12, v3;
	v35 =	vld.idx.msk [tilespmem:v35+s2+$0x0], $0xffff  }
0x1a5: {  	v42 =	vld.idx.msk [tilespmem:v37+s1+$0x0], $0xffff  }
0x1a6: {  	v43 =	vor.u32 $0x13, v3;
	v37 =	vld.idx.msk [tilespmem:v37+s2+$0x0], $0xffff  }
0x1a7: {  	v47 =	vor.u32 $0x15, v3;
	v44 =	vld.idx.msk [tilespmem:v39+s1+$0x0], $0xffff;
	v54 =	vbroadcast v6, $0x0;
	v55 =	vbroadcast v6, $0x1  }
0x1a8: {  	v39 =	vld.idx.msk [tilespmem:v39+s2+$0x0], $0xffff;
	v57 =	vbroadcast v6, $0x2;
	v58 =	vbroadcast v6, $0x3  }
0x1a9: {  	v56 =	vor.u32 $0x16, v3;
	v46 =	vld.idx.msk [tilespmem:v41+s1+$0x0], $0xffff;
	v59 =	vbroadcast v6, $0x4;
	v60 =	vbroadcast v6, $0x5  }
0x1aa: {  	v41 =	vld.idx.msk [tilespmem:v41+s2+$0x0], $0xffff;
	v62 =	vbroadcast v6, $0x6;
	v63 =	vbroadcast v6, $0x7  }
0x1ab: {  	v48 =	vld.idx.msk [tilespmem:v43+s1+$0x0], $0xffff;
	v52 =	vbroadcast v6, $0xB;
	v9 =	vmul.f32 v10, v9  }
0x1ac: {  	v45 =	vor.u32 $0x14, v3;
	v50 =	vld.idx.msk [tilespmem:v47+s1+$0x0], $0xffff;
	v7 =	vmul.f32 v7, v12;
	v8 =	vmul.f32 v8, v14  }
0x1ad: {  	v49 =	vor.u32 $0x17, v3;
	v47 =	vld.idx.msk [tilespmem:v47+s2+$0x0], $0xffff;
	v11 =	vmul.f32 v11, v16;
	v13 =	vmul.f32 v13, v18  }
0x1ae: {  	v15 =	vmul.f32 v15, v20;
	v14 =	vld.idx.msk [tilespmem:v56+s1+$0x0], $0xffff;
	v17 =	vmul.f32 v17, v22  }
0x1af: {  	v12 =	vld.idx.msk [tilespmem:v56+s2+$0x0], $0xffff;
	v19 =	vmul.f32 v19, v24;
	v56 =	vbroadcast v6, $0x8  }
0x1b0: {  	v61 =	vor.u32 $0x19, v3;
	v10 =	vld.idx.msk [tilespmem:v43+s2+$0x0], $0xffff;
	v27 =	vmul.f32 v27, v32;
	v35 =	vmul.f32 v35, v40  }
0x1b1: {  	v51 =	vor.u32 $0x18, v3;
	v43 =	vld.idx.msk [tilespmem:v45+s1+$0x0], $0xffff;
	v9 =	vmul.f32 v9, v54;
	v7 =	vmul.f32 v7, v55  }
0x1b2: {  	v53 =	vor.u32 $0x1D, v3;
	v20 =	vld.idx.msk [tilespmem:v49+s1+$0x0], $0xffff;
	v8 =	vmul.f32 v8, v57;
	v11 =	vmul.f32 v11, v58  }
0x1b3: {  	v24 =	vld.idx.msk [tilespmem:v49+s2+$0x0], $0xffff;
	v49 =	vor.u32 $0x20, v3;
	v13 =	vmul.f32 v13, v59;
	v15 =	vmul.f32 v15, v60  }
0x1b4: {  	v45 =	vld.idx.msk [tilespmem:v45+s2+$0x0], $0xffff;
	v54 =	vor.u32 $0x1A, v3;
	v55 =	vmul.f32 v21, v26;
	v17 =	vmul.f32 v17, v62  }
0x1b5: {  	v16 =	vld.idx.msk [tilespmem:v61+s2+$0x0], $0xffff;
	v57 =	vor.u32 $0x1B, v3;
	v58 =	vmul.f32 v19, v63;
	v59 =	vmul.f32 v23, v28  }
0x1b6: {  	v19 =	vld.idx.msk [tilespmem:v61+s1+$0x0], $0xffff;
	v60 =	vbroadcast v6, $0x9;
	v61 =	vor.u32 $0x1C, v3;
	v62 =	vmul.f32 v25, v30  }
0x1b7: {  	v18 =	vld.idx.msk [tilespmem:v51+s2+$0x0], $0xffff;
	v63 =	vbroadcast v6, $0xA;
	v9 =	vadd.f32 v9, v1;
	v7 =	vadd.f32 $0.0e+00, v7  }
0x1b8: {  	v26 =	vld.idx.msk [tilespmem:v51+s1+$0x0], $0xffff;
	v8 =	vadd.f32 $0.0e+00, v8;
	v11 =	vadd.f32 $0.0e+00, v11;
	v10 =	vmul.f32 v10, v48  }
0x1b9: {  	v48 =	vmul.f32 v45, v43;
	v9 =	vadd.f32 v13, v9;
	v13 =	vmul.f32 v55, v56;
	v28 =	vld.idx.msk [tilespmem:v54+s1+$0x0], $0xffff  }
0x1ba: {  	v55 =	vmul.f32 v27, v52;
	v56 =	vor.u32 $0x1E, v3;
	v20 =	vmul.f32 v24, v20;
	v32 =	vld.idx.msk [tilespmem:v54+s2+$0x0], $0xffff  }
0x1bb: {  	v7 =	vadd.f32 v15, v7;
	v54 =	vmul.f32 v59, v60;
	v59 =	vmul.f32 v31, v36;
	v36 =	vld.idx.msk [tilespmem:v53+s1+$0x0], $0xffff  }
0x1bc: {  	v8 =	vadd.f32 v17, v8;
	v17 =	vmul.f32 v62, v63;
	v62 =	vmul.f32 v33, v38;
	v38 =	vld.idx.msk [tilespmem:v53+s2+$0x0], $0xffff  }
0x1bd: {  	v11 =	vadd.f32 v58, v11;
	v58 =	vbroadcast v6, $0xC;
	v60 =	vbroadcast v6, $0xD;
	v15 =	vld.idx.msk [tilespmem:v57+s1+$0x0], $0xffff  }
0x1be: {  	v63 =	vbroadcast v6, $0xE;
	v6 =	vbroadcast v6, $0xF;
	v22 =	vld.idx.msk [tilespmem:v57+s2+$0x0], $0xffff  }
0x1bf: {  	v52 =	vor.u32 $0x21, v3;
	v53 =	vmul.f32 v37, v42;
	v57 =	vmul.f32 v29, v34;
	v29 =	vld.idx.msk [tilespmem:v61+s1+$0x0], $0xffff  }
0x1c0: {  	v9 =	vadd.f32 v13, v9;
	v23 =	vld.idx.msk [tilespmem:v61+s2+$0x0], $0xffff;
	v61 =	vor.u32 $0x1F, v3;
	v16 =	vmul.f32 v16, v19  }
0x1c1: {  	v42 =	vld.idx.msk [tilespmem:v49+s1+$0x0], $0xffff;
	v8 =	vadd.f32 v17, v8;
	v51 =	vmul.f32 v59, v60;
	v17 =	vmul.f32 v62, v63  }
0x1c2: {  	v7 =	vadd.f32 v54, v7;
	v6 =	vmul.f32 v35, v6;
	v54 =	vbroadcast v5, $0x0;
	v27 =	vld.idx.msk [tilespmem:v56+s1+$0x0], $0xffff  }
0x1c3: {  	v11 =	vadd.f32 v55, v11;
	v55 =	vmul.f32 v39, v44;
	v59 =	vbroadcast v5, $0x2;
	v25 =	vld.idx.msk [tilespmem:v56+s2+$0x0], $0xffff  }
0x1c4: {  	v60 =	vor.u32 $0x23, v3;
	v62 =	vbroadcast v5, $0x3;
	v8 =	vadd.f32 v17, v8;
	v17 =	vld.idx.msk [tilespmem:v49+s2+$0x0], $0xffff  }
0x1c5: {  	v63 =	vor.u32 $0x24, v3;
	v13 =	vmul.f32 v57, v58;
	v58 =	vmul.f32 v41, v46;
	v35 =	vld.idx.msk [tilespmem:v52+s1+$0x0], $0xffff  }
0x1c6: {  	v57 =	vor.u32 $0x22, v3;
	v46 =	vbroadcast v4, $0x1;
	v56 =	vbroadcast v5, $0x1;
	v30 =	vld.idx.msk [tilespmem:v52+s2+$0x0], $0xffff  }
0x1c7: {  	v7 =	vadd.f32 v51, v7;
	v49 =	vbroadcast v5, $0x4;
	v51 =	vmul.f32 v47, v50;
	v33 =	vld.idx.msk [tilespmem:v61+s1+$0x0], $0xffff  }
0x1c8: {  	v6 =	vadd.f32 v6, v11;
	v52 =	vbroadcast v5, $0x5;
	v10 =	vmul.f32 v10, v62;
	v34 =	vld.idx.msk [tilespmem:v61+s2+$0x0], $0xffff  }
0x1c9: {  	v62 =	vbroadcast v5, $0x9;
	v50 =	vbroadcast v5, $0xA;
	v9 =	vadd.f32 v13, v9;
	v11 =	vld.idx.msk [tilespmem:v60+s1+$0x0], $0xffff  }
0x1ca: {  	v13 =	vmul.f32 v53, v54;
	v21 =	vmul.f32 v58, v59;
	v53 =	vor.u32 $0x25, v3;
	v31 =	vld.idx.msk [tilespmem:v60+s2+$0x0], $0xffff  }
0x1cb: {  	v61 =	vmul.f32 v55, v56;
	v56 =	vmul.f32 v12, v14;
	v14 =	vld.idx.msk [tilespmem:v63+s1+$0x0], $0xffff  }
0x1cc: {  	v58 =	vbroadcast v5, $0x7;
	v59 =	vor.u32 $0x27, v3;
	v54 =	vmul.f32 v51, v52;
	v40 =	vld.idx.msk [tilespmem:v63+s2+$0x0], $0xffff  }
0x1cd: {  	v55 =	vor.u32 $0x26, v3;
	v6 =	vadd.f32 v10, v6;
	v16 =	vmul.f32 v16, v62;
	v43 =	vld.idx.msk [tilespmem:v57+s1+$0x0], $0xffff  }
0x1ce: {  	v15 =	vmul.f32 v22, v15;
	v51 =	vbroadcast v5, $0xB;
	v52 =	vor.u32 $0x2A, v3;
	v39 =	vld.idx.msk [tilespmem:v57+s2+$0x0], $0xffff  }
0x1cf: {  	v9 =	vadd.f32 v13, v9;
	v8 =	vadd.f32 v21, v8;
	v60 =	vmul.f32 v18, v26;
	v26 =	vld.idx.msk [tilespmem:v53+s1+$0x0], $0xffff  }
0x1d0: {  	v13 =	vmul.f32 v48, v49;
	v63 =	vor.u32 $0x28, v3;
	v47 =	vmul.f32 v20, v58;
	v44 =	vld.idx.msk [tilespmem:v53+s2+$0x0], $0xffff  }
0x1d1: {  	v48 =	vor.u32 $0x29, v3;
	v49 =	vmul.f32 v32, v28;
	v58 =	vor.u32 $0x2C, v3;
	v24 =	vld.idx.msk [tilespmem:v59+s1+$0x0], $0xffff  }
0x1d2: {  	v7 =	vadd.f32 v61, v7;
	v57 =	vbroadcast v5, $0x6;
	v61 =	vbroadcast v5, $0x8;
	v28 =	vld.idx.msk [tilespmem:v59+s2+$0x0], $0xffff  }
0x1d3: {  	v15 =	vmul.f32 v15, v51;
	v51 =	vor.u32 $0x30, v3;
	v41 =	vmul.f32 v17, v42;
	v20 =	vld.idx.msk [tilespmem:v55+s1+$0x0], $0xffff  }
0x1d4: {  	v9 =	vadd.f32 v13, v9;
	v42 =	vbroadcast v4, $0x0;
	v45 =	vmul.f32 v30, v35;
	v18 =	vld.idx.msk [tilespmem:v55+s2+$0x0], $0xffff  }
0x1d5: {  	v6 =	vadd.f32 v47, v6;
	v10 =	vmul.f32 v56, v57;
	v59 =	vmul.f32 v25, v27;
	v27 =	vld.idx.msk [tilespmem:v52+s1+$0x0], $0xffff  }
0x1d6: {  	v47 =	vor.u32 $0x2F, v3;
	v13 =	vmul.f32 v60, v61;
	v53 =	vmul.f32 v23, v29;
	v32 =	vld.idx.msk [tilespmem:v52+s2+$0x0], $0xffff  }
0x1d7: {  	v7 =	vadd.f32 v54, v7;
	v54 =	vbroadcast v5, $0xC;
	v56 =	vmul.f32 v38, v36;
	v29 =	vld.idx.msk [tilespmem:v63+s1+$0x0], $0xffff  }
0x1d8: {  	v57 =	vbroadcast v5, $0xD;
	v60 =	vbroadcast v5, $0xE;
	v9 =	vadd.f32 v13, v9;
	v13 =	vld.idx.msk [tilespmem:v63+s2+$0x0], $0xffff  }
0x1d9: {  	v5 =	vbroadcast v5, $0xF;
	v61 =	vor.u32 $0x2D, v3;
	v7 =	vadd.f32 v16, v7;
	v16 =	vld.idx.msk [tilespmem:v48+s1+$0x0], $0xffff  }
0x1da: {  	v55 =	vor.u32 $0x2B, v3;
	v33 =	vmul.f32 v34, v33;
	v52 =	vmul.f32 v41, v42;
	v19 =	vld.idx.msk [tilespmem:v48+s2+$0x0], $0xffff  }
0x1db: {  	v8 =	vadd.f32 v10, v8;
	v10 =	vmul.f32 v49, v50;
	v12 =	vmul.f32 v53, v54;
	v23 =	vld.idx.msk [tilespmem:v58+s1+$0x0], $0xffff  }
0x1dc: {  	v6 =	vadd.f32 v15, v6;
	v62 =	vmul.f32 v56, v57;
	v5 =	vmul.f32 v33, v5;
	v33 =	vld.idx.msk [tilespmem:v58+s2+$0x0], $0xffff  }
0x1dd: {  	v41 =	vor.u32 $0x34, v3;
	v49 =	vbroadcast v4, $0x2;
	v11 =	vmul.f32 v31, v11;
	v38 =	vld.idx.msk [tilespmem:v51+s2+$0x0], $0xffff  }
0x1de: {  	v63 =	vor.u32 $0x2E, v3;
	v50 =	vbroadcast v4, $0x3;
	v53 =	vmul.f32 v45, v46;
	v30 =	vld.idx.msk [tilespmem:v47+s1+$0x0], $0xffff  }
0x1df: {  	v54 =	vor.u32 $0x31, v3;
	v56 =	vbroadcast v4, $0x4;
	v57 =	vbroadcast v4, $0x5;
	v35 =	vld.idx.msk [tilespmem:v47+s2+$0x0], $0xffff  }
0x1e0: {  	v45 =	vor.u32 $0x35, v3;
	v48 =	vmul.f32 v39, v43;
	v58 =	vor.u32 $0x32, v3;
	v37 =	vld.idx.msk [tilespmem:v61+s1+$0x0], $0xffff  }
0x1e1: {  	v43 =	vbroadcast v4, $0x8;
	v8 =	vadd.f32 v10, v8;
	v10 =	vmul.f32 v59, v60;
	v34 =	vld.idx.msk [tilespmem:v61+s2+$0x0], $0xffff  }
0x1e2: {  	v39 =	vor.u32 $0x3A, v3;
	v11 =	vmul.f32 v11, v50;
	v60 =	vbroadcast v4, $0x6;
	v15 =	vld.idx.msk [tilespmem:v55+s1+$0x0], $0xffff  }
0x1e3: {  	v9 =	vadd.f32 v12, v9;
	v47 =	vbroadcast v4, $0xA;
	v26 =	vmul.f32 v44, v26;
	v21 =	vld.idx.msk [tilespmem:v55+s2+$0x0], $0xffff  }
0x1e4: {  	v7 =	vadd.f32 v62, v7;
	v24 =	vmul.f32 v28, v24;
	v59 =	vmul.f32 v18, v20;
	v20 =	vld.idx.msk [tilespmem:v51+s1+$0x0], $0xffff  }
0x1e5: {  	v62 =	vor.u32 $0x33, v3;
	v61 =	vbroadcast v4, $0x7;
	v44 =	vbroadcast v4, $0x9;
	v17 =	vld.idx.msk [tilespmem:v63+s1+$0x0], $0xffff  }
0x1e6: {  	v8 =	vadd.f32 v10, v8;
	v10 =	vmul.f32 v48, v49;
	v55 =	vmul.f32 v40, v14;
	v22 =	vld.idx.msk [tilespmem:v63+s2+$0x0], $0xffff  }
0x1e7: {  	v50 =	vor.u32 $0x36, v3;
	v46 =	vmul.f32 v32, v27;
	v48 =	vbroadcast v4, $0xB;
	v14 =	vld.idx.msk [tilespmem:v54+s1+$0x0], $0xffff  }
0x1e8: {  	v5 =	vadd.f32 v5, v6;
	v63 =	vmul.f32 v26, v57;
	v40 =	vmul.f32 v24, v61;
	v24 =	vld.idx.msk [tilespmem:v54+s2+$0x0], $0xffff  }
0x1e9: {  	v6 =	vadd.f32 v52, v9;
	v42 =	vmul.f32 v13, v29;
	v16 =	vmul.f32 v19, v16;
	v13 =	vld.idx.msk [tilespmem:v41+s1+$0x0], $0xffff  }
0x1ea: {  	v7 =	vadd.f32 v53, v7;
	v57 =	vbroadcast v4, $0xD;
	v29 =	vld.idx.msk [tilespmem:v45+s2+$0x0], $0xffff;
	v9 =	vmul.f32 v55, v56  }
0x1eb: {  	v53 =	vor.u32 $0x37, v3;
	v12 =	vmul.f32 v59, v60;
	v26 =	vld.idx.msk [tilespmem:v58+s1+$0x0], $0xffff;
	v54 =	vmul.f32 v33, v23  }
0x1ec: {  	v5 =	vadd.f32 v11, v5;
	v28 =	vld.idx.msk [tilespmem:v58+s2+$0x0], $0xffff;
	v55 =	vbroadcast v4, $0xC;
	v59 =	vbroadcast v4, $0xE  }
0x1ed: {  	v61 =	vor.u32 $0x39, v3;
	v23 =	vld.idx.msk [tilespmem:v45+s1+$0x0], $0xffff;
	v4 =	vbroadcast v4, $0xF;
	v51 =	vmul.f32 v42, v43  }
0x1ee: {  	v8 =	vadd.f32 v10, v8;
	v19 =	vld.idx.msk [tilespmem:v39+s2+$0x0], $0xffff;
	v52 =	vmul.f32 v16, v44;
	v30 =	vmul.f32 v35, v30  }
0x1ef: {  	v58 =	vor.u32 $0x38, v3;
	v16 =	vld.idx.msk [tilespmem:v41+s2+$0x0], $0xffff;
	v41 =	vbroadcast v2, $0x0;
	v42 =	vbroadcast v2, $0x1  }
0x1f0: {  	v31 =	vld.idx.msk [tilespmem:v62+s1+$0x0], $0xffff;
	v6 =	vadd.f32 v9, v6;
	v9 =	vmul.f32 v46, v47;
	v56 =	vmul.f32 v34, v37  }
0x1f1: {  	v49 =	vld.idx.msk [tilespmem:v62+s2+$0x0], $0xffff;
	v7 =	vadd.f32 v63, v7;
	v62 =	vmul.f32 v54, v55;
	v46 =	vbroadcast v2, $0x2  }
0x1f2: {  	v5 =	vadd.f32 v40, v5;
	v60 =	vld.idx.msk [tilespmem:v50+s2+$0x0], $0xffff;
	v55 =	vbroadcast v2, $0x4;
	v15 =	vmul.f32 v21, v15  }
0x1f3: {  	v44 =	vor.u32 $0x3B, v3;
	v36 =	vld.idx.msk [tilespmem:v53+s1+$0x0], $0xffff;
	v4 =	vmul.f32 v30, v4;
	v40 =	vmul.f32 v38, v20  }
0x1f4: {  	v8 =	vadd.f32 v12, v8;
	v37 =	vld.idx.msk [tilespmem:v53+s2+$0x0], $0xffff;
	v17 =	vmul.f32 v22, v17;
	v63 =	vmul.f32 v56, v57  }
0x1f5: {  	v7 =	vadd.f32 v52, v7;
	v22 =	vld.idx.msk [tilespmem:v50+s1+$0x0], $0xffff;
	v14 =	vmul.f32 v24, v14;
	v57 =	vbroadcast v2, $0x5  }
0x1f6: {  	v53 =	vor.u32 $0x3D, v3;
	v47 =	vld.idx.msk [tilespmem:v61+s1+$0x0], $0xffff;
	v15 =	vmul.f32 v15, v48;
	v45 =	vmul.f32 v28, v26  }
0x1f7: {  	v6 =	vadd.f32 v51, v6;
	v51 =	vld.idx.msk [tilespmem:v39+s1+$0x0], $0xffff;
	v48 =	vbroadcast v2, $0x3;
	v11 =	vmul.f32 v40, v41  }
0x1f8: {  	v8 =	vadd.f32 v9, v8;
	v25 =	vld.idx.msk [tilespmem:v58+s1+$0x0], $0xffff;
	v23 =	vmul.f32 v29, v23;
	v17 =	vmul.f32 v17, v59  }
0x1f9: {  	v50 =	vor.u32 $0x3C, v3;
	v43 =	vld.idx.msk [tilespmem:v58+s2+$0x0], $0xffff;
	v31 =	vmul.f32 v49, v31;
	v14 =	vmul.f32 v14, v42  }
0x1fa: {  	v49 =	vld.idx.msk [tilespmem:v61+s2+$0x0], $0xffff;
	v6 =	vadd.f32 v62, v6;
	v54 =	vmul.f32 v16, v13;
	v61 =	vbroadcast v2, $0x6  }
0x1fb: {  	v56 =	vld.idx.msk [tilespmem:v44+s1+$0x0], $0xffff;
	v7 =	vadd.f32 v63, v7;
	v63 =	vbroadcast v2, $0x7;
	v9 =	vmul.f32 v45, v46  }
0x1fc: {  	v58 =	vld.idx.msk [tilespmem:v44+s2+$0x0], $0xffff;
	v59 =	vor.u32 $0x3E, v3;
	v46 =	vbroadcast v2, $0x9;
	v52 =	vmul.f32 v31, v48  }
0x1fd: {  	v3 =	vor.u32 $0x3F, v3;
	v18 =	vmul.f32 v37, v36;
	v10 =	vmul.f32 v54, v55;
	v38 =	vld.idx.msk [tilespmem:v53+s1+$0x0], $0xffff  }
0x1fe: {  	v5 =	vadd.f32 v15, v5;
	v37 =	vmul.f32 v23, v57;
	v41 =	vld.idx.msk [tilespmem:v53+s2+$0x0], $0xffff;
	v60 =	vmul.f32 v60, v22  }
0x1ff: {  	v8 =	vadd.f32 v17, v8;
	v62 =	vld.idx.msk [tilespmem:v50+s1+$0x0], $0xffff;
	v48 =	vmul.f32 v19, v51;
	v51 =	vbroadcast v2, $0xB  }
0x200: {  	v6 =	vadd.f32 v11, v6;
	v36 =	vld.idx.msk [tilespmem:v50+s2+$0x0], $0xffff;
	v40 =	vmul.f32 v18, v63;
	v42 =	vmul.f32 v43, v25  }
0x201: {  	v7 =	vadd.f32 v14, v7;
	v43 =	vbroadcast v2, $0x8;
	v39 =	vmul.f32 v60, v61;
	v44 =	vld.idx.msk [tilespmem:v59+s1+$0x0], $0xffff  }
0x202: {  	v4 =	vadd.f32 v4, v5;
	v45 =	vmul.f32 v49, v47;
	v47 =	vld.idx.msk [tilespmem:v59+s2+$0x0], $0xffff;
	v49 =	vbroadcast v2, $0xA  }
0x203: {  	v8 =	vadd.f32 v9, v8;
	v50 =	vld.idx.msk [tilespmem:v3+s1+$0x0], $0xffff;
	v16 =	vmul.f32 v58, v56;
	v58 =	vbroadcast v2, $0xC  }
0x204: {  	v6 =	vadd.f32 v10, v6;
	v3 =	vld.idx.msk [tilespmem:v3+s2+$0x0], $0xffff;
	v59 =	vbroadcast v2, $0xD;
	v60 =	vbroadcast v2, $0xE  }
0x205: {  	v4 =	vadd.f32 v52, v4;
	v2 =	vbroadcast v2, $0xF;
	v52 =	vmul.f32 v42, v43  }
0x206: {  	v7 =	vadd.f32 v37, v7;
	v53 =	vmul.f32 v45, v46;
	v9 =	vmul.f32 v48, v49  }
0x207: {  	v54 =	vmul.f32 v16, v51;
	v5 =	vadd.f32 v39, v8;
	v56 =	vmul.f32 v41, v38  }
0x208: {  	v4 =	vadd.f32 v40, v4;
	v55 =	vmul.f32 v36, v62;
	v6 =	vadd.f32 v52, v6  }
0x209: {  	v7 =	vadd.f32 v53, v7;
	v57 =	vmul.f32 v47, v44;
	v3 =	vmul.f32 v3, v50  }
0x20a: {  	v5 =	vadd.f32 v9, v5;
	v61 =	vmul.f32 v56, v59;
	v8 =	vmul.f32 v55, v58  }
0x20b: {  	v4 =	vadd.f32 v54, v4;
	v62 =	vmul.f32 v57, v60;
	v2 =	vmul.f32 v3, v2  }
0x20c: {  	v63 =	vadd.f32 v61, v7;
	v3 =	vadd.f32 v8, v6  }
0x20d: {  	v5 =	vadd.f32 v62, v5;
	v2 =	vadd.f32 v2, v4  }
0x20e: {  	p0 =	sne.s32 s20, $0xF0  }
.Ltmp2:
0x20f: {  	v3 =	vadd.f32 v63, v3;
	v2 =	vadd.f32 v2, v5;
	(pc) =	sbr.rel @p0 .LBB2_6-.Ltmp2, $3  }
0x210: {  	_ = 	snop  }
0x211: {  	v2 =	vadd.f32 v2, v3;
	_ =	sdelay $0x1  }
0x212: {  	s20 =	sadd.s32 $0x10, s20;
	[tilespmem:s21+$0x0] =	vst v2;
	s21 =	sadd.s32 $0x10, s21  }
0x213: {  	s10 =	sld [smem:$0x308]  }
0x214: {  	s3 =	sld [smem:$0x30A]  }
0x215: {  	s4 =	sld [smem:$0x10B]  }
0x216: {  	s9 =	sld [smem:$0x30B]  }
0x217: {  	s13 =	sld [smem:$0x10C]  }
0x218: {  	s2 =	sld [smem:$0x301]  }
0x219: {  	s1 =	sld [smem:$0x101]  }
0x21a: {  	s5 =	sld [smem:$0x300]  }
0x21b: {  	s6 =	sld [smem:$0x102]  }
0x21c: {  	s8 =	sld [smem:$0x302]  }
0x21d: {  	s12 =	sld [smem:$0x30C]  }
0x21e: {  	s0 =	sld [smem:$0x10D]  }
0x21f: {  	s20 =	simm.s32 $0x0;
	s22 =	simm.s32 $0x400;
	s17 =	sld [smem:$0x303]  }
0x220: {  	s23 =	simm.s32 $0x8400;
	s24 =	simm.s32 $0x480;
	s18 =	sld [smem:$0x103]  }
0x221: {  	s3 =	sshll.u32 s3, $0x4;
	s16 =	sshll.u32 s2, $0x4;
	s7 =	sld [smem:$0x100]  }
0x222: {  	s14 =	sshll.u32 s1, $0x4;
	s16 =	sand.u32 $0x1FFFFFF0, s16;
	s19 =	sld [smem:$0x104]  }
0x223: {  	s5 =	sshll.u32 s5, $0x4;
	s14 =	sand.u32 $0x1FFFFFF0, s14;
	s11 =	sld [smem:$0x105]  }
0x224: {  	s5 =	sand.u32 $0x1FFFFFF0, s5;
	s30 =	sadd.s32 s26, s14;
	s15 =	sld [smem:$0x304]  }
0x225: {  	s5 =	sadd.s32 s28, s5;
	s8 =	sshll.u32 s8, $0x4;
	s1 =	sld [smem:$0x30D]  }
0x226: {  	s17 =	sshll.u32 s17, $0x4;
	s7 =	sshll.u32 s7, $0x4;
	s2 =	sld [smem:$0x10E]  }
0x227: {  	s18 =	sshll.u32 s18, $0x4;
	s21 =	sand.u32 $0x1FFFFFF0, s7;
	s7 =	sld [smem:$0x30E]  }
0x228: {  	s17 =	sand.u32 $0x1FFFFFF0, s17;
	s21 =	sadd.s32 s26, s21;
	s25 =	sld [smem:$0x305]  }
0x229: {  	[tilespmem:s22], [sflag:$0x1] =	stream.linear.gather [hbm4b:s21+s20], $0x80, $0x38;
	[tilespmem:$0x10700] =	vst v63  }
0x22a: {  	s19 =	sshll.u32 s19, $0x4;
	s21 =	simm.s32 $0x500;
	s22 =	sld [smem:$0x106]  }
0x22b: {  	[tilespmem:s23], [sflag:$0x1] =	stream.linear.gather [hbm4b:s5+s20], $0x80, $0x38;
	[tilespmem:$0x10700] =	vst v63  }
0x22c: {  	s23 =	sadd.s32 s28, s16;
	s2 =	sshll.u32 s2, $0x4;
	s14 =	sld [smem:$0x10F]  }
0x22d: {  	[tilespmem:s24], [sflag:$0x1] =	stream.linear.gather [hbm4b:s30+s20], $0x80, $0x38;
	[tilespmem:$0x10700] =	vst v63  }
0x22e: {  	s24 =	sshll.u32 s6, $0x4;
	s30 =	simm.s32 $0x8480;
	s16 =	sld [smem:$0x306]  }
0x22f: {  	[tilespmem:s30], [sflag:$0x1] =	stream.linear.gather [hbm4b:s23+s20], $0x80, $0x38;
	[tilespmem:$0x10700] =	vst v63  }
0x230: {  	s6 =	sand.u32 $0x1FFFFFF0, s8;
	s7 =	sshll.u32 s7, $0x4;
	s5 =	sand.u32 $0x1FFFFFF0, s24  }
0x231: {  	s23 =	sadd.s32 s28, s6;
	s5 =	sadd.s32 s26, s5;
	s30 =	sld [smem:$0x107]  }
0x232: {  	[tilespmem:s21], [sflag:$0x1] =	stream.linear.gather [hbm4b:s5+s20], $0x80, $0x38;
	[tilespmem:$0x10700] =	vst v63  }
0x233: {  	s24 =	simm.s32 $0x8500;
	s7 =	sand.u32 $0x1FFFFFF0, s7;
	s21 =	simm.s32 $0x580  }
0x234: {  	s5 =	sshll.u32 s11, $0x4;
	s11 =	simm.s32 $0x8600;
	s8 =	sld [smem:$0x30F]  }
0x235: {  	[tilespmem:s24], [sflag:$0x1] =	stream.linear.gather [hbm4b:s23+s20], $0x80, $0x38;
	[tilespmem:$0x10700] =	vst v63  }
0x236: {  	s23 =	sand.u32 $0x1FFFFFF0, s18;
	s24 =	simm.s32 $0x8580;
	s18 =	sshll.u32 s9, $0x4  }
0x237: {  	s9 =	sshll.u32 s22, $0x4;
	s22 =	simm.s32 $0x8680;
	s16 =	sshll.u32 s16, $0x4  }
0x238: {  	s6 =	sadd.s32 s26, s23;
	s23 =	sand.u32 $0x1FFFFFF0, s19;
	s19 =	sand.u32 $0x1FFFFFF0, s3  }
0x239: {  	[tilespmem:s21], [sflag:$0x1] =	stream.linear.gather [hbm4b:s6+s20], $0x80, $0x38;
	[tilespmem:$0x10700] =	vst v63  }
0x23a: {  	s31 =	sand.u32 $0x1FFFFFF0, s18;
	s18 =	simm.s32 $0x680;
	s21 =	sadd.s32 s28, s17  }
0x23b: {  	s6 =	sadd.s32 s26, s23;
	s23 =	simm.s32 $0x10F;
	s17 =	sld [smem:$0x108]  }
0x23c: {  	[tilespmem:s24], [sflag:$0x1] =	stream.linear.gather [hbm4b:s21+s20], $0x80, $0x38;
	[tilespmem:$0x10700] =	vst v63  }
0x23d: {  	s21 =	simm.s32 $0x30F;
	s24 =	simm.s32 $0x600;
	s8 =	sshll.u32 s8, $0x4  }
0x23e: {  	[tilespmem:s24], [sflag:$0x1] =	stream.linear.gather [hbm4b:s6+s20], $0x80, $0x38;
	[tilespmem:$0x10700] =	vst v63  }
0x23f: {  	s24 =	simm.s32 $0x2000;
	s6 =	sshll.u32 s4, $0x4;
	s4 =	sshll.u32 s15, $0x4  }
0x240: {  	s29 =	sand.u32 $0x1FFFFFF0, s6;
	s3 =	sand.u32 $0x1FFFFFF0, s4;
	s6 =	sshll.u32 s25, $0x4  }
0x241: {  	s4 =	sand.u32 $0x1FFFFFF0, s5;
	s17 =	sshll.u32 s17, $0x4;
	s5 =	sand.u32 $0x1FFFFFF0, s6  }
0x242: {  	s6 =	sand.u32 $0x1FFFFFF0, s9;
	s3 =	sadd.s32 s28, s3;
	s15 =	sadd.s32 s26, s4  }
0x243: {  	[tilespmem:s11], [sflag:$0x1] =	stream.linear.gather [hbm4b:s3+s20], $0x80, $0x38;
	[tilespmem:$0x10700] =	vst v63  }
0x244: {  	s4 =	simm.s32 $0x700;
	s25 =	sadd.s32 s28, s5;
	s9 =	sld [smem:$0x10A]  }
0x245: {  	[tilespmem:s18], [sflag:$0x1] =	stream.linear.gather [hbm4b:s15+s20], $0x80, $0x38;
	[tilespmem:$0x10700] =	vst v63  }
0x246: {  	s11 =	sadd.s32 s26, s6;
	s15 =	sshll.u32 s13, $0x4;
	s18 =	sand.u32 $0x1FFFFFF0, s16  }
0x247: {  	s13 =	simm.s32 $0x780;
	s16 =	sshll.u32 s12, $0x4;
	s5 =	sld [smem:$0x109]  }
0x248: {  	[tilespmem:s22], [sflag:$0x1] =	stream.linear.gather [hbm4b:s25+s20], $0x80, $0x38;
	[tilespmem:$0x10700] =	vst v63  }
0x249: {  	s12 =	simm.s32 $0x800;
	s22 =	simm.s32 $0x0;
	s15 =	sand.u32 $0x1FFFFFF0, s15  }
0x24a: {  	s25 =	sshll.u32 s30, $0x4;
	s30 =	simm.s32 $0x8700;
	s6 =	sld [smem:$0x307]  }
0x24b: {  	[tilespmem:s4], [sflag:$0x1] =	stream.linear.gather [hbm4b:s11+s20], $0x80, $0x38;
	[tilespmem:$0x10700] =	vst v63  }
0x24c: {  	s3 =	sadd.s32 s28, s18;
	s18 =	simm.s32 $0x8780;
	s4 =	sand.u32 $0x1FFFFFF0, s25  }
0x24d: {  	s25 =	simm.s32 $0x8900;
	s11 =	sand.u32 $0x1FFFFFF0, s17;
	s17 =	sshll.u32 s14, $0x4  }
0x24e: {  	[tilespmem:s30], [sflag:$0x1] =	stream.linear.gather [hbm4b:s3+s20], $0x80, $0x38;
	[tilespmem:$0x10700] =	vst v63  }
0x24f: {  	s4 =	sadd.s32 s26, s4;
	s11 =	sadd.s32 s26, s11;
	s3 =	sld [smem:$0x309]  }
0x250: {  	[tilespmem:s13], [sflag:$0x1] =	stream.linear.gather [hbm4b:s4+s20], $0x80, $0x38;
	[tilespmem:$0x10700] =	vst v63  }
0x251: {  	s30 =	sshll.u32 s0, $0x4;
	s5 =	sshll.u32 s5, $0x4;
	s6 =	sshll.u32 s6, $0x4  }
0x252: {  	s4 =	sand.u32 $0x1FFFFFF0, s16;
	s16 =	simm.s32 $0xA80;
	s13 =	sshll.u32 s1, $0x4  }
0x253: {  	s1 =	sand.u32 $0x1FFFFFF0, s30;
	s30 =	sand.u32 $0x1FFFFFF0, s2;
	s6 =	sand.u32 $0x1FFFFFF0, s6  }
0x254: {  	s5 =	sand.u32 $0x1FFFFFF0, s5;
	s0 =	sand.u32 $0x1FFFFFF0, s13;
	s6 =	sadd.s32 s28, s6  }
0x255: {  	[tilespmem:s18], [sflag:$0x1] =	stream.linear.gather [hbm4b:s6+s20], $0x80, $0x38;
	[tilespmem:$0x10700] =	vst v63  }
0x256: {  	s13 =	sadd.s32 s26, s30;
	s30 =	sshll.u32 s9, $0x4;
	s6 =	sand.u32 $0x1FFFFFF0, s17  }
0x257: {  	s9 =	sand.u32 $0x1FFFFFF0, s30;
	s18 =	simm.s32 $0x880;
	s2 =	sadd.s32 s26, s6  }
0x258: {  	[tilespmem:s12], [sflag:$0x1] =	stream.linear.gather [hbm4b:s11+s20], $0x80, $0x38;
	[tilespmem:$0x10700] =	vst v63  }
0x259: {  	s6 =	sand.u32 $0x1FFFFFF0, s8;
	s8 =	sadd.s32 s26, s5;
	s11 =	sshll.u32 s10, $0x4  }
0x25a: {  	s12 =	sadd.s32 s28, s7;
	s14 =	sadd.s32 s28, s6;
	s17 =	sand.u32 $0x1FFFFFF0, s11  }
0x25b: {  	s7 =	sadd.s32 s28, s4;
	s10 =	simm.s32 $0x8800;
	s11 =	sadd.s32 s28, s17  }
.LBB2_8:
0x25c: {  	s21 =	sadd.s32 $0x10, s21  }
0x25d: {  	[tilespmem:s10], [sflag:$0x1] =	stream.linear.gather [hbm4b:s11+s20], $0x80, $0x38;
	[tilespmem:$0x10700] =	vst v63  }
0x25e: {  	s23 =	sadd.s32 $0x10, s23;
	s5 =	sld [smem:s21+$0xFFFFFFF9]  }
0x25f: {  	s6 =	sadd.s32 $0x8880, s22;
	s30 =	sld [smem:s23+$0xFFFFFFFC]  }
0x260: {  	s17 =	sadd.s32 s26, s9;
	s9 =	sld [smem:s21+$0xFFFFFFF2];
	s3 =	sshll.u32 s3, $0x4  }
0x261: {  	[tilespmem:s18], [sflag:$0x1] =	stream.linear.gather [hbm4b:s8+s20], $0x80, $0x38;
	[tilespmem:$0x10700] =	vst v63  }
0x262: {  	s18 =	sld [smem:s21+$0xFFFFFFFB];
	s8 =	sadd.s32 s26, s15;
	s3 =	sand.u32 $0x1FFFFFF0, s3  }
0x263: {  	s15 =	sadd.s32 s28, s31;
	s31 =	sld [smem:s21+$0xFFFFFFF6];
	s3 =	sadd.s32 s28, s3  }
0x264: {  	[tilespmem:s6], [sflag:$0x1] =	stream.linear.gather [hbm4b:s3+s20], $0x80, $0x38;
	[tilespmem:$0x10700] =	vst v63  }
0x265: {  	s11 =	sadd.s32 $0x900, s22;
	[dreg:$0xa] =	wrdreg s5;
	s3 =	sshll.u32 s18, $0x4  }
0x266: {  	[tilespmem:s11], [sflag:$0x1] =	stream.linear.gather [hbm4b:s17+s20], $0x80, $0x38;
	[tilespmem:$0x10700] =	vst v63  }
0x267: {  	s4 =	smov.u32 s24;
	s3 =	sand.u32 $0x1FFFFFF0, s3;
	s17 =	sld [smem:s21+$0xFFFFFFFC]  }
0x268: {  	s10 =	sadd.s32 $0x980, s22;
	s19 =	sadd.s32 s28, s19;
	[dreg:$0xf] =	wrdreg s3  }
0x269: {  	[tilespmem:s25], [sflag:$0x1] =	stream.linear.gather [hbm4b:s19+s20], $0x80, $0x38;
	[tilespmem:$0x10700] =	vst v63  }
0x26a: {  	s11 =	sadd.s32 s26, s29;
	s29 =	sld [smem:s23+$0xFFFFFFFF];
	s19 =	sshll.u32 s30, $0x4  }
0x26b: {  	p0 =	sne.s32 s24, $0x1E000;
	s3 =	sand.u32 $0x1FFFFFF0, s19;
	s19 =	sld [smem:s23+$0xFFFFFFF3]  }
0x26c: {  	[tilespmem:s10], [sflag:$0x1] =	stream.linear.gather [hbm4b:s11+s20], $0x80, $0x38;
	[tilespmem:$0x10700] =	vst v63  }
0x26d: {  	s24 =	sadd.s32 $0x2000, s24;
	s1 =	sadd.s32 s26, s1;
	[dreg:$0x11] =	wrdreg s3  }
0x26e: {  	s0 =	sadd.s32 s28, s0;
	s30 =	sshll.u32 s17, $0x4;
	s11 =	sld [smem:s23+$0xFFFFFFF2]  }
0x26f: {  	s18 =	sadd.s32 $0x8980, s22;
	s3 =	sand.u32 $0x1FFFFFF0, s30;
	s30 =	sld [smem:s21+$0xFFFFFFF3]  }
0x270: {  	[tilespmem:s18], [sflag:$0x1] =	stream.linear.gather [hbm4b:s15+s20], $0x80, $0x38;
	[tilespmem:$0x10700] =	vst v63  }
0x271: {  	s6 =	sadd.s32 $0x8A00, s22;
	s25 =	sadd.s32 $0xA00, s22;
	[dreg:$0x15] =	wrdreg s3  }
0x272: {  	[tilespmem:s25], [sflag:$0x1] =	stream.linear.gather [hbm4b:s8+s20], $0x80, $0x38;
	[tilespmem:$0x10700] =	vst v63  }
0x273: {  	s17 =	sadd.s32 $0x8B00, s22;
	s10 =	sadd.s32 $0x8A80, s22;
	s8 =	sld [smem:s23+$0xFFFFFFFD]  }
0x274: {  	s15 =	sadd.s32 $0xB00, s22;
	s18 =	sadd.s32 $0x8B80, s22;
	s25 =	sadd.s32 $0xB80, s22  }
0x275: {  	[tilespmem:s6], [sflag:$0x1] =	stream.linear.gather [hbm4b:s7+s20], $0x80, $0x38;
	[tilespmem:$0x10700] =	vst v63  }
0x276: {  	s22 =	sshra.s32 s4, $0x2;
	s7 =	sld [smem:s21+$0xFFFFFFFD];
	s3 =	sshll.u32 s8, $0x4  }
0x277: {  	[tilespmem:s16], [sflag:$0x1] =	stream.linear.gather [hbm4b:s1+s20], $0x80, $0x38;
	[tilespmem:$0x10700] =	vst v63  }
0x278: {  	s4 =	sadd.s32 $0x8500, s22;
	s16 =	sld [smem:s21+$0xFFFFFFF1];
	s3 =	sand.u32 $0x1FFFFFF0, s3  }
0x279: {  	s6 =	sshll.u32 s19, $0x4;
	s1 =	sshll.u32 s9, $0x4;
	[dreg:$0xd] =	wrdreg s3  }
0x27a: {  	[tilespmem:s10], [sflag:$0x1] =	stream.linear.gather [hbm4b:s0+s20], $0x80, $0x38;
	[tilespmem:$0x10700] =	vst v63  }
0x27b: {  	s1 =	sand.u32 $0x1FFFFFF0, s1;
	s3 =	sld [smem:s21+$0xFFFFFFF5];
	s0 =	sshll.u32 s11, $0x4  }
0x27c: {  	s8 =	sadd.s32 s28, s1;
	s11 =	sshll.u32 s30, $0x4;
	s30 =	rddreg [dreg:$0x8]  }
0x27d: {  	s1 =	sshll.u32 s7, $0x4;
	s5 =	sshll.u32 s16, $0x4;
	s16 =	sld [smem:s21+$0xFFFFFFF4]  }
0x27e: {  	[tilespmem:s15], [sflag:$0x1] =	stream.linear.gather [hbm4b:s13+s20], $0x80, $0x38;
	[tilespmem:$0x10700] =	vst v63  }
0x27f: {  	s19 =	sadd.s32 $0x8580, s22;
	s1 =	sand.u32 $0x1FFFFFF0, s1;
	s15 =	sld [smem:s23+$0xFFFFFFFE]  }
0x280: {  	s10 =	sadd.s32 $0x8480, s22;
	s0 =	sand.u32 $0x1FFFFFF0, s0;
	[dreg:$0x14] =	wrdreg s1  }
0x281: {  	[tilespmem:s17], [sflag:$0x1] =	stream.linear.gather [hbm4b:s12+s20], $0x80, $0x38;
	[tilespmem:$0x10700] =	vst v63  }
0x282: {  	s9 =	sadd.s32 s26, s0;
	s0 =	sand.u32 $0x1FFFFFF0, s6;
	s17 =	sld [smem:s23+$0xFFFFFFF4]  }
0x283: {  	[tilespmem:s25], [sflag:$0x1] =	stream.linear.gather [hbm4b:s2+s20], $0x80, $0x38;
	[tilespmem:$0x10700] =	vst v63  }
0x284: {  	s7 =	sadd.s32 $0x8900, s22;
	s13 =	sadd.s32 s26, s0;
	s25 =	sld [smem:s23+$0xFFFFFFF5]  }
0x285: {  	s0 =	sshll.u32 s16, $0x4;
	s6 =	sshll.u32 s17, $0x4;
	s17 =	rddreg [dreg:$0x7]  }
0x286: {  	[tilespmem:s18], [sflag:$0x1] =	stream.linear.gather [hbm4b:s14+s20], $0x80, $0x38;
	[tilespmem:$0x10700] =	vst v63  }
0x287: {  	s5 =	sand.u32 $0x1FFFFFF0, s5;
	s0 =	sand.u32 $0x1FFFFFF0, s0;
	s18 =	sld [smem:s23+$0xFFFFFFF1]  }
0x288: {  	s14 =	sand.u32 $0x1FFFFFF0, s11;
	s11 =	sadd.s32 s30, s0;
	s30 =	rddreg [dreg:$0x8]  }
0x289: {  	s6 =	sand.u32 $0x1FFFFFF0, s6;
	s14 =	sadd.s32 s28, s14;
	s28 =	sld [smem:s23+$0xFFFFFFF6]  }
0x28a: {  	s16 =	sshll.u32 s25, $0x4;
	s25 =	sadd.s32 s17, s6;
	s6 =	sld [smem:s21+$0xFFFFFFFE]  }
0x28b: {  	s26 =	sshll.u32 s15, $0x4;
	s5 =	sadd.s32 s30, s5;
	s17 =	rddreg [dreg:$0x7]  }
0x28c: {  	s30 =	rddreg [dreg:$0x7];
	s0 =	sand.u32 $0x1FFFFFF0, s16;
	s1 =	sshll.u32 s18, $0x4  }
0x28d: {  	s18 =	sadd.s32 $0xA80, s22;
	s17 =	sadd.s32 s17, s0;
	s1 =	sand.u32 $0x1FFFFFF0, s1  }
0x28e: {  	[dreg:$0x12] =	wrdreg s18;
	s30 =	sadd.s32 s30, s1;
	s1 =	sshll.u32 s6, $0x4  }
0x28f: {  	s6 =	sshll.u32 s28, $0x4;
	s28 =	sld [smem:s21+$0xFFFFFFFF];
	s0 =	sand.u32 $0x1FFFFFF0, s1  }
0x290: {  	s1 =	sand.u32 $0x1FFFFFF0, s26;
	s26 =	sshll.u32 s29, $0x4;
	s29 =	sadd.s32 $0x400, s22  }
0x291: {  	[tilespmem:s29], [sflag:$0x1] =	stream.linear.gather [hbm4b:s30+s20], $0x80, $0x38;
	[tilespmem:$0x10700] =	vst v63  }
0x292: {  	s3 =	sshll.u32 s3, $0x4;
	s29 =	sadd.s32 $0x8400, s22;
	s30 =	sld [smem:s23+$0xFFFFFFF7]  }
0x293: {  	[tilespmem:s29], [sflag:$0x1] =	stream.linear.gather [hbm4b:s5+s20], $0x80, $0x38;
	[tilespmem:$0x10700] =	vst v63  }
0x294: {  	s3 =	sand.u32 $0x1FFFFFF0, s3;
	s5 =	sshll.u32 s31, $0x4;
	s31 =	rddreg [dreg:$0x15]  }
0x295: {  	s12 =	sadd.s32 $0x500, s22;
	s2 =	sadd.s32 $0x480, s22;
	s29 =	sld [smem:s23+$0x0]  }
0x296: {  	[tilespmem:s2], [sflag:$0x1] =	stream.linear.gather [hbm4b:s9+s20], $0x80, $0x38;
	[tilespmem:$0x10700] =	vst v63  }
0x297: {  	s15 =	sadd.s32 $0x580, s22;
	s30 =	sshll.u32 s30, $0x4;
	s9 =	sld [smem:s21+$0xFFFFFFF7]  }
0x298: {  	s2 =	sand.u32 $0x1FFFFFF0, s30;
	s30 =	rddreg [dreg:$0x7];
	s29 =	sshll.u32 s29, $0x4  }
0x299: {  	[tilespmem:s10], [sflag:$0x1] =	stream.linear.gather [hbm4b:s8+s20], $0x80, $0x38;
	[tilespmem:$0x10700] =	vst v63  }
0x29a: {  	s10 =	sadd.s32 s30, s2;
	s2 =	sand.u32 $0x1FFFFFF0, s29;
	s29 =	rddreg [dreg:$0x7]  }
0x29b: {  	s16 =	sadd.s32 $0x600, s22;
	s6 =	sand.u32 $0x1FFFFFF0, s6;
	s30 =	rddreg [dreg:$0x7]  }
0x29c: {  	s18 =	sadd.s32 $0x880, s22;
	s6 =	sadd.s32 s29, s6;
	s29 =	sld [smem:s23+$0xFFFFFFF8]  }
0x29d: {  	s28 =	sshll.u32 s28, $0x4;
	s2 =	sadd.s32 s30, s2;
	s30 =	sld [smem:s21+$0x0]  }
0x29e: {  	[tilespmem:s12], [sflag:$0x1] =	stream.linear.gather [hbm4b:s13+s20], $0x80, $0x38;
	[tilespmem:$0x10700] =	vst v63  }
0x29f: {  	s26 =	sand.u32 $0x1FFFFFF0, s26;
	s28 =	sand.u32 $0x1FFFFFF0, s28;
	s13 =	rddreg [dreg:$0x7]  }
0x2a0: {  	s5 =	sand.u32 $0x1FFFFFF0, s5;
	s13 =	sadd.s32 s13, s26;
	s26 =	rddreg [dreg:$0x7]  }
0x2a1: {  	[tilespmem:s4], [sflag:$0x1] =	stream.linear.gather [hbm4b:s14+s20], $0x80, $0x38;
	[tilespmem:$0x10700] =	vst v63  }
0x2a2: {  	s9 =	sshll.u32 s9, $0x4;
	s4 =	sshll.u32 s29, $0x4;
	s29 =	rddreg [dreg:$0x11]  }
0x2a3: {  	s8 =	sadd.s32 $0x700, s22;
	s9 =	sand.u32 $0x1FFFFFF0, s9;
	s14 =	rddreg [dreg:$0x8]  }
0x2a4: {  	s30 =	sshll.u32 s30, $0x4;
	s12 =	sadd.s32 s14, s28;
	s28 =	rddreg [dreg:$0x8]  }
0x2a5: {  	[tilespmem:s15], [sflag:$0x1] =	stream.linear.gather [hbm4b:s25+s20], $0x80, $0x38;
	[tilespmem:$0x10700] =	vst v63  }
0x2a6: {  	s4 =	sand.u32 $0x1FFFFFF0, s4;
	s14 =	sld [smem:s23+$0xFFFFFFF9];
	s25 =	smov.u32 s7  }
0x2a7: {  	s7 =	sadd.s32 $0x8600, s22;
	s3 =	sadd.s32 s28, s3;
	s15 =	sand.u32 $0x1FFFFFF0, s30  }
0x2a8: {  	[tilespmem:s19], [sflag:$0x1] =	stream.linear.gather [hbm4b:s11+s20], $0x80, $0x38;
	[tilespmem:$0x10700] =	vst v63  }
0x2a9: {  	s5 =	sadd.s32 s28, s5;
	s9 =	sadd.s32 s28, s9;
	s19 =	rddreg [dreg:$0xf]  }
0x2aa: {  	s30 =	sshll.u32 s14, $0x4;
	s14 =	sadd.s32 s28, s15;
	s15 =	sld [smem:s23+$0xFFFFFFFB]  }
0x2ab: {  	[tilespmem:s16], [sflag:$0x1] =	stream.linear.gather [hbm4b:s17+s20], $0x80, $0x38;
	[tilespmem:$0x10700] =	vst v63  }
0x2ac: {  	s4 =	sadd.s32 s26, s4;
	s11 =	sand.u32 $0x1FFFFFF0, s30;
	s30 =	sld [smem:s21+$0xFFFFFFF8]  }
0x2ad: {  	[tilespmem:s7], [sflag:$0x1] =	stream.linear.gather [hbm4b:s3+s20], $0x80, $0x38;
	[tilespmem:$0x10700] =	vst v63  }
0x2ae: {  	s16 =	sadd.s32 $0x680, s22;
	s17 =	sld [smem:s23+$0xFFFFFFFA];
	s15 =	sshll.u32 s15, $0x4  }
0x2af: {  	[tilespmem:s16], [sflag:$0x1] =	stream.linear.gather [hbm4b:s6+s20], $0x80, $0x38;
	[tilespmem:$0x10700] =	vst v63  }
0x2b0: {  	s7 =	sadd.s32 $0x8680, s22;
	s3 =	sshll.u32 s30, $0x4;
	s16 =	rddreg [dreg:$0xa]  }
0x2b1: {  	s30 =	sadd.s32 $0x780, s22;
	s3 =	sand.u32 $0x1FFFFFF0, s3;
	s6 =	sshll.u32 s16, $0x4  }
0x2b2: {  	[tilespmem:s7], [sflag:$0x1] =	stream.linear.gather [hbm4b:s5+s20], $0x80, $0x38;
	[tilespmem:$0x10700] =	vst v63  }
0x2b3: {  	s16 =	sshll.u32 s17, $0x4;
	s17 =	rddreg [dreg:$0x14];
	s5 =	sadd.s32 $0x8780, s22  }
0x2b4: {  	[tilespmem:s8], [sflag:$0x1] =	stream.linear.gather [hbm4b:s10+s20], $0x80, $0x38;
	[tilespmem:$0x10700] =	vst v63  }
0x2b5: {  	s6 =	sand.u32 $0x1FFFFFF0, s6;
	s7 =	sadd.s32 s28, s17;
	s10 =	sadd.s32 $0x8700, s22  }
0x2b6: {  	[tilespmem:s10], [sflag:$0x1] =	stream.linear.gather [hbm4b:s9+s20], $0x80, $0x38;
	[tilespmem:$0x10700] =	vst v63  }
0x2b7: {  	s17 =	sadd.s32 $0x800, s22;
	s8 =	sand.u32 $0x1FFFFFF0, s16;
	s16 =	rddreg [dreg:$0x12]  }
0x2b8: {  	[tilespmem:s30], [sflag:$0x1] =	stream.linear.gather [hbm4b:s4+s20], $0x80, $0x38;
	[tilespmem:$0x10700] =	vst v63  }
.Ltmp3:
0x2b9: {  	s10 =	sadd.s32 s28, s3;
	s3 =	sld [smem:s21+$0xFFFFFFFA];
	(pc) =	sbr.rel @p0 .LBB2_8-.Ltmp3, $4  }
0x2ba: {  	s8 =	sadd.s32 s26, s8;
	s9 =	sand.u32 $0x1FFFFFF0, s15;
	s15 =	rddreg [dreg:$0xd]  }
0x2bb: {  	[tilespmem:s5], [sflag:$0x1] =	stream.linear.gather [hbm4b:s10+s20], $0x80, $0x38;
	[tilespmem:$0x10700] =	vst v63  }
0x2bc: {  	s30 =	sadd.s32 s26, s11;
	s11 =	sadd.s32 s28, s6;
	s10 =	sadd.s32 $0x8800, s22  }
0x2bd: {  	[tilespmem:s17], [sflag:$0x1] =	stream.linear.gather [hbm4b:s30+s20], $0x80, $0x38;
	[tilespmem:$0x10700] =	vst v63  }
0x2be: {  	s3 =	sshll.u32 s3, $0x4  }
0x2bf: {  	[tilespmem:s10], [sflag:$0x1] =	stream.linear.gather [hbm4b:s11+s20], $0x80, $0x38;
	[tilespmem:$0x10700] =	vst v63  }
0x2c0: {  	s3 =	sand.u32 $0x1FFFFFF0, s3  }
0x2c1: {  	[tilespmem:s18], [sflag:$0x1] =	stream.linear.gather [hbm4b:s8+s20], $0x80, $0x38;
	[tilespmem:$0x10700] =	vst v63  }
0x2c2: {  	s4 =	sadd.s32 $0x8880, s22;
	s3 =	sadd.s32 s28, s3  }
0x2c3: {  	[tilespmem:s4], [sflag:$0x1] =	stream.linear.gather [hbm4b:s3+s20], $0x80, $0x38;
	[tilespmem:$0x10700] =	vst v63  }
0x2c4: {  	s6 =	sadd.s32 $0x900, s22;
	s8 =	sadd.s32 s26, s9  }
0x2c5: {  	[tilespmem:s6], [sflag:$0x1] =	stream.linear.gather [hbm4b:s8+s20], $0x80, $0x38;
	[tilespmem:$0x10700] =	vst v63  }
0x2c6: {  	s9 =	sadd.s32 s28, s19  }
0x2c7: {  	[tilespmem:s25], [sflag:$0x1] =	stream.linear.gather [hbm4b:s9+s20], $0x80, $0x38;
	[tilespmem:$0x10700] =	vst v63  }
0x2c8: {  	s10 =	sadd.s32 $0x980, s22;
	s11 =	sadd.s32 s26, s29  }
0x2c9: {  	[tilespmem:s10], [sflag:$0x1] =	stream.linear.gather [hbm4b:s11+s20], $0x80, $0x38;
	[tilespmem:$0x10700] =	vst v63  }
0x2ca: {  	s17 =	sadd.s32 s28, s31;
	s18 =	sadd.s32 $0x8980, s22  }
0x2cb: {  	[tilespmem:s18], [sflag:$0x1] =	stream.linear.gather [hbm4b:s17+s20], $0x80, $0x38;
	[tilespmem:$0x10700] =	vst v63  }
0x2cc: {  	s21 =	sadd.s32 $0xA00, s22;
	s19 =	sadd.s32 s26, s15  }
0x2cd: {  	[tilespmem:s21], [sflag:$0x1] =	stream.linear.gather [hbm4b:s19+s20], $0x80, $0x38;
	[tilespmem:$0x10700] =	vst v63  }
0x2ce: {  	s23 =	sadd.s32 $0x8A00, s22  }
0x2cf: {  	[tilespmem:s23], [sflag:$0x1] =	stream.linear.gather [hbm4b:s7+s20], $0x80, $0x38;
	[tilespmem:$0x10700] =	vst v63  }
0x2d0: {  	s1 =	sadd.s32 s26, s1  }
0x2d1: {  	[tilespmem:s16], [sflag:$0x1] =	stream.linear.gather [hbm4b:s1+s20], $0x80, $0x38;
	[tilespmem:$0x10700] =	vst v63  }
0x2d2: {  	s24 =	sadd.s32 $0x8A80, s22;
	s0 =	sadd.s32 s28, s0  }
0x2d3: {  	[tilespmem:s24], [sflag:$0x1] =	stream.linear.gather [hbm4b:s0+s20], $0x80, $0x38;
	[tilespmem:$0x10700] =	vst v63  }
0x2d4: {  	s25 =	sadd.s32 $0xB00, s22  }
0x2d5: {  	[tilespmem:s25], [sflag:$0x1] =	stream.linear.gather [hbm4b:s13+s20], $0x80, $0x38;
	[tilespmem:$0x10700] =	vst v63  }
0x2d6: {  	s29 =	sadd.s32 $0x8B00, s22  }
0x2d7: {  	[tilespmem:s29], [sflag:$0x1] =	stream.linear.gather [hbm4b:s12+s20], $0x80, $0x38;
	[tilespmem:$0x10700] =	vst v63  }
0x2d8: {  	s30 =	sadd.s32 $0xB80, s22;
	s31 =	sadd.s32 $0x8B80, s22  }
0x2d9: {  	[tilespmem:s30], [sflag:$0x1] =	stream.linear.gather [hbm4b:s2+s20], $0x80, $0x38;
	[tilespmem:$0x10700] =	vst v63  }
0x2da: {  	s3 =	simm.s32 $0x8400;
	s1 =	simm.s32 $0x1;
	s2 =	simm.s32 $0x400  }
0x2db: {  	[tilespmem:s31], [sflag:$0x1] =	stream.linear.gather [hbm4b:s14+s20], $0x80, $0x38;
	[tilespmem:$0x10700] =	vst v63  }
.LBB2_10:
0x2dc: {  	_ =	swait.ge [sflag:s1], $0x800  }
0x2dd: {  	[sflag:s1] =	ssyncset.done $0x0  }
0x2de: {  	[sflag:s1] =	ssyncadd.s32 $0xFFFFF800  }
0x2df: {  	v2 =	vmov s20;
	_ =	swait.ge [sflag:s1], $0x800  }
0x2e0: {  	v2 =	vshll.u32 v2, $0x7;
	[sflag:s1] =	ssyncset.done $0x0  }
0x2e1: {  	v3 =	vor.u32 v0, v2;
	[sflag:s1] =	ssyncadd.s32 $0xFFFFF800  }
0x2e2: {  	v6 =	vld [tilespmem:$0x10400]  }
0x2e3: {  	v7 =	vor.u32 $0x1, v3;
	v5 =	vld [tilespmem:$0x10410]  }
0x2e4: {  	v4 =	vld [tilespmem:$0x10420]  }
0x2e5: {  	v8 =	vor.u32 $0x2, v3;
	v2 =	vld [tilespmem:$0x10430]  }
0x2e6: {  	v9 =	vld.idx.msk [tilespmem:v3+s2+$0x0], $0xffff  }
0x2e7: {  	v11 =	vor.u32 $0x3, v3;
	v10 =	vld.idx.msk [tilespmem:v3+s3+$0x0], $0xffff  }
0x2e8: {  	v12 =	vld.idx.msk [tilespmem:v7+s2+$0x0], $0xffff  }
0x2e9: {  	v13 =	vor.u32 $0x4, v3;
	v7 =	vld.idx.msk [tilespmem:v7+s3+$0x0], $0xffff  }
0x2ea: {  	v14 =	vld.idx.msk [tilespmem:v8+s2+$0x0], $0xffff  }
0x2eb: {  	v15 =	vor.u32 $0x5, v3;
	v8 =	vld.idx.msk [tilespmem:v8+s3+$0x0], $0xffff  }
0x2ec: {  	v16 =	vld.idx.msk [tilespmem:v11+s2+$0x0], $0xffff  }
0x2ed: {  	v17 =	vor.u32 $0x6, v3;
	v11 =	vld.idx.msk [tilespmem:v11+s3+$0x0], $0xffff  }
0x2ee: {  	v18 =	vld.idx.msk [tilespmem:v13+s2+$0x0], $0xffff  }
0x2ef: {  	v19 =	vor.u32 $0x7, v3;
	v13 =	vld.idx.msk [tilespmem:v13+s3+$0x0], $0xffff  }
0x2f0: {  	v20 =	vld.idx.msk [tilespmem:v15+s2+$0x0], $0xffff  }
0x2f1: {  	v21 =	vor.u32 $0x8, v3;
	v15 =	vld.idx.msk [tilespmem:v15+s3+$0x0], $0xffff  }
0x2f2: {  	v22 =	vld.idx.msk [tilespmem:v17+s2+$0x0], $0xffff  }
0x2f3: {  	v23 =	vor.u32 $0x9, v3;
	v17 =	vld.idx.msk [tilespmem:v17+s3+$0x0], $0xffff  }
0x2f4: {  	v24 =	vld.idx.msk [tilespmem:v19+s2+$0x0], $0xffff  }
0x2f5: {  	v25 =	vor.u32 $0xA, v3;
	v19 =	vld.idx.msk [tilespmem:v19+s3+$0x0], $0xffff  }
0x2f6: {  	v26 =	vld.idx.msk [tilespmem:v21+s2+$0x0], $0xffff  }
0x2f7: {  	v27 =	vor.u32 $0xB, v3;
	v21 =	vld.idx.msk [tilespmem:v21+s3+$0x0], $0xffff  }
0x2f8: {  	v28 =	vld.idx.msk [tilespmem:v23+s2+$0x0], $0xffff  }
0x2f9: {  	v29 =	vor.u32 $0xC, v3;
	v23 =	vld.idx.msk [tilespmem:v23+s3+$0x0], $0xffff  }
0x2fa: {  	v30 =	vld.idx.msk [tilespmem:v25+s2+$0x0], $0xffff  }
0x2fb: {  	v31 =	vor.u32 $0xD, v3;
	v25 =	vld.idx.msk [tilespmem:v25+s3+$0x0], $0xffff  }
0x2fc: {  	v32 =	vld.idx.msk [tilespmem:v27+s2+$0x0], $0xffff  }
0x2fd: {  	v33 =	vor.u32 $0xE, v3;
	v27 =	vld.idx.msk [tilespmem:v27+s3+$0x0], $0xffff  }
0x2fe: {  	v34 =	vld.idx.msk [tilespmem:v29+s2+$0x0], $0xffff  }
0x2ff: {  	v35 =	vor.u32 $0xF, v3;
	v29 =	vld.idx.msk [tilespmem:v29+s3+$0x0], $0xffff  }
0x300: {  	v36 =	vld.idx.msk [tilespmem:v31+s2+$0x0], $0xffff  }
0x301: {  	v37 =	vor.u32 $0x10, v3;
	v31 =	vld.idx.msk [tilespmem:v31+s3+$0x0], $0xffff  }
0x302: {  	v38 =	vld.idx.msk [tilespmem:v33+s2+$0x0], $0xffff  }
0x303: {  	v39 =	vor.u32 $0x11, v3;
	v33 =	vld.idx.msk [tilespmem:v33+s3+$0x0], $0xffff  }
0x304: {  	v40 =	vld.idx.msk [tilespmem:v35+s2+$0x0], $0xffff  }
0x305: {  	v41 =	vor.u32 $0x12, v3;
	v35 =	vld.idx.msk [tilespmem:v35+s3+$0x0], $0xffff  }
0x306: {  	v42 =	vld.idx.msk [tilespmem:v37+s2+$0x0], $0xffff  }
0x307: {  	v43 =	vor.u32 $0x13, v3;
	v37 =	vld.idx.msk [tilespmem:v37+s3+$0x0], $0xffff  }
0x308: {  	v47 =	vor.u32 $0x15, v3;
	v44 =	vld.idx.msk [tilespmem:v39+s2+$0x0], $0xffff;
	v54 =	vbroadcast v6, $0x0;
	v55 =	vbroadcast v6, $0x1  }
0x309: {  	v39 =	vld.idx.msk [tilespmem:v39+s3+$0x0], $0xffff;
	v57 =	vbroadcast v6, $0x2;
	v58 =	vbroadcast v6, $0x3  }
0x30a: {  	v56 =	vor.u32 $0x16, v3;
	v46 =	vld.idx.msk [tilespmem:v41+s2+$0x0], $0xffff;
	v59 =	vbroadcast v6, $0x4;
	v60 =	vbroadcast v6, $0x5  }
0x30b: {  	v41 =	vld.idx.msk [tilespmem:v41+s3+$0x0], $0xffff;
	v62 =	vbroadcast v6, $0x6;
	v63 =	vbroadcast v6, $0x7  }
0x30c: {  	v48 =	vld.idx.msk [tilespmem:v43+s2+$0x0], $0xffff;
	v52 =	vbroadcast v6, $0xB;
	v9 =	vmul.f32 v10, v9  }
0x30d: {  	v45 =	vor.u32 $0x14, v3;
	v50 =	vld.idx.msk [tilespmem:v47+s2+$0x0], $0xffff;
	v7 =	vmul.f32 v7, v12;
	v8 =	vmul.f32 v8, v14  }
0x30e: {  	v49 =	vor.u32 $0x17, v3;
	v47 =	vld.idx.msk [tilespmem:v47+s3+$0x0], $0xffff;
	v11 =	vmul.f32 v11, v16;
	v13 =	vmul.f32 v13, v18  }
0x30f: {  	v15 =	vmul.f32 v15, v20;
	v14 =	vld.idx.msk [tilespmem:v56+s2+$0x0], $0xffff;
	v17 =	vmul.f32 v17, v22  }
0x310: {  	v12 =	vld.idx.msk [tilespmem:v56+s3+$0x0], $0xffff;
	v19 =	vmul.f32 v19, v24;
	v56 =	vbroadcast v6, $0x8  }
0x311: {  	v61 =	vor.u32 $0x19, v3;
	v10 =	vld.idx.msk [tilespmem:v43+s3+$0x0], $0xffff;
	v27 =	vmul.f32 v27, v32;
	v35 =	vmul.f32 v35, v40  }
0x312: {  	v51 =	vor.u32 $0x18, v3;
	v43 =	vld.idx.msk [tilespmem:v45+s2+$0x0], $0xffff;
	v9 =	vmul.f32 v9, v54;
	v7 =	vmul.f32 v7, v55  }
0x313: {  	v53 =	vor.u32 $0x1D, v3;
	v20 =	vld.idx.msk [tilespmem:v49+s2+$0x0], $0xffff;
	v8 =	vmul.f32 v8, v57;
	v11 =	vmul.f32 v11, v58  }
0x314: {  	v24 =	vld.idx.msk [tilespmem:v49+s3+$0x0], $0xffff;
	v49 =	vor.u32 $0x20, v3;
	v13 =	vmul.f32 v13, v59;
	v15 =	vmul.f32 v15, v60  }
0x315: {  	v45 =	vld.idx.msk [tilespmem:v45+s3+$0x0], $0xffff;
	v54 =	vor.u32 $0x1A, v3;
	v55 =	vmul.f32 v21, v26;
	v17 =	vmul.f32 v17, v62  }
0x316: {  	v16 =	vld.idx.msk [tilespmem:v61+s3+$0x0], $0xffff;
	v57 =	vor.u32 $0x1B, v3;
	v58 =	vmul.f32 v19, v63;
	v59 =	vmul.f32 v23, v28  }
0x317: {  	v19 =	vld.idx.msk [tilespmem:v61+s2+$0x0], $0xffff;
	v60 =	vbroadcast v6, $0x9;
	v61 =	vor.u32 $0x1C, v3;
	v62 =	vmul.f32 v25, v30  }
0x318: {  	v18 =	vld.idx.msk [tilespmem:v51+s3+$0x0], $0xffff;
	v63 =	vbroadcast v6, $0xA;
	v9 =	vadd.f32 v9, v1;
	v7 =	vadd.f32 $0.0e+00, v7  }
0x319: {  	v26 =	vld.idx.msk [tilespmem:v51+s2+$0x0], $0xffff;
	v8 =	vadd.f32 $0.0e+00, v8;
	v11 =	vadd.f32 $0.0e+00, v11;
	v10 =	vmul.f32 v10, v48  }
0x31a: {  	v48 =	vmul.f32 v45, v43;
	v9 =	vadd.f32 v13, v9;
	v13 =	vmul.f32 v55, v56;
	v28 =	vld.idx.msk [tilespmem:v54+s2+$0x0], $0xffff  }
0x31b: {  	v55 =	vmul.f32 v27, v52;
	v56 =	vor.u32 $0x1E, v3;
	v20 =	vmul.f32 v24, v20;
	v32 =	vld.idx.msk [tilespmem:v54+s3+$0x0], $0xffff  }
0x31c: {  	v7 =	vadd.f32 v15, v7;
	v54 =	vmul.f32 v59, v60;
	v59 =	vmul.f32 v31, v36;
	v36 =	vld.idx.msk [tilespmem:v53+s2+$0x0], $0xffff  }
0x31d: {  	v8 =	vadd.f32 v17, v8;
	v17 =	vmul.f32 v62, v63;
	v62 =	vmul.f32 v33, v38;
	v38 =	vld.idx.msk [tilespmem:v53+s3+$0x0], $0xffff  }
0x31e: {  	v11 =	vadd.f32 v58, v11;
	v58 =	vbroadcast v6, $0xC;
	v60 =	vbroadcast v6, $0xD;
	v15 =	vld.idx.msk [tilespmem:v57+s2+$0x0], $0xffff  }
0x31f: {  	v63 =	vbroadcast v6, $0xE;
	v6 =	vbroadcast v6, $0xF;
	v22 =	vld.idx.msk [tilespmem:v57+s3+$0x0], $0xffff  }
0x320: {  	v52 =	vor.u32 $0x21, v3;
	v53 =	vmul.f32 v37, v42;
	v57 =	vmul.f32 v29, v34;
	v29 =	vld.idx.msk [tilespmem:v61+s2+$0x0], $0xffff  }
0x321: {  	v9 =	vadd.f32 v13, v9;
	v23 =	vld.idx.msk [tilespmem:v61+s3+$0x0], $0xffff;
	v61 =	vor.u32 $0x1F, v3;
	v16 =	vmul.f32 v16, v19  }
0x322: {  	v42 =	vld.idx.msk [tilespmem:v49+s2+$0x0], $0xffff;
	v8 =	vadd.f32 v17, v8;
	v51 =	vmul.f32 v59, v60;
	v17 =	vmul.f32 v62, v63  }
0x323: {  	v7 =	vadd.f32 v54, v7;
	v6 =	vmul.f32 v35, v6;
	v54 =	vbroadcast v5, $0x0;
	v27 =	vld.idx.msk [tilespmem:v56+s2+$0x0], $0xffff  }
0x324: {  	v11 =	vadd.f32 v55, v11;
	v55 =	vmul.f32 v39, v44;
	v59 =	vbroadcast v5, $0x2;
	v25 =	vld.idx.msk [tilespmem:v56+s3+$0x0], $0xffff  }
0x325: {  	v60 =	vor.u32 $0x23, v3;
	v62 =	vbroadcast v5, $0x3;
	v8 =	vadd.f32 v17, v8;
	v17 =	vld.idx.msk [tilespmem:v49+s3+$0x0], $0xffff  }
0x326: {  	v63 =	vor.u32 $0x24, v3;
	v13 =	vmul.f32 v57, v58;
	v58 =	vmul.f32 v41, v46;
	v35 =	vld.idx.msk [tilespmem:v52+s2+$0x0], $0xffff  }
0x327: {  	v57 =	vor.u32 $0x22, v3;
	v46 =	vbroadcast v4, $0x1;
	v56 =	vbroadcast v5, $0x1;
	v30 =	vld.idx.msk [tilespmem:v52+s3+$0x0], $0xffff  }
0x328: {  	v7 =	vadd.f32 v51, v7;
	v49 =	vbroadcast v5, $0x4;
	v51 =	vmul.f32 v47, v50;
	v33 =	vld.idx.msk [tilespmem:v61+s2+$0x0], $0xffff  }
0x329: {  	v6 =	vadd.f32 v6, v11;
	v52 =	vbroadcast v5, $0x5;
	v10 =	vmul.f32 v10, v62;
	v34 =	vld.idx.msk [tilespmem:v61+s3+$0x0], $0xffff  }
0x32a: {  	v62 =	vbroadcast v5, $0x9;
	v50 =	vbroadcast v5, $0xA;
	v9 =	vadd.f32 v13, v9;
	v11 =	vld.idx.msk [tilespmem:v60+s2+$0x0], $0xffff  }
0x32b: {  	v13 =	vmul.f32 v53, v54;
	v21 =	vmul.f32 v58, v59;
	v53 =	vor.u32 $0x25, v3;
	v31 =	vld.idx.msk [tilespmem:v60+s3+$0x0], $0xffff  }
0x32c: {  	v61 =	vmul.f32 v55, v56;
	v56 =	vmul.f32 v12, v14;
	v14 =	vld.idx.msk [tilespmem:v63+s2+$0x0], $0xffff  }
0x32d: {  	v58 =	vbroadcast v5, $0x7;
	v59 =	vor.u32 $0x27, v3;
	v54 =	vmul.f32 v51, v52;
	v40 =	vld.idx.msk [tilespmem:v63+s3+$0x0], $0xffff  }
0x32e: {  	v55 =	vor.u32 $0x26, v3;
	v6 =	vadd.f32 v10, v6;
	v16 =	vmul.f32 v16, v62;
	v43 =	vld.idx.msk [tilespmem:v57+s2+$0x0], $0xffff  }
0x32f: {  	v15 =	vmul.f32 v22, v15;
	v51 =	vbroadcast v5, $0xB;
	v52 =	vor.u32 $0x2A, v3;
	v39 =	vld.idx.msk [tilespmem:v57+s3+$0x0], $0xffff  }
0x330: {  	v9 =	vadd.f32 v13, v9;
	v8 =	vadd.f32 v21, v8;
	v60 =	vmul.f32 v18, v26;
	v26 =	vld.idx.msk [tilespmem:v53+s2+$0x0], $0xffff  }
0x331: {  	v13 =	vmul.f32 v48, v49;
	v63 =	vor.u32 $0x28, v3;
	v47 =	vmul.f32 v20, v58;
	v44 =	vld.idx.msk [tilespmem:v53+s3+$0x0], $0xffff  }
0x332: {  	v48 =	vor.u32 $0x29, v3;
	v49 =	vmul.f32 v32, v28;
	v58 =	vor.u32 $0x2C, v3;
	v24 =	vld.idx.msk [tilespmem:v59+s2+$0x0], $0xffff  }
0x333: {  	v7 =	vadd.f32 v61, v7;
	v57 =	vbroadcast v5, $0x6;
	v61 =	vbroadcast v5, $0x8;
	v28 =	vld.idx.msk [tilespmem:v59+s3+$0x0], $0xffff  }
0x334: {  	v15 =	vmul.f32 v15, v51;
	v51 =	vor.u32 $0x30, v3;
	v41 =	vmul.f32 v17, v42;
	v20 =	vld.idx.msk [tilespmem:v55+s2+$0x0], $0xffff  }
0x335: {  	v9 =	vadd.f32 v13, v9;
	v42 =	vbroadcast v4, $0x0;
	v45 =	vmul.f32 v30, v35;
	v18 =	vld.idx.msk [tilespmem:v55+s3+$0x0], $0xffff  }
0x336: {  	v6 =	vadd.f32 v47, v6;
	v10 =	vmul.f32 v56, v57;
	v59 =	vmul.f32 v25, v27;
	v27 =	vld.idx.msk [tilespmem:v52+s2+$0x0], $0xffff  }
0x337: {  	v47 =	vor.u32 $0x2F, v3;
	v13 =	vmul.f32 v60, v61;
	v53 =	vmul.f32 v23, v29;
	v32 =	vld.idx.msk [tilespmem:v52+s3+$0x0], $0xffff  }
0x338: {  	v7 =	vadd.f32 v54, v7;
	v54 =	vbroadcast v5, $0xC;
	v56 =	vmul.f32 v38, v36;
	v29 =	vld.idx.msk [tilespmem:v63+s2+$0x0], $0xffff  }
0x339: {  	v57 =	vbroadcast v5, $0xD;
	v60 =	vbroadcast v5, $0xE;
	v9 =	vadd.f32 v13, v9;
	v13 =	vld.idx.msk [tilespmem:v63+s3+$0x0], $0xffff  }
0x33a: {  	v5 =	vbroadcast v5, $0xF;
	v61 =	vor.u32 $0x2D, v3;
	v7 =	vadd.f32 v16, v7;
	v16 =	vld.idx.msk [tilespmem:v48+s2+$0x0], $0xffff  }
0x33b: {  	v55 =	vor.u32 $0x2B, v3;
	v33 =	vmul.f32 v34, v33;
	v52 =	vmul.f32 v41, v42;
	v19 =	vld.idx.msk [tilespmem:v48+s3+$0x0], $0xffff  }
0x33c: {  	v8 =	vadd.f32 v10, v8;
	v10 =	vmul.f32 v49, v50;
	v12 =	vmul.f32 v53, v54;
	v23 =	vld.idx.msk [tilespmem:v58+s2+$0x0], $0xffff  }
0x33d: {  	v6 =	vadd.f32 v15, v6;
	v62 =	vmul.f32 v56, v57;
	v5 =	vmul.f32 v33, v5;
	v33 =	vld.idx.msk [tilespmem:v58+s3+$0x0], $0xffff  }
0x33e: {  	v41 =	vor.u32 $0x34, v3;
	v49 =	vbroadcast v4, $0x2;
	v11 =	vmul.f32 v31, v11;
	v38 =	vld.idx.msk [tilespmem:v51+s3+$0x0], $0xffff  }
0x33f: {  	v63 =	vor.u32 $0x2E, v3;
	v50 =	vbroadcast v4, $0x3;
	v53 =	vmul.f32 v45, v46;
	v30 =	vld.idx.msk [tilespmem:v47+s2+$0x0], $0xffff  }
0x340: {  	v54 =	vor.u32 $0x31, v3;
	v56 =	vbroadcast v4, $0x4;
	v57 =	vbroadcast v4, $0x5;
	v35 =	vld.idx.msk [tilespmem:v47+s3+$0x0], $0xffff  }
0x341: {  	v45 =	vor.u32 $0x35, v3;
	v48 =	vmul.f32 v39, v43;
	v58 =	vor.u32 $0x32, v3;
	v37 =	vld.idx.msk [tilespmem:v61+s2+$0x0], $0xffff  }
0x342: {  	v43 =	vbroadcast v4, $0x8;
	v8 =	vadd.f32 v10, v8;
	v10 =	vmul.f32 v59, v60;
	v34 =	vld.idx.msk [tilespmem:v61+s3+$0x0], $0xffff  }
0x343: {  	v39 =	vor.u32 $0x3A, v3;
	v11 =	vmul.f32 v11, v50;
	v60 =	vbroadcast v4, $0x6;
	v15 =	vld.idx.msk [tilespmem:v55+s2+$0x0], $0xffff  }
0x344: {  	v9 =	vadd.f32 v12, v9;
	v47 =	vbroadcast v4, $0xA;
	v26 =	vmul.f32 v44, v26;
	v21 =	vld.idx.msk [tilespmem:v55+s3+$0x0], $0xffff  }
0x345: {  	v7 =	vadd.f32 v62, v7;
	v24 =	vmul.f32 v28, v24;
	v59 =	vmul.f32 v18, v20;
	v20 =	vld.idx.msk [tilespmem:v51+s2+$0x0], $0xffff  }
0x346: {  	v62 =	vor.u32 $0x33, v3;
	v61 =	vbroadcast v4, $0x7;
	v44 =	vbroadcast v4, $0x9;
	v17 =	vld.idx.msk [tilespmem:v63+s2+$0x0], $0xffff  }
0x347: {  	v8 =	vadd.f32 v10, v8;
	v10 =	vmul.f32 v48, v49;
	v55 =	vmul.f32 v40, v14;
	v22 =	vld.idx.msk [tilespmem:v63+s3+$0x0], $0xffff  }
0x348: {  	v50 =	vor.u32 $0x36, v3;
	v46 =	vmul.f32 v32, v27;
	v48 =	vbroadcast v4, $0xB;
	v14 =	vld.idx.msk [tilespmem:v54+s2+$0x0], $0xffff  }
0x349: {  	v5 =	vadd.f32 v5, v6;
	v63 =	vmul.f32 v26, v57;
	v40 =	vmul.f32 v24, v61;
	v24 =	vld.idx.msk [tilespmem:v54+s3+$0x0], $0xffff  }
0x34a: {  	v6 =	vadd.f32 v52, v9;
	v42 =	vmul.f32 v13, v29;
	v16 =	vmul.f32 v19, v16;
	v13 =	vld.idx.msk [tilespmem:v41+s2+$0x0], $0xffff  }
0x34b: {  	v7 =	vadd.f32 v53, v7;
	v57 =	vbroadcast v4, $0xD;
	v29 =	vld.idx.msk [tilespmem:v45+s3+$0x0], $0xffff;
	v9 =	vmul.f32 v55, v56  }
0x34c: {  	v53 =	vor.u32 $0x37, v3;
	v12 =	vmul.f32 v59, v60;
	v26 =	vld.idx.msk [tilespmem:v58+s2+$0x0], $0xffff;
	v54 =	vmul.f32 v33, v23  }
0x34d: {  	v5 =	vadd.f32 v11, v5;
	v28 =	vld.idx.msk [tilespmem:v58+s3+$0x0], $0xffff;
	v55 =	vbroadcast v4, $0xC;
	v59 =	vbroadcast v4, $0xE  }
0x34e: {  	v61 =	vor.u32 $0x39, v3;
	v23 =	vld.idx.msk [tilespmem:v45+s2+$0x0], $0xffff;
	v4 =	vbroadcast v4, $0xF;
	v51 =	vmul.f32 v42, v43  }
0x34f: {  	v8 =	vadd.f32 v10, v8;
	v19 =	vld.idx.msk [tilespmem:v39+s3+$0x0], $0xffff;
	v52 =	vmul.f32 v16, v44;
	v30 =	vmul.f32 v35, v30  }
0x350: {  	v58 =	vor.u32 $0x38, v3;
	v16 =	vld.idx.msk [tilespmem:v41+s3+$0x0], $0xffff;
	v41 =	vbroadcast v2, $0x0;
	v42 =	vbroadcast v2, $0x1  }
0x351: {  	v31 =	vld.idx.msk [tilespmem:v62+s2+$0x0], $0xffff;
	v6 =	vadd.f32 v9, v6;
	v9 =	vmul.f32 v46, v47;
	v56 =	vmul.f32 v34, v37  }
0x352: {  	v49 =	vld.idx.msk [tilespmem:v62+s3+$0x0], $0xffff;
	v7 =	vadd.f32 v63, v7;
	v62 =	vmul.f32 v54, v55;
	v46 =	vbroadcast v2, $0x2  }
0x353: {  	v5 =	vadd.f32 v40, v5;
	v60 =	vld.idx.msk [tilespmem:v50+s3+$0x0], $0xffff;
	v55 =	vbroadcast v2, $0x4;
	v15 =	vmul.f32 v21, v15  }
0x354: {  	v44 =	vor.u32 $0x3B, v3;
	v36 =	vld.idx.msk [tilespmem:v53+s2+$0x0], $0xffff;
	v4 =	vmul.f32 v30, v4;
	v40 =	vmul.f32 v38, v20  }
0x355: {  	v8 =	vadd.f32 v12, v8;
	v37 =	vld.idx.msk [tilespmem:v53+s3+$0x0], $0xffff;
	v17 =	vmul.f32 v22, v17;
	v63 =	vmul.f32 v56, v57  }
0x356: {  	v7 =	vadd.f32 v52, v7;
	v22 =	vld.idx.msk [tilespmem:v50+s2+$0x0], $0xffff;
	v14 =	vmul.f32 v24, v14;
	v57 =	vbroadcast v2, $0x5  }
0x357: {  	v53 =	vor.u32 $0x3D, v3;
	v47 =	vld.idx.msk [tilespmem:v61+s2+$0x0], $0xffff;
	v15 =	vmul.f32 v15, v48;
	v45 =	vmul.f32 v28, v26  }
0x358: {  	v6 =	vadd.f32 v51, v6;
	v51 =	vld.idx.msk [tilespmem:v39+s2+$0x0], $0xffff;
	v48 =	vbroadcast v2, $0x3;
	v11 =	vmul.f32 v40, v41  }
0x359: {  	v8 =	vadd.f32 v9, v8;
	v25 =	vld.idx.msk [tilespmem:v58+s2+$0x0], $0xffff;
	v23 =	vmul.f32 v29, v23;
	v17 =	vmul.f32 v17, v59  }
0x35a: {  	v50 =	vor.u32 $0x3C, v3;
	v43 =	vld.idx.msk [tilespmem:v58+s3+$0x0], $0xffff;
	v31 =	vmul.f32 v49, v31;
	v14 =	vmul.f32 v14, v42  }
0x35b: {  	v49 =	vld.idx.msk [tilespmem:v61+s3+$0x0], $0xffff;
	v6 =	vadd.f32 v62, v6;
	v54 =	vmul.f32 v16, v13;
	v61 =	vbroadcast v2, $0x6  }
0x35c: {  	v56 =	vld.idx.msk [tilespmem:v44+s2+$0x0], $0xffff;
	v7 =	vadd.f32 v63, v7;
	v63 =	vbroadcast v2, $0x7;
	v9 =	vmul.f32 v45, v46  }
0x35d: {  	v58 =	vld.idx.msk [tilespmem:v44+s3+$0x0], $0xffff;
	v59 =	vor.u32 $0x3E, v3;
	v46 =	vbroadcast v2, $0x9;
	v52 =	vmul.f32 v31, v48  }
0x35e: {  	v3 =	vor.u32 $0x3F, v3;
	v18 =	vmul.f32 v37, v36;
	v10 =	vmul.f32 v54, v55;
	v38 =	vld.idx.msk [tilespmem:v53+s2+$0x0], $0xffff  }
0x35f: {  	v5 =	vadd.f32 v15, v5;
	v37 =	vmul.f32 v23, v57;
	v41 =	vld.idx.msk [tilespmem:v53+s3+$0x0], $0xffff;
	v60 =	vmul.f32 v60, v22  }
0x360: {  	v8 =	vadd.f32 v17, v8;
	v62 =	vld.idx.msk [tilespmem:v50+s2+$0x0], $0xffff;
	v48 =	vmul.f32 v19, v51;
	v51 =	vbroadcast v2, $0xB  }
0x361: {  	v6 =	vadd.f32 v11, v6;
	v36 =	vld.idx.msk [tilespmem:v50+s3+$0x0], $0xffff;
	v40 =	vmul.f32 v18, v63;
	v42 =	vmul.f32 v43, v25  }
0x362: {  	v7 =	vadd.f32 v14, v7;
	v43 =	vbroadcast v2, $0x8;
	v39 =	vmul.f32 v60, v61;
	v44 =	vld.idx.msk [tilespmem:v59+s2+$0x0], $0xffff  }
0x363: {  	v4 =	vadd.f32 v4, v5;
	v45 =	vmul.f32 v49, v47;
	v47 =	vld.idx.msk [tilespmem:v59+s3+$0x0], $0xffff;
	v49 =	vbroadcast v2, $0xA  }
0x364: {  	v8 =	vadd.f32 v9, v8;
	v50 =	vld.idx.msk [tilespmem:v3+s2+$0x0], $0xffff;
	v16 =	vmul.f32 v58, v56;
	v58 =	vbroadcast v2, $0xC  }
0x365: {  	v6 =	vadd.f32 v10, v6;
	v3 =	vld.idx.msk [tilespmem:v3+s3+$0x0], $0xffff;
	v59 =	vbroadcast v2, $0xD;
	v60 =	vbroadcast v2, $0xE  }
0x366: {  	v4 =	vadd.f32 v52, v4;
	v2 =	vbroadcast v2, $0xF;
	v52 =	vmul.f32 v42, v43  }
0x367: {  	v7 =	vadd.f32 v37, v7;
	v53 =	vmul.f32 v45, v46;
	v9 =	vmul.f32 v48, v49  }
0x368: {  	v54 =	vmul.f32 v16, v51;
	v5 =	vadd.f32 v39, v8;
	v56 =	vmul.f32 v41, v38  }
0x369: {  	v4 =	vadd.f32 v40, v4;
	v55 =	vmul.f32 v36, v62;
	v6 =	vadd.f32 v52, v6  }
0x36a: {  	v7 =	vadd.f32 v53, v7;
	v57 =	vmul.f32 v47, v44;
	v3 =	vmul.f32 v3, v50  }
0x36b: {  	v5 =	vadd.f32 v9, v5;
	v61 =	vmul.f32 v56, v59;
	v8 =	vmul.f32 v55, v58  }
0x36c: {  	v4 =	vadd.f32 v54, v4;
	v62 =	vmul.f32 v57, v60;
	v2 =	vmul.f32 v3, v2  }
0x36d: {  	v63 =	vadd.f32 v61, v7;
	v3 =	vadd.f32 v8, v6  }
0x36e: {  	v5 =	vadd.f32 v62, v5;
	v2 =	vadd.f32 v2, v4  }
0x36f: {  	p0 =	sne.s32 s20, $0xF0  }
.Ltmp4:
0x370: {  	v3 =	vadd.f32 v63, v3;
	v2 =	vadd.f32 v2, v5;
	(pc) =	sbr.rel @p0 .LBB2_10-.Ltmp4, $4  }
0x371: {  	_ = 	snop  }
0x372: {  	v2 =	vadd.f32 v2, v3  }
0x373: {  	s0 =	sand.u32 $0xF0, s20  }
0x374: {  	s20 =	sadd.s32 $0x10, s20;
	[tilespmem:s0+$0x10600] =	vst v2  }
0x375: {  	s9 =	simm.s32 $0x0;
	s0 =	rddreg [dreg:$0x19];
	s1 =	simm.s32 $0x10500  }
0x376: {  	[hbm4b:s0+s9] =	stream.linear.scatter [tilespmem:s1], [sflag:$0x2], $0x200, $0x38;
	[tilespmem:$0x10700] =	vst v63  }
0x377: {  	s1 =	simm.s32 $0x2  }
0x378: {  	_ =	swait.ge [sflag:s1], $0x200  }
0x379: {  	s2 =	rddreg [dreg:$0x1b]  }
0x37a: {  	s31 =	rddreg [dreg:$0x1a];
	s2 =	sadd.s32 $0x1, s2  }
0x37b: {  	p0 =	sne.s32 s2, s31  }
.Ltmp5:
0x37c: {  	_ = 	snop;
	(pc) =	sbr.rel @p0 .LBB2_1-.Ltmp5, $3  }
0x37d: {  	_ =	sdelay $0x1  }
0x37e: {  	[sflag:s1] =	ssyncset.done $0x0  }
0x37f: {  	[sflag:s1] =	ssyncadd.s32 $0xFFFFFE00  }
0x380: {  	_ =	sfence.sel $0x180000  }
0x381: {  	[bflag:$0x0] =	sbarrier.arrive $0xFFFF  }
0x382: {  	_ =	strace $0x90000047  }
0x383: {  	s0 =	stileid.u32;
	[bflag:$0x2] =	sbarrier.arrive $0xFFFF  }
0x384: {  	p0 =	sne.s32 s0, $0x0;
	s0 =	rddreg [dreg:$0x6]  }
0x385: {  	s0 =	sadd.s32 @!p0 $0x100000, s0  }
0x386: {  	[sflag:s0] =	ssyncadd.tile.s32 @!p0 $0x1;
	_ =	shalt  }
.Lfunc_end2:
_tile_overlayer_lowered:
.L_overlay_start_2:
0x387: {  	(tag) =	ssettag $0x2  }
0x388: {  	s0 =	rddreg [dreg:$0x0];
	s2 =	stileid.u32  }
0x389: {  	s1 =	rddreg [dreg:$0x1];
	p0 =	sne.s32 s2, $0x0  }
0x38a: {  	s3 =	rddreg [dreg:$0x2];
	[bflag:$0x3] =	sbarrier.arrive $0xFFFF;
	s2 =	simm.s32 @!p0 $0x1C02  }
0x38b: {  	[timem:s3], [sflag:s2] =	dma.local @!p0 [hbm:s0], s1  }
0x38c: {  	s0 =	simm.s32 @!p0 $0x2  }
0x38d: {  	_ =	swait.ge @!p0 [sflag:s0], s1  }
0x38e: {  	s1 =	ssub.s32 @!p0 $0x0, s1;
	[sflag:s0] =	ssyncset.done @!p0 $0x0  }
0x38f: {  	[sflag:s0] =	ssyncadd.s32 @!p0 s1  }
0x390: {  	[bflag:$0x3] =	sbarrier.arrive $0xFFFF  }
0x391: {  	_ =	shalt  }

</sc_bundles>
